<compile_context>
chip_gen: v7x
topology: tpu7x:2x2x1
jax: 0.10.2.dev20260603
libtpu: 0.0.44.dev20260713+nightly
codegen_flags: <defaults>
</compile_context>

<pallas_src>
import math

import jax
import jax.numpy as jnp
from jax import lax
from jax.experimental import pallas as pl
from jax.experimental.pallas import tpu as pltpu
from jax.experimental.pallas import tpu_sc as plsc

NC = 2
NS = 16
NW = NC * NS
L = 16

B, S, K = 16, 8192, 32
R = B * S
SPLIT = 2
R_SC = SPLIT * S
ROWS_PER_W = R_SC // NW
NCHUNK = 2
CHUNK = ROWS_PER_W // NCHUNK
LOG_EPS = float(math.log(1e-30))
LN2 = 0.6931471805599453
SQRT2 = 1.4142135623730951
TCB = 128
GEXP = 128
SBLK = 8192


def _fast_log(x):
    bits = lax.bitcast_convert_type(x, jnp.int32)
    e = lax.shift_right_logical(bits, 23) - 127
    m = lax.bitcast_convert_type(
        jnp.bitwise_or(jnp.bitwise_and(bits, 0x7FFFFF), 0x3F800000), jnp.float32)
    big = m >= SQRT2
    m = jnp.where(big, m * 0.5, m)
    e = jnp.where(big, e + 1, e).astype(jnp.float32)
    s = (m - 1.0) / (m + 1.0)
    z = s * s
    poly = 1.0 + z * (1.0 / 3.0 + z * (1.0 / 5.0 + z * (1.0 / 7.0 + z * (1.0 / 9.0))))
    return e * LN2 + 2.0 * s * poly


def _sc_body(deg_hbm, qv_hbm, j_hbm, lh_hbm, lp_hbm, qv_v,
             d_v0, d_v1, j_v0, j_v1, lh_v0, lh_v1, lp_v0, lp_v1,
             sem_in, sem_out):
    wid = lax.axis_index("s") * NC + lax.axis_index("c")
    base = wid * ROWS_PER_W

    d_bufs = (d_v0, d_v1)
    j_bufs = (j_v0, j_v1)
    lh_bufs = (lh_v0, lh_v1)
    lp_bufs = (lp_v0, lp_v1)

    pltpu.sync_copy(qv_hbm, qv_v)

    def in_copy(c, buf):
        return pltpu.make_async_copy(
            deg_hbm.at[pl.ds(base + c * CHUNK, CHUNK)], d_bufs[buf], sem_in.at[buf])

    def out_copy(c, buf):
        sl = pl.ds(base + c * CHUNK, CHUNK)
        return (pltpu.make_async_copy(j_bufs[buf], j_hbm.at[sl], sem_out.at[buf]),
                pltpu.make_async_copy(lh_bufs[buf], lh_hbm.at[sl], sem_out.at[buf]),
                pltpu.make_async_copy(lp_bufs[buf], lp_hbm.at[sl], sem_out.at[buf]))

    in_copy(0, 0).start()

    i31 = jnp.full((L,), K - 1, jnp.int32)

    for c in range(NCHUNK):
        buf = c % 2
        if c + 1 < NCHUNK:
            in_copy(c + 1, 1 - buf).start()
        in_copy(c, buf).wait()

        qmax = plsc.load_gather(qv_v, [i31])
        d_v = d_bufs[buf]
        j_v = j_bufs[buf]
        lh_v = lh_bufs[buf]
        lp_v = lp_bufs[buf]

        def step(i, _):
            d = d_v[pl.ds(i * L, L)]
            j = jnp.zeros((L,), jnp.int32)
            for stepw in (16, 8, 4, 2, 1):
                cand = j + stepw
                v = plsc.load_gather(qv_v, [jnp.minimum(cand, K - 1)])
                j = jnp.where((cand <= K - 1) & (d >= v), cand, j)
            lower = plsc.load_gather(qv_v, [j])
            upper = plsc.load_gather(qv_v, [jnp.minimum(j + 1, K - 1)])
            pos = (d - lower) / (upper - lower + 1e-10)
            pos = jnp.clip(pos, 0.0, 1.0)
            m = (d >= lower) & (d < upper)
            over = d >= qmax
            jenc = jnp.where(over, K, jnp.where(m, j, -1)).astype(jnp.float32)
            sl = pl.ds(i * L, L)
            j_v[sl] = jenc
            lh_v[sl] = _fast_log(1.0 - pos + 1e-30)
            lp_v[sl] = _fast_log(pos + 1e-30)
            return 0

        lax.fori_loop(0, CHUNK // L, step, 0, unroll=2)
        for cp in out_copy(c, buf):
            cp.start()

    for cc in range(NCHUNK):
        for cp in out_copy(cc, cc % 2):
            cp.wait()


def _expand_store(jbr, lhr, lpr, o_ref):
    gsel = lax.broadcasted_iota(jnp.int32, (GEXP, GEXP * K), 1) // K
    grow = lax.broadcasted_iota(jnp.int32, (GEXP, GEXP * K), 0)
    ee = (gsel == grow).astype(jnp.float32)
    dn = (((0,), (0,)), ((), ()))
    jb = lax.dot_general(jbr, ee, dn, preferred_element_type=jnp.float32)
    lb = lax.dot_general(lhr, ee, dn, preferred_element_type=jnp.float32)
    pb = lax.dot_general(lpr, ee, dn, preferred_element_type=jnp.float32)
    col = (lax.broadcasted_iota(jnp.int32, (TCB, GEXP * K), 1) %
           K).astype(jnp.float32)
    out = jnp.where(col == jb, lb, LOG_EPS)
    v31 = jnp.where(jb == float(K), 0.0,
                    jnp.where(jb == float(K - 2), pb, LOG_EPS))
    out = jnp.where(col == float(K - 1), v31, out)
    for g in range(GEXP):
        b_off = (g * TCB) // S
        s_off = (g * TCB) % S
        o_ref[b_off, s_off:s_off + TCB, :] = lax.slice(
            out, (0, g * K), (TCB, g * K + K))


def _tc_compute_body(d_ref, qv_ref, qvn_ref, o_ref):
    d2 = d_ref[...]
    j = jnp.zeros(d2.shape, jnp.int32)
    lower = jnp.full(d2.shape, qv_ref[0], jnp.float32)
    upper = jnp.full(d2.shape, qvn_ref[0], jnp.float32)
    for c in range(K):
        gec = d2 >= qv_ref[c]
        j = j + gec.astype(jnp.int32)
        lower = jnp.where(gec, qv_ref[c], lower)
        upper = jnp.where(gec, qvn_ref[c], upper)
    pos = (d2 - lower) / (upper - lower + 1e-10)
    pos = jnp.clip(pos, 0.0, 1.0)
    m = (d2 >= lower) & (d2 < upper)
    over = d2 >= qv_ref[K - 1]
    jenc = jnp.where(over, K, jnp.where(m, j - 1, -1)).astype(jnp.float32)
    lh = _fast_log(1.0 - pos + 1e-30)
    lp = _fast_log(pos + 1e-30)
    _expand_store(jenc, lh, lp, o_ref)


def _tc_expand_body(j_ref, lh_ref, lp_ref, prev_ref, o_ref):
    del prev_ref
    _expand_store(j_ref[...], lh_ref[...], lp_ref[...], o_ref)


@jax.jit
def kernel(degrees, quantile_values):
    qv = quantile_values
    qvn = jnp.concatenate([qv[1:], qv[K - 1:]])
    deg_sc = degrees.reshape(R)[:R_SC]

    mesh = plsc.VectorSubcoreMesh(
        core_axis_name="c", subcore_axis_name="s", num_cores=NC, num_subcores=NS)
    j_arr, lh_arr, lp_arr = pl.kernel(
        _sc_body,
        out_type=(jax.ShapeDtypeStruct((R_SC,), jnp.float32),
                  jax.ShapeDtypeStruct((R_SC,), jnp.float32),
                  jax.ShapeDtypeStruct((R_SC,), jnp.float32)),
        mesh=mesh,
        compiler_params=pltpu.CompilerParams(needs_layout_passes=False),
        scratch_types=[
            pltpu.VMEM((K,), jnp.float32),
            pltpu.VMEM((CHUNK,), jnp.float32),
            pltpu.VMEM((CHUNK,), jnp.float32),
            pltpu.VMEM((CHUNK,), jnp.float32),
            pltpu.VMEM((CHUNK,), jnp.float32),
            pltpu.VMEM((CHUNK,), jnp.float32),
            pltpu.VMEM((CHUNK,), jnp.float32),
            pltpu.VMEM((CHUNK,), jnp.float32),
            pltpu.VMEM((CHUNK,), jnp.float32),
            pltpu.SemaphoreType.DMA((2,)),
            pltpu.SemaphoreType.DMA((2,)),
        ],
    )(deg_sc, qv)

    deg2 = degrees.reshape(R // TCB, TCB)
    out1 = pl.pallas_call(
        _tc_compute_body,
        grid=((B - SPLIT) // 2,),
        in_specs=[
            pl.BlockSpec((GEXP, TCB), lambda i: (SPLIT // 2 + i, 0)),
            pl.BlockSpec(memory_space=pltpu.MemorySpace.SMEM),
            pl.BlockSpec(memory_space=pltpu.MemorySpace.SMEM),
        ],
        out_specs=pl.BlockSpec((2, S, K), lambda i: (SPLIT // 2 + i, 0, 0)),
        out_shape=jax.ShapeDtypeStruct((B, S, K), jnp.float32),
    )(deg2, qv, qvn)

    j2 = j_arr.reshape(R_SC // TCB, TCB)
    lh2 = lh_arr.reshape(R_SC // TCB, TCB)
    lp2 = lp_arr.reshape(R_SC // TCB, TCB)
    out = pl.pallas_call(
        _tc_expand_body,
        grid=(SPLIT // 2,),
        in_specs=[
            pl.BlockSpec((GEXP, TCB), lambda i: (i, 0)),
            pl.BlockSpec((GEXP, TCB), lambda i: (i, 0)),
            pl.BlockSpec((GEXP, TCB), lambda i: (i, 0)),
            pl.BlockSpec(memory_space=pltpu.MemorySpace.HBM),
        ],
        out_specs=pl.BlockSpec((2, S, K), lambda i: (i, 0, 0)),
        out_shape=jax.ShapeDtypeStruct((B, S, K), jnp.float32),
        input_output_aliases={3: 0},
    )(j2, lh2, lp2, out1)
    return out

# --- scband reference (transcript-rebuilt; emitter-appended) ---
"""Pipeline reference for scband-degree-quantile-converter-6828998001494 (READ-ONLY COPY).

The authoritative reference and input builder live on the scoring server;
editing this copy changes nothing except your own understanding.
"""

import jax, jax.numpy as jnp
import numpy as np


def _make_quantile_values():
    # Replicates DegreeQuantileConverter.__init__ with degree_list provided.
    degree_list = [16 * i for i in range(65)]  # 0..1024 step 16
    sorted_degrees = sorted(degree_list)
    total = len(sorted_degrees)
    num_quantiles = 32
    quantile_values = [0.0]
    positions = np.linspace(0, 1, num_quantiles)
    for position in positions:
        pos = position * (total - 1)
        idx_low = int(pos)
        idx_high = min(idx_low + 1, total - 1)
        frac = pos - idx_low
        value = sorted_degrees[idx_low] * (1 - frac) + sorted_degrees[idx_high] * frac
        quantile_values.append(value)
    qv = np.unique(np.asarray(quantile_values, dtype=np.float32))  # torch .unique() sorts + dedups
    return jnp.asarray(qv)


def setup_inputs(seed: int = 0) -> dict:
    key = jax.random.key(seed)
    degrees = jax.random.uniform(key, (16, 8192, 1), dtype=jnp.float32) * 1024.0
    return {"degrees": degrees, "quantile_values": _make_quantile_values()}


def reference(degrees, quantile_values):
    # Faithful translation of DegreeQuantileConverter.transform, including the
    # overwrite-then-accumulate ordering of the original torch loop.
    d = degrees[..., 0]  # (B, S)
    k = quantile_values.shape[0]
    B, S = d.shape
    weights = jnp.zeros((B, S, k), dtype=jnp.float32)
    for i in range(k - 1):
        lower = quantile_values[i]
        upper = quantile_values[i + 1]
        mask = (d >= lower) & (d < upper)
        pos = (d - lower) / (upper - lower + 1e-10)
        pos = jnp.clip(pos, 0.0, 1.0)
        m = mask.astype(jnp.float32)
        weights = weights.at[:, :, i].set((1.0 - pos) * m)        # overwrite (as in torch)
        weights = weights.at[:, :, i + 1].add(pos * m)            # accumulate (as in torch)
    over = d >= quantile_values[-1]
    weights = weights.at[:, :, k - 1].set(jnp.where(over, 1.0, weights[:, :, k - 1]))
    log_result = jnp.log(weights + 1e-30)
    return log_result

if __name__ == "__main__":
    import jax
    _d = setup_inputs()
    print(jax.jit(kernel)(*tuple(_d.values())))

</pallas_src>

<mosaic_0001>
#map = affine_map<(d0, d1) -> (0)>
module attributes {stable_mosaic.version = 14 : i64} {
  func.func @_sc_body(%arg0: i32, %arg1: i32, %arg2: memref<16384xf32, #tpu.memory_space<hbm>>, %arg3: memref<32xf32, #tpu.memory_space<hbm>>, %arg4: memref<16384xf32, #tpu.memory_space<hbm>>, %arg5: memref<16384xf32, #tpu.memory_space<hbm>>, %arg6: memref<16384xf32, #tpu.memory_space<hbm>>, %arg7: memref<32xf32, #tpu.memory_space<vmem>>, %arg8: memref<256xf32, #tpu.memory_space<vmem>>, %arg9: memref<256xf32, #tpu.memory_space<vmem>>, %arg10: memref<256xf32, #tpu.memory_space<vmem>>, %arg11: memref<256xf32, #tpu.memory_space<vmem>>, %arg12: memref<256xf32, #tpu.memory_space<vmem>>, %arg13: memref<256xf32, #tpu.memory_space<vmem>>, %arg14: memref<256xf32, #tpu.memory_space<vmem>>, %arg15: memref<256xf32, #tpu.memory_space<vmem>>, %arg16: memref<2x!tpu.dma_semaphore, #tpu.memory_space<semaphore_mem>>, %arg17: memref<2x!tpu.dma_semaphore, #tpu.memory_space<semaphore_mem>>) attributes {dimension_semantics = [#tpu.dimension_semantics<core_parallel>, #tpu.dimension_semantics<subcore_parallel>], iteration_bounds = array<i64: 2, 16>, scalar_prefetch = 0 : i64, scratch_operands = 11 : i64, tpu.core_type = #tpu.core_type<sc_vector_subcore>, window_params = [{transform_indices = #map}, {transform_indices = #map}, {transform_indices = #map}, {transform_indices = #map}, {transform_indices = #map}]} {
    %mul3A = arith.constant 2 : i32
    %mul3A_0 = arith.muli %arg1, %mul3A : i32
    %add3A = arith.addi %mul3A_0, %arg0 : i32
    %mul3A_1 = arith.constant 512 : i32
    %mul3A_2 = arith.muli %add3A, %mul3A_1 : i32
    "tpu.region"() ({
      %run_scoped3A = tpu.sem_alloc : memref<!tpu.dma_semaphore, #tpu.memory_space<semaphore_mem>>
      tpu.enqueue_dma source(%arg3 : memref<32xf32, #tpu.memory_space<hbm>>) target(%arg7 : memref<32xf32, #tpu.memory_space<vmem>>) target_semaphore(%run_scoped3A : memref<!tpu.dma_semaphore, #tpu.memory_space<semaphore_mem>>)
      tpu.wait_dma2 semaphore(%run_scoped3A : memref<!tpu.dma_semaphore, #tpu.memory_space<semaphore_mem>>) src(%arg3 : memref<32xf32, #tpu.memory_space<hbm>>) dst(%arg7 : memref<32xf32, #tpu.memory_space<vmem>>)
      tpu.yield
    }) : () -> ()
    %add3A_3 = arith.constant 0 : i32
    %add3A_4 = arith.addi %mul3A_2, %add3A_3 : i32
    %dma_start3A = arith.constant 0 : i32
    %dma_start3A_5 = tpu.memref_slice %arg2[%add3A_4] : memref<16384xf32, #tpu.memory_space<hbm>> -> memref<256xf32, #tpu.memory_space<hbm>>
    %dma_start3A_6 = tpu.memref_slice %arg16[%dma_start3A] : memref<2x!tpu.dma_semaphore, #tpu.memory_space<semaphore_mem>> -> memref<1x!tpu.dma_semaphore, #tpu.memory_space<semaphore_mem>>
    %dma_start3A_7 = tpu.memref_squeeze %dma_start3A_6 : memref<1x!tpu.dma_semaphore, #tpu.memory_space<semaphore_mem>> -> memref<!tpu.dma_semaphore, #tpu.memory_space<semaphore_mem>>
    %dma_start3A_8 = tpu.memref_slice %arg2[%add3A_4] : memref<16384xf32, #tpu.memory_space<hbm>> -> memref<256xf32, #tpu.memory_space<hbm>>
    tpu.enqueue_dma source(%dma_start3A_8 : memref<256xf32, #tpu.memory_space<hbm>>) target(%arg8 : memref<256xf32, #tpu.memory_space<vmem>>) target_semaphore(%dma_start3A_7 : memref<!tpu.dma_semaphore, #tpu.memory_space<semaphore_mem>>)
    %broadcast_in_dim3A = arith.constant 31 : i32
    %broadcast_in_dim3A_9 = vector.broadcast %broadcast_in_dim3A : i32 to vector<16xi32>
    %add3A_10 = arith.constant 256 : i32
    %add3A_11 = arith.addi %mul3A_2, %add3A_10 : i32
    %dma_start3A_12 = arith.constant 1 : i32
    %dma_start3A_13 = tpu.memref_slice %arg2[%add3A_11] : memref<16384xf32, #tpu.memory_space<hbm>> -> memref<256xf32, #tpu.memory_space<hbm>>
    %dma_start3A_14 = tpu.memref_slice %arg16[%dma_start3A_12] : memref<2x!tpu.dma_semaphore, #tpu.memory_space<semaphore_mem>> -> memref<1x!tpu.dma_semaphore, #tpu.memory_space<semaphore_mem>>
    %dma_start3A_15 = tpu.memref_squeeze %dma_start3A_14 : memref<1x!tpu.dma_semaphore, #tpu.memory_space<semaphore_mem>> -> memref<!tpu.dma_semaphore, #tpu.memory_space<semaphore_mem>>
    %dma_start3A_16 = tpu.memref_slice %arg2[%add3A_11] : memref<16384xf32, #tpu.memory_space<hbm>> -> memref<256xf32, #tpu.memory_space<hbm>>
    tpu.enqueue_dma source(%dma_start3A_16 : memref<256xf32, #tpu.memory_space<hbm>>) target(%arg9 : memref<256xf32, #tpu.memory_space<vmem>>) target_semaphore(%dma_start3A_15 : memref<!tpu.dma_semaphore, #tpu.memory_space<semaphore_mem>>)
    %add3A_17 = arith.constant 0 : i32
    %add3A_18 = arith.addi %mul3A_2, %add3A_17 : i32
    %dma_wait3A = arith.constant 0 : i32
    %dma_wait3A_19 = tpu.memref_slice %arg2[%add3A_18] : memref<16384xf32, #tpu.memory_space<hbm>> -> memref<256xf32, #tpu.memory_space<hbm>>
    %dma_wait3A_20 = tpu.memref_slice %arg16[%dma_wait3A] : memref<2x!tpu.dma_semaphore, #tpu.memory_space<semaphore_mem>> -> memref<1x!tpu.dma_semaphore, #tpu.memory_space<semaphore_mem>>
    %dma_wait3A_21 = tpu.memref_squeeze %dma_wait3A_20 : memref<1x!tpu.dma_semaphore, #tpu.memory_space<semaphore_mem>> -> memref<!tpu.dma_semaphore, #tpu.memory_space<semaphore_mem>>
    %dma_wait3A_22 = tpu.memref_slice %arg2[%add3A_18] : memref<16384xf32, #tpu.memory_space<hbm>> -> memref<256xf32, #tpu.memory_space<hbm>>
    tpu.wait_dma2 semaphore(%dma_wait3A_21 : memref<!tpu.dma_semaphore, #tpu.memory_space<semaphore_mem>>) src(%dma_wait3A_22 : memref<256xf32, #tpu.memory_space<hbm>>) dst(%arg8 : memref<256xf32, #tpu.memory_space<vmem>>)
    %gather3A = tpu.vector_load_idx %arg7[%broadcast_in_dim3A_9] : memref<32xf32, #tpu.memory_space<vmem>>[vector<16xi32>], vector<16xf32>,
    %scan3A = arith.constant 0 : i32
    %scan3A_23 = arith.constant 0 : i32
    %scan3A_24 = arith.constant 16 : i32
    %scan3A_25 = arith.addi %scan3A_23, %scan3A_24 : i32
    %scan3A_26 = arith.constant 2 : i32
    %scan3A_27 = scf.for %scan3A_112 = %scan3A_23 to %scan3A_25 step %scan3A_26 iter_args(%scan3A_113 = %scan3A) -> (i32)  : i32 {
      %mul3A_114 = arith.constant 16 : i32
      %mul3A_115 = arith.muli %scan3A_112, %mul3A_114 : i32
      %get3A = arith.index_cast %mul3A_115 : i32 to index
      %get3A_116 = tpu.vector_load %arg8[%get3A] {strides = array<i32>} : memref<256xf32, #tpu.memory_space<vmem>>, vector<16xf32>,
      %broadcast_in_dim3A_117 = arith.constant 0 : i32
      %broadcast_in_dim3A_118 = vector.broadcast %broadcast_in_dim3A_117 : i32 to vector<16xi32>
      %add3A_119 = arith.constant 16 : i32
      %add3A_120 = vector.broadcast %add3A_119 : i32 to vector<16xi32>
      %add3A_121 = arith.addi %broadcast_in_dim3A_118, %add3A_120 : vector<16xi32>
      %min3A = arith.constant 31 : i32
      %min3A_122 = vector.broadcast %min3A : i32 to vector<16xi32>
      %min3A_123 = arith.minsi %add3A_121, %min3A_122 : vector<16xi32>
      %gather3A_124 = tpu.vector_load_idx %arg7[%min3A_123] : memref<32xf32, #tpu.memory_space<vmem>>[vector<16xi32>], vector<16xf32>,
      %le3A = arith.constant 31 : i32
      %le3A_125 = vector.broadcast %le3A : i32 to vector<16xi32>
      %le3A_126 = arith.cmpi sle, %add3A_121, %le3A_125 : vector<16xi32>
      %ge3A = arith.cmpf oge, %get3A_116, %gather3A_124 : vector<16xf32>
      %and3A = arith.andi %le3A_126, %ge3A : vector<16xi1>
      %select_n3A = arith.select %and3A, %add3A_121, %broadcast_in_dim3A_118 : vector<16xi1>, vector<16xi32>
      %add3A_127 = arith.constant 8 : i32
      %add3A_128 = vector.broadcast %add3A_127 : i32 to vector<16xi32>
      %add3A_129 = arith.addi %select_n3A, %add3A_128 : vector<16xi32>
      %min3A_130 = arith.constant 31 : i32
      %min3A_131 = vector.broadcast %min3A_130 : i32 to vector<16xi32>
      %min3A_132 = arith.minsi %add3A_129, %min3A_131 : vector<16xi32>
      %gather3A_133 = tpu.vector_load_idx %arg7[%min3A_132] : memref<32xf32, #tpu.memory_space<vmem>>[vector<16xi32>], vector<16xf32>,
      %le3A_134 = arith.constant 31 : i32
      %le3A_135 = vector.broadcast %le3A_134 : i32 to vector<16xi32>
      %le3A_136 = arith.cmpi sle, %add3A_129, %le3A_135 : vector<16xi32>
      %ge3A_137 = arith.cmpf oge, %get3A_116, %gather3A_133 : vector<16xf32>
      %and3A_138 = arith.andi %le3A_136, %ge3A_137 : vector<16xi1>
      %select_n3A_139 = arith.select %and3A_138, %add3A_129, %select_n3A : vector<16xi1>, vector<16xi32>
      %add3A_140 = arith.constant 4 : i32
      %add3A_141 = vector.broadcast %add3A_140 : i32 to vector<16xi32>
      %add3A_142 = arith.addi %select_n3A_139, %add3A_141 : vector<16xi32>
      %min3A_143 = arith.constant 31 : i32
      %min3A_144 = vector.broadcast %min3A_143 : i32 to vector<16xi32>
      %min3A_145 = arith.minsi %add3A_142, %min3A_144 : vector<16xi32>
      %gather3A_146 = tpu.vector_load_idx %arg7[%min3A_145] : memref<32xf32, #tpu.memory_space<vmem>>[vector<16xi32>], vector<16xf32>,
      %le3A_147 = arith.constant 31 : i32
      %le3A_148 = vector.broadcast %le3A_147 : i32 to vector<16xi32>
      %le3A_149 = arith.cmpi sle, %add3A_142, %le3A_148 : vector<16xi32>
      %ge3A_150 = arith.cmpf oge, %get3A_116, %gather3A_146 : vector<16xf32>
      %and3A_151 = arith.andi %le3A_149, %ge3A_150 : vector<16xi1>
      %select_n3A_152 = arith.select %and3A_151, %add3A_142, %select_n3A_139 : vector<16xi1>, vector<16xi32>
      %add3A_153 = arith.constant 2 : i32
      %add3A_154 = vector.broadcast %add3A_153 : i32 to vector<16xi32>
      %add3A_155 = arith.addi %select_n3A_152, %add3A_154 : vector<16xi32>
      %min3A_156 = arith.constant 31 : i32
      %min3A_157 = vector.broadcast %min3A_156 : i32 to vector<16xi32>
      %min3A_158 = arith.minsi %add3A_155, %min3A_157 : vector<16xi32>
      %gather3A_159 = tpu.vector_load_idx %arg7[%min3A_158] : memref<32xf32, #tpu.memory_space<vmem>>[vector<16xi32>], vector<16xf32>,
      %le3A_160 = arith.constant 31 : i32
      %le3A_161 = vector.broadcast %le3A_160 : i32 to vector<16xi32>
      %le3A_162 = arith.cmpi sle, %add3A_155, %le3A_161 : vector<16xi32>
      %ge3A_163 = arith.cmpf oge, %get3A_116, %gather3A_159 : vector<16xf32>
      %and3A_164 = arith.andi %le3A_162, %ge3A_163 : vector<16xi1>
      %select_n3A_165 = arith.select %and3A_164, %add3A_155, %select_n3A_152 : vector<16xi1>, vector<16xi32>
      %add3A_166 = arith.constant 1 : i32
      %add3A_167 = vector.broadcast %add3A_166 : i32 to vector<16xi32>
      %add3A_168 = arith.addi %select_n3A_165, %add3A_167 : vector<16xi32>
      %min3A_169 = arith.constant 31 : i32
      %min3A_170 = vector.broadcast %min3A_169 : i32 to vector<16xi32>
      %min3A_171 = arith.minsi %add3A_168, %min3A_170 : vector<16xi32>
      %gather3A_172 = tpu.vector_load_idx %arg7[%min3A_171] : memref<32xf32, #tpu.memory_space<vmem>>[vector<16xi32>], vector<16xf32>,
      %le3A_173 = arith.constant 31 : i32
      %le3A_174 = vector.broadcast %le3A_173 : i32 to vector<16xi32>
      %le3A_175 = arith.cmpi sle, %add3A_168, %le3A_174 : vector<16xi32>
      %ge3A_176 = arith.cmpf oge, %get3A_116, %gather3A_172 : vector<16xf32>
      %and3A_177 = arith.andi %le3A_175, %ge3A_176 : vector<16xi1>
      %select_n3A_178 = arith.select %and3A_177, %add3A_168, %select_n3A_165 : vector<16xi1>, vector<16xi32>
      %gather3A_179 = tpu.vector_load_idx %arg7[%select_n3A_178] : memref<32xf32, #tpu.memory_space<vmem>>[vector<16xi32>], vector<16xf32>,
      %add3A_180 = arith.constant 1 : i32
      %add3A_181 = vector.broadcast %add3A_180 : i32 to vector<16xi32>
      %add3A_182 = arith.addi %select_n3A_178, %add3A_181 : vector<16xi32>
      %min3A_183 = arith.constant 31 : i32
      %min3A_184 = vector.broadcast %min3A_183 : i32 to vector<16xi32>
      %min3A_185 = arith.minsi %add3A_182, %min3A_184 : vector<16xi32>
      %gather3A_186 = tpu.vector_load_idx %arg7[%min3A_185] : memref<32xf32, #tpu.memory_space<vmem>>[vector<16xi32>], vector<16xf32>,
      %sub3A = arith.subf %get3A_116, %gather3A_179 : vector<16xf32>
      %sub3A_187 = arith.subf %gather3A_186, %gather3A_179 : vector<16xf32>
      %add3A_188 = arith.constant 1.000000e-10 : f32
      %add3A_189 = vector.broadcast %add3A_188 : f32 to vector<16xf32>
      %add3A_190 = arith.addf %sub3A_187, %add3A_189 : vector<16xf32>
      %div3A = arith.divf %sub3A, %add3A_190 : vector<16xf32>
      %jit3A = arith.constant 0.000000e+00 : f32
      %jit3A_191 = arith.constant 1.000000e+00 : f32
      %max3A = vector.broadcast %jit3A : f32 to vector<16xf32>
      %max3A_192 = arith.maximumf %max3A, %div3A : vector<16xf32>
      %min3A_193 = vector.broadcast %jit3A_191 : f32 to vector<16xf32>
      %min3A_194 = arith.minimumf %min3A_193, %max3A_192 : vector<16xf32>
      %ge3A_195 = arith.cmpf oge, %get3A_116, %gather3A_179 : vector<16xf32>
      %lt3A = arith.cmpf olt, %get3A_116, %gather3A_186 : vector<16xf32>
      %and3A_196 = arith.andi %ge3A_195, %lt3A : vector<16xi1>
      %ge3A_197 = arith.cmpf oge, %get3A_116, %gather3A : vector<16xf32>
      %jit3A_198 = arith.constant -1 : i32
      %broadcast_in_dim3A_199 = vector.broadcast %jit3A_198 : i32 to vector<16xi32>
      %select_n3A_200 = arith.select %and3A_196, %select_n3A_178, %broadcast_in_dim3A_199 : vector<16xi1>, vector<16xi32>
      %jit3A_201 = arith.constant 32 : i32
      %broadcast_in_dim3A_202 = vector.broadcast %jit3A_201 : i32 to vector<16xi32>
      %select_n3A_203 = arith.select %ge3A_197, %broadcast_in_dim3A_202, %select_n3A_200 : vector<16xi1>, vector<16xi32>
      %convert_element_type3A = arith.sitofp %select_n3A_203 : vector<16xi32> to vector<16xf32>
      %mul3A_204 = arith.constant 16 : i32
      %mul3A_205 = arith.muli %scan3A_112, %mul3A_204 : i32
      %swap3A = arith.index_cast %mul3A_205 : i32 to index
      %swap3A_206 = tpu.vector_load %arg10[%swap3A] {strides = array<i32>} : memref<256xf32, #tpu.memory_space<vmem>>, vector<16xf32>,
      tpu.vector_store %arg10[%swap3A], %convert_element_type3A {strides = array<i32>} : memref<256xf32, #tpu.memory_space<vmem>>, vector<16xf32>,
      %sub3A_207 = arith.constant 1.000000e+00 : f32
      %sub3A_208 = vector.broadcast %sub3A_207 : f32 to vector<16xf32>
      %sub3A_209 = arith.subf %sub3A_208, %min3A_194 : vector<16xf32>
      %add3A_210 = arith.constant 1.000000e-30 : f32
      %add3A_211 = vector.broadcast %add3A_210 : f32 to vector<16xf32>
      %add3A_212 = arith.addf %sub3A_209, %add3A_211 : vector<16xf32>
      %bitcast_convert_type3A = tpu.bitcast %add3A_212 : vector<16xf32> -> vector<16xi32>
      %shift_right_logical3A = arith.constant 23 : i32
      %shift_right_logical3A_213 = vector.broadcast %shift_right_logical3A : i32 to vector<16xi32>
      %shift_right_logical3A_214 = arith.shrui %bitcast_convert_type3A, %shift_right_logical3A_213 : vector<16xi32>
      %sub3A_215 = arith.constant 127 : i32
      %sub3A_216 = vector.broadcast %sub3A_215 : i32 to vector<16xi32>
      %sub3A_217 = arith.subi %shift_right_logical3A_214, %sub3A_216 : vector<16xi32>
      %and3A_218 = arith.constant 8388607 : i32
      %and3A_219 = vector.broadcast %and3A_218 : i32 to vector<16xi32>
      %and3A_220 = arith.andi %bitcast_convert_type3A, %and3A_219 : vector<16xi32>
      %or3A = arith.constant 1065353216 : i32
      %or3A_221 = vector.broadcast %or3A : i32 to vector<16xi32>
      %or3A_222 = arith.ori %and3A_220, %or3A_221 : vector<16xi32>
      %bitcast_convert_type3A_223 = tpu.bitcast %or3A_222 : vector<16xi32> -> vector<16xf32>
      %ge3A_224 = arith.constant 1.41421354 : f32
      %ge3A_225 = vector.broadcast %ge3A_224 : f32 to vector<16xf32>
      %ge3A_226 = arith.cmpf oge, %bitcast_convert_type3A_223, %ge3A_225 : vector<16xf32>
      %mul3A_227 = arith.constant 5.000000e-01 : f32
      %mul3A_228 = vector.broadcast %mul3A_227 : f32 to vector<16xf32>
      %mul3A_229 = arith.mulf %bitcast_convert_type3A_223, %mul3A_228 : vector<16xf32>
      %select_n3A_230 = arith.select %ge3A_226, %mul3A_229, %bitcast_convert_type3A_223 : vector<16xi1>, vector<16xf32>
      %add3A_231 = arith.constant 1 : i32
      %add3A_232 = vector.broadcast %add3A_231 : i32 to vector<16xi32>
      %add3A_233 = arith.addi %sub3A_217, %add3A_232 : vector<16xi32>
      %select_n3A_234 = arith.select %ge3A_226, %add3A_233, %sub3A_217 : vector<16xi1>, vector<16xi32>
      %convert_element_type3A_235 = arith.sitofp %select_n3A_234 : vector<16xi32> to vector<16xf32>
      %sub3A_236 = arith.constant 1.000000e+00 : f32
      %sub3A_237 = vector.broadcast %sub3A_236 : f32 to vector<16xf32>
      %sub3A_238 = arith.subf %select_n3A_230, %sub3A_237 : vector<16xf32>
      %add3A_239 = arith.constant 1.000000e+00 : f32
      %add3A_240 = vector.broadcast %add3A_239 : f32 to vector<16xf32>
      %add3A_241 = arith.addf %select_n3A_230, %add3A_240 : vector<16xf32>
      %div3A_242 = arith.divf %sub3A_238, %add3A_241 : vector<16xf32>
      %mul3A_243 = arith.mulf %div3A_242, %div3A_242 : vector<16xf32>
      %mul3A_244 = arith.constant 0.111111112 : f32
      %mul3A_245 = vector.broadcast %mul3A_244 : f32 to vector<16xf32>
      %mul3A_246 = arith.mulf %mul3A_243, %mul3A_245 : vector<16xf32>
      %add3A_247 = arith.constant 0.142857149 : f32
      %add3A_248 = vector.broadcast %add3A_247 : f32 to vector<16xf32>
      %add3A_249 = arith.addf %add3A_248, %mul3A_246 : vector<16xf32>
      %mul3A_250 = arith.mulf %mul3A_243, %add3A_249 : vector<16xf32>
      %add3A_251 = arith.constant 2.000000e-01 : f32
      %add3A_252 = vector.broadcast %add3A_251 : f32 to vector<16xf32>
      %add3A_253 = arith.addf %add3A_252, %mul3A_250 : vector<16xf32>
      %mul3A_254 = arith.mulf %mul3A_243, %add3A_253 : vector<16xf32>
      %add3A_255 = arith.constant 0.333333343 : f32
      %add3A_256 = vector.broadcast %add3A_255 : f32 to vector<16xf32>
      %add3A_257 = arith.addf %add3A_256, %mul3A_254 : vector<16xf32>
      %mul3A_258 = arith.mulf %mul3A_243, %add3A_257 : vector<16xf32>
      %add3A_259 = arith.constant 1.000000e+00 : f32
      %add3A_260 = vector.broadcast %add3A_259 : f32 to vector<16xf32>
      %add3A_261 = arith.addf %add3A_260, %mul3A_258 : vector<16xf32>
      %mul3A_262 = arith.constant 0.693147182 : f32
      %mul3A_263 = vector.broadcast %mul3A_262 : f32 to vector<16xf32>
      %mul3A_264 = arith.mulf %convert_element_type3A_235, %mul3A_263 : vector<16xf32>
      %mul3A_265 = arith.constant 2.000000e+00 : f32
      %mul3A_266 = vector.broadcast %mul3A_265 : f32 to vector<16xf32>
      %mul3A_267 = arith.mulf %mul3A_266, %div3A_242 : vector<16xf32>
      %mul3A_268 = arith.mulf %mul3A_267, %add3A_261 : vector<16xf32>
      %add3A_269 = arith.addf %mul3A_264, %mul3A_268 : vector<16xf32>
      %swap3A_270 = arith.index_cast %mul3A_205 : i32 to index
      %swap3A_271 = tpu.vector_load %arg12[%swap3A_270] {strides = array<i32>} : memref<256xf32, #tpu.memory_space<vmem>>, vector<16xf32>,
      tpu.vector_store %arg12[%swap3A_270], %add3A_269 {strides = array<i32>} : memref<256xf32, #tpu.memory_space<vmem>>, vector<16xf32>,
      %add3A_272 = arith.constant 1.000000e-30 : f32
      %add3A_273 = vector.broadcast %add3A_272 : f32 to vector<16xf32>
      %add3A_274 = arith.addf %min3A_194, %add3A_273 : vector<16xf32>
      %bitcast_convert_type3A_275 = tpu.bitcast %add3A_274 : vector<16xf32> -> vector<16xi32>
      %shift_right_logical3A_276 = arith.constant 23 : i32
      %shift_right_logical3A_277 = vector.broadcast %shift_right_logical3A_276 : i32 to vector<16xi32>
      %shift_right_logical3A_278 = arith.shrui %bitcast_convert_type3A_275, %shift_right_logical3A_277 : vector<16xi32>
      %sub3A_279 = arith.constant 127 : i32
      %sub3A_280 = vector.broadcast %sub3A_279 : i32 to vector<16xi32>
      %sub3A_281 = arith.subi %shift_right_logical3A_278, %sub3A_280 : vector<16xi32>
      %and3A_282 = arith.constant 8388607 : i32
      %and3A_283 = vector.broadcast %and3A_282 : i32 to vector<16xi32>
      %and3A_284 = arith.andi %bitcast_convert_type3A_275, %and3A_283 : vector<16xi32>
      %or3A_285 = arith.constant 1065353216 : i32
      %or3A_286 = vector.broadcast %or3A_285 : i32 to vector<16xi32>
      %or3A_287 = arith.ori %and3A_284, %or3A_286 : vector<16xi32>
      %bitcast_convert_type3A_288 = tpu.bitcast %or3A_287 : vector<16xi32> -> vector<16xf32>
      %ge3A_289 = arith.constant 1.41421354 : f32
      %ge3A_290 = vector.broadcast %ge3A_289 : f32 to vector<16xf32>
      %ge3A_291 = arith.cmpf oge, %bitcast_convert_type3A_288, %ge3A_290 : vector<16xf32>
      %mul3A_292 = arith.constant 5.000000e-01 : f32
      %mul3A_293 = vector.broadcast %mul3A_292 : f32 to vector<16xf32>
      %mul3A_294 = arith.mulf %bitcast_convert_type3A_288, %mul3A_293 : vector<16xf32>
      %select_n3A_295 = arith.select %ge3A_291, %mul3A_294, %bitcast_convert_type3A_288 : vector<16xi1>, vector<16xf32>
      %add3A_296 = arith.constant 1 : i32
      %add3A_297 = vector.broadcast %add3A_296 : i32 to vector<16xi32>
      %add3A_298 = arith.addi %sub3A_281, %add3A_297 : vector<16xi32>
      %select_n3A_299 = arith.select %ge3A_291, %add3A_298, %sub3A_281 : vector<16xi1>, vector<16xi32>
      %convert_element_type3A_300 = arith.sitofp %select_n3A_299 : vector<16xi32> to vector<16xf32>
      %sub3A_301 = arith.constant 1.000000e+00 : f32
      %sub3A_302 = vector.broadcast %sub3A_301 : f32 to vector<16xf32>
      %sub3A_303 = arith.subf %select_n3A_295, %sub3A_302 : vector<16xf32>
      %add3A_304 = arith.constant 1.000000e+00 : f32
      %add3A_305 = vector.broadcast %add3A_304 : f32 to vector<16xf32>
      %add3A_306 = arith.addf %select_n3A_295, %add3A_305 : vector<16xf32>
      %div3A_307 = arith.divf %sub3A_303, %add3A_306 : vector<16xf32>
      %mul3A_308 = arith.mulf %div3A_307, %div3A_307 : vector<16xf32>
      %mul3A_309 = arith.constant 0.111111112 : f32
      %mul3A_310 = vector.broadcast %mul3A_309 : f32 to vector<16xf32>
      %mul3A_311 = arith.mulf %mul3A_308, %mul3A_310 : vector<16xf32>
      %add3A_312 = arith.constant 0.142857149 : f32
      %add3A_313 = vector.broadcast %add3A_312 : f32 to vector<16xf32>
      %add3A_314 = arith.addf %add3A_313, %mul3A_311 : vector<16xf32>
      %mul3A_315 = arith.mulf %mul3A_308, %add3A_314 : vector<16xf32>
      %add3A_316 = arith.constant 2.000000e-01 : f32
      %add3A_317 = vector.broadcast %add3A_316 : f32 to vector<16xf32>
      %add3A_318 = arith.addf %add3A_317, %mul3A_315 : vector<16xf32>
      %mul3A_319 = arith.mulf %mul3A_308, %add3A_318 : vector<16xf32>
      %add3A_320 = arith.constant 0.333333343 : f32
      %add3A_321 = vector.broadcast %add3A_320 : f32 to vector<16xf32>
      %add3A_322 = arith.addf %add3A_321, %mul3A_319 : vector<16xf32>
      %mul3A_323 = arith.mulf %mul3A_308, %add3A_322 : vector<16xf32>
      %add3A_324 = arith.constant 1.000000e+00 : f32
      %add3A_325 = vector.broadcast %add3A_324 : f32 to vector<16xf32>
      %add3A_326 = arith.addf %add3A_325, %mul3A_323 : vector<16xf32>
      %mul3A_327 = arith.constant 0.693147182 : f32
      %mul3A_328 = vector.broadcast %mul3A_327 : f32 to vector<16xf32>
      %mul3A_329 = arith.mulf %convert_element_type3A_300, %mul3A_328 : vector<16xf32>
      %mul3A_330 = arith.constant 2.000000e+00 : f32
      %mul3A_331 = vector.broadcast %mul3A_330 : f32 to vector<16xf32>
      %mul3A_332 = arith.mulf %mul3A_331, %div3A_307 : vector<16xf32>
      %mul3A_333 = arith.mulf %mul3A_332, %add3A_326 : vector<16xf32>
      %add3A_334 = arith.addf %mul3A_329, %mul3A_333 : vector<16xf32>
      %swap3A_335 = arith.index_cast %mul3A_205 : i32 to index
      %swap3A_336 = tpu.vector_load %arg14[%swap3A_335] {strides = array<i32>} : memref<256xf32, #tpu.memory_space<vmem>>, vector<16xf32>,
      tpu.vector_store %arg14[%swap3A_335], %add3A_334 {strides = array<i32>} : memref<256xf32, #tpu.memory_space<vmem>>, vector<16xf32>,
      %scan3A_337 = arith.constant 0 : i32
      %scan3A_338 = arith.constant 1 : i32
      %scan3A_339 = arith.addi %scan3A_112, %scan3A_338 : i32
      %mul3A_340 = arith.constant 16 : i32
      %mul3A_341 = arith.muli %scan3A_339, %mul3A_340 : i32
      %get3A_342 = arith.index_cast %mul3A_341 : i32 to index
      %get3A_343 = tpu.vector_load %arg8[%get3A_342] {strides = array<i32>} : memref<256xf32, #tpu.memory_space<vmem>>, vector<16xf32>,
      %broadcast_in_dim3A_344 = arith.constant 0 : i32
      %broadcast_in_dim3A_345 = vector.broadcast %broadcast_in_dim3A_344 : i32 to vector<16xi32>
      %add3A_346 = arith.constant 16 : i32
      %add3A_347 = vector.broadcast %add3A_346 : i32 to vector<16xi32>
      %add3A_348 = arith.addi %broadcast_in_dim3A_345, %add3A_347 : vector<16xi32>
      %min3A_349 = arith.constant 31 : i32
      %min3A_350 = vector.broadcast %min3A_349 : i32 to vector<16xi32>
      %min3A_351 = arith.minsi %add3A_348, %min3A_350 : vector<16xi32>
      %gather3A_352 = tpu.vector_load_idx %arg7[%min3A_351] : memref<32xf32, #tpu.memory_space<vmem>>[vector<16xi32>], vector<16xf32>,
      %le3A_353 = arith.constant 31 : i32
      %le3A_354 = vector.broadcast %le3A_353 : i32 to vector<16xi32>
      %le3A_355 = arith.cmpi sle, %add3A_348, %le3A_354 : vector<16xi32>
      %ge3A_356 = arith.cmpf oge, %get3A_343, %gather3A_352 : vector<16xf32>
      %and3A_357 = arith.andi %le3A_355, %ge3A_356 : vector<16xi1>
      %select_n3A_358 = arith.select %and3A_357, %add3A_348, %broadcast_in_dim3A_345 : vector<16xi1>, vector<16xi32>
      %add3A_359 = arith.constant 8 : i32
      %add3A_360 = vector.broadcast %add3A_359 : i32 to vector<16xi32>
      %add3A_361 = arith.addi %select_n3A_358, %add3A_360 : vector<16xi32>
      %min3A_362 = arith.constant 31 : i32
      %min3A_363 = vector.broadcast %min3A_362 : i32 to vector<16xi32>
      %min3A_364 = arith.minsi %add3A_361, %min3A_363 : vector<16xi32>
      %gather3A_365 = tpu.vector_load_idx %arg7[%min3A_364] : memref<32xf32, #tpu.memory_space<vmem>>[vector<16xi32>], vector<16xf32>,
      %le3A_366 = arith.constant 31 : i32
      %le3A_367 = vector.broadcast %le3A_366 : i32 to vector<16xi32>
      %le3A_368 = arith.cmpi sle, %add3A_361, %le3A_367 : vector<16xi32>
      %ge3A_369 = arith.cmpf oge, %get3A_343, %gather3A_365 : vector<16xf32>
      %and3A_370 = arith.andi %le3A_368, %ge3A_369 : vector<16xi1>
      %select_n3A_371 = arith.select %and3A_370, %add3A_361, %select_n3A_358 : vector<16xi1>, vector<16xi32>
      %add3A_372 = arith.constant 4 : i32
      %add3A_373 = vector.broadcast %add3A_372 : i32 to vector<16xi32>
      %add3A_374 = arith.addi %select_n3A_371, %add3A_373 : vector<16xi32>
      %min3A_375 = arith.constant 31 : i32
      %min3A_376 = vector.broadcast %min3A_375 : i32 to vector<16xi32>
      %min3A_377 = arith.minsi %add3A_374, %min3A_376 : vector<16xi32>
      %gather3A_378 = tpu.vector_load_idx %arg7[%min3A_377] : memref<32xf32, #tpu.memory_space<vmem>>[vector<16xi32>], vector<16xf32>,
      %le3A_379 = arith.constant 31 : i32
      %le3A_380 = vector.broadcast %le3A_379 : i32 to vector<16xi32>
      %le3A_381 = arith.cmpi sle, %add3A_374, %le3A_380 : vector<16xi32>
      %ge3A_382 = arith.cmpf oge, %get3A_343, %gather3A_378 : vector<16xf32>
      %and3A_383 = arith.andi %le3A_381, %ge3A_382 : vector<16xi1>
      %select_n3A_384 = arith.select %and3A_383, %add3A_374, %select_n3A_371 : vector<16xi1>, vector<16xi32>
      %add3A_385 = arith.constant 2 : i32
      %add3A_386 = vector.broadcast %add3A_385 : i32 to vector<16xi32>
      %add3A_387 = arith.addi %select_n3A_384, %add3A_386 : vector<16xi32>
      %min3A_388 = arith.constant 31 : i32
      %min3A_389 = vector.broadcast %min3A_388 : i32 to vector<16xi32>
      %min3A_390 = arith.minsi %add3A_387, %min3A_389 : vector<16xi32>
      %gather3A_391 = tpu.vector_load_idx %arg7[%min3A_390] : memref<32xf32, #tpu.memory_space<vmem>>[vector<16xi32>], vector<16xf32>,
      %le3A_392 = arith.constant 31 : i32
      %le3A_393 = vector.broadcast %le3A_392 : i32 to vector<16xi32>
      %le3A_394 = arith.cmpi sle, %add3A_387, %le3A_393 : vector<16xi32>
      %ge3A_395 = arith.cmpf oge, %get3A_343, %gather3A_391 : vector<16xf32>
      %and3A_396 = arith.andi %le3A_394, %ge3A_395 : vector<16xi1>
      %select_n3A_397 = arith.select %and3A_396, %add3A_387, %select_n3A_384 : vector<16xi1>, vector<16xi32>
      %add3A_398 = arith.constant 1 : i32
      %add3A_399 = vector.broadcast %add3A_398 : i32 to vector<16xi32>
      %add3A_400 = arith.addi %select_n3A_397, %add3A_399 : vector<16xi32>
      %min3A_401 = arith.constant 31 : i32
      %min3A_402 = vector.broadcast %min3A_401 : i32 to vector<16xi32>
      %min3A_403 = arith.minsi %add3A_400, %min3A_402 : vector<16xi32>
      %gather3A_404 = tpu.vector_load_idx %arg7[%min3A_403] : memref<32xf32, #tpu.memory_space<vmem>>[vector<16xi32>], vector<16xf32>,
      %le3A_405 = arith.constant 31 : i32
      %le3A_406 = vector.broadcast %le3A_405 : i32 to vector<16xi32>
      %le3A_407 = arith.cmpi sle, %add3A_400, %le3A_406 : vector<16xi32>
      %ge3A_408 = arith.cmpf oge, %get3A_343, %gather3A_404 : vector<16xf32>
      %and3A_409 = arith.andi %le3A_407, %ge3A_408 : vector<16xi1>
      %select_n3A_410 = arith.select %and3A_409, %add3A_400, %select_n3A_397 : vector<16xi1>, vector<16xi32>
      %gather3A_411 = tpu.vector_load_idx %arg7[%select_n3A_410] : memref<32xf32, #tpu.memory_space<vmem>>[vector<16xi32>], vector<16xf32>,
      %add3A_412 = arith.constant 1 : i32
      %add3A_413 = vector.broadcast %add3A_412 : i32 to vector<16xi32>
      %add3A_414 = arith.addi %select_n3A_410, %add3A_413 : vector<16xi32>
      %min3A_415 = arith.constant 31 : i32
      %min3A_416 = vector.broadcast %min3A_415 : i32 to vector<16xi32>
      %min3A_417 = arith.minsi %add3A_414, %min3A_416 : vector<16xi32>
      %gather3A_418 = tpu.vector_load_idx %arg7[%min3A_417] : memref<32xf32, #tpu.memory_space<vmem>>[vector<16xi32>], vector<16xf32>,
      %sub3A_419 = arith.subf %get3A_343, %gather3A_411 : vector<16xf32>
      %sub3A_420 = arith.subf %gather3A_418, %gather3A_411 : vector<16xf32>
      %add3A_421 = arith.constant 1.000000e-10 : f32
      %add3A_422 = vector.broadcast %add3A_421 : f32 to vector<16xf32>
      %add3A_423 = arith.addf %sub3A_420, %add3A_422 : vector<16xf32>
      %div3A_424 = arith.divf %sub3A_419, %add3A_423 : vector<16xf32>
      %jit3A_425 = arith.constant 0.000000e+00 : f32
      %jit3A_426 = arith.constant 1.000000e+00 : f32
      %max3A_427 = vector.broadcast %jit3A_425 : f32 to vector<16xf32>
      %max3A_428 = arith.maximumf %max3A_427, %div3A_424 : vector<16xf32>
      %min3A_429 = vector.broadcast %jit3A_426 : f32 to vector<16xf32>
      %min3A_430 = arith.minimumf %min3A_429, %max3A_428 : vector<16xf32>
      %ge3A_431 = arith.cmpf oge, %get3A_343, %gather3A_411 : vector<16xf32>
      %lt3A_432 = arith.cmpf olt, %get3A_343, %gather3A_418 : vector<16xf32>
      %and3A_433 = arith.andi %ge3A_431, %lt3A_432 : vector<16xi1>
      %ge3A_434 = arith.cmpf oge, %get3A_343, %gather3A : vector<16xf32>
      %jit3A_435 = arith.constant -1 : i32
      %broadcast_in_dim3A_436 = vector.broadcast %jit3A_435 : i32 to vector<16xi32>
      %select_n3A_437 = arith.select %and3A_433, %select_n3A_410, %broadcast_in_dim3A_436 : vector<16xi1>, vector<16xi32>
      %jit3A_438 = arith.constant 32 : i32
      %broadcast_in_dim3A_439 = vector.broadcast %jit3A_438 : i32 to vector<16xi32>
      %select_n3A_440 = arith.select %ge3A_434, %broadcast_in_dim3A_439, %select_n3A_437 : vector<16xi1>, vector<16xi32>
      %convert_element_type3A_441 = arith.sitofp %select_n3A_440 : vector<16xi32> to vector<16xf32>
      %mul3A_442 = arith.constant 16 : i32
      %mul3A_443 = arith.muli %scan3A_339, %mul3A_442 : i32
      %swap3A_444 = arith.index_cast %mul3A_443 : i32 to index
      %swap3A_445 = tpu.vector_load %arg10[%swap3A_444] {strides = array<i32>} : memref<256xf32, #tpu.memory_space<vmem>>, vector<16xf32>,
      tpu.vector_store %arg10[%swap3A_444], %convert_element_type3A_441 {strides = array<i32>} : memref<256xf32, #tpu.memory_space<vmem>>, vector<16xf32>,
      %sub3A_446 = arith.constant 1.000000e+00 : f32
      %sub3A_447 = vector.broadcast %sub3A_446 : f32 to vector<16xf32>
      %sub3A_448 = arith.subf %sub3A_447, %min3A_430 : vector<16xf32>
      %add3A_449 = arith.constant 1.000000e-30 : f32
      %add3A_450 = vector.broadcast %add3A_449 : f32 to vector<16xf32>
      %add3A_451 = arith.addf %sub3A_448, %add3A_450 : vector<16xf32>
      %bitcast_convert_type3A_452 = tpu.bitcast %add3A_451 : vector<16xf32> -> vector<16xi32>
      %shift_right_logical3A_453 = arith.constant 23 : i32
      %shift_right_logical3A_454 = vector.broadcast %shift_right_logical3A_453 : i32 to vector<16xi32>
      %shift_right_logical3A_455 = arith.shrui %bitcast_convert_type3A_452, %shift_right_logical3A_454 : vector<16xi32>
      %sub3A_456 = arith.constant 127 : i32
      %sub3A_457 = vector.broadcast %sub3A_456 : i32 to vector<16xi32>
      %sub3A_458 = arith.subi %shift_right_logical3A_455, %sub3A_457 : vector<16xi32>
      %and3A_459 = arith.constant 8388607 : i32
      %and3A_460 = vector.broadcast %and3A_459 : i32 to vector<16xi32>
      %and3A_461 = arith.andi %bitcast_convert_type3A_452, %and3A_460 : vector<16xi32>
      %or3A_462 = arith.constant 1065353216 : i32
      %or3A_463 = vector.broadcast %or3A_462 : i32 to vector<16xi32>
      %or3A_464 = arith.ori %and3A_461, %or3A_463 : vector<16xi32>
      %bitcast_convert_type3A_465 = tpu.bitcast %or3A_464 : vector<16xi32> -> vector<16xf32>
      %ge3A_466 = arith.constant 1.41421354 : f32
      %ge3A_467 = vector.broadcast %ge3A_466 : f32 to vector<16xf32>
      %ge3A_468 = arith.cmpf oge, %bitcast_convert_type3A_465, %ge3A_467 : vector<16xf32>
      %mul3A_469 = arith.constant 5.000000e-01 : f32
      %mul3A_470 = vector.broadcast %mul3A_469 : f32 to vector<16xf32>
      %mul3A_471 = arith.mulf %bitcast_convert_type3A_465, %mul3A_470 : vector<16xf32>
      %select_n3A_472 = arith.select %ge3A_468, %mul3A_471, %bitcast_convert_type3A_465 : vector<16xi1>, vector<16xf32>
      %add3A_473 = arith.constant 1 : i32
      %add3A_474 = vector.broadcast %add3A_473 : i32 to vector<16xi32>
      %add3A_475 = arith.addi %sub3A_458, %add3A_474 : vector<16xi32>
      %select_n3A_476 = arith.select %ge3A_468, %add3A_475, %sub3A_458 : vector<16xi1>, vector<16xi32>
      %convert_element_type3A_477 = arith.sitofp %select_n3A_476 : vector<16xi32> to vector<16xf32>
      %sub3A_478 = arith.constant 1.000000e+00 : f32
      %sub3A_479 = vector.broadcast %sub3A_478 : f32 to vector<16xf32>
      %sub3A_480 = arith.subf %select_n3A_472, %sub3A_479 : vector<16xf32>
      %add3A_481 = arith.constant 1.000000e+00 : f32
      %add3A_482 = vector.broadcast %add3A_481 : f32 to vector<16xf32>
      %add3A_483 = arith.addf %select_n3A_472, %add3A_482 : vector<16xf32>
      %div3A_484 = arith.divf %sub3A_480, %add3A_483 : vector<16xf32>
      %mul3A_485 = arith.mulf %div3A_484, %div3A_484 : vector<16xf32>
      %mul3A_486 = arith.constant 0.111111112 : f32
      %mul3A_487 = vector.broadcast %mul3A_486 : f32 to vector<16xf32>
      %mul3A_488 = arith.mulf %mul3A_485, %mul3A_487 : vector<16xf32>
      %add3A_489 = arith.constant 0.142857149 : f32
      %add3A_490 = vector.broadcast %add3A_489 : f32 to vector<16xf32>
      %add3A_491 = arith.addf %add3A_490, %mul3A_488 : vector<16xf32>
      %mul3A_492 = arith.mulf %mul3A_485, %add3A_491 : vector<16xf32>
      %add3A_493 = arith.constant 2.000000e-01 : f32
      %add3A_494 = vector.broadcast %add3A_493 : f32 to vector<16xf32>
      %add3A_495 = arith.addf %add3A_494, %mul3A_492 : vector<16xf32>
      %mul3A_496 = arith.mulf %mul3A_485, %add3A_495 : vector<16xf32>
      %add3A_497 = arith.constant 0.333333343 : f32
      %add3A_498 = vector.broadcast %add3A_497 : f32 to vector<16xf32>
      %add3A_499 = arith.addf %add3A_498, %mul3A_496 : vector<16xf32>
      %mul3A_500 = arith.mulf %mul3A_485, %add3A_499 : vector<16xf32>
      %add3A_501 = arith.constant 1.000000e+00 : f32
      %add3A_502 = vector.broadcast %add3A_501 : f32 to vector<16xf32>
      %add3A_503 = arith.addf %add3A_502, %mul3A_500 : vector<16xf32>
      %mul3A_504 = arith.constant 0.693147182 : f32
      %mul3A_505 = vector.broadcast %mul3A_504 : f32 to vector<16xf32>
      %mul3A_506 = arith.mulf %convert_element_type3A_477, %mul3A_505 : vector<16xf32>
      %mul3A_507 = arith.constant 2.000000e+00 : f32
      %mul3A_508 = vector.broadcast %mul3A_507 : f32 to vector<16xf32>
      %mul3A_509 = arith.mulf %mul3A_508, %div3A_484 : vector<16xf32>
      %mul3A_510 = arith.mulf %mul3A_509, %add3A_503 : vector<16xf32>
      %add3A_511 = arith.addf %mul3A_506, %mul3A_510 : vector<16xf32>
      %swap3A_512 = arith.index_cast %mul3A_443 : i32 to index
      %swap3A_513 = tpu.vector_load %arg12[%swap3A_512] {strides = array<i32>} : memref<256xf32, #tpu.memory_space<vmem>>, vector<16xf32>,
      tpu.vector_store %arg12[%swap3A_512], %add3A_511 {strides = array<i32>} : memref<256xf32, #tpu.memory_space<vmem>>, vector<16xf32>,
      %add3A_514 = arith.constant 1.000000e-30 : f32
      %add3A_515 = vector.broadcast %add3A_514 : f32 to vector<16xf32>
      %add3A_516 = arith.addf %min3A_430, %add3A_515 : vector<16xf32>
      %bitcast_convert_type3A_517 = tpu.bitcast %add3A_516 : vector<16xf32> -> vector<16xi32>
      %shift_right_logical3A_518 = arith.constant 23 : i32
      %shift_right_logical3A_519 = vector.broadcast %shift_right_logical3A_518 : i32 to vector<16xi32>
      %shift_right_logical3A_520 = arith.shrui %bitcast_convert_type3A_517, %shift_right_logical3A_519 : vector<16xi32>
      %sub3A_521 = arith.constant 127 : i32
      %sub3A_522 = vector.broadcast %sub3A_521 : i32 to vector<16xi32>
      %sub3A_523 = arith.subi %shift_right_logical3A_520, %sub3A_522 : vector<16xi32>
      %and3A_524 = arith.constant 8388607 : i32
      %and3A_525 = vector.broadcast %and3A_524 : i32 to vector<16xi32>
      %and3A_526 = arith.andi %bitcast_convert_type3A_517, %and3A_525 : vector<16xi32>
      %or3A_527 = arith.constant 1065353216 : i32
      %or3A_528 = vector.broadcast %or3A_527 : i32 to vector<16xi32>
      %or3A_529 = arith.ori %and3A_526, %or3A_528 : vector<16xi32>
      %bitcast_convert_type3A_530 = tpu.bitcast %or3A_529 : vector<16xi32> -> vector<16xf32>
      %ge3A_531 = arith.constant 1.41421354 : f32
      %ge3A_532 = vector.broadcast %ge3A_531 : f32 to vector<16xf32>
      %ge3A_533 = arith.cmpf oge, %bitcast_convert_type3A_530, %ge3A_532 : vector<16xf32>
      %mul3A_534 = arith.constant 5.000000e-01 : f32
      %mul3A_535 = vector.broadcast %mul3A_534 : f32 to vector<16xf32>
      %mul3A_536 = arith.mulf %bitcast_convert_type3A_530, %mul3A_535 : vector<16xf32>
      %select_n3A_537 = arith.select %ge3A_533, %mul3A_536, %bitcast_convert_type3A_530 : vector<16xi1>, vector<16xf32>
      %add3A_538 = arith.constant 1 : i32
      %add3A_539 = vector.broadcast %add3A_538 : i32 to vector<16xi32>
      %add3A_540 = arith.addi %sub3A_523, %add3A_539 : vector<16xi32>
      %select_n3A_541 = arith.select %ge3A_533, %add3A_540, %sub3A_523 : vector<16xi1>, vector<16xi32>
      %convert_element_type3A_542 = arith.sitofp %select_n3A_541 : vector<16xi32> to vector<16xf32>
      %sub3A_543 = arith.constant 1.000000e+00 : f32
      %sub3A_544 = vector.broadcast %sub3A_543 : f32 to vector<16xf32>
      %sub3A_545 = arith.subf %select_n3A_537, %sub3A_544 : vector<16xf32>
      %add3A_546 = arith.constant 1.000000e+00 : f32
      %add3A_547 = vector.broadcast %add3A_546 : f32 to vector<16xf32>
      %add3A_548 = arith.addf %select_n3A_537, %add3A_547 : vector<16xf32>
      %div3A_549 = arith.divf %sub3A_545, %add3A_548 : vector<16xf32>
      %mul3A_550 = arith.mulf %div3A_549, %div3A_549 : vector<16xf32>
      %mul3A_551 = arith.constant 0.111111112 : f32
      %mul3A_552 = vector.broadcast %mul3A_551 : f32 to vector<16xf32>
      %mul3A_553 = arith.mulf %mul3A_550, %mul3A_552 : vector<16xf32>
      %add3A_554 = arith.constant 0.142857149 : f32
      %add3A_555 = vector.broadcast %add3A_554 : f32 to vector<16xf32>
      %add3A_556 = arith.addf %add3A_555, %mul3A_553 : vector<16xf32>
      %mul3A_557 = arith.mulf %mul3A_550, %add3A_556 : vector<16xf32>
      %add3A_558 = arith.constant 2.000000e-01 : f32
      %add3A_559 = vector.broadcast %add3A_558 : f32 to vector<16xf32>
      %add3A_560 = arith.addf %add3A_559, %mul3A_557 : vector<16xf32>
      %mul3A_561 = arith.mulf %mul3A_550, %add3A_560 : vector<16xf32>
      %add3A_562 = arith.constant 0.333333343 : f32
      %add3A_563 = vector.broadcast %add3A_562 : f32 to vector<16xf32>
      %add3A_564 = arith.addf %add3A_563, %mul3A_561 : vector<16xf32>
      %mul3A_565 = arith.mulf %mul3A_550, %add3A_564 : vector<16xf32>
      %add3A_566 = arith.constant 1.000000e+00 : f32
      %add3A_567 = vector.broadcast %add3A_566 : f32 to vector<16xf32>
      %add3A_568 = arith.addf %add3A_567, %mul3A_565 : vector<16xf32>
      %mul3A_569 = arith.constant 0.693147182 : f32
      %mul3A_570 = vector.broadcast %mul3A_569 : f32 to vector<16xf32>
      %mul3A_571 = arith.mulf %convert_element_type3A_542, %mul3A_570 : vector<16xf32>
      %mul3A_572 = arith.constant 2.000000e+00 : f32
      %mul3A_573 = vector.broadcast %mul3A_572 : f32 to vector<16xf32>
      %mul3A_574 = arith.mulf %mul3A_573, %div3A_549 : vector<16xf32>
      %mul3A_575 = arith.mulf %mul3A_574, %add3A_568 : vector<16xf32>
      %add3A_576 = arith.addf %mul3A_571, %mul3A_575 : vector<16xf32>
      %swap3A_577 = arith.index_cast %mul3A_443 : i32 to index
      %swap3A_578 = tpu.vector_load %arg14[%swap3A_577] {strides = array<i32>} : memref<256xf32, #tpu.memory_space<vmem>>, vector<16xf32>,
      tpu.vector_store %arg14[%swap3A_577], %add3A_576 {strides = array<i32>} : memref<256xf32, #tpu.memory_space<vmem>>, vector<16xf32>,
      %scan3A_579 = arith.constant 0 : i32
      scf.yield %scan3A_579 : i32
    }
    %scan3A_28 = arith.constant 16 : i32
    %add3A_29 = arith.constant 0 : i32
    %add3A_30 = arith.addi %mul3A_2, %add3A_29 : i32
    %dma_start3A_31 = arith.constant 0 : i32
    %dma_start3A_32 = tpu.memref_slice %arg4[%add3A_30] : memref<16384xf32, #tpu.memory_space<hbm>> -> memref<256xf32, #tpu.memory_space<hbm>>
    %dma_start3A_33 = tpu.memref_slice %arg17[%dma_start3A_31] : memref<2x!tpu.dma_semaphore, #tpu.memory_space<semaphore_mem>> -> memref<1x!tpu.dma_semaphore, #tpu.memory_space<semaphore_mem>>
    %dma_start3A_34 = tpu.memref_squeeze %dma_start3A_33 : memref<1x!tpu.dma_semaphore, #tpu.memory_space<semaphore_mem>> -> memref<!tpu.dma_semaphore, #tpu.memory_space<semaphore_mem>>
    %dma_start3A_35 = tpu.memref_slice %arg4[%add3A_30] : memref<16384xf32, #tpu.memory_space<hbm>> -> memref<256xf32, #tpu.memory_space<hbm>>
    tpu.enqueue_dma source(%arg10 : memref<256xf32, #tpu.memory_space<vmem>>) target(%dma_start3A_35 : memref<256xf32, #tpu.memory_space<hbm>>) target_semaphore(%dma_start3A_34 : memref<!tpu.dma_semaphore, #tpu.memory_space<semaphore_mem>>)
    %dma_start3A_36 = arith.constant 0 : i32
    %dma_start3A_37 = tpu.memref_slice %arg5[%add3A_30] : memref<16384xf32, #tpu.memory_space<hbm>> -> memref<256xf32, #tpu.memory_space<hbm>>
    %dma_start3A_38 = tpu.memref_slice %arg17[%dma_start3A_36] : memref<2x!tpu.dma_semaphore, #tpu.memory_space<semaphore_mem>> -> memref<1x!tpu.dma_semaphore, #tpu.memory_space<semaphore_mem>>
    %dma_start3A_39 = tpu.memref_squeeze %dma_start3A_38 : memref<1x!tpu.dma_semaphore, #tpu.memory_space<semaphore_mem>> -> memref<!tpu.dma_semaphore, #tpu.memory_space<semaphore_mem>>
    %dma_start3A_40 = tpu.memref_slice %arg5[%add3A_30] : memref<16384xf32, #tpu.memory_space<hbm>> -> memref<256xf32, #tpu.memory_space<hbm>>
    tpu.enqueue_dma source(%arg12 : memref<256xf32, #tpu.memory_space<vmem>>) target(%dma_start3A_40 : memref<256xf32, #tpu.memory_space<hbm>>) target_semaphore(%dma_start3A_39 : memref<!tpu.dma_semaphore, #tpu.memory_space<semaphore_mem>>)
    %dma_start3A_41 = arith.constant 0 : i32
    %dma_start3A_42 = tpu.memref_slice %arg6[%add3A_30] : memref<16384xf32, #tpu.memory_space<hbm>> -> memref<256xf32, #tpu.memory_space<hbm>>
    %dma_start3A_43 = tpu.memref_slice %arg17[%dma_start3A_41] : memref<2x!tpu.dma_semaphore, #tpu.memory_space<semaphore_mem>> -> memref<1x!tpu.dma_semaphore, #tpu.memory_space<semaphore_mem>>
    %dma_start3A_44 = tpu.memref_squeeze %dma_start3A_43 : memref<1x!tpu.dma_semaphore, #tpu.memory_space<semaphore_mem>> -> memref<!tpu.dma_semaphore, #tpu.memory_space<semaphore_mem>>
    %dma_start3A_45 = tpu.memref_slice %arg6[%add3A_30] : memref<16384xf32, #tpu.memory_space<hbm>> -> memref<256xf32, #tpu.memory_space<hbm>>
    tpu.enqueue_dma source(%arg14 : memref<256xf32, #tpu.memory_space<vmem>>) target(%dma_start3A_45 : memref<256xf32, #tpu.memory_space<hbm>>) target_semaphore(%dma_start3A_44 : memref<!tpu.dma_semaphore, #tpu.memory_space<semaphore_mem>>)
    %add3A_46 = arith.constant 256 : i32
    %add3A_47 = arith.addi %mul3A_2, %add3A_46 : i32
    %dma_wait3A_48 = arith.constant 1 : i32
    %dma_wait3A_49 = tpu.memref_slice %arg2[%add3A_47] : memref<16384xf32, #tpu.memory_space<hbm>> -> memref<256xf32, #tpu.memory_space<hbm>>
    %dma_wait3A_50 = tpu.memref_slice %arg16[%dma_wait3A_48] : memref<2x!tpu.dma_semaphore, #tpu.memory_space<semaphore_mem>> -> memref<1x!tpu.dma_semaphore, #tpu.memory_space<semaphore_mem>>
    %dma_wait3A_51 = tpu.memref_squeeze %dma_wait3A_50 : memref<1x!tpu.dma_semaphore, #tpu.memory_space<semaphore_mem>> -> memref<!tpu.dma_semaphore, #tpu.memory_space<semaphore_mem>>
    %dma_wait3A_52 = tpu.memref_slice %arg2[%add3A_47] : memref<16384xf32, #tpu.memory_space<hbm>> -> memref<256xf32, #tpu.memory_space<hbm>>
    tpu.wait_dma2 semaphore(%dma_wait3A_51 : memref<!tpu.dma_semaphore, #tpu.memory_space<semaphore_mem>>) src(%dma_wait3A_52 : memref<256xf32, #tpu.memory_space<hbm>>) dst(%arg9 : memref<256xf32, #tpu.memory_space<vmem>>)
    %gather3A_53 = tpu.vector_load_idx %arg7[%broadcast_in_dim3A_9] : memref<32xf32, #tpu.memory_space<vmem>>[vector<16xi32>], vector<16xf32>,
    %scan3A_54 = arith.constant 0 : i32
    %scan3A_55 = arith.constant 0 : i32
    %scan3A_56 = arith.constant 16 : i32
    %scan3A_57 = arith.addi %scan3A_55, %scan3A_56 : i32
    %scan3A_58 = arith.constant 2 : i32
    %scan3A_59 = scf.for %scan3A_112 = %scan3A_55 to %scan3A_57 step %scan3A_58 iter_args(%scan3A_113 = %scan3A_54) -> (i32)  : i32 {
      %mul3A_114 = arith.constant 16 : i32
      %mul3A_115 = arith.muli %scan3A_112, %mul3A_114 : i32
      %get3A = arith.index_cast %mul3A_115 : i32 to index
      %get3A_116 = tpu.vector_load %arg9[%get3A] {strides = array<i32>} : memref<256xf32, #tpu.memory_space<vmem>>, vector<16xf32>,
      %broadcast_in_dim3A_117 = arith.constant 0 : i32
      %broadcast_in_dim3A_118 = vector.broadcast %broadcast_in_dim3A_117 : i32 to vector<16xi32>
      %add3A_119 = arith.constant 16 : i32
      %add3A_120 = vector.broadcast %add3A_119 : i32 to vector<16xi32>
      %add3A_121 = arith.addi %broadcast_in_dim3A_118, %add3A_120 : vector<16xi32>
      %min3A = arith.constant 31 : i32
      %min3A_122 = vector.broadcast %min3A : i32 to vector<16xi32>
      %min3A_123 = arith.minsi %add3A_121, %min3A_122 : vector<16xi32>
      %gather3A_124 = tpu.vector_load_idx %arg7[%min3A_123] : memref<32xf32, #tpu.memory_space<vmem>>[vector<16xi32>], vector<16xf32>,
      %le3A = arith.constant 31 : i32
      %le3A_125 = vector.broadcast %le3A : i32 to vector<16xi32>
      %le3A_126 = arith.cmpi sle, %add3A_121, %le3A_125 : vector<16xi32>
      %ge3A = arith.cmpf oge, %get3A_116, %gather3A_124 : vector<16xf32>
      %and3A = arith.andi %le3A_126, %ge3A : vector<16xi1>
      %select_n3A = arith.select %and3A, %add3A_121, %broadcast_in_dim3A_118 : vector<16xi1>, vector<16xi32>
      %add3A_127 = arith.constant 8 : i32
      %add3A_128 = vector.broadcast %add3A_127 : i32 to vector<16xi32>
      %add3A_129 = arith.addi %select_n3A, %add3A_128 : vector<16xi32>
      %min3A_130 = arith.constant 31 : i32
      %min3A_131 = vector.broadcast %min3A_130 : i32 to vector<16xi32>
      %min3A_132 = arith.minsi %add3A_129, %min3A_131 : vector<16xi32>
      %gather3A_133 = tpu.vector_load_idx %arg7[%min3A_132] : memref<32xf32, #tpu.memory_space<vmem>>[vector<16xi32>], vector<16xf32>,
      %le3A_134 = arith.constant 31 : i32
      %le3A_135 = vector.broadcast %le3A_134 : i32 to vector<16xi32>
      %le3A_136 = arith.cmpi sle, %add3A_129, %le3A_135 : vector<16xi32>
      %ge3A_137 = arith.cmpf oge, %get3A_116, %gather3A_133 : vector<16xf32>
      %and3A_138 = arith.andi %le3A_136, %ge3A_137 : vector<16xi1>
      %select_n3A_139 = arith.select %and3A_138, %add3A_129, %select_n3A : vector<16xi1>, vector<16xi32>
      %add3A_140 = arith.constant 4 : i32
      %add3A_141 = vector.broadcast %add3A_140 : i32 to vector<16xi32>
      %add3A_142 = arith.addi %select_n3A_139, %add3A_141 : vector<16xi32>
      %min3A_143 = arith.constant 31 : i32
      %min3A_144 = vector.broadcast %min3A_143 : i32 to vector<16xi32>
      %min3A_145 = arith.minsi %add3A_142, %min3A_144 : vector<16xi32>
      %gather3A_146 = tpu.vector_load_idx %arg7[%min3A_145] : memref<32xf32, #tpu.memory_space<vmem>>[vector<16xi32>], vector<16xf32>,
      %le3A_147 = arith.constant 31 : i32
      %le3A_148 = vector.broadcast %le3A_147 : i32 to vector<16xi32>
      %le3A_149 = arith.cmpi sle, %add3A_142, %le3A_148 : vector<16xi32>
      %ge3A_150 = arith.cmpf oge, %get3A_116, %gather3A_146 : vector<16xf32>
      %and3A_151 = arith.andi %le3A_149, %ge3A_150 : vector<16xi1>
      %select_n3A_152 = arith.select %and3A_151, %add3A_142, %select_n3A_139 : vector<16xi1>, vector<16xi32>
      %add3A_153 = arith.constant 2 : i32
      %add3A_154 = vector.broadcast %add3A_153 : i32 to vector<16xi32>
      %add3A_155 = arith.addi %select_n3A_152, %add3A_154 : vector<16xi32>
      %min3A_156 = arith.constant 31 : i32
      %min3A_157 = vector.broadcast %min3A_156 : i32 to vector<16xi32>
      %min3A_158 = arith.minsi %add3A_155, %min3A_157 : vector<16xi32>
      %gather3A_159 = tpu.vector_load_idx %arg7[%min3A_158] : memref<32xf32, #tpu.memory_space<vmem>>[vector<16xi32>], vector<16xf32>,
      %le3A_160 = arith.constant 31 : i32
      %le3A_161 = vector.broadcast %le3A_160 : i32 to vector<16xi32>
      %le3A_162 = arith.cmpi sle, %add3A_155, %le3A_161 : vector<16xi32>
      %ge3A_163 = arith.cmpf oge, %get3A_116, %gather3A_159 : vector<16xf32>
      %and3A_164 = arith.andi %le3A_162, %ge3A_163 : vector<16xi1>
      %select_n3A_165 = arith.select %and3A_164, %add3A_155, %select_n3A_152 : vector<16xi1>, vector<16xi32>
      %add3A_166 = arith.constant 1 : i32
      %add3A_167 = vector.broadcast %add3A_166 : i32 to vector<16xi32>
      %add3A_168 = arith.addi %select_n3A_165, %add3A_167 : vector<16xi32>
      %min3A_169 = arith.constant 31 : i32
      %min3A_170 = vector.broadcast %min3A_169 : i32 to vector<16xi32>
      %min3A_171 = arith.minsi %add3A_168, %min3A_170 : vector<16xi32>
      %gather3A_172 = tpu.vector_load_idx %arg7[%min3A_171] : memref<32xf32, #tpu.memory_space<vmem>>[vector<16xi32>], vector<16xf32>,
      %le3A_173 = arith.constant 31 : i32
      %le3A_174 = vector.broadcast %le3A_173 : i32 to vector<16xi32>
      %le3A_175 = arith.cmpi sle, %add3A_168, %le3A_174 : vector<16xi32>
      %ge3A_176 = arith.cmpf oge, %get3A_116, %gather3A_172 : vector<16xf32>
      %and3A_177 = arith.andi %le3A_175, %ge3A_176 : vector<16xi1>
      %select_n3A_178 = arith.select %and3A_177, %add3A_168, %select_n3A_165 : vector<16xi1>, vector<16xi32>
      %gather3A_179 = tpu.vector_load_idx %arg7[%select_n3A_178] : memref<32xf32, #tpu.memory_space<vmem>>[vector<16xi32>], vector<16xf32>,
      %add3A_180 = arith.constant 1 : i32
      %add3A_181 = vector.broadcast %add3A_180 : i32 to vector<16xi32>
      %add3A_182 = arith.addi %select_n3A_178, %add3A_181 : vector<16xi32>
      %min3A_183 = arith.constant 31 : i32
      %min3A_184 = vector.broadcast %min3A_183 : i32 to vector<16xi32>
      %min3A_185 = arith.minsi %add3A_182, %min3A_184 : vector<16xi32>
      %gather3A_186 = tpu.vector_load_idx %arg7[%min3A_185] : memref<32xf32, #tpu.memory_space<vmem>>[vector<16xi32>], vector<16xf32>,
      %sub3A = arith.subf %get3A_116, %gather3A_179 : vector<16xf32>
      %sub3A_187 = arith.subf %gather3A_186, %gather3A_179 : vector<16xf32>
      %add3A_188 = arith.constant 1.000000e-10 : f32
      %add3A_189 = vector.broadcast %add3A_188 : f32 to vector<16xf32>
      %add3A_190 = arith.addf %sub3A_187, %add3A_189 : vector<16xf32>
      %div3A = arith.divf %sub3A, %add3A_190 : vector<16xf32>
      %jit3A = arith.constant 0.000000e+00 : f32
      %jit3A_191 = arith.constant 1.000000e+00 : f32
      %max3A = vector.broadcast %jit3A : f32 to vector<16xf32>
      %max3A_192 = arith.maximumf %max3A, %div3A : vector<16xf32>
      %min3A_193 = vector.broadcast %jit3A_191 : f32 to vector<16xf32>
      %min3A_194 = arith.minimumf %min3A_193, %max3A_192 : vector<16xf32>
      %ge3A_195 = arith.cmpf oge, %get3A_116, %gather3A_179 : vector<16xf32>
      %lt3A = arith.cmpf olt, %get3A_116, %gather3A_186 : vector<16xf32>
      %and3A_196 = arith.andi %ge3A_195, %lt3A : vector<16xi1>
      %ge3A_197 = arith.cmpf oge, %get3A_116, %gather3A_53 : vector<16xf32>
      %jit3A_198 = arith.constant -1 : i32
      %broadcast_in_dim3A_199 = vector.broadcast %jit3A_198 : i32 to vector<16xi32>
      %select_n3A_200 = arith.select %and3A_196, %select_n3A_178, %broadcast_in_dim3A_199 : vector<16xi1>, vector<16xi32>
      %jit3A_201 = arith.constant 32 : i32
      %broadcast_in_dim3A_202 = vector.broadcast %jit3A_201 : i32 to vector<16xi32>
      %select_n3A_203 = arith.select %ge3A_197, %broadcast_in_dim3A_202, %select_n3A_200 : vector<16xi1>, vector<16xi32>
      %convert_element_type3A = arith.sitofp %select_n3A_203 : vector<16xi32> to vector<16xf32>
      %mul3A_204 = arith.constant 16 : i32
      %mul3A_205 = arith.muli %scan3A_112, %mul3A_204 : i32
      %swap3A = arith.index_cast %mul3A_205 : i32 to index
      %swap3A_206 = tpu.vector_load %arg11[%swap3A] {strides = array<i32>} : memref<256xf32, #tpu.memory_space<vmem>>, vector<16xf32>,
      tpu.vector_store %arg11[%swap3A], %convert_element_type3A {strides = array<i32>} : memref<256xf32, #tpu.memory_space<vmem>>, vector<16xf32>,
      %sub3A_207 = arith.constant 1.000000e+00 : f32
      %sub3A_208 = vector.broadcast %sub3A_207 : f32 to vector<16xf32>
      %sub3A_209 = arith.subf %sub3A_208, %min3A_194 : vector<16xf32>
      %add3A_210 = arith.constant 1.000000e-30 : f32
      %add3A_211 = vector.broadcast %add3A_210 : f32 to vector<16xf32>
      %add3A_212 = arith.addf %sub3A_209, %add3A_211 : vector<16xf32>
      %bitcast_convert_type3A = tpu.bitcast %add3A_212 : vector<16xf32> -> vector<16xi32>
      %shift_right_logical3A = arith.constant 23 : i32
      %shift_right_logical3A_213 = vector.broadcast %shift_right_logical3A : i32 to vector<16xi32>
      %shift_right_logical3A_214 = arith.shrui %bitcast_convert_type3A, %shift_right_logical3A_213 : vector<16xi32>
      %sub3A_215 = arith.constant 127 : i32
      %sub3A_216 = vector.broadcast %sub3A_215 : i32 to vector<16xi32>
      %sub3A_217 = arith.subi %shift_right_logical3A_214, %sub3A_216 : vector<16xi32>
      %and3A_218 = arith.constant 8388607 : i32
      %and3A_219 = vector.broadcast %and3A_218 : i32 to vector<16xi32>
      %and3A_220 = arith.andi %bitcast_convert_type3A, %and3A_219 : vector<16xi32>
      %or3A = arith.constant 1065353216 : i32
      %or3A_221 = vector.broadcast %or3A : i32 to vector<16xi32>
      %or3A_222 = arith.ori %and3A_220, %or3A_221 : vector<16xi32>
      %bitcast_convert_type3A_223 = tpu.bitcast %or3A_222 : vector<16xi32> -> vector<16xf32>
      %ge3A_224 = arith.constant 1.41421354 : f32
      %ge3A_225 = vector.broadcast %ge3A_224 : f32 to vector<16xf32>
      %ge3A_226 = arith.cmpf oge, %bitcast_convert_type3A_223, %ge3A_225 : vector<16xf32>
      %mul3A_227 = arith.constant 5.000000e-01 : f32
      %mul3A_228 = vector.broadcast %mul3A_227 : f32 to vector<16xf32>
      %mul3A_229 = arith.mulf %bitcast_convert_type3A_223, %mul3A_228 : vector<16xf32>
      %select_n3A_230 = arith.select %ge3A_226, %mul3A_229, %bitcast_convert_type3A_223 : vector<16xi1>, vector<16xf32>
      %add3A_231 = arith.constant 1 : i32
      %add3A_232 = vector.broadcast %add3A_231 : i32 to vector<16xi32>
      %add3A_233 = arith.addi %sub3A_217, %add3A_232 : vector<16xi32>
      %select_n3A_234 = arith.select %ge3A_226, %add3A_233, %sub3A_217 : vector<16xi1>, vector<16xi32>
      %convert_element_type3A_235 = arith.sitofp %select_n3A_234 : vector<16xi32> to vector<16xf32>
      %sub3A_236 = arith.constant 1.000000e+00 : f32
      %sub3A_237 = vector.broadcast %sub3A_236 : f32 to vector<16xf32>
      %sub3A_238 = arith.subf %select_n3A_230, %sub3A_237 : vector<16xf32>
      %add3A_239 = arith.constant 1.000000e+00 : f32
      %add3A_240 = vector.broadcast %add3A_239 : f32 to vector<16xf32>
      %add3A_241 = arith.addf %select_n3A_230, %add3A_240 : vector<16xf32>
      %div3A_242 = arith.divf %sub3A_238, %add3A_241 : vector<16xf32>
      %mul3A_243 = arith.mulf %div3A_242, %div3A_242 : vector<16xf32>
      %mul3A_244 = arith.constant 0.111111112 : f32
      %mul3A_245 = vector.broadcast %mul3A_244 : f32 to vector<16xf32>
      %mul3A_246 = arith.mulf %mul3A_243, %mul3A_245 : vector<16xf32>
      %add3A_247 = arith.constant 0.142857149 : f32
      %add3A_248 = vector.broadcast %add3A_247 : f32 to vector<16xf32>
      %add3A_249 = arith.addf %add3A_248, %mul3A_246 : vector<16xf32>
      %mul3A_250 = arith.mulf %mul3A_243, %add3A_249 : vector<16xf32>
      %add3A_251 = arith.constant 2.000000e-01 : f32
      %add3A_252 = vector.broadcast %add3A_251 : f32 to vector<16xf32>
      %add3A_253 = arith.addf %add3A_252, %mul3A_250 : vector<16xf32>
      %mul3A_254 = arith.mulf %mul3A_243, %add3A_253 : vector<16xf32>
      %add3A_255 = arith.constant 0.333333343 : f32
      %add3A_256 = vector.broadcast %add3A_255 : f32 to vector<16xf32>
      %add3A_257 = arith.addf %add3A_256, %mul3A_254 : vector<16xf32>
      %mul3A_258 = arith.mulf %mul3A_243, %add3A_257 : vector<16xf32>
      %add3A_259 = arith.constant 1.000000e+00 : f32
      %add3A_260 = vector.broadcast %add3A_259 : f32 to vector<16xf32>
      %add3A_261 = arith.addf %add3A_260, %mul3A_258 : vector<16xf32>
      %mul3A_262 = arith.constant 0.693147182 : f32
      %mul3A_263 = vector.broadcast %mul3A_262 : f32 to vector<16xf32>
      %mul3A_264 = arith.mulf %convert_element_type3A_235, %mul3A_263 : vector<16xf32>
      %mul3A_265 = arith.constant 2.000000e+00 : f32
      %mul3A_266 = vector.broadcast %mul3A_265 : f32 to vector<16xf32>
      %mul3A_267 = arith.mulf %mul3A_266, %div3A_242 : vector<16xf32>
      %mul3A_268 = arith.mulf %mul3A_267, %add3A_261 : vector<16xf32>
      %add3A_269 = arith.addf %mul3A_264, %mul3A_268 : vector<16xf32>
      %swap3A_270 = arith.index_cast %mul3A_205 : i32 to index
      %swap3A_271 = tpu.vector_load %arg13[%swap3A_270] {strides = array<i32>} : memref<256xf32, #tpu.memory_space<vmem>>, vector<16xf32>,
      tpu.vector_store %arg13[%swap3A_270], %add3A_269 {strides = array<i32>} : memref<256xf32, #tpu.memory_space<vmem>>, vector<16xf32>,
      %add3A_272 = arith.constant 1.000000e-30 : f32
      %add3A_273 = vector.broadcast %add3A_272 : f32 to vector<16xf32>
      %add3A_274 = arith.addf %min3A_194, %add3A_273 : vector<16xf32>
      %bitcast_convert_type3A_275 = tpu.bitcast %add3A_274 : vector<16xf32> -> vector<16xi32>
      %shift_right_logical3A_276 = arith.constant 23 : i32
      %shift_right_logical3A_277 = vector.broadcast %shift_right_logical3A_276 : i32 to vector<16xi32>
      %shift_right_logical3A_278 = arith.shrui %bitcast_convert_type3A_275, %shift_right_logical3A_277 : vector<16xi32>
      %sub3A_279 = arith.constant 127 : i32
      %sub3A_280 = vector.broadcast %sub3A_279 : i32 to vector<16xi32>
      %sub3A_281 = arith.subi %shift_right_logical3A_278, %sub3A_280 : vector<16xi32>
      %and3A_282 = arith.constant 8388607 : i32
      %and3A_283 = vector.broadcast %and3A_282 : i32 to vector<16xi32>
      %and3A_284 = arith.andi %bitcast_convert_type3A_275, %and3A_283 : vector<16xi32>
      %or3A_285 = arith.constant 1065353216 : i32
      %or3A_286 = vector.broadcast %or3A_285 : i32 to vector<16xi32>
      %or3A_287 = arith.ori %and3A_284, %or3A_286 : vector<16xi32>
      %bitcast_convert_type3A_288 = tpu.bitcast %or3A_287 : vector<16xi32> -> vector<16xf32>
      %ge3A_289 = arith.constant 1.41421354 : f32
      %ge3A_290 = vector.broadcast %ge3A_289 : f32 to vector<16xf32>
      %ge3A_291 = arith.cmpf oge, %bitcast_convert_type3A_288, %ge3A_290 : vector<16xf32>
      %mul3A_292 = arith.constant 5.000000e-01 : f32
      %mul3A_293 = vector.broadcast %mul3A_292 : f32 to vector<16xf32>
      %mul3A_294 = arith.mulf %bitcast_convert_type3A_288, %mul3A_293 : vector<16xf32>
      %select_n3A_295 = arith.select %ge3A_291, %mul3A_294, %bitcast_convert_type3A_288 : vector<16xi1>, vector<16xf32>
      %add3A_296 = arith.constant 1 : i32
      %add3A_297 = vector.broadcast %add3A_296 : i32 to vector<16xi32>
      %add3A_298 = arith.addi %sub3A_281, %add3A_297 : vector<16xi32>
      %select_n3A_299 = arith.select %ge3A_291, %add3A_298, %sub3A_281 : vector<16xi1>, vector<16xi32>
      %convert_element_type3A_300 = arith.sitofp %select_n3A_299 : vector<16xi32> to vector<16xf32>
      %sub3A_301 = arith.constant 1.000000e+00 : f32
      %sub3A_302 = vector.broadcast %sub3A_301 : f32 to vector<16xf32>
      %sub3A_303 = arith.subf %select_n3A_295, %sub3A_302 : vector<16xf32>
      %add3A_304 = arith.constant 1.000000e+00 : f32
      %add3A_305 = vector.broadcast %add3A_304 : f32 to vector<16xf32>
      %add3A_306 = arith.addf %select_n3A_295, %add3A_305 : vector<16xf32>
      %div3A_307 = arith.divf %sub3A_303, %add3A_306 : vector<16xf32>
      %mul3A_308 = arith.mulf %div3A_307, %div3A_307 : vector<16xf32>
      %mul3A_309 = arith.constant 0.111111112 : f32
      %mul3A_310 = vector.broadcast %mul3A_309 : f32 to vector<16xf32>
      %mul3A_311 = arith.mulf %mul3A_308, %mul3A_310 : vector<16xf32>
      %add3A_312 = arith.constant 0.142857149 : f32
      %add3A_313 = vector.broadcast %add3A_312 : f32 to vector<16xf32>
      %add3A_314 = arith.addf %add3A_313, %mul3A_311 : vector<16xf32>
      %mul3A_315 = arith.mulf %mul3A_308, %add3A_314 : vector<16xf32>
      %add3A_316 = arith.constant 2.000000e-01 : f32
      %add3A_317 = vector.broadcast %add3A_316 : f32 to vector<16xf32>
      %add3A_318 = arith.addf %add3A_317, %mul3A_315 : vector<16xf32>
      %mul3A_319 = arith.mulf %mul3A_308, %add3A_318 : vector<16xf32>
      %add3A_320 = arith.constant 0.333333343 : f32
      %add3A_321 = vector.broadcast %add3A_320 : f32 to vector<16xf32>
      %add3A_322 = arith.addf %add3A_321, %mul3A_319 : vector<16xf32>
      %mul3A_323 = arith.mulf %mul3A_308, %add3A_322 : vector<16xf32>
      %add3A_324 = arith.constant 1.000000e+00 : f32
      %add3A_325 = vector.broadcast %add3A_324 : f32 to vector<16xf32>
      %add3A_326 = arith.addf %add3A_325, %mul3A_323 : vector<16xf32>
      %mul3A_327 = arith.constant 0.693147182 : f32
      %mul3A_328 = vector.broadcast %mul3A_327 : f32 to vector<16xf32>
      %mul3A_329 = arith.mulf %convert_element_type3A_300, %mul3A_328 : vector<16xf32>
      %mul3A_330 = arith.constant 2.000000e+00 : f32
      %mul3A_331 = vector.broadcast %mul3A_330 : f32 to vector<16xf32>
      %mul3A_332 = arith.mulf %mul3A_331, %div3A_307 : vector<16xf32>
      %mul3A_333 = arith.mulf %mul3A_332, %add3A_326 : vector<16xf32>
      %add3A_334 = arith.addf %mul3A_329, %mul3A_333 : vector<16xf32>
      %swap3A_335 = arith.index_cast %mul3A_205 : i32 to index
      %swap3A_336 = tpu.vector_load %arg15[%swap3A_335] {strides = array<i32>} : memref<256xf32, #tpu.memory_space<vmem>>, vector<16xf32>,
      tpu.vector_store %arg15[%swap3A_335], %add3A_334 {strides = array<i32>} : memref<256xf32, #tpu.memory_space<vmem>>, vector<16xf32>,
      %scan3A_337 = arith.constant 0 : i32
      %scan3A_338 = arith.constant 1 : i32
      %scan3A_339 = arith.addi %scan3A_112, %scan3A_338 : i32
      %mul3A_340 = arith.constant 16 : i32
      %mul3A_341 = arith.muli %scan3A_339, %mul3A_340 : i32
      %get3A_342 = arith.index_cast %mul3A_341 : i32 to index
      %get3A_343 = tpu.vector_load %arg9[%get3A_342] {strides = array<i32>} : memref<256xf32, #tpu.memory_space<vmem>>, vector<16xf32>,
      %broadcast_in_dim3A_344 = arith.constant 0 : i32
      %broadcast_in_dim3A_345 = vector.broadcast %broadcast_in_dim3A_344 : i32 to vector<16xi32>
      %add3A_346 = arith.constant 16 : i32
      %add3A_347 = vector.broadcast %add3A_346 : i32 to vector<16xi32>
      %add3A_348 = arith.addi %broadcast_in_dim3A_345, %add3A_347 : vector<16xi32>
      %min3A_349 = arith.constant 31 : i32
      %min3A_350 = vector.broadcast %min3A_349 : i32 to vector<16xi32>
      %min3A_351 = arith.minsi %add3A_348, %min3A_350 : vector<16xi32>
      %gather3A_352 = tpu.vector_load_idx %arg7[%min3A_351] : memref<32xf32, #tpu.memory_space<vmem>>[vector<16xi32>], vector<16xf32>,
      %le3A_353 = arith.constant 31 : i32
      %le3A_354 = vector.broadcast %le3A_353 : i32 to vector<16xi32>
      %le3A_355 = arith.cmpi sle, %add3A_348, %le3A_354 : vector<16xi32>
      %ge3A_356 = arith.cmpf oge, %get3A_343, %gather3A_352 : vector<16xf32>
      %and3A_357 = arith.andi %le3A_355, %ge3A_356 : vector<16xi1>
      %select_n3A_358 = arith.select %and3A_357, %add3A_348, %broadcast_in_dim3A_345 : vector<16xi1>, vector<16xi32>
      %add3A_359 = arith.constant 8 : i32
      %add3A_360 = vector.broadcast %add3A_359 : i32 to vector<16xi32>
      %add3A_361 = arith.addi %select_n3A_358, %add3A_360 : vector<16xi32>
      %min3A_362 = arith.constant 31 : i32
      %min3A_363 = vector.broadcast %min3A_362 : i32 to vector<16xi32>
      %min3A_364 = arith.minsi %add3A_361, %min3A_363 : vector<16xi32>
      %gather3A_365 = tpu.vector_load_idx %arg7[%min3A_364] : memref<32xf32, #tpu.memory_space<vmem>>[vector<16xi32>], vector<16xf32>,
      %le3A_366 = arith.constant 31 : i32
      %le3A_367 = vector.broadcast %le3A_366 : i32 to vector<16xi32>
      %le3A_368 = arith.cmpi sle, %add3A_361, %le3A_367 : vector<16xi32>
      %ge3A_369 = arith.cmpf oge, %get3A_343, %gather3A_365 : vector<16xf32>
      %and3A_370 = arith.andi %le3A_368, %ge3A_369 : vector<16xi1>
      %select_n3A_371 = arith.select %and3A_370, %add3A_361, %select_n3A_358 : vector<16xi1>, vector<16xi32>
      %add3A_372 = arith.constant 4 : i32
      %add3A_373 = vector.broadcast %add3A_372 : i32 to vector<16xi32>
      %add3A_374 = arith.addi %select_n3A_371, %add3A_373 : vector<16xi32>
      %min3A_375 = arith.constant 31 : i32
      %min3A_376 = vector.broadcast %min3A_375 : i32 to vector<16xi32>
      %min3A_377 = arith.minsi %add3A_374, %min3A_376 : vector<16xi32>
      %gather3A_378 = tpu.vector_load_idx %arg7[%min3A_377] : memref<32xf32, #tpu.memory_space<vmem>>[vector<16xi32>], vector<16xf32>,
      %le3A_379 = arith.constant 31 : i32
      %le3A_380 = vector.broadcast %le3A_379 : i32 to vector<16xi32>
      %le3A_381 = arith.cmpi sle, %add3A_374, %le3A_380 : vector<16xi32>
      %ge3A_382 = arith.cmpf oge, %get3A_343, %gather3A_378 : vector<16xf32>
      %and3A_383 = arith.andi %le3A_381, %ge3A_382 : vector<16xi1>
      %select_n3A_384 = arith.select %and3A_383, %add3A_374, %select_n3A_371 : vector<16xi1>, vector<16xi32>
      %add3A_385 = arith.constant 2 : i32
      %add3A_386 = vector.broadcast %add3A_385 : i32 to vector<16xi32>
      %add3A_387 = arith.addi %select_n3A_384, %add3A_386 : vector<16xi32>
      %min3A_388 = arith.constant 31 : i32
      %min3A_389 = vector.broadcast %min3A_388 : i32 to vector<16xi32>
      %min3A_390 = arith.minsi %add3A_387, %min3A_389 : vector<16xi32>
      %gather3A_391 = tpu.vector_load_idx %arg7[%min3A_390] : memref<32xf32, #tpu.memory_space<vmem>>[vector<16xi32>], vector<16xf32>,
      %le3A_392 = arith.constant 31 : i32
      %le3A_393 = vector.broadcast %le3A_392 : i32 to vector<16xi32>
      %le3A_394 = arith.cmpi sle, %add3A_387, %le3A_393 : vector<16xi32>
      %ge3A_395 = arith.cmpf oge, %get3A_343, %gather3A_391 : vector<16xf32>
      %and3A_396 = arith.andi %le3A_394, %ge3A_395 : vector<16xi1>
      %select_n3A_397 = arith.select %and3A_396, %add3A_387, %select_n3A_384 : vector<16xi1>, vector<16xi32>
      %add3A_398 = arith.constant 1 : i32
      %add3A_399 = vector.broadcast %add3A_398 : i32 to vector<16xi32>
      %add3A_400 = arith.addi %select_n3A_397, %add3A_399 : vector<16xi32>
      %min3A_401 = arith.constant 31 : i32
      %min3A_402 = vector.broadcast %min3A_401 : i32 to vector<16xi32>
      %min3A_403 = arith.minsi %add3A_400, %min3A_402 : vector<16xi32>
      %gather3A_404 = tpu.vector_load_idx %arg7[%min3A_403] : memref<32xf32, #tpu.memory_space<vmem>>[vector<16xi32>], vector<16xf32>,
      %le3A_405 = arith.constant 31 : i32
      %le3A_406 = vector.broadcast %le3A_405 : i32 to vector<16xi32>
      %le3A_407 = arith.cmpi sle, %add3A_400, %le3A_406 : vector<16xi32>
      %ge3A_408 = arith.cmpf oge, %get3A_343, %gather3A_404 : vector<16xf32>
      %and3A_409 = arith.andi %le3A_407, %ge3A_408 : vector<16xi1>
      %select_n3A_410 = arith.select %and3A_409, %add3A_400, %select_n3A_397 : vector<16xi1>, vector<16xi32>
      %gather3A_411 = tpu.vector_load_idx %arg7[%select_n3A_410] : memref<32xf32, #tpu.memory_space<vmem>>[vector<16xi32>], vector<16xf32>,
      %add3A_412 = arith.constant 1 : i32
      %add3A_413 = vector.broadcast %add3A_412 : i32 to vector<16xi32>
      %add3A_414 = arith.addi %select_n3A_410, %add3A_413 : vector<16xi32>
      %min3A_415 = arith.constant 31 : i32
      %min3A_416 = vector.broadcast %min3A_415 : i32 to vector<16xi32>
      %min3A_417 = arith.minsi %add3A_414, %min3A_416 : vector<16xi32>
      %gather3A_418 = tpu.vector_load_idx %arg7[%min3A_417] : memref<32xf32, #tpu.memory_space<vmem>>[vector<16xi32>], vector<16xf32>,
      %sub3A_419 = arith.subf %get3A_343, %gather3A_411 : vector<16xf32>
      %sub3A_420 = arith.subf %gather3A_418, %gather3A_411 : vector<16xf32>
      %add3A_421 = arith.constant 1.000000e-10 : f32
      %add3A_422 = vector.broadcast %add3A_421 : f32 to vector<16xf32>
      %add3A_423 = arith.addf %sub3A_420, %add3A_422 : vector<16xf32>
      %div3A_424 = arith.divf %sub3A_419, %add3A_423 : vector<16xf32>
      %jit3A_425 = arith.constant 0.000000e+00 : f32
      %jit3A_426 = arith.constant 1.000000e+00 : f32
      %max3A_427 = vector.broadcast %jit3A_425 : f32 to vector<16xf32>
      %max3A_428 = arith.maximumf %max3A_427, %div3A_424 : vector<16xf32>
      %min3A_429 = vector.broadcast %jit3A_426 : f32 to vector<16xf32>
      %min3A_430 = arith.minimumf %min3A_429, %max3A_428 : vector<16xf32>
      %ge3A_431 = arith.cmpf oge, %get3A_343, %gather3A_411 : vector<16xf32>
      %lt3A_432 = arith.cmpf olt, %get3A_343, %gather3A_418 : vector<16xf32>
      %and3A_433 = arith.andi %ge3A_431, %lt3A_432 : vector<16xi1>
      %ge3A_434 = arith.cmpf oge, %get3A_343, %gather3A_53 : vector<16xf32>
      %jit3A_435 = arith.constant -1 : i32
      %broadcast_in_dim3A_436 = vector.broadcast %jit3A_435 : i32 to vector<16xi32>
      %select_n3A_437 = arith.select %and3A_433, %select_n3A_410, %broadcast_in_dim3A_436 : vector<16xi1>, vector<16xi32>
      %jit3A_438 = arith.constant 32 : i32
      %broadcast_in_dim3A_439 = vector.broadcast %jit3A_438 : i32 to vector<16xi32>
      %select_n3A_440 = arith.select %ge3A_434, %broadcast_in_dim3A_439, %select_n3A_437 : vector<16xi1>, vector<16xi32>
      %convert_element_type3A_441 = arith.sitofp %select_n3A_440 : vector<16xi32> to vector<16xf32>
      %mul3A_442 = arith.constant 16 : i32
      %mul3A_443 = arith.muli %scan3A_339, %mul3A_442 : i32
      %swap3A_444 = arith.index_cast %mul3A_443 : i32 to index
      %swap3A_445 = tpu.vector_load %arg11[%swap3A_444] {strides = array<i32>} : memref<256xf32, #tpu.memory_space<vmem>>, vector<16xf32>,
      tpu.vector_store %arg11[%swap3A_444], %convert_element_type3A_441 {strides = array<i32>} : memref<256xf32, #tpu.memory_space<vmem>>, vector<16xf32>,
      %sub3A_446 = arith.constant 1.000000e+00 : f32
      %sub3A_447 = vector.broadcast %sub3A_446 : f32 to vector<16xf32>
      %sub3A_448 = arith.subf %sub3A_447, %min3A_430 : vector<16xf32>
      %add3A_449 = arith.constant 1.000000e-30 : f32
      %add3A_450 = vector.broadcast %add3A_449 : f32 to vector<16xf32>
      %add3A_451 = arith.addf %sub3A_448, %add3A_450 : vector<16xf32>
      %bitcast_convert_type3A_452 = tpu.bitcast %add3A_451 : vector<16xf32> -> vector<16xi32>
      %shift_right_logical3A_453 = arith.constant 23 : i32
      %shift_right_logical3A_454 = vector.broadcast %shift_right_logical3A_453 : i32 to vector<16xi32>
      %shift_right_logical3A_455 = arith.shrui %bitcast_convert_type3A_452, %shift_right_logical3A_454 : vector<16xi32>
      %sub3A_456 = arith.constant 127 : i32
      %sub3A_457 = vector.broadcast %sub3A_456 : i32 to vector<16xi32>
      %sub3A_458 = arith.subi %shift_right_logical3A_455, %sub3A_457 : vector<16xi32>
      %and3A_459 = arith.constant 8388607 : i32
      %and3A_460 = vector.broadcast %and3A_459 : i32 to vector<16xi32>
      %and3A_461 = arith.andi %bitcast_convert_type3A_452, %and3A_460 : vector<16xi32>
      %or3A_462 = arith.constant 1065353216 : i32
      %or3A_463 = vector.broadcast %or3A_462 : i32 to vector<16xi32>
      %or3A_464 = arith.ori %and3A_461, %or3A_463 : vector<16xi32>
      %bitcast_convert_type3A_465 = tpu.bitcast %or3A_464 : vector<16xi32> -> vector<16xf32>
      %ge3A_466 = arith.constant 1.41421354 : f32
      %ge3A_467 = vector.broadcast %ge3A_466 : f32 to vector<16xf32>
      %ge3A_468 = arith.cmpf oge, %bitcast_convert_type3A_465, %ge3A_467 : vector<16xf32>
      %mul3A_469 = arith.constant 5.000000e-01 : f32
      %mul3A_470 = vector.broadcast %mul3A_469 : f32 to vector<16xf32>
      %mul3A_471 = arith.mulf %bitcast_convert_type3A_465, %mul3A_470 : vector<16xf32>
      %select_n3A_472 = arith.select %ge3A_468, %mul3A_471, %bitcast_convert_type3A_465 : vector<16xi1>, vector<16xf32>
      %add3A_473 = arith.constant 1 : i32
      %add3A_474 = vector.broadcast %add3A_473 : i32 to vector<16xi32>
      %add3A_475 = arith.addi %sub3A_458, %add3A_474 : vector<16xi32>
      %select_n3A_476 = arith.select %ge3A_468, %add3A_475, %sub3A_458 : vector<16xi1>, vector<16xi32>
      %convert_element_type3A_477 = arith.sitofp %select_n3A_476 : vector<16xi32> to vector<16xf32>
      %sub3A_478 = arith.constant 1.000000e+00 : f32
      %sub3A_479 = vector.broadcast %sub3A_478 : f32 to vector<16xf32>
      %sub3A_480 = arith.subf %select_n3A_472, %sub3A_479 : vector<16xf32>
      %add3A_481 = arith.constant 1.000000e+00 : f32
      %add3A_482 = vector.broadcast %add3A_481 : f32 to vector<16xf32>
      %add3A_483 = arith.addf %select_n3A_472, %add3A_482 : vector<16xf32>
      %div3A_484 = arith.divf %sub3A_480, %add3A_483 : vector<16xf32>
      %mul3A_485 = arith.mulf %div3A_484, %div3A_484 : vector<16xf32>
      %mul3A_486 = arith.constant 0.111111112 : f32
      %mul3A_487 = vector.broadcast %mul3A_486 : f32 to vector<16xf32>
      %mul3A_488 = arith.mulf %mul3A_485, %mul3A_487 : vector<16xf32>
      %add3A_489 = arith.constant 0.142857149 : f32
      %add3A_490 = vector.broadcast %add3A_489 : f32 to vector<16xf32>
      %add3A_491 = arith.addf %add3A_490, %mul3A_488 : vector<16xf32>
      %mul3A_492 = arith.mulf %mul3A_485, %add3A_491 : vector<16xf32>
      %add3A_493 = arith.constant 2.000000e-01 : f32
      %add3A_494 = vector.broadcast %add3A_493 : f32 to vector<16xf32>
      %add3A_495 = arith.addf %add3A_494, %mul3A_492 : vector<16xf32>
      %mul3A_496 = arith.mulf %mul3A_485, %add3A_495 : vector<16xf32>
      %add3A_497 = arith.constant 0.333333343 : f32
      %add3A_498 = vector.broadcast %add3A_497 : f32 to vector<16xf32>
      %add3A_499 = arith.addf %add3A_498, %mul3A_496 : vector<16xf32>
      %mul3A_500 = arith.mulf %mul3A_485, %add3A_499 : vector<16xf32>
      %add3A_501 = arith.constant 1.000000e+00 : f32
      %add3A_502 = vector.broadcast %add3A_501 : f32 to vector<16xf32>
      %add3A_503 = arith.addf %add3A_502, %mul3A_500 : vector<16xf32>
      %mul3A_504 = arith.constant 0.693147182 : f32
      %mul3A_505 = vector.broadcast %mul3A_504 : f32 to vector<16xf32>
      %mul3A_506 = arith.mulf %convert_element_type3A_477, %mul3A_505 : vector<16xf32>
      %mul3A_507 = arith.constant 2.000000e+00 : f32
      %mul3A_508 = vector.broadcast %mul3A_507 : f32 to vector<16xf32>
      %mul3A_509 = arith.mulf %mul3A_508, %div3A_484 : vector<16xf32>
      %mul3A_510 = arith.mulf %mul3A_509, %add3A_503 : vector<16xf32>
      %add3A_511 = arith.addf %mul3A_506, %mul3A_510 : vector<16xf32>
      %swap3A_512 = arith.index_cast %mul3A_443 : i32 to index
      %swap3A_513 = tpu.vector_load %arg13[%swap3A_512] {strides = array<i32>} : memref<256xf32, #tpu.memory_space<vmem>>, vector<16xf32>,
      tpu.vector_store %arg13[%swap3A_512], %add3A_511 {strides = array<i32>} : memref<256xf32, #tpu.memory_space<vmem>>, vector<16xf32>,
      %add3A_514 = arith.constant 1.000000e-30 : f32
      %add3A_515 = vector.broadcast %add3A_514 : f32 to vector<16xf32>
      %add3A_516 = arith.addf %min3A_430, %add3A_515 : vector<16xf32>
      %bitcast_convert_type3A_517 = tpu.bitcast %add3A_516 : vector<16xf32> -> vector<16xi32>
      %shift_right_logical3A_518 = arith.constant 23 : i32
      %shift_right_logical3A_519 = vector.broadcast %shift_right_logical3A_518 : i32 to vector<16xi32>
      %shift_right_logical3A_520 = arith.shrui %bitcast_convert_type3A_517, %shift_right_logical3A_519 : vector<16xi32>
      %sub3A_521 = arith.constant 127 : i32
      %sub3A_522 = vector.broadcast %sub3A_521 : i32 to vector<16xi32>
      %sub3A_523 = arith.subi %shift_right_logical3A_520, %sub3A_522 : vector<16xi32>
      %and3A_524 = arith.constant 8388607 : i32
      %and3A_525 = vector.broadcast %and3A_524 : i32 to vector<16xi32>
      %and3A_526 = arith.andi %bitcast_convert_type3A_517, %and3A_525 : vector<16xi32>
      %or3A_527 = arith.constant 1065353216 : i32
      %or3A_528 = vector.broadcast %or3A_527 : i32 to vector<16xi32>
      %or3A_529 = arith.ori %and3A_526, %or3A_528 : vector<16xi32>
      %bitcast_convert_type3A_530 = tpu.bitcast %or3A_529 : vector<16xi32> -> vector<16xf32>
      %ge3A_531 = arith.constant 1.41421354 : f32
      %ge3A_532 = vector.broadcast %ge3A_531 : f32 to vector<16xf32>
      %ge3A_533 = arith.cmpf oge, %bitcast_convert_type3A_530, %ge3A_532 : vector<16xf32>
      %mul3A_534 = arith.constant 5.000000e-01 : f32
      %mul3A_535 = vector.broadcast %mul3A_534 : f32 to vector<16xf32>
      %mul3A_536 = arith.mulf %bitcast_convert_type3A_530, %mul3A_535 : vector<16xf32>
      %select_n3A_537 = arith.select %ge3A_533, %mul3A_536, %bitcast_convert_type3A_530 : vector<16xi1>, vector<16xf32>
      %add3A_538 = arith.constant 1 : i32
      %add3A_539 = vector.broadcast %add3A_538 : i32 to vector<16xi32>
      %add3A_540 = arith.addi %sub3A_523, %add3A_539 : vector<16xi32>
      %select_n3A_541 = arith.select %ge3A_533, %add3A_540, %sub3A_523 : vector<16xi1>, vector<16xi32>
      %convert_element_type3A_542 = arith.sitofp %select_n3A_541 : vector<16xi32> to vector<16xf32>
      %sub3A_543 = arith.constant 1.000000e+00 : f32
      %sub3A_544 = vector.broadcast %sub3A_543 : f32 to vector<16xf32>
      %sub3A_545 = arith.subf %select_n3A_537, %sub3A_544 : vector<16xf32>
      %add3A_546 = arith.constant 1.000000e+00 : f32
      %add3A_547 = vector.broadcast %add3A_546 : f32 to vector<16xf32>
      %add3A_548 = arith.addf %select_n3A_537, %add3A_547 : vector<16xf32>
      %div3A_549 = arith.divf %sub3A_545, %add3A_548 : vector<16xf32>
      %mul3A_550 = arith.mulf %div3A_549, %div3A_549 : vector<16xf32>
      %mul3A_551 = arith.constant 0.111111112 : f32
      %mul3A_552 = vector.broadcast %mul3A_551 : f32 to vector<16xf32>
      %mul3A_553 = arith.mulf %mul3A_550, %mul3A_552 : vector<16xf32>
      %add3A_554 = arith.constant 0.142857149 : f32
      %add3A_555 = vector.broadcast %add3A_554 : f32 to vector<16xf32>
      %add3A_556 = arith.addf %add3A_555, %mul3A_553 : vector<16xf32>
      %mul3A_557 = arith.mulf %mul3A_550, %add3A_556 : vector<16xf32>
      %add3A_558 = arith.constant 2.000000e-01 : f32
      %add3A_559 = vector.broadcast %add3A_558 : f32 to vector<16xf32>
      %add3A_560 = arith.addf %add3A_559, %mul3A_557 : vector<16xf32>
      %mul3A_561 = arith.mulf %mul3A_550, %add3A_560 : vector<16xf32>
      %add3A_562 = arith.constant 0.333333343 : f32
      %add3A_563 = vector.broadcast %add3A_562 : f32 to vector<16xf32>
      %add3A_564 = arith.addf %add3A_563, %mul3A_561 : vector<16xf32>
      %mul3A_565 = arith.mulf %mul3A_550, %add3A_564 : vector<16xf32>
      %add3A_566 = arith.constant 1.000000e+00 : f32
      %add3A_567 = vector.broadcast %add3A_566 : f32 to vector<16xf32>
      %add3A_568 = arith.addf %add3A_567, %mul3A_565 : vector<16xf32>
      %mul3A_569 = arith.constant 0.693147182 : f32
      %mul3A_570 = vector.broadcast %mul3A_569 : f32 to vector<16xf32>
      %mul3A_571 = arith.mulf %convert_element_type3A_542, %mul3A_570 : vector<16xf32>
      %mul3A_572 = arith.constant 2.000000e+00 : f32
      %mul3A_573 = vector.broadcast %mul3A_572 : f32 to vector<16xf32>
      %mul3A_574 = arith.mulf %mul3A_573, %div3A_549 : vector<16xf32>
      %mul3A_575 = arith.mulf %mul3A_574, %add3A_568 : vector<16xf32>
      %add3A_576 = arith.addf %mul3A_571, %mul3A_575 : vector<16xf32>
      %swap3A_577 = arith.index_cast %mul3A_443 : i32 to index
      %swap3A_578 = tpu.vector_load %arg15[%swap3A_577] {strides = array<i32>} : memref<256xf32, #tpu.memory_space<vmem>>, vector<16xf32>,
      tpu.vector_store %arg15[%swap3A_577], %add3A_576 {strides = array<i32>} : memref<256xf32, #tpu.memory_space<vmem>>, vector<16xf32>,
      %scan3A_579 = arith.constant 0 : i32
      scf.yield %scan3A_579 : i32
    }
    %scan3A_60 = arith.constant 16 : i32
    %add3A_61 = arith.constant 256 : i32
    %add3A_62 = arith.addi %mul3A_2, %add3A_61 : i32
    %dma_start3A_63 = arith.constant 1 : i32
    %dma_start3A_64 = tpu.memref_slice %arg4[%add3A_62] : memref<16384xf32, #tpu.memory_space<hbm>> -> memref<256xf32, #tpu.memory_space<hbm>>
    %dma_start3A_65 = tpu.memref_slice %arg17[%dma_start3A_63] : memref<2x!tpu.dma_semaphore, #tpu.memory_space<semaphore_mem>> -> memref<1x!tpu.dma_semaphore, #tpu.memory_space<semaphore_mem>>
    %dma_start3A_66 = tpu.memref_squeeze %dma_start3A_65 : memref<1x!tpu.dma_semaphore, #tpu.memory_space<semaphore_mem>> -> memref<!tpu.dma_semaphore, #tpu.memory_space<semaphore_mem>>
    %dma_start3A_67 = tpu.memref_slice %arg4[%add3A_62] : memref<16384xf32, #tpu.memory_space<hbm>> -> memref<256xf32, #tpu.memory_space<hbm>>
    tpu.enqueue_dma source(%arg11 : memref<256xf32, #tpu.memory_space<vmem>>) target(%dma_start3A_67 : memref<256xf32, #tpu.memory_space<hbm>>) target_semaphore(%dma_start3A_66 : memref<!tpu.dma_semaphore, #tpu.memory_space<semaphore_mem>>)
    %dma_start3A_68 = arith.constant 1 : i32
    %dma_start3A_69 = tpu.memref_slice %arg5[%add3A_62] : memref<16384xf32, #tpu.memory_space<hbm>> -> memref<256xf32, #tpu.memory_space<hbm>>
    %dma_start3A_70 = tpu.memref_slice %arg17[%dma_start3A_68] : memref<2x!tpu.dma_semaphore, #tpu.memory_space<semaphore_mem>> -> memref<1x!tpu.dma_semaphore, #tpu.memory_space<semaphore_mem>>
    %dma_start3A_71 = tpu.memref_squeeze %dma_start3A_70 : memref<1x!tpu.dma_semaphore, #tpu.memory_space<semaphore_mem>> -> memref<!tpu.dma_semaphore, #tpu.memory_space<semaphore_mem>>
    %dma_start3A_72 = tpu.memref_slice %arg5[%add3A_62] : memref<16384xf32, #tpu.memory_space<hbm>> -> memref<256xf32, #tpu.memory_space<hbm>>
    tpu.enqueue_dma source(%arg13 : memref<256xf32, #tpu.memory_space<vmem>>) target(%dma_start3A_72 : memref<256xf32, #tpu.memory_space<hbm>>) target_semaphore(%dma_start3A_71 : memref<!tpu.dma_semaphore, #tpu.memory_space<semaphore_mem>>)
    %dma_start3A_73 = arith.constant 1 : i32
    %dma_start3A_74 = tpu.memref_slice %arg6[%add3A_62] : memref<16384xf32, #tpu.memory_space<hbm>> -> memref<256xf32, #tpu.memory_space<hbm>>
    %dma_start3A_75 = tpu.memref_slice %arg17[%dma_start3A_73] : memref<2x!tpu.dma_semaphore, #tpu.memory_space<semaphore_mem>> -> memref<1x!tpu.dma_semaphore, #tpu.memory_space<semaphore_mem>>
    %dma_start3A_76 = tpu.memref_squeeze %dma_start3A_75 : memref<1x!tpu.dma_semaphore, #tpu.memory_space<semaphore_mem>> -> memref<!tpu.dma_semaphore, #tpu.memory_space<semaphore_mem>>
    %dma_start3A_77 = tpu.memref_slice %arg6[%add3A_62] : memref<16384xf32, #tpu.memory_space<hbm>> -> memref<256xf32, #tpu.memory_space<hbm>>
    tpu.enqueue_dma source(%arg15 : memref<256xf32, #tpu.memory_space<vmem>>) target(%dma_start3A_77 : memref<256xf32, #tpu.memory_space<hbm>>) target_semaphore(%dma_start3A_76 : memref<!tpu.dma_semaphore, #tpu.memory_space<semaphore_mem>>)
    %add3A_78 = arith.constant 0 : i32
    %add3A_79 = arith.addi %mul3A_2, %add3A_78 : i32
    %dma_wait3A_80 = arith.constant 0 : i32
    %dma_wait3A_81 = tpu.memref_slice %arg4[%add3A_79] : memref<16384xf32, #tpu.memory_space<hbm>> -> memref<256xf32, #tpu.memory_space<hbm>>
    %dma_wait3A_82 = tpu.memref_slice %arg17[%dma_wait3A_80] : memref<2x!tpu.dma_semaphore, #tpu.memory_space<semaphore_mem>> -> memref<1x!tpu.dma_semaphore, #tpu.memory_space<semaphore_mem>>
    %dma_wait3A_83 = tpu.memref_squeeze %dma_wait3A_82 : memref<1x!tpu.dma_semaphore, #tpu.memory_space<semaphore_mem>> -> memref<!tpu.dma_semaphore, #tpu.memory_space<semaphore_mem>>
    %dma_wait3A_84 = tpu.memref_slice %arg4[%add3A_79] : memref<16384xf32, #tpu.memory_space<hbm>> -> memref<256xf32, #tpu.memory_space<hbm>>
    tpu.wait_dma2 semaphore(%dma_wait3A_83 : memref<!tpu.dma_semaphore, #tpu.memory_space<semaphore_mem>>) src(%arg10 : memref<256xf32, #tpu.memory_space<vmem>>) dst(%dma_wait3A_84 : memref<256xf32, #tpu.memory_space<hbm>>)
    %dma_wait3A_85 = arith.constant 0 : i32
    %dma_wait3A_86 = tpu.memref_slice %arg5[%add3A_79] : memref<16384xf32, #tpu.memory_space<hbm>> -> memref<256xf32, #tpu.memory_space<hbm>>
    %dma_wait3A_87 = tpu.memref_slice %arg17[%dma_wait3A_85] : memref<2x!tpu.dma_semaphore, #tpu.memory_space<semaphore_mem>> -> memref<1x!tpu.dma_semaphore, #tpu.memory_space<semaphore_mem>>
    %dma_wait3A_88 = tpu.memref_squeeze %dma_wait3A_87 : memref<1x!tpu.dma_semaphore, #tpu.memory_space<semaphore_mem>> -> memref<!tpu.dma_semaphore, #tpu.memory_space<semaphore_mem>>
    %dma_wait3A_89 = tpu.memref_slice %arg5[%add3A_79] : memref<16384xf32, #tpu.memory_space<hbm>> -> memref<256xf32, #tpu.memory_space<hbm>>
    tpu.wait_dma2 semaphore(%dma_wait3A_88 : memref<!tpu.dma_semaphore, #tpu.memory_space<semaphore_mem>>) src(%arg12 : memref<256xf32, #tpu.memory_space<vmem>>) dst(%dma_wait3A_89 : memref<256xf32, #tpu.memory_space<hbm>>)
    %dma_wait3A_90 = arith.constant 0 : i32
    %dma_wait3A_91 = tpu.memref_slice %arg6[%add3A_79] : memref<16384xf32, #tpu.memory_space<hbm>> -> memref<256xf32, #tpu.memory_space<hbm>>
    %dma_wait3A_92 = tpu.memref_slice %arg17[%dma_wait3A_90] : memref<2x!tpu.dma_semaphore, #tpu.memory_space<semaphore_mem>> -> memref<1x!tpu.dma_semaphore, #tpu.memory_space<semaphore_mem>>
    %dma_wait3A_93 = tpu.memref_squeeze %dma_wait3A_92 : memref<1x!tpu.dma_semaphore, #tpu.memory_space<semaphore_mem>> -> memref<!tpu.dma_semaphore, #tpu.memory_space<semaphore_mem>>
    %dma_wait3A_94 = tpu.memref_slice %arg6[%add3A_79] : memref<16384xf32, #tpu.memory_space<hbm>> -> memref<256xf32, #tpu.memory_space<hbm>>
    tpu.wait_dma2 semaphore(%dma_wait3A_93 : memref<!tpu.dma_semaphore, #tpu.memory_space<semaphore_mem>>) src(%arg14 : memref<256xf32, #tpu.memory_space<vmem>>) dst(%dma_wait3A_94 : memref<256xf32, #tpu.memory_space<hbm>>)
    %add3A_95 = arith.constant 256 : i32
    %add3A_96 = arith.addi %mul3A_2, %add3A_95 : i32
    %dma_wait3A_97 = arith.constant 1 : i32
    %dma_wait3A_98 = tpu.memref_slice %arg4[%add3A_96] : memref<16384xf32, #tpu.memory_space<hbm>> -> memref<256xf32, #tpu.memory_space<hbm>>
    %dma_wait3A_99 = tpu.memref_slice %arg17[%dma_wait3A_97] : memref<2x!tpu.dma_semaphore, #tpu.memory_space<semaphore_mem>> -> memref<1x!tpu.dma_semaphore, #tpu.memory_space<semaphore_mem>>
    %dma_wait3A_100 = tpu.memref_squeeze %dma_wait3A_99 : memref<1x!tpu.dma_semaphore, #tpu.memory_space<semaphore_mem>> -> memref<!tpu.dma_semaphore, #tpu.memory_space<semaphore_mem>>
    %dma_wait3A_101 = tpu.memref_slice %arg4[%add3A_96] : memref<16384xf32, #tpu.memory_space<hbm>> -> memref<256xf32, #tpu.memory_space<hbm>>
    tpu.wait_dma2 semaphore(%dma_wait3A_100 : memref<!tpu.dma_semaphore, #tpu.memory_space<semaphore_mem>>) src(%arg11 : memref<256xf32, #tpu.memory_space<vmem>>) dst(%dma_wait3A_101 : memref<256xf32, #tpu.memory_space<hbm>>)
    %dma_wait3A_102 = arith.constant 1 : i32
    %dma_wait3A_103 = tpu.memref_slice %arg5[%add3A_96] : memref<16384xf32, #tpu.memory_space<hbm>> -> memref<256xf32, #tpu.memory_space<hbm>>
    %dma_wait3A_104 = tpu.memref_slice %arg17[%dma_wait3A_102] : memref<2x!tpu.dma_semaphore, #tpu.memory_space<semaphore_mem>> -> memref<1x!tpu.dma_semaphore, #tpu.memory_space<semaphore_mem>>
    %dma_wait3A_105 = tpu.memref_squeeze %dma_wait3A_104 : memref<1x!tpu.dma_semaphore, #tpu.memory_space<semaphore_mem>> -> memref<!tpu.dma_semaphore, #tpu.memory_space<semaphore_mem>>
    %dma_wait3A_106 = tpu.memref_slice %arg5[%add3A_96] : memref<16384xf32, #tpu.memory_space<hbm>> -> memref<256xf32, #tpu.memory_space<hbm>>
    tpu.wait_dma2 semaphore(%dma_wait3A_105 : memref<!tpu.dma_semaphore, #tpu.memory_space<semaphore_mem>>) src(%arg13 : memref<256xf32, #tpu.memory_space<vmem>>) dst(%dma_wait3A_106 : memref<256xf32, #tpu.memory_space<hbm>>)
    %dma_wait3A_107 = arith.constant 1 : i32
    %dma_wait3A_108 = tpu.memref_slice %arg6[%add3A_96] : memref<16384xf32, #tpu.memory_space<hbm>> -> memref<256xf32, #tpu.memory_space<hbm>>
    %dma_wait3A_109 = tpu.memref_slice %arg17[%dma_wait3A_107] : memref<2x!tpu.dma_semaphore, #tpu.memory_space<semaphore_mem>> -> memref<1x!tpu.dma_semaphore, #tpu.memory_space<semaphore_mem>>
    %dma_wait3A_110 = tpu.memref_squeeze %dma_wait3A_109 : memref<1x!tpu.dma_semaphore, #tpu.memory_space<semaphore_mem>> -> memref<!tpu.dma_semaphore, #tpu.memory_space<semaphore_mem>>
    %dma_wait3A_111 = tpu.memref_slice %arg6[%add3A_96] : memref<16384xf32, #tpu.memory_space<hbm>> -> memref<256xf32, #tpu.memory_space<hbm>>
    tpu.wait_dma2 semaphore(%dma_wait3A_110 : memref<!tpu.dma_semaphore, #tpu.memory_space<semaphore_mem>>) src(%arg15 : memref<256xf32, #tpu.memory_space<vmem>>) dst(%dma_wait3A_111 : memref<256xf32, #tpu.memory_space<hbm>>)
    return
  }
}

module attributes {stable_mosaic.version = 14 : i64} {
  func.func @_tc_compute_body(%arg0: i32, %arg1: memref<128x128xf32, #tpu.memory_space<vmem>>, %arg2: memref<32xf32, #tpu.memory_space<smem>>, %arg3: memref<32xf32, #tpu.memory_space<smem>>, %arg4: memref<2x8192x32xf32, #tpu.memory_space<vmem>>) attributes {dimension_semantics = [#tpu.dimension_semantics<arbitrary>], iteration_bounds = array<i64: 7>, scalar_prefetch = 0 : i64, scratch_operands = 0 : i64, tpu.core_type = #tpu.core_type<tc>, window_params = [{transform_indices = @transform_0, window_bounds = array<i64: 128, 128>}, {transform_indices = @transform_1, window_bounds = array<i64: 32>}, {transform_indices = @transform_2, window_bounds = array<i64: 32>}, {transform_indices = @transform_3, window_bounds = array<i64: 2, 8192, 32>}]} {
    %get3A = arith.constant 0 : index
    %get3A_0 = arith.constant 0 : index
    %get3A_1 = vector.load %arg1[%get3A, %get3A_0] : memref<128x128xf32, #tpu.memory_space<vmem>>, vector<128x128xf32>
    %broadcast_in_dim3A = arith.constant 0 : i32
    %broadcast_in_dim3A_2 = vector.broadcast %broadcast_in_dim3A : i32 to vector<128x128xi32>
    %get3A_3 = arith.constant 0 : index
    %get3A_4 = memref.load %arg2[%get3A_3] : memref<32xf32, #tpu.memory_space<smem>>
    %broadcast_in_dim3A_5 = vector.broadcast %get3A_4 : f32 to vector<128x128xf32>
    %get3A_6 = arith.constant 0 : index
    %get3A_7 = memref.load %arg3[%get3A_6] : memref<32xf32, #tpu.memory_space<smem>>
    %broadcast_in_dim3A_8 = vector.broadcast %get3A_7 : f32 to vector<128x128xf32>
    %get3A_9 = arith.constant 0 : index
    %get3A_10 = memref.load %arg2[%get3A_9] : memref<32xf32, #tpu.memory_space<smem>>
    %ge3A = vector.broadcast %get3A_10 : f32 to vector<128x128xf32>
    %ge3A_11 = arith.cmpf oge, %get3A_1, %ge3A : vector<128x128xf32>
    %convert_element_type3A = arith.extui %ge3A_11 : vector<128x128xi1> to vector<128x128xi32>
    %add3A = arith.addi %broadcast_in_dim3A_2, %convert_element_type3A : vector<128x128xi32>
    %get3A_12 = arith.constant 0 : index
    %get3A_13 = memref.load %arg2[%get3A_12] : memref<32xf32, #tpu.memory_space<smem>>
    %broadcast_in_dim3A_14 = vector.broadcast %get3A_13 : f32 to vector<128x128xf32>
    %select_n3A = arith.select %ge3A_11, %broadcast_in_dim3A_14, %broadcast_in_dim3A_5 : vector<128x128xi1>, vector<128x128xf32>
    %get3A_15 = arith.constant 0 : index
    %get3A_16 = memref.load %arg3[%get3A_15] : memref<32xf32, #tpu.memory_space<smem>>
    %broadcast_in_dim3A_17 = vector.broadcast %get3A_16 : f32 to vector<128x128xf32>
    %select_n3A_18 = arith.select %ge3A_11, %broadcast_in_dim3A_17, %broadcast_in_dim3A_8 : vector<128x128xi1>, vector<128x128xf32>
    %get3A_19 = arith.constant 1 : index
    %get3A_20 = memref.load %arg2[%get3A_19] : memref<32xf32, #tpu.memory_space<smem>>
    %ge3A_21 = vector.broadcast %get3A_20 : f32 to vector<128x128xf32>
    %ge3A_22 = arith.cmpf oge, %get3A_1, %ge3A_21 : vector<128x128xf32>
    %convert_element_type3A_23 = arith.extui %ge3A_22 : vector<128x128xi1> to vector<128x128xi32>
    %add3A_24 = arith.addi %add3A, %convert_element_type3A_23 : vector<128x128xi32>
    %get3A_25 = arith.constant 1 : index
    %get3A_26 = memref.load %arg2[%get3A_25] : memref<32xf32, #tpu.memory_space<smem>>
    %broadcast_in_dim3A_27 = vector.broadcast %get3A_26 : f32 to vector<128x128xf32>
    %select_n3A_28 = arith.select %ge3A_22, %broadcast_in_dim3A_27, %select_n3A : vector<128x128xi1>, vector<128x128xf32>
    %get3A_29 = arith.constant 1 : index
    %get3A_30 = memref.load %arg3[%get3A_29] : memref<32xf32, #tpu.memory_space<smem>>
    %broadcast_in_dim3A_31 = vector.broadcast %get3A_30 : f32 to vector<128x128xf32>
    %select_n3A_32 = arith.select %ge3A_22, %broadcast_in_dim3A_31, %select_n3A_18 : vector<128x128xi1>, vector<128x128xf32>
    %get3A_33 = arith.constant 2 : index
    %get3A_34 = memref.load %arg2[%get3A_33] : memref<32xf32, #tpu.memory_space<smem>>
    %ge3A_35 = vector.broadcast %get3A_34 : f32 to vector<128x128xf32>
    %ge3A_36 = arith.cmpf oge, %get3A_1, %ge3A_35 : vector<128x128xf32>
    %convert_element_type3A_37 = arith.extui %ge3A_36 : vector<128x128xi1> to vector<128x128xi32>
    %add3A_38 = arith.addi %add3A_24, %convert_element_type3A_37 : vector<128x128xi32>
    %get3A_39 = arith.constant 2 : index
    %get3A_40 = memref.load %arg2[%get3A_39] : memref<32xf32, #tpu.memory_space<smem>>
    %broadcast_in_dim3A_41 = vector.broadcast %get3A_40 : f32 to vector<128x128xf32>
    %select_n3A_42 = arith.select %ge3A_36, %broadcast_in_dim3A_41, %select_n3A_28 : vector<128x128xi1>, vector<128x128xf32>
    %get3A_43 = arith.constant 2 : index
    %get3A_44 = memref.load %arg3[%get3A_43] : memref<32xf32, #tpu.memory_space<smem>>
    %broadcast_in_dim3A_45 = vector.broadcast %get3A_44 : f32 to vector<128x128xf32>
    %select_n3A_46 = arith.select %ge3A_36, %broadcast_in_dim3A_45, %select_n3A_32 : vector<128x128xi1>, vector<128x128xf32>
    %get3A_47 = arith.constant 3 : index
    %get3A_48 = memref.load %arg2[%get3A_47] : memref<32xf32, #tpu.memory_space<smem>>
    %ge3A_49 = vector.broadcast %get3A_48 : f32 to vector<128x128xf32>
    %ge3A_50 = arith.cmpf oge, %get3A_1, %ge3A_49 : vector<128x128xf32>
    %convert_element_type3A_51 = arith.extui %ge3A_50 : vector<128x128xi1> to vector<128x128xi32>
    %add3A_52 = arith.addi %add3A_38, %convert_element_type3A_51 : vector<128x128xi32>
    %get3A_53 = arith.constant 3 : index
    %get3A_54 = memref.load %arg2[%get3A_53] : memref<32xf32, #tpu.memory_space<smem>>
    %broadcast_in_dim3A_55 = vector.broadcast %get3A_54 : f32 to vector<128x128xf32>
    %select_n3A_56 = arith.select %ge3A_50, %broadcast_in_dim3A_55, %select_n3A_42 : vector<128x128xi1>, vector<128x128xf32>
    %get3A_57 = arith.constant 3 : index
    %get3A_58 = memref.load %arg3[%get3A_57] : memref<32xf32, #tpu.memory_space<smem>>
    %broadcast_in_dim3A_59 = vector.broadcast %get3A_58 : f32 to vector<128x128xf32>
    %select_n3A_60 = arith.select %ge3A_50, %broadcast_in_dim3A_59, %select_n3A_46 : vector<128x128xi1>, vector<128x128xf32>
    %get3A_61 = arith.constant 4 : index
    %get3A_62 = memref.load %arg2[%get3A_61] : memref<32xf32, #tpu.memory_space<smem>>
    %ge3A_63 = vector.broadcast %get3A_62 : f32 to vector<128x128xf32>
    %ge3A_64 = arith.cmpf oge, %get3A_1, %ge3A_63 : vector<128x128xf32>
    %convert_element_type3A_65 = arith.extui %ge3A_64 : vector<128x128xi1> to vector<128x128xi32>
    %add3A_66 = arith.addi %add3A_52, %convert_element_type3A_65 : vector<128x128xi32>
    %get3A_67 = arith.constant 4 : index
    %get3A_68 = memref.load %arg2[%get3A_67] : memref<32xf32, #tpu.memory_space<smem>>
    %broadcast_in_dim3A_69 = vector.broadcast %get3A_68 : f32 to vector<128x128xf32>
    %select_n3A_70 = arith.select %ge3A_64, %broadcast_in_dim3A_69, %select_n3A_56 : vector<128x128xi1>, vector<128x128xf32>
    %get3A_71 = arith.constant 4 : index
    %get3A_72 = memref.load %arg3[%get3A_71] : memref<32xf32, #tpu.memory_space<smem>>
    %broadcast_in_dim3A_73 = vector.broadcast %get3A_72 : f32 to vector<128x128xf32>
    %select_n3A_74 = arith.select %ge3A_64, %broadcast_in_dim3A_73, %select_n3A_60 : vector<128x128xi1>, vector<128x128xf32>
    %get3A_75 = arith.constant 5 : index
    %get3A_76 = memref.load %arg2[%get3A_75] : memref<32xf32, #tpu.memory_space<smem>>
    %ge3A_77 = vector.broadcast %get3A_76 : f32 to vector<128x128xf32>
    %ge3A_78 = arith.cmpf oge, %get3A_1, %ge3A_77 : vector<128x128xf32>
    %convert_element_type3A_79 = arith.extui %ge3A_78 : vector<128x128xi1> to vector<128x128xi32>
    %add3A_80 = arith.addi %add3A_66, %convert_element_type3A_79 : vector<128x128xi32>
    %get3A_81 = arith.constant 5 : index
    %get3A_82 = memref.load %arg2[%get3A_81] : memref<32xf32, #tpu.memory_space<smem>>
    %broadcast_in_dim3A_83 = vector.broadcast %get3A_82 : f32 to vector<128x128xf32>
    %select_n3A_84 = arith.select %ge3A_78, %broadcast_in_dim3A_83, %select_n3A_70 : vector<128x128xi1>, vector<128x128xf32>
    %get3A_85 = arith.constant 5 : index
    %get3A_86 = memref.load %arg3[%get3A_85] : memref<32xf32, #tpu.memory_space<smem>>
    %broadcast_in_dim3A_87 = vector.broadcast %get3A_86 : f32 to vector<128x128xf32>
    %select_n3A_88 = arith.select %ge3A_78, %broadcast_in_dim3A_87, %select_n3A_74 : vector<128x128xi1>, vector<128x128xf32>
    %get3A_89 = arith.constant 6 : index
    %get3A_90 = memref.load %arg2[%get3A_89] : memref<32xf32, #tpu.memory_space<smem>>
    %ge3A_91 = vector.broadcast %get3A_90 : f32 to vector<128x128xf32>
    %ge3A_92 = arith.cmpf oge, %get3A_1, %ge3A_91 : vector<128x128xf32>
    %convert_element_type3A_93 = arith.extui %ge3A_92 : vector<128x128xi1> to vector<128x128xi32>
    %add3A_94 = arith.addi %add3A_80, %convert_element_type3A_93 : vector<128x128xi32>
    %get3A_95 = arith.constant 6 : index
    %get3A_96 = memref.load %arg2[%get3A_95] : memref<32xf32, #tpu.memory_space<smem>>
    %broadcast_in_dim3A_97 = vector.broadcast %get3A_96 : f32 to vector<128x128xf32>
    %select_n3A_98 = arith.select %ge3A_92, %broadcast_in_dim3A_97, %select_n3A_84 : vector<128x128xi1>, vector<128x128xf32>
    %get3A_99 = arith.constant 6 : index
    %get3A_100 = memref.load %arg3[%get3A_99] : memref<32xf32, #tpu.memory_space<smem>>
    %broadcast_in_dim3A_101 = vector.broadcast %get3A_100 : f32 to vector<128x128xf32>
    %select_n3A_102 = arith.select %ge3A_92, %broadcast_in_dim3A_101, %select_n3A_88 : vector<128x128xi1>, vector<128x128xf32>
    %get3A_103 = arith.constant 7 : index
    %get3A_104 = memref.load %arg2[%get3A_103] : memref<32xf32, #tpu.memory_space<smem>>
    %ge3A_105 = vector.broadcast %get3A_104 : f32 to vector<128x128xf32>
    %ge3A_106 = arith.cmpf oge, %get3A_1, %ge3A_105 : vector<128x128xf32>
    %convert_element_type3A_107 = arith.extui %ge3A_106 : vector<128x128xi1> to vector<128x128xi32>
    %add3A_108 = arith.addi %add3A_94, %convert_element_type3A_107 : vector<128x128xi32>
    %get3A_109 = arith.constant 7 : index
    %get3A_110 = memref.load %arg2[%get3A_109] : memref<32xf32, #tpu.memory_space<smem>>
    %broadcast_in_dim3A_111 = vector.broadcast %get3A_110 : f32 to vector<128x128xf32>
    %select_n3A_112 = arith.select %ge3A_106, %broadcast_in_dim3A_111, %select_n3A_98 : vector<128x128xi1>, vector<128x128xf32>
    %get3A_113 = arith.constant 7 : index
    %get3A_114 = memref.load %arg3[%get3A_113] : memref<32xf32, #tpu.memory_space<smem>>
    %broadcast_in_dim3A_115 = vector.broadcast %get3A_114 : f32 to vector<128x128xf32>
    %select_n3A_116 = arith.select %ge3A_106, %broadcast_in_dim3A_115, %select_n3A_102 : vector<128x128xi1>, vector<128x128xf32>
    %get3A_117 = arith.constant 8 : index
    %get3A_118 = memref.load %arg2[%get3A_117] : memref<32xf32, #tpu.memory_space<smem>>
    %ge3A_119 = vector.broadcast %get3A_118 : f32 to vector<128x128xf32>
    %ge3A_120 = arith.cmpf oge, %get3A_1, %ge3A_119 : vector<128x128xf32>
    %convert_element_type3A_121 = arith.extui %ge3A_120 : vector<128x128xi1> to vector<128x128xi32>
    %add3A_122 = arith.addi %add3A_108, %convert_element_type3A_121 : vector<128x128xi32>
    %get3A_123 = arith.constant 8 : index
    %get3A_124 = memref.load %arg2[%get3A_123] : memref<32xf32, #tpu.memory_space<smem>>
    %broadcast_in_dim3A_125 = vector.broadcast %get3A_124 : f32 to vector<128x128xf32>
    %select_n3A_126 = arith.select %ge3A_120, %broadcast_in_dim3A_125, %select_n3A_112 : vector<128x128xi1>, vector<128x128xf32>
    %get3A_127 = arith.constant 8 : index
    %get3A_128 = memref.load %arg3[%get3A_127] : memref<32xf32, #tpu.memory_space<smem>>
    %broadcast_in_dim3A_129 = vector.broadcast %get3A_128 : f32 to vector<128x128xf32>
    %select_n3A_130 = arith.select %ge3A_120, %broadcast_in_dim3A_129, %select_n3A_116 : vector<128x128xi1>, vector<128x128xf32>
    %get3A_131 = arith.constant 9 : index
    %get3A_132 = memref.load %arg2[%get3A_131] : memref<32xf32, #tpu.memory_space<smem>>
    %ge3A_133 = vector.broadcast %get3A_132 : f32 to vector<128x128xf32>
    %ge3A_134 = arith.cmpf oge, %get3A_1, %ge3A_133 : vector<128x128xf32>
    %convert_element_type3A_135 = arith.extui %ge3A_134 : vector<128x128xi1> to vector<128x128xi32>
    %add3A_136 = arith.addi %add3A_122, %convert_element_type3A_135 : vector<128x128xi32>
    %get3A_137 = arith.constant 9 : index
    %get3A_138 = memref.load %arg2[%get3A_137] : memref<32xf32, #tpu.memory_space<smem>>
    %broadcast_in_dim3A_139 = vector.broadcast %get3A_138 : f32 to vector<128x128xf32>
    %select_n3A_140 = arith.select %ge3A_134, %broadcast_in_dim3A_139, %select_n3A_126 : vector<128x128xi1>, vector<128x128xf32>
    %get3A_141 = arith.constant 9 : index
    %get3A_142 = memref.load %arg3[%get3A_141] : memref<32xf32, #tpu.memory_space<smem>>
    %broadcast_in_dim3A_143 = vector.broadcast %get3A_142 : f32 to vector<128x128xf32>
    %select_n3A_144 = arith.select %ge3A_134, %broadcast_in_dim3A_143, %select_n3A_130 : vector<128x128xi1>, vector<128x128xf32>
    %get3A_145 = arith.constant 10 : index
    %get3A_146 = memref.load %arg2[%get3A_145] : memref<32xf32, #tpu.memory_space<smem>>
    %ge3A_147 = vector.broadcast %get3A_146 : f32 to vector<128x128xf32>
    %ge3A_148 = arith.cmpf oge, %get3A_1, %ge3A_147 : vector<128x128xf32>
    %convert_element_type3A_149 = arith.extui %ge3A_148 : vector<128x128xi1> to vector<128x128xi32>
    %add3A_150 = arith.addi %add3A_136, %convert_element_type3A_149 : vector<128x128xi32>
    %get3A_151 = arith.constant 10 : index
    %get3A_152 = memref.load %arg2[%get3A_151] : memref<32xf32, #tpu.memory_space<smem>>
    %broadcast_in_dim3A_153 = vector.broadcast %get3A_152 : f32 to vector<128x128xf32>
    %select_n3A_154 = arith.select %ge3A_148, %broadcast_in_dim3A_153, %select_n3A_140 : vector<128x128xi1>, vector<128x128xf32>
    %get3A_155 = arith.constant 10 : index
    %get3A_156 = memref.load %arg3[%get3A_155] : memref<32xf32, #tpu.memory_space<smem>>
    %broadcast_in_dim3A_157 = vector.broadcast %get3A_156 : f32 to vector<128x128xf32>
    %select_n3A_158 = arith.select %ge3A_148, %broadcast_in_dim3A_157, %select_n3A_144 : vector<128x128xi1>, vector<128x128xf32>
    %get3A_159 = arith.constant 11 : index
    %get3A_160 = memref.load %arg2[%get3A_159] : memref<32xf32, #tpu.memory_space<smem>>
    %ge3A_161 = vector.broadcast %get3A_160 : f32 to vector<128x128xf32>
    %ge3A_162 = arith.cmpf oge, %get3A_1, %ge3A_161 : vector<128x128xf32>
    %convert_element_type3A_163 = arith.extui %ge3A_162 : vector<128x128xi1> to vector<128x128xi32>
    %add3A_164 = arith.addi %add3A_150, %convert_element_type3A_163 : vector<128x128xi32>
    %get3A_165 = arith.constant 11 : index
    %get3A_166 = memref.load %arg2[%get3A_165] : memref<32xf32, #tpu.memory_space<smem>>
    %broadcast_in_dim3A_167 = vector.broadcast %get3A_166 : f32 to vector<128x128xf32>
    %select_n3A_168 = arith.select %ge3A_162, %broadcast_in_dim3A_167, %select_n3A_154 : vector<128x128xi1>, vector<128x128xf32>
    %get3A_169 = arith.constant 11 : index
    %get3A_170 = memref.load %arg3[%get3A_169] : memref<32xf32, #tpu.memory_space<smem>>
    %broadcast_in_dim3A_171 = vector.broadcast %get3A_170 : f32 to vector<128x128xf32>
    %select_n3A_172 = arith.select %ge3A_162, %broadcast_in_dim3A_171, %select_n3A_158 : vector<128x128xi1>, vector<128x128xf32>
    %get3A_173 = arith.constant 12 : index
    %get3A_174 = memref.load %arg2[%get3A_173] : memref<32xf32, #tpu.memory_space<smem>>
    %ge3A_175 = vector.broadcast %get3A_174 : f32 to vector<128x128xf32>
    %ge3A_176 = arith.cmpf oge, %get3A_1, %ge3A_175 : vector<128x128xf32>
    %convert_element_type3A_177 = arith.extui %ge3A_176 : vector<128x128xi1> to vector<128x128xi32>
    %add3A_178 = arith.addi %add3A_164, %convert_element_type3A_177 : vector<128x128xi32>
    %get3A_179 = arith.constant 12 : index
    %get3A_180 = memref.load %arg2[%get3A_179] : memref<32xf32, #tpu.memory_space<smem>>
    %broadcast_in_dim3A_181 = vector.broadcast %get3A_180 : f32 to vector<128x128xf32>
    %select_n3A_182 = arith.select %ge3A_176, %broadcast_in_dim3A_181, %select_n3A_168 : vector<128x128xi1>, vector<128x128xf32>
    %get3A_183 = arith.constant 12 : index
    %get3A_184 = memref.load %arg3[%get3A_183] : memref<32xf32, #tpu.memory_space<smem>>
    %broadcast_in_dim3A_185 = vector.broadcast %get3A_184 : f32 to vector<128x128xf32>
    %select_n3A_186 = arith.select %ge3A_176, %broadcast_in_dim3A_185, %select_n3A_172 : vector<128x128xi1>, vector<128x128xf32>
    %get3A_187 = arith.constant 13 : index
    %get3A_188 = memref.load %arg2[%get3A_187] : memref<32xf32, #tpu.memory_space<smem>>
    %ge3A_189 = vector.broadcast %get3A_188 : f32 to vector<128x128xf32>
    %ge3A_190 = arith.cmpf oge, %get3A_1, %ge3A_189 : vector<128x128xf32>
    %convert_element_type3A_191 = arith.extui %ge3A_190 : vector<128x128xi1> to vector<128x128xi32>
    %add3A_192 = arith.addi %add3A_178, %convert_element_type3A_191 : vector<128x128xi32>
    %get3A_193 = arith.constant 13 : index
    %get3A_194 = memref.load %arg2[%get3A_193] : memref<32xf32, #tpu.memory_space<smem>>
    %broadcast_in_dim3A_195 = vector.broadcast %get3A_194 : f32 to vector<128x128xf32>
    %select_n3A_196 = arith.select %ge3A_190, %broadcast_in_dim3A_195, %select_n3A_182 : vector<128x128xi1>, vector<128x128xf32>
    %get3A_197 = arith.constant 13 : index
    %get3A_198 = memref.load %arg3[%get3A_197] : memref<32xf32, #tpu.memory_space<smem>>
    %broadcast_in_dim3A_199 = vector.broadcast %get3A_198 : f32 to vector<128x128xf32>
    %select_n3A_200 = arith.select %ge3A_190, %broadcast_in_dim3A_199, %select_n3A_186 : vector<128x128xi1>, vector<128x128xf32>
    %get3A_201 = arith.constant 14 : index
    %get3A_202 = memref.load %arg2[%get3A_201] : memref<32xf32, #tpu.memory_space<smem>>
    %ge3A_203 = vector.broadcast %get3A_202 : f32 to vector<128x128xf32>
    %ge3A_204 = arith.cmpf oge, %get3A_1, %ge3A_203 : vector<128x128xf32>
    %convert_element_type3A_205 = arith.extui %ge3A_204 : vector<128x128xi1> to vector<128x128xi32>
    %add3A_206 = arith.addi %add3A_192, %convert_element_type3A_205 : vector<128x128xi32>
    %get3A_207 = arith.constant 14 : index
    %get3A_208 = memref.load %arg2[%get3A_207] : memref<32xf32, #tpu.memory_space<smem>>
    %broadcast_in_dim3A_209 = vector.broadcast %get3A_208 : f32 to vector<128x128xf32>
    %select_n3A_210 = arith.select %ge3A_204, %broadcast_in_dim3A_209, %select_n3A_196 : vector<128x128xi1>, vector<128x128xf32>
    %get3A_211 = arith.constant 14 : index
    %get3A_212 = memref.load %arg3[%get3A_211] : memref<32xf32, #tpu.memory_space<smem>>
    %broadcast_in_dim3A_213 = vector.broadcast %get3A_212 : f32 to vector<128x128xf32>
    %select_n3A_214 = arith.select %ge3A_204, %broadcast_in_dim3A_213, %select_n3A_200 : vector<128x128xi1>, vector<128x128xf32>
    %get3A_215 = arith.constant 15 : index
    %get3A_216 = memref.load %arg2[%get3A_215] : memref<32xf32, #tpu.memory_space<smem>>
    %ge3A_217 = vector.broadcast %get3A_216 : f32 to vector<128x128xf32>
    %ge3A_218 = arith.cmpf oge, %get3A_1, %ge3A_217 : vector<128x128xf32>
    %convert_element_type3A_219 = arith.extui %ge3A_218 : vector<128x128xi1> to vector<128x128xi32>
    %add3A_220 = arith.addi %add3A_206, %convert_element_type3A_219 : vector<128x128xi32>
    %get3A_221 = arith.constant 15 : index
    %get3A_222 = memref.load %arg2[%get3A_221] : memref<32xf32, #tpu.memory_space<smem>>
    %broadcast_in_dim3A_223 = vector.broadcast %get3A_222 : f32 to vector<128x128xf32>
    %select_n3A_224 = arith.select %ge3A_218, %broadcast_in_dim3A_223, %select_n3A_210 : vector<128x128xi1>, vector<128x128xf32>
    %get3A_225 = arith.constant 15 : index
    %get3A_226 = memref.load %arg3[%get3A_225] : memref<32xf32, #tpu.memory_space<smem>>
    %broadcast_in_dim3A_227 = vector.broadcast %get3A_226 : f32 to vector<128x128xf32>
    %select_n3A_228 = arith.select %ge3A_218, %broadcast_in_dim3A_227, %select_n3A_214 : vector<128x128xi1>, vector<128x128xf32>
    %get3A_229 = arith.constant 16 : index
    %get3A_230 = memref.load %arg2[%get3A_229] : memref<32xf32, #tpu.memory_space<smem>>
    %ge3A_231 = vector.broadcast %get3A_230 : f32 to vector<128x128xf32>
    %ge3A_232 = arith.cmpf oge, %get3A_1, %ge3A_231 : vector<128x128xf32>
    %convert_element_type3A_233 = arith.extui %ge3A_232 : vector<128x128xi1> to vector<128x128xi32>
    %add3A_234 = arith.addi %add3A_220, %convert_element_type3A_233 : vector<128x128xi32>
    %get3A_235 = arith.constant 16 : index
    %get3A_236 = memref.load %arg2[%get3A_235] : memref<32xf32, #tpu.memory_space<smem>>
    %broadcast_in_dim3A_237 = vector.broadcast %get3A_236 : f32 to vector<128x128xf32>
    %select_n3A_238 = arith.select %ge3A_232, %broadcast_in_dim3A_237, %select_n3A_224 : vector<128x128xi1>, vector<128x128xf32>
    %get3A_239 = arith.constant 16 : index
    %get3A_240 = memref.load %arg3[%get3A_239] : memref<32xf32, #tpu.memory_space<smem>>
    %broadcast_in_dim3A_241 = vector.broadcast %get3A_240 : f32 to vector<128x128xf32>
    %select_n3A_242 = arith.select %ge3A_232, %broadcast_in_dim3A_241, %select_n3A_228 : vector<128x128xi1>, vector<128x128xf32>
    %get3A_243 = arith.constant 17 : index
    %get3A_244 = memref.load %arg2[%get3A_243] : memref<32xf32, #tpu.memory_space<smem>>
    %ge3A_245 = vector.broadcast %get3A_244 : f32 to vector<128x128xf32>
    %ge3A_246 = arith.cmpf oge, %get3A_1, %ge3A_245 : vector<128x128xf32>
    %convert_element_type3A_247 = arith.extui %ge3A_246 : vector<128x128xi1> to vector<128x128xi32>
    %add3A_248 = arith.addi %add3A_234, %convert_element_type3A_247 : vector<128x128xi32>
    %get3A_249 = arith.constant 17 : index
    %get3A_250 = memref.load %arg2[%get3A_249] : memref<32xf32, #tpu.memory_space<smem>>
    %broadcast_in_dim3A_251 = vector.broadcast %get3A_250 : f32 to vector<128x128xf32>
    %select_n3A_252 = arith.select %ge3A_246, %broadcast_in_dim3A_251, %select_n3A_238 : vector<128x128xi1>, vector<128x128xf32>
    %get3A_253 = arith.constant 17 : index
    %get3A_254 = memref.load %arg3[%get3A_253] : memref<32xf32, #tpu.memory_space<smem>>
    %broadcast_in_dim3A_255 = vector.broadcast %get3A_254 : f32 to vector<128x128xf32>
    %select_n3A_256 = arith.select %ge3A_246, %broadcast_in_dim3A_255, %select_n3A_242 : vector<128x128xi1>, vector<128x128xf32>
    %get3A_257 = arith.constant 18 : index
    %get3A_258 = memref.load %arg2[%get3A_257] : memref<32xf32, #tpu.memory_space<smem>>
    %ge3A_259 = vector.broadcast %get3A_258 : f32 to vector<128x128xf32>
    %ge3A_260 = arith.cmpf oge, %get3A_1, %ge3A_259 : vector<128x128xf32>
    %convert_element_type3A_261 = arith.extui %ge3A_260 : vector<128x128xi1> to vector<128x128xi32>
    %add3A_262 = arith.addi %add3A_248, %convert_element_type3A_261 : vector<128x128xi32>
    %get3A_263 = arith.constant 18 : index
    %get3A_264 = memref.load %arg2[%get3A_263] : memref<32xf32, #tpu.memory_space<smem>>
    %broadcast_in_dim3A_265 = vector.broadcast %get3A_264 : f32 to vector<128x128xf32>
    %select_n3A_266 = arith.select %ge3A_260, %broadcast_in_dim3A_265, %select_n3A_252 : vector<128x128xi1>, vector<128x128xf32>
    %get3A_267 = arith.constant 18 : index
    %get3A_268 = memref.load %arg3[%get3A_267] : memref<32xf32, #tpu.memory_space<smem>>
    %broadcast_in_dim3A_269 = vector.broadcast %get3A_268 : f32 to vector<128x128xf32>
    %select_n3A_270 = arith.select %ge3A_260, %broadcast_in_dim3A_269, %select_n3A_256 : vector<128x128xi1>, vector<128x128xf32>
    %get3A_271 = arith.constant 19 : index
    %get3A_272 = memref.load %arg2[%get3A_271] : memref<32xf32, #tpu.memory_space<smem>>
    %ge3A_273 = vector.broadcast %get3A_272 : f32 to vector<128x128xf32>
    %ge3A_274 = arith.cmpf oge, %get3A_1, %ge3A_273 : vector<128x128xf32>
    %convert_element_type3A_275 = arith.extui %ge3A_274 : vector<128x128xi1> to vector<128x128xi32>
    %add3A_276 = arith.addi %add3A_262, %convert_element_type3A_275 : vector<128x128xi32>
    %get3A_277 = arith.constant 19 : index
    %get3A_278 = memref.load %arg2[%get3A_277] : memref<32xf32, #tpu.memory_space<smem>>
    %broadcast_in_dim3A_279 = vector.broadcast %get3A_278 : f32 to vector<128x128xf32>
    %select_n3A_280 = arith.select %ge3A_274, %broadcast_in_dim3A_279, %select_n3A_266 : vector<128x128xi1>, vector<128x128xf32>
    %get3A_281 = arith.constant 19 : index
    %get3A_282 = memref.load %arg3[%get3A_281] : memref<32xf32, #tpu.memory_space<smem>>
    %broadcast_in_dim3A_283 = vector.broadcast %get3A_282 : f32 to vector<128x128xf32>
    %select_n3A_284 = arith.select %ge3A_274, %broadcast_in_dim3A_283, %select_n3A_270 : vector<128x128xi1>, vector<128x128xf32>
    %get3A_285 = arith.constant 20 : index
    %get3A_286 = memref.load %arg2[%get3A_285] : memref<32xf32, #tpu.memory_space<smem>>
    %ge3A_287 = vector.broadcast %get3A_286 : f32 to vector<128x128xf32>
    %ge3A_288 = arith.cmpf oge, %get3A_1, %ge3A_287 : vector<128x128xf32>
    %convert_element_type3A_289 = arith.extui %ge3A_288 : vector<128x128xi1> to vector<128x128xi32>
    %add3A_290 = arith.addi %add3A_276, %convert_element_type3A_289 : vector<128x128xi32>
    %get3A_291 = arith.constant 20 : index
    %get3A_292 = memref.load %arg2[%get3A_291] : memref<32xf32, #tpu.memory_space<smem>>
    %broadcast_in_dim3A_293 = vector.broadcast %get3A_292 : f32 to vector<128x128xf32>
    %select_n3A_294 = arith.select %ge3A_288, %broadcast_in_dim3A_293, %select_n3A_280 : vector<128x128xi1>, vector<128x128xf32>
    %get3A_295 = arith.constant 20 : index
    %get3A_296 = memref.load %arg3[%get3A_295] : memref<32xf32, #tpu.memory_space<smem>>
    %broadcast_in_dim3A_297 = vector.broadcast %get3A_296 : f32 to vector<128x128xf32>
    %select_n3A_298 = arith.select %ge3A_288, %broadcast_in_dim3A_297, %select_n3A_284 : vector<128x128xi1>, vector<128x128xf32>
    %get3A_299 = arith.constant 21 : index
    %get3A_300 = memref.load %arg2[%get3A_299] : memref<32xf32, #tpu.memory_space<smem>>
    %ge3A_301 = vector.broadcast %get3A_300 : f32 to vector<128x128xf32>
    %ge3A_302 = arith.cmpf oge, %get3A_1, %ge3A_301 : vector<128x128xf32>
    %convert_element_type3A_303 = arith.extui %ge3A_302 : vector<128x128xi1> to vector<128x128xi32>
    %add3A_304 = arith.addi %add3A_290, %convert_element_type3A_303 : vector<128x128xi32>
    %get3A_305 = arith.constant 21 : index
    %get3A_306 = memref.load %arg2[%get3A_305] : memref<32xf32, #tpu.memory_space<smem>>
    %broadcast_in_dim3A_307 = vector.broadcast %get3A_306 : f32 to vector<128x128xf32>
    %select_n3A_308 = arith.select %ge3A_302, %broadcast_in_dim3A_307, %select_n3A_294 : vector<128x128xi1>, vector<128x128xf32>
    %get3A_309 = arith.constant 21 : index
    %get3A_310 = memref.load %arg3[%get3A_309] : memref<32xf32, #tpu.memory_space<smem>>
    %broadcast_in_dim3A_311 = vector.broadcast %get3A_310 : f32 to vector<128x128xf32>
    %select_n3A_312 = arith.select %ge3A_302, %broadcast_in_dim3A_311, %select_n3A_298 : vector<128x128xi1>, vector<128x128xf32>
    %get3A_313 = arith.constant 22 : index
    %get3A_314 = memref.load %arg2[%get3A_313] : memref<32xf32, #tpu.memory_space<smem>>
    %ge3A_315 = vector.broadcast %get3A_314 : f32 to vector<128x128xf32>
    %ge3A_316 = arith.cmpf oge, %get3A_1, %ge3A_315 : vector<128x128xf32>
    %convert_element_type3A_317 = arith.extui %ge3A_316 : vector<128x128xi1> to vector<128x128xi32>
    %add3A_318 = arith.addi %add3A_304, %convert_element_type3A_317 : vector<128x128xi32>
    %get3A_319 = arith.constant 22 : index
    %get3A_320 = memref.load %arg2[%get3A_319] : memref<32xf32, #tpu.memory_space<smem>>
    %broadcast_in_dim3A_321 = vector.broadcast %get3A_320 : f32 to vector<128x128xf32>
    %select_n3A_322 = arith.select %ge3A_316, %broadcast_in_dim3A_321, %select_n3A_308 : vector<128x128xi1>, vector<128x128xf32>
    %get3A_323 = arith.constant 22 : index
    %get3A_324 = memref.load %arg3[%get3A_323] : memref<32xf32, #tpu.memory_space<smem>>
    %broadcast_in_dim3A_325 = vector.broadcast %get3A_324 : f32 to vector<128x128xf32>
    %select_n3A_326 = arith.select %ge3A_316, %broadcast_in_dim3A_325, %select_n3A_312 : vector<128x128xi1>, vector<128x128xf32>
    %get3A_327 = arith.constant 23 : index
    %get3A_328 = memref.load %arg2[%get3A_327] : memref<32xf32, #tpu.memory_space<smem>>
    %ge3A_329 = vector.broadcast %get3A_328 : f32 to vector<128x128xf32>
    %ge3A_330 = arith.cmpf oge, %get3A_1, %ge3A_329 : vector<128x128xf32>
    %convert_element_type3A_331 = arith.extui %ge3A_330 : vector<128x128xi1> to vector<128x128xi32>
    %add3A_332 = arith.addi %add3A_318, %convert_element_type3A_331 : vector<128x128xi32>
    %get3A_333 = arith.constant 23 : index
    %get3A_334 = memref.load %arg2[%get3A_333] : memref<32xf32, #tpu.memory_space<smem>>
    %broadcast_in_dim3A_335 = vector.broadcast %get3A_334 : f32 to vector<128x128xf32>
    %select_n3A_336 = arith.select %ge3A_330, %broadcast_in_dim3A_335, %select_n3A_322 : vector<128x128xi1>, vector<128x128xf32>
    %get3A_337 = arith.constant 23 : index
    %get3A_338 = memref.load %arg3[%get3A_337] : memref<32xf32, #tpu.memory_space<smem>>
    %broadcast_in_dim3A_339 = vector.broadcast %get3A_338 : f32 to vector<128x128xf32>
    %select_n3A_340 = arith.select %ge3A_330, %broadcast_in_dim3A_339, %select_n3A_326 : vector<128x128xi1>, vector<128x128xf32>
    %get3A_341 = arith.constant 24 : index
    %get3A_342 = memref.load %arg2[%get3A_341] : memref<32xf32, #tpu.memory_space<smem>>
    %ge3A_343 = vector.broadcast %get3A_342 : f32 to vector<128x128xf32>
    %ge3A_344 = arith.cmpf oge, %get3A_1, %ge3A_343 : vector<128x128xf32>
    %convert_element_type3A_345 = arith.extui %ge3A_344 : vector<128x128xi1> to vector<128x128xi32>
    %add3A_346 = arith.addi %add3A_332, %convert_element_type3A_345 : vector<128x128xi32>
    %get3A_347 = arith.constant 24 : index
    %get3A_348 = memref.load %arg2[%get3A_347] : memref<32xf32, #tpu.memory_space<smem>>
    %broadcast_in_dim3A_349 = vector.broadcast %get3A_348 : f32 to vector<128x128xf32>
    %select_n3A_350 = arith.select %ge3A_344, %broadcast_in_dim3A_349, %select_n3A_336 : vector<128x128xi1>, vector<128x128xf32>
    %get3A_351 = arith.constant 24 : index
    %get3A_352 = memref.load %arg3[%get3A_351] : memref<32xf32, #tpu.memory_space<smem>>
    %broadcast_in_dim3A_353 = vector.broadcast %get3A_352 : f32 to vector<128x128xf32>
    %select_n3A_354 = arith.select %ge3A_344, %broadcast_in_dim3A_353, %select_n3A_340 : vector<128x128xi1>, vector<128x128xf32>
    %get3A_355 = arith.constant 25 : index
    %get3A_356 = memref.load %arg2[%get3A_355] : memref<32xf32, #tpu.memory_space<smem>>
    %ge3A_357 = vector.broadcast %get3A_356 : f32 to vector<128x128xf32>
    %ge3A_358 = arith.cmpf oge, %get3A_1, %ge3A_357 : vector<128x128xf32>
    %convert_element_type3A_359 = arith.extui %ge3A_358 : vector<128x128xi1> to vector<128x128xi32>
    %add3A_360 = arith.addi %add3A_346, %convert_element_type3A_359 : vector<128x128xi32>
    %get3A_361 = arith.constant 25 : index
    %get3A_362 = memref.load %arg2[%get3A_361] : memref<32xf32, #tpu.memory_space<smem>>
    %broadcast_in_dim3A_363 = vector.broadcast %get3A_362 : f32 to vector<128x128xf32>
    %select_n3A_364 = arith.select %ge3A_358, %broadcast_in_dim3A_363, %select_n3A_350 : vector<128x128xi1>, vector<128x128xf32>
    %get3A_365 = arith.constant 25 : index
    %get3A_366 = memref.load %arg3[%get3A_365] : memref<32xf32, #tpu.memory_space<smem>>
    %broadcast_in_dim3A_367 = vector.broadcast %get3A_366 : f32 to vector<128x128xf32>
    %select_n3A_368 = arith.select %ge3A_358, %broadcast_in_dim3A_367, %select_n3A_354 : vector<128x128xi1>, vector<128x128xf32>
    %get3A_369 = arith.constant 26 : index
    %get3A_370 = memref.load %arg2[%get3A_369] : memref<32xf32, #tpu.memory_space<smem>>
    %ge3A_371 = vector.broadcast %get3A_370 : f32 to vector<128x128xf32>
    %ge3A_372 = arith.cmpf oge, %get3A_1, %ge3A_371 : vector<128x128xf32>
    %convert_element_type3A_373 = arith.extui %ge3A_372 : vector<128x128xi1> to vector<128x128xi32>
    %add3A_374 = arith.addi %add3A_360, %convert_element_type3A_373 : vector<128x128xi32>
    %get3A_375 = arith.constant 26 : index
    %get3A_376 = memref.load %arg2[%get3A_375] : memref<32xf32, #tpu.memory_space<smem>>
    %broadcast_in_dim3A_377 = vector.broadcast %get3A_376 : f32 to vector<128x128xf32>
    %select_n3A_378 = arith.select %ge3A_372, %broadcast_in_dim3A_377, %select_n3A_364 : vector<128x128xi1>, vector<128x128xf32>
    %get3A_379 = arith.constant 26 : index
    %get3A_380 = memref.load %arg3[%get3A_379] : memref<32xf32, #tpu.memory_space<smem>>
    %broadcast_in_dim3A_381 = vector.broadcast %get3A_380 : f32 to vector<128x128xf32>
    %select_n3A_382 = arith.select %ge3A_372, %broadcast_in_dim3A_381, %select_n3A_368 : vector<128x128xi1>, vector<128x128xf32>
    %get3A_383 = arith.constant 27 : index
    %get3A_384 = memref.load %arg2[%get3A_383] : memref<32xf32, #tpu.memory_space<smem>>
    %ge3A_385 = vector.broadcast %get3A_384 : f32 to vector<128x128xf32>
    %ge3A_386 = arith.cmpf oge, %get3A_1, %ge3A_385 : vector<128x128xf32>
    %convert_element_type3A_387 = arith.extui %ge3A_386 : vector<128x128xi1> to vector<128x128xi32>
    %add3A_388 = arith.addi %add3A_374, %convert_element_type3A_387 : vector<128x128xi32>
    %get3A_389 = arith.constant 27 : index
    %get3A_390 = memref.load %arg2[%get3A_389] : memref<32xf32, #tpu.memory_space<smem>>
    %broadcast_in_dim3A_391 = vector.broadcast %get3A_390 : f32 to vector<128x128xf32>
    %select_n3A_392 = arith.select %ge3A_386, %broadcast_in_dim3A_391, %select_n3A_378 : vector<128x128xi1>, vector<128x128xf32>
    %get3A_393 = arith.constant 27 : index
    %get3A_394 = memref.load %arg3[%get3A_393] : memref<32xf32, #tpu.memory_space<smem>>
    %broadcast_in_dim3A_395 = vector.broadcast %get3A_394 : f32 to vector<128x128xf32>
    %select_n3A_396 = arith.select %ge3A_386, %broadcast_in_dim3A_395, %select_n3A_382 : vector<128x128xi1>, vector<128x128xf32>
    %get3A_397 = arith.constant 28 : index
    %get3A_398 = memref.load %arg2[%get3A_397] : memref<32xf32, #tpu.memory_space<smem>>
    %ge3A_399 = vector.broadcast %get3A_398 : f32 to vector<128x128xf32>
    %ge3A_400 = arith.cmpf oge, %get3A_1, %ge3A_399 : vector<128x128xf32>
    %convert_element_type3A_401 = arith.extui %ge3A_400 : vector<128x128xi1> to vector<128x128xi32>
    %add3A_402 = arith.addi %add3A_388, %convert_element_type3A_401 : vector<128x128xi32>
    %get3A_403 = arith.constant 28 : index
    %get3A_404 = memref.load %arg2[%get3A_403] : memref<32xf32, #tpu.memory_space<smem>>
    %broadcast_in_dim3A_405 = vector.broadcast %get3A_404 : f32 to vector<128x128xf32>
    %select_n3A_406 = arith.select %ge3A_400, %broadcast_in_dim3A_405, %select_n3A_392 : vector<128x128xi1>, vector<128x128xf32>
    %get3A_407 = arith.constant 28 : index
    %get3A_408 = memref.load %arg3[%get3A_407] : memref<32xf32, #tpu.memory_space<smem>>
    %broadcast_in_dim3A_409 = vector.broadcast %get3A_408 : f32 to vector<128x128xf32>
    %select_n3A_410 = arith.select %ge3A_400, %broadcast_in_dim3A_409, %select_n3A_396 : vector<128x128xi1>, vector<128x128xf32>
    %get3A_411 = arith.constant 29 : index
    %get3A_412 = memref.load %arg2[%get3A_411] : memref<32xf32, #tpu.memory_space<smem>>
    %ge3A_413 = vector.broadcast %get3A_412 : f32 to vector<128x128xf32>
    %ge3A_414 = arith.cmpf oge, %get3A_1, %ge3A_413 : vector<128x128xf32>
    %convert_element_type3A_415 = arith.extui %ge3A_414 : vector<128x128xi1> to vector<128x128xi32>
    %add3A_416 = arith.addi %add3A_402, %convert_element_type3A_415 : vector<128x128xi32>
    %get3A_417 = arith.constant 29 : index
    %get3A_418 = memref.load %arg2[%get3A_417] : memref<32xf32, #tpu.memory_space<smem>>
    %broadcast_in_dim3A_419 = vector.broadcast %get3A_418 : f32 to vector<128x128xf32>
    %select_n3A_420 = arith.select %ge3A_414, %broadcast_in_dim3A_419, %select_n3A_406 : vector<128x128xi1>, vector<128x128xf32>
    %get3A_421 = arith.constant 29 : index
    %get3A_422 = memref.load %arg3[%get3A_421] : memref<32xf32, #tpu.memory_space<smem>>
    %broadcast_in_dim3A_423 = vector.broadcast %get3A_422 : f32 to vector<128x128xf32>
    %select_n3A_424 = arith.select %ge3A_414, %broadcast_in_dim3A_423, %select_n3A_410 : vector<128x128xi1>, vector<128x128xf32>
    %get3A_425 = arith.constant 30 : index
    %get3A_426 = memref.load %arg2[%get3A_425] : memref<32xf32, #tpu.memory_space<smem>>
    %ge3A_427 = vector.broadcast %get3A_426 : f32 to vector<128x128xf32>
    %ge3A_428 = arith.cmpf oge, %get3A_1, %ge3A_427 : vector<128x128xf32>
    %convert_element_type3A_429 = arith.extui %ge3A_428 : vector<128x128xi1> to vector<128x128xi32>
    %add3A_430 = arith.addi %add3A_416, %convert_element_type3A_429 : vector<128x128xi32>
    %get3A_431 = arith.constant 30 : index
    %get3A_432 = memref.load %arg2[%get3A_431] : memref<32xf32, #tpu.memory_space<smem>>
    %broadcast_in_dim3A_433 = vector.broadcast %get3A_432 : f32 to vector<128x128xf32>
    %select_n3A_434 = arith.select %ge3A_428, %broadcast_in_dim3A_433, %select_n3A_420 : vector<128x128xi1>, vector<128x128xf32>
    %get3A_435 = arith.constant 30 : index
    %get3A_436 = memref.load %arg3[%get3A_435] : memref<32xf32, #tpu.memory_space<smem>>
    %broadcast_in_dim3A_437 = vector.broadcast %get3A_436 : f32 to vector<128x128xf32>
    %select_n3A_438 = arith.select %ge3A_428, %broadcast_in_dim3A_437, %select_n3A_424 : vector<128x128xi1>, vector<128x128xf32>
    %get3A_439 = arith.constant 31 : index
    %get3A_440 = memref.load %arg2[%get3A_439] : memref<32xf32, #tpu.memory_space<smem>>
    %ge3A_441 = vector.broadcast %get3A_440 : f32 to vector<128x128xf32>
    %ge3A_442 = arith.cmpf oge, %get3A_1, %ge3A_441 : vector<128x128xf32>
    %convert_element_type3A_443 = arith.extui %ge3A_442 : vector<128x128xi1> to vector<128x128xi32>
    %add3A_444 = arith.addi %add3A_430, %convert_element_type3A_443 : vector<128x128xi32>
    %get3A_445 = arith.constant 31 : index
    %get3A_446 = memref.load %arg2[%get3A_445] : memref<32xf32, #tpu.memory_space<smem>>
    %broadcast_in_dim3A_447 = vector.broadcast %get3A_446 : f32 to vector<128x128xf32>
    %select_n3A_448 = arith.select %ge3A_442, %broadcast_in_dim3A_447, %select_n3A_434 : vector<128x128xi1>, vector<128x128xf32>
    %get3A_449 = arith.constant 31 : index
    %get3A_450 = memref.load %arg3[%get3A_449] : memref<32xf32, #tpu.memory_space<smem>>
    %broadcast_in_dim3A_451 = vector.broadcast %get3A_450 : f32 to vector<128x128xf32>
    %select_n3A_452 = arith.select %ge3A_442, %broadcast_in_dim3A_451, %select_n3A_438 : vector<128x128xi1>, vector<128x128xf32>
    %sub3A = arith.subf %get3A_1, %select_n3A_448 : vector<128x128xf32>
    %sub3A_453 = arith.subf %select_n3A_452, %select_n3A_448 : vector<128x128xf32>
    %add3A_454 = arith.constant 1.000000e-10 : f32
    %add3A_455 = vector.broadcast %add3A_454 : f32 to vector<128x128xf32>
    %add3A_456 = arith.addf %sub3A_453, %add3A_455 : vector<128x128xf32>
    %div3A = arith.divf %sub3A, %add3A_456 : vector<128x128xf32>
    %jit3A = arith.constant 0.000000e+00 : f32
    %jit3A_457 = arith.constant 1.000000e+00 : f32
    %max3A = vector.broadcast %jit3A : f32 to vector<128x128xf32>
    %max3A_458 = arith.maximumf %max3A, %div3A : vector<128x128xf32>
    %min3A = vector.broadcast %jit3A_457 : f32 to vector<128x128xf32>
    %min3A_459 = arith.minimumf %min3A, %max3A_458 : vector<128x128xf32>
    %ge3A_460 = arith.cmpf oge, %get3A_1, %select_n3A_448 : vector<128x128xf32>
    %lt3A = arith.cmpf olt, %get3A_1, %select_n3A_452 : vector<128x128xf32>
    %and3A = arith.andi %ge3A_460, %lt3A : vector<128x128xi1>
    %get3A_461 = arith.constant 31 : index
    %get3A_462 = memref.load %arg2[%get3A_461] : memref<32xf32, #tpu.memory_space<smem>>
    %ge3A_463 = vector.broadcast %get3A_462 : f32 to vector<128x128xf32>
    %ge3A_464 = arith.cmpf oge, %get3A_1, %ge3A_463 : vector<128x128xf32>
    %sub3A_465 = arith.constant 1 : i32
    %sub3A_466 = vector.broadcast %sub3A_465 : i32 to vector<128x128xi32>
    %sub3A_467 = arith.subi %add3A_444, %sub3A_466 : vector<128x128xi32>
    %jit3A_468 = arith.constant -1 : i32
    %broadcast_in_dim3A_469 = vector.broadcast %jit3A_468 : i32 to vector<128x128xi32>
    %select_n3A_470 = arith.select %and3A, %sub3A_467, %broadcast_in_dim3A_469 : vector<128x128xi1>, vector<128x128xi32>
    %jit3A_471 = arith.constant 32 : i32
    %broadcast_in_dim3A_472 = vector.broadcast %jit3A_471 : i32 to vector<128x128xi32>
    %select_n3A_473 = arith.select %ge3A_464, %broadcast_in_dim3A_472, %select_n3A_470 : vector<128x128xi1>, vector<128x128xi32>
    %convert_element_type3A_474 = arith.sitofp %select_n3A_473 : vector<128x128xi32> to vector<128x128xf32>
    %sub3A_475 = arith.constant 1.000000e+00 : f32
    %sub3A_476 = vector.broadcast %sub3A_475 : f32 to vector<128x128xf32>
    %sub3A_477 = arith.subf %sub3A_476, %min3A_459 : vector<128x128xf32>
    %add3A_478 = arith.constant 1.000000e-30 : f32
    %add3A_479 = vector.broadcast %add3A_478 : f32 to vector<128x128xf32>
    %add3A_480 = arith.addf %sub3A_477, %add3A_479 : vector<128x128xf32>
    %bitcast_convert_type3A = tpu.bitcast %add3A_480 : vector<128x128xf32> -> vector<128x128xi32>
    %shift_right_logical3A = arith.constant 23 : i32
    %shift_right_logical3A_481 = vector.broadcast %shift_right_logical3A : i32 to vector<128x128xi32>
    %shift_right_logical3A_482 = arith.shrui %bitcast_convert_type3A, %shift_right_logical3A_481 : vector<128x128xi32>
    %sub3A_483 = arith.constant 127 : i32
    %sub3A_484 = vector.broadcast %sub3A_483 : i32 to vector<128x128xi32>
    %sub3A_485 = arith.subi %shift_right_logical3A_482, %sub3A_484 : vector<128x128xi32>
    %and3A_486 = arith.constant 8388607 : i32
    %and3A_487 = vector.broadcast %and3A_486 : i32 to vector<128x128xi32>
    %and3A_488 = arith.andi %bitcast_convert_type3A, %and3A_487 : vector<128x128xi32>
    %or3A = arith.constant 1065353216 : i32
    %or3A_489 = vector.broadcast %or3A : i32 to vector<128x128xi32>
    %or3A_490 = arith.ori %and3A_488, %or3A_489 : vector<128x128xi32>
    %bitcast_convert_type3A_491 = tpu.bitcast %or3A_490 : vector<128x128xi32> -> vector<128x128xf32>
    %ge3A_492 = arith.constant 1.41421354 : f32
    %ge3A_493 = vector.broadcast %ge3A_492 : f32 to vector<128x128xf32>
    %ge3A_494 = arith.cmpf oge, %bitcast_convert_type3A_491, %ge3A_493 : vector<128x128xf32>
    %mul3A = arith.constant 5.000000e-01 : f32
    %mul3A_495 = vector.broadcast %mul3A : f32 to vector<128x128xf32>
    %mul3A_496 = arith.mulf %bitcast_convert_type3A_491, %mul3A_495 : vector<128x128xf32>
    %select_n3A_497 = arith.select %ge3A_494, %mul3A_496, %bitcast_convert_type3A_491 : vector<128x128xi1>, vector<128x128xf32>
    %add3A_498 = arith.constant 1 : i32
    %add3A_499 = vector.broadcast %add3A_498 : i32 to vector<128x128xi32>
    %add3A_500 = arith.addi %sub3A_485, %add3A_499 : vector<128x128xi32>
    %select_n3A_501 = arith.select %ge3A_494, %add3A_500, %sub3A_485 : vector<128x128xi1>, vector<128x128xi32>
    %convert_element_type3A_502 = arith.sitofp %select_n3A_501 : vector<128x128xi32> to vector<128x128xf32>
    %sub3A_503 = arith.constant 1.000000e+00 : f32
    %sub3A_504 = vector.broadcast %sub3A_503 : f32 to vector<128x128xf32>
    %sub3A_505 = arith.subf %select_n3A_497, %sub3A_504 : vector<128x128xf32>
    %add3A_506 = arith.constant 1.000000e+00 : f32
    %add3A_507 = vector.broadcast %add3A_506 : f32 to vector<128x128xf32>
    %add3A_508 = arith.addf %select_n3A_497, %add3A_507 : vector<128x128xf32>
    %div3A_509 = arith.divf %sub3A_505, %add3A_508 : vector<128x128xf32>
    %mul3A_510 = arith.mulf %div3A_509, %div3A_509 : vector<128x128xf32>
    %mul3A_511 = arith.constant 0.111111112 : f32
    %mul3A_512 = vector.broadcast %mul3A_511 : f32 to vector<128x128xf32>
    %mul3A_513 = arith.mulf %mul3A_510, %mul3A_512 : vector<128x128xf32>
    %add3A_514 = arith.constant 0.142857149 : f32
    %add3A_515 = vector.broadcast %add3A_514 : f32 to vector<128x128xf32>
    %add3A_516 = arith.addf %add3A_515, %mul3A_513 : vector<128x128xf32>
    %mul3A_517 = arith.mulf %mul3A_510, %add3A_516 : vector<128x128xf32>
    %add3A_518 = arith.constant 2.000000e-01 : f32
    %add3A_519 = vector.broadcast %add3A_518 : f32 to vector<128x128xf32>
    %add3A_520 = arith.addf %add3A_519, %mul3A_517 : vector<128x128xf32>
    %mul3A_521 = arith.mulf %mul3A_510, %add3A_520 : vector<128x128xf32>
    %add3A_522 = arith.constant 0.333333343 : f32
    %add3A_523 = vector.broadcast %add3A_522 : f32 to vector<128x128xf32>
    %add3A_524 = arith.addf %add3A_523, %mul3A_521 : vector<128x128xf32>
    %mul3A_525 = arith.mulf %mul3A_510, %add3A_524 : vector<128x128xf32>
    %add3A_526 = arith.constant 1.000000e+00 : f32
    %add3A_527 = vector.broadcast %add3A_526 : f32 to vector<128x128xf32>
    %add3A_528 = arith.addf %add3A_527, %mul3A_525 : vector<128x128xf32>
    %mul3A_529 = arith.constant 0.693147182 : f32
    %mul3A_530 = vector.broadcast %mul3A_529 : f32 to vector<128x128xf32>
    %mul3A_531 = arith.mulf %convert_element_type3A_502, %mul3A_530 : vector<128x128xf32>
    %mul3A_532 = arith.constant 2.000000e+00 : f32
    %mul3A_533 = vector.broadcast %mul3A_532 : f32 to vector<128x128xf32>
    %mul3A_534 = arith.mulf %mul3A_533, %div3A_509 : vector<128x128xf32>
    %mul3A_535 = arith.mulf %mul3A_534, %add3A_528 : vector<128x128xf32>
    %add3A_536 = arith.addf %mul3A_531, %mul3A_535 : vector<128x128xf32>
    %add3A_537 = arith.constant 1.000000e-30 : f32
    %add3A_538 = vector.broadcast %add3A_537 : f32 to vector<128x128xf32>
    %add3A_539 = arith.addf %min3A_459, %add3A_538 : vector<128x128xf32>
    %bitcast_convert_type3A_540 = tpu.bitcast %add3A_539 : vector<128x128xf32> -> vector<128x128xi32>
    %shift_right_logical3A_541 = arith.constant 23 : i32
    %shift_right_logical3A_542 = vector.broadcast %shift_right_logical3A_541 : i32 to vector<128x128xi32>
    %shift_right_logical3A_543 = arith.shrui %bitcast_convert_type3A_540, %shift_right_logical3A_542 : vector<128x128xi32>
    %sub3A_544 = arith.constant 127 : i32
    %sub3A_545 = vector.broadcast %sub3A_544 : i32 to vector<128x128xi32>
    %sub3A_546 = arith.subi %shift_right_logical3A_543, %sub3A_545 : vector<128x128xi32>
    %and3A_547 = arith.constant 8388607 : i32
    %and3A_548 = vector.broadcast %and3A_547 : i32 to vector<128x128xi32>
    %and3A_549 = arith.andi %bitcast_convert_type3A_540, %and3A_548 : vector<128x128xi32>
    %or3A_550 = arith.constant 1065353216 : i32
    %or3A_551 = vector.broadcast %or3A_550 : i32 to vector<128x128xi32>
    %or3A_552 = arith.ori %and3A_549, %or3A_551 : vector<128x128xi32>
    %bitcast_convert_type3A_553 = tpu.bitcast %or3A_552 : vector<128x128xi32> -> vector<128x128xf32>
    %ge3A_554 = arith.constant 1.41421354 : f32
    %ge3A_555 = vector.broadcast %ge3A_554 : f32 to vector<128x128xf32>
    %ge3A_556 = arith.cmpf oge, %bitcast_convert_type3A_553, %ge3A_555 : vector<128x128xf32>
    %mul3A_557 = arith.constant 5.000000e-01 : f32
    %mul3A_558 = vector.broadcast %mul3A_557 : f32 to vector<128x128xf32>
    %mul3A_559 = arith.mulf %bitcast_convert_type3A_553, %mul3A_558 : vector<128x128xf32>
    %select_n3A_560 = arith.select %ge3A_556, %mul3A_559, %bitcast_convert_type3A_553 : vector<128x128xi1>, vector<128x128xf32>
    %add3A_561 = arith.constant 1 : i32
    %add3A_562 = vector.broadcast %add3A_561 : i32 to vector<128x128xi32>
    %add3A_563 = arith.addi %sub3A_546, %add3A_562 : vector<128x128xi32>
    %select_n3A_564 = arith.select %ge3A_556, %add3A_563, %sub3A_546 : vector<128x128xi1>, vector<128x128xi32>
    %convert_element_type3A_565 = arith.sitofp %select_n3A_564 : vector<128x128xi32> to vector<128x128xf32>
    %sub3A_566 = arith.constant 1.000000e+00 : f32
    %sub3A_567 = vector.broadcast %sub3A_566 : f32 to vector<128x128xf32>
    %sub3A_568 = arith.subf %select_n3A_560, %sub3A_567 : vector<128x128xf32>
    %add3A_569 = arith.constant 1.000000e+00 : f32
    %add3A_570 = vector.broadcast %add3A_569 : f32 to vector<128x128xf32>
    %add3A_571 = arith.addf %select_n3A_560, %add3A_570 : vector<128x128xf32>
    %div3A_572 = arith.divf %sub3A_568, %add3A_571 : vector<128x128xf32>
    %mul3A_573 = arith.mulf %div3A_572, %div3A_572 : vector<128x128xf32>
    %mul3A_574 = arith.constant 0.111111112 : f32
    %mul3A_575 = vector.broadcast %mul3A_574 : f32 to vector<128x128xf32>
    %mul3A_576 = arith.mulf %mul3A_573, %mul3A_575 : vector<128x128xf32>
    %add3A_577 = arith.constant 0.142857149 : f32
    %add3A_578 = vector.broadcast %add3A_577 : f32 to vector<128x128xf32>
    %add3A_579 = arith.addf %add3A_578, %mul3A_576 : vector<128x128xf32>
    %mul3A_580 = arith.mulf %mul3A_573, %add3A_579 : vector<128x128xf32>
    %add3A_581 = arith.constant 2.000000e-01 : f32
    %add3A_582 = vector.broadcast %add3A_581 : f32 to vector<128x128xf32>
    %add3A_583 = arith.addf %add3A_582, %mul3A_580 : vector<128x128xf32>
    %mul3A_584 = arith.mulf %mul3A_573, %add3A_583 : vector<128x128xf32>
    %add3A_585 = arith.constant 0.333333343 : f32
    %add3A_586 = vector.broadcast %add3A_585 : f32 to vector<128x128xf32>
    %add3A_587 = arith.addf %add3A_586, %mul3A_584 : vector<128x128xf32>
    %mul3A_588 = arith.mulf %mul3A_573, %add3A_587 : vector<128x128xf32>
    %add3A_589 = arith.constant 1.000000e+00 : f32
    %add3A_590 = vector.broadcast %add3A_589 : f32 to vector<128x128xf32>
    %add3A_591 = arith.addf %add3A_590, %mul3A_588 : vector<128x128xf32>
    %mul3A_592 = arith.constant 0.693147182 : f32
    %mul3A_593 = vector.broadcast %mul3A_592 : f32 to vector<128x128xf32>
    %mul3A_594 = arith.mulf %convert_element_type3A_565, %mul3A_593 : vector<128x128xf32>
    %mul3A_595 = arith.constant 2.000000e+00 : f32
    %mul3A_596 = vector.broadcast %mul3A_595 : f32 to vector<128x128xf32>
    %mul3A_597 = arith.mulf %mul3A_596, %div3A_572 : vector<128x128xf32>
    %mul3A_598 = arith.mulf %mul3A_597, %add3A_591 : vector<128x128xf32>
    %add3A_599 = arith.addf %mul3A_594, %mul3A_598 : vector<128x128xf32>
    %iota3A = tpu.iota {dimensions = array<i32: 1>} : vector<128x4096xi32>
    %jit3A_600 = arith.constant 32 : i32
    %div3A_601 = vector.broadcast %jit3A_600 : i32 to vector<128x4096xi32>
    %div3A_602 = arith.divsi %iota3A, %div3A_601 : vector<128x4096xi32>
    %sign3A = arith.constant 0 : i32
    %sign3A_603 = vector.broadcast %sign3A : i32 to vector<128x4096xi32>
    %sign3A_604 = arith.cmpi sgt, %iota3A, %sign3A_603 : vector<128x4096xi32>
    %sign3A_605 = arith.extui %sign3A_604 : vector<128x4096xi1> to vector<128x4096xi32>
    %sign3A_606 = arith.constant 0 : i32
    %sign3A_607 = vector.broadcast %sign3A_606 : i32 to vector<128x4096xi32>
    %sign3A_608 = arith.cmpi slt, %iota3A, %sign3A_607 : vector<128x4096xi32>
    %sign3A_609 = arith.extui %sign3A_608 : vector<128x4096xi1> to vector<128x4096xi32>
    %sign3A_610 = arith.subi %sign3A_605, %sign3A_609 : vector<128x4096xi32>
    %sign3A_611 = arith.constant 0 : i32
    %sign3A_612 = arith.cmpi sgt, %jit3A_600, %sign3A_611 : i32
    %sign3A_613 = arith.extui %sign3A_612 : i1 to i32
    %sign3A_614 = arith.constant 0 : i32
    %sign3A_615 = arith.cmpi slt, %jit3A_600, %sign3A_614 : i32
    %sign3A_616 = arith.extui %sign3A_615 : i1 to i32
    %sign3A_617 = arith.subi %sign3A_613, %sign3A_616 : i32
    %ne3A = vector.broadcast %sign3A_617 : i32 to vector<128x4096xi32>
    %ne3A_618 = arith.cmpi ne, %sign3A_610, %ne3A : vector<128x4096xi32>
    %rem3A = vector.broadcast %jit3A_600 : i32 to vector<128x4096xi32>
    %rem3A_619 = arith.remsi %iota3A, %rem3A : vector<128x4096xi32>
    %ne3A_620 = arith.constant 0 : i32
    %ne3A_621 = vector.broadcast %ne3A_620 : i32 to vector<128x4096xi32>
    %ne3A_622 = arith.cmpi ne, %rem3A_619, %ne3A_621 : vector<128x4096xi32>
    %and3A_623 = arith.andi %ne3A_618, %ne3A_622 : vector<128x4096xi1>
    %sub3A_624 = arith.constant 1 : i32
    %sub3A_625 = vector.broadcast %sub3A_624 : i32 to vector<128x4096xi32>
    %sub3A_626 = arith.subi %div3A_602, %sub3A_625 : vector<128x4096xi32>
    %select_n3A_627 = arith.select %and3A_623, %sub3A_626, %div3A_602 : vector<128x4096xi1>, vector<128x4096xi32>
    %iota3A_628 = tpu.iota {dimensions = array<i32: 0>} : vector<128x4096xi32>
    %eq3A = arith.cmpi eq, %select_n3A_627, %iota3A_628 : vector<128x4096xi32>
    %convert_element_type3A_629 = arith.extui %eq3A : vector<128x4096xi1> to vector<128x4096xi32>
    %convert_element_type3A_630 = arith.sitofp %convert_element_type3A_629 : vector<128x4096xi32> to vector<128x4096xf32>
    %dot_general3A = arith.constant dense<0.000000e+00> : vector<128x4096xf32>
    %dot_general3A_631 = tpu.matmul %convert_element_type3A_474, %convert_element_type3A_630, %dot_general3A {dimension_numbers = #tpu.dot_dimension_numbers<[0], [0], [1], [1], [0, 1, 1, 1], [], []>, transpose_lhs_hint = false} : vector<128x128xf32>, vector<128x4096xf32>, vector<128x4096xf32> -> vector<128x4096xf32>
    %dot_general3A_632 = arith.constant dense<0.000000e+00> : vector<128x4096xf32>
    %dot_general3A_633 = tpu.matmul %add3A_536, %convert_element_type3A_630, %dot_general3A_632 {dimension_numbers = #tpu.dot_dimension_numbers<[0], [0], [1], [1], [0, 1, 1, 1], [], []>, transpose_lhs_hint = false} : vector<128x128xf32>, vector<128x4096xf32>, vector<128x4096xf32> -> vector<128x4096xf32>
    %dot_general3A_634 = arith.constant dense<0.000000e+00> : vector<128x4096xf32>
    %dot_general3A_635 = tpu.matmul %add3A_599, %convert_element_type3A_630, %dot_general3A_634 {dimension_numbers = #tpu.dot_dimension_numbers<[0], [0], [1], [1], [0, 1, 1, 1], [], []>, transpose_lhs_hint = false} : vector<128x128xf32>, vector<128x4096xf32>, vector<128x4096xf32> -> vector<128x4096xf32>
    %iota3A_636 = tpu.iota {dimensions = array<i32: 1>} : vector<128x4096xi32>
    %jit3A_637 = arith.constant 32 : i32
    %eq3A_638 = arith.constant 0 : i32
    %eq3A_639 = arith.cmpi eq, %jit3A_637, %eq3A_638 : i32
    %jit3A_640 = arith.constant 1 : i32
    %select_n3A_641 = arith.select %eq3A_639, %jit3A_640, %jit3A_637 : i32
    %rem3A_642 = vector.broadcast %select_n3A_641 : i32 to vector<128x4096xi32>
    %rem3A_643 = arith.remsi %iota3A_636, %rem3A_642 : vector<128x4096xi32>
    %ne3A_644 = arith.constant 0 : i32
    %ne3A_645 = vector.broadcast %ne3A_644 : i32 to vector<128x4096xi32>
    %ne3A_646 = arith.cmpi ne, %rem3A_643, %ne3A_645 : vector<128x4096xi32>
    %lt3A_647 = arith.constant 0 : i32
    %lt3A_648 = vector.broadcast %lt3A_647 : i32 to vector<128x4096xi32>
    %lt3A_649 = arith.cmpi slt, %rem3A_643, %lt3A_648 : vector<128x4096xi32>
    %lt3A_650 = arith.constant 0 : i32
    %lt3A_651 = arith.cmpi slt, %select_n3A_641, %lt3A_650 : i32
    %ne3A_652 = vector.broadcast %lt3A_651 : i1 to vector<128x4096xi1>
    %ne3A_653 = vector.broadcast %ne3A_652 : vector<128x4096xi1> to vector<128x4096xi1>
    %ne3A_654 = arith.xori %lt3A_649, %ne3A_653 : vector<128x4096xi1>
    %and3A_655 = arith.andi %ne3A_654, %ne3A_646 : vector<128x4096xi1>
    %add3A_656 = vector.broadcast %select_n3A_641 : i32 to vector<128x4096xi32>
    %add3A_657 = arith.addi %rem3A_643, %add3A_656 : vector<128x4096xi32>
    %select_n3A_658 = arith.select %and3A_655, %add3A_657, %rem3A_643 : vector<128x4096xi1>, vector<128x4096xi32>
    %convert_element_type3A_659 = arith.sitofp %select_n3A_658 : vector<128x4096xi32> to vector<128x4096xf32>
    %eq3A_660 = arith.cmpf oeq, %convert_element_type3A_659, %dot_general3A_631 : vector<128x4096xf32>
    %jit3A_661 = arith.constant -69.0775528 : f32
    %broadcast_in_dim3A_662 = vector.broadcast %jit3A_661 : f32 to vector<128x4096xf32>
    %select_n3A_663 = arith.select %eq3A_660, %dot_general3A_633, %broadcast_in_dim3A_662 : vector<128x4096xi1>, vector<128x4096xf32>
    %eq3A_664 = arith.constant 3.200000e+01 : f32
    %eq3A_665 = vector.broadcast %eq3A_664 : f32 to vector<128x4096xf32>
    %eq3A_666 = arith.cmpf oeq, %dot_general3A_631, %eq3A_665 : vector<128x4096xf32>
    %eq3A_667 = arith.constant 3.000000e+01 : f32
    %eq3A_668 = vector.broadcast %eq3A_667 : f32 to vector<128x4096xf32>
    %eq3A_669 = arith.cmpf oeq, %dot_general3A_631, %eq3A_668 : vector<128x4096xf32>
    %jit3A_670 = arith.constant -69.0775528 : f32
    %broadcast_in_dim3A_671 = vector.broadcast %jit3A_670 : f32 to vector<128x4096xf32>
    %select_n3A_672 = arith.select %eq3A_669, %dot_general3A_635, %broadcast_in_dim3A_671 : vector<128x4096xi1>, vector<128x4096xf32>
    %jit3A_673 = arith.constant 0.000000e+00 : f32
    %broadcast_in_dim3A_674 = vector.broadcast %jit3A_673 : f32 to vector<128x4096xf32>
    %select_n3A_675 = arith.select %eq3A_666, %broadcast_in_dim3A_674, %select_n3A_672 : vector<128x4096xi1>, vector<128x4096xf32>
    %eq3A_676 = arith.constant 3.100000e+01 : f32
    %eq3A_677 = vector.broadcast %eq3A_676 : f32 to vector<128x4096xf32>
    %eq3A_678 = arith.cmpf oeq, %convert_element_type3A_659, %eq3A_677 : vector<128x4096xf32>
    %select_n3A_679 = arith.select %eq3A_678, %select_n3A_675, %select_n3A_663 : vector<128x4096xi1>, vector<128x4096xf32>
    %slice3A = vector.extract_strided_slice %select_n3A_679 {offsets = [0, 0], sizes = [128, 32], strides = [1, 1]} : vector<128x4096xf32> to vector<128x32xf32>
    %swap3A = arith.constant 0 : index
    %swap3A_680 = arith.constant 0 : index
    %swap3A_681 = arith.constant 0 : index
    %swap3A_682 = vector.load %arg4[%swap3A, %swap3A_680, %swap3A_681] : memref<2x8192x32xf32, #tpu.memory_space<vmem>>, vector<1x128x32xf32>
    %swap3A_683 = vector.shape_cast %swap3A_682 : vector<1x128x32xf32> to vector<128x32xf32>
    %swap3A_684 = vector.shape_cast %slice3A : vector<128x32xf32> to vector<1x128x32xf32>
    tpu.vector_store %arg4[%swap3A, %swap3A_680, %swap3A_681], %swap3A_684 {strides = array<i32>} : memref<2x8192x32xf32, #tpu.memory_space<vmem>>, vector<1x128x32xf32>,
    %slice3A_685 = vector.extract_strided_slice %select_n3A_679 {offsets = [0, 32], sizes = [128, 32], strides = [1, 1]} : vector<128x4096xf32> to vector<128x32xf32>
    %swap3A_686 = arith.constant 0 : index
    %swap3A_687 = arith.constant 128 : index
    %swap3A_688 = arith.constant 0 : index
    %swap3A_689 = vector.load %arg4[%swap3A_686, %swap3A_687, %swap3A_688] : memref<2x8192x32xf32, #tpu.memory_space<vmem>>, vector<1x128x32xf32>
    %swap3A_690 = vector.shape_cast %swap3A_689 : vector<1x128x32xf32> to vector<128x32xf32>
    %swap3A_691 = vector.shape_cast %slice3A_685 : vector<128x32xf32> to vector<1x128x32xf32>
    tpu.vector_store %arg4[%swap3A_686, %swap3A_687, %swap3A_688], %swap3A_691 {strides = array<i32>} : memref<2x8192x32xf32, #tpu.memory_space<vmem>>, vector<1x128x32xf32>,
    %slice3A_692 = vector.extract_strided_slice %select_n3A_679 {offsets = [0, 64], sizes = [128, 32], strides = [1, 1]} : vector<128x4096xf32> to vector<128x32xf32>
    %swap3A_693 = arith.constant 0 : index
    %swap3A_694 = arith.constant 256 : index
    %swap3A_695 = arith.constant 0 : index
    %swap3A_696 = vector.load %arg4[%swap3A_693, %swap3A_694, %swap3A_695] : memref<2x8192x32xf32, #tpu.memory_space<vmem>>, vector<1x128x32xf32>
    %swap3A_697 = vector.shape_cast %swap3A_696 : vector<1x128x32xf32> to vector<128x32xf32>
    %swap3A_698 = vector.shape_cast %slice3A_692 : vector<128x32xf32> to vector<1x128x32xf32>
    tpu.vector_store %arg4[%swap3A_693, %swap3A_694, %swap3A_695], %swap3A_698 {strides = array<i32>} : memref<2x8192x32xf32, #tpu.memory_space<vmem>>, vector<1x128x32xf32>,
    %slice3A_699 = vector.extract_strided_slice %select_n3A_679 {offsets = [0, 96], sizes = [128, 32], strides = [1, 1]} : vector<128x4096xf32> to vector<128x32xf32>
    %swap3A_700 = arith.constant 0 : index
    %swap3A_701 = arith.constant 384 : index
    %swap3A_702 = arith.constant 0 : index
    %swap3A_703 = vector.load %arg4[%swap3A_700, %swap3A_701, %swap3A_702] : memref<2x8192x32xf32, #tpu.memory_space<vmem>>, vector<1x128x32xf32>
    %swap3A_704 = vector.shape_cast %swap3A_703 : vector<1x128x32xf32> to vector<128x32xf32>
    %swap3A_705 = vector.shape_cast %slice3A_699 : vector<128x32xf32> to vector<1x128x32xf32>
    tpu.vector_store %arg4[%swap3A_700, %swap3A_701, %swap3A_702], %swap3A_705 {strides = array<i32>} : memref<2x8192x32xf32, #tpu.memory_space<vmem>>, vector<1x128x32xf32>,
    %slice3A_706 = vector.extract_strided_slice %select_n3A_679 {offsets = [0, 128], sizes = [128, 32], strides = [1, 1]} : vector<128x4096xf32> to vector<128x32xf32>
    %swap3A_707 = arith.constant 0 : index
    %swap3A_708 = arith.constant 512 : index
    %swap3A_709 = arith.constant 0 : index
    %swap3A_710 = vector.load %arg4[%swap3A_707, %swap3A_708, %swap3A_709] : memref<2x8192x32xf32, #tpu.memory_space<vmem>>, vector<1x128x32xf32>
    %swap3A_711 = vector.shape_cast %swap3A_710 : vector<1x128x32xf32> to vector<128x32xf32>
    %swap3A_712 = vector.shape_cast %slice3A_706 : vector<128x32xf32> to vector<1x128x32xf32>
    tpu.vector_store %arg4[%swap3A_707, %swap3A_708, %swap3A_709], %swap3A_712 {strides = array<i32>} : memref<2x8192x32xf32, #tpu.memory_space<vmem>>, vector<1x128x32xf32>,
    %slice3A_713 = vector.extract_strided_slice %select_n3A_679 {offsets = [0, 160], sizes = [128, 32], strides = [1, 1]} : vector<128x4096xf32> to vector<128x32xf32>
    %swap3A_714 = arith.constant 0 : index
    %swap3A_715 = arith.constant 640 : index
    %swap3A_716 = arith.constant 0 : index
    %swap3A_717 = vector.load %arg4[%swap3A_714, %swap3A_715, %swap3A_716] : memref<2x8192x32xf32, #tpu.memory_space<vmem>>, vector<1x128x32xf32>
    %swap3A_718 = vector.shape_cast %swap3A_717 : vector<1x128x32xf32> to vector<128x32xf32>
    %swap3A_719 = vector.shape_cast %slice3A_713 : vector<128x32xf32> to vector<1x128x32xf32>
    tpu.vector_store %arg4[%swap3A_714, %swap3A_715, %swap3A_716], %swap3A_719 {strides = array<i32>} : memref<2x8192x32xf32, #tpu.memory_space<vmem>>, vector<1x128x32xf32>,
    %slice3A_720 = vector.extract_strided_slice %select_n3A_679 {offsets = [0, 192], sizes = [128, 32], strides = [1, 1]} : vector<128x4096xf32> to vector<128x32xf32>
    %swap3A_721 = arith.constant 0 : index
    %swap3A_722 = arith.constant 768 : index
    %swap3A_723 = arith.constant 0 : index
    %swap3A_724 = vector.load %arg4[%swap3A_721, %swap3A_722, %swap3A_723] : memref<2x8192x32xf32, #tpu.memory_space<vmem>>, vector<1x128x32xf32>
    %swap3A_725 = vector.shape_cast %swap3A_724 : vector<1x128x32xf32> to vector<128x32xf32>
    %swap3A_726 = vector.shape_cast %slice3A_720 : vector<128x32xf32> to vector<1x128x32xf32>
    tpu.vector_store %arg4[%swap3A_721, %swap3A_722, %swap3A_723], %swap3A_726 {strides = array<i32>} : memref<2x8192x32xf32, #tpu.memory_space<vmem>>, vector<1x128x32xf32>,
    %slice3A_727 = vector.extract_strided_slice %select_n3A_679 {offsets = [0, 224], sizes = [128, 32], strides = [1, 1]} : vector<128x4096xf32> to vector<128x32xf32>
    %swap3A_728 = arith.constant 0 : index
    %swap3A_729 = arith.constant 896 : index
    %swap3A_730 = arith.constant 0 : index
    %swap3A_731 = vector.load %arg4[%swap3A_728, %swap3A_729, %swap3A_730] : memref<2x8192x32xf32, #tpu.memory_space<vmem>>, vector<1x128x32xf32>
    %swap3A_732 = vector.shape_cast %swap3A_731 : vector<1x128x32xf32> to vector<128x32xf32>
    %swap3A_733 = vector.shape_cast %slice3A_727 : vector<128x32xf32> to vector<1x128x32xf32>
    tpu.vector_store %arg4[%swap3A_728, %swap3A_729, %swap3A_730], %swap3A_733 {strides = array<i32>} : memref<2x8192x32xf32, #tpu.memory_space<vmem>>, vector<1x128x32xf32>,
    %slice3A_734 = vector.extract_strided_slice %select_n3A_679 {offsets = [0, 256], sizes = [128, 32], strides = [1, 1]} : vector<128x4096xf32> to vector<128x32xf32>
    %swap3A_735 = arith.constant 0 : index
    %swap3A_736 = arith.constant 1024 : index
    %swap3A_737 = arith.constant 0 : index
    %swap3A_738 = vector.load %arg4[%swap3A_735, %swap3A_736, %swap3A_737] : memref<2x8192x32xf32, #tpu.memory_space<vmem>>, vector<1x128x32xf32>
    %swap3A_739 = vector.shape_cast %swap3A_738 : vector<1x128x32xf32> to vector<128x32xf32>
    %swap3A_740 = vector.shape_cast %slice3A_734 : vector<128x32xf32> to vector<1x128x32xf32>
    tpu.vector_store %arg4[%swap3A_735, %swap3A_736, %swap3A_737], %swap3A_740 {strides = array<i32>} : memref<2x8192x32xf32, #tpu.memory_space<vmem>>, vector<1x128x32xf32>,
    %slice3A_741 = vector.extract_strided_slice %select_n3A_679 {offsets = [0, 288], sizes = [128, 32], strides = [1, 1]} : vector<128x4096xf32> to vector<128x32xf32>
    %swap3A_742 = arith.constant 0 : index
    %swap3A_743 = arith.constant 1152 : index
    %swap3A_744 = arith.constant 0 : index
    %swap3A_745 = vector.load %arg4[%swap3A_742, %swap3A_743, %swap3A_744] : memref<2x8192x32xf32, #tpu.memory_space<vmem>>, vector<1x128x32xf32>
    %swap3A_746 = vector.shape_cast %swap3A_745 : vector<1x128x32xf32> to vector<128x32xf32>
    %swap3A_747 = vector.shape_cast %slice3A_741 : vector<128x32xf32> to vector<1x128x32xf32>
    tpu.vector_store %arg4[%swap3A_742, %swap3A_743, %swap3A_744], %swap3A_747 {strides = array<i32>} : memref<2x8192x32xf32, #tpu.memory_space<vmem>>, vector<1x128x32xf32>,
    %slice3A_748 = vector.extract_strided_slice %select_n3A_679 {offsets = [0, 320], sizes = [128, 32], strides = [1, 1]} : vector<128x4096xf32> to vector<128x32xf32>
    %swap3A_749 = arith.constant 0 : index
    %swap3A_750 = arith.constant 1280 : index
    %swap3A_751 = arith.constant 0 : index
    %swap3A_752 = vector.load %arg4[%swap3A_749, %swap3A_750, %swap3A_751] : memref<2x8192x32xf32, #tpu.memory_space<vmem>>, vector<1x128x32xf32>
    %swap3A_753 = vector.shape_cast %swap3A_752 : vector<1x128x32xf32> to vector<128x32xf32>
    %swap3A_754 = vector.shape_cast %slice3A_748 : vector<128x32xf32> to vector<1x128x32xf32>
    tpu.vector_store %arg4[%swap3A_749, %swap3A_750, %swap3A_751], %swap3A_754 {strides = array<i32>} : memref<2x8192x32xf32, #tpu.memory_space<vmem>>, vector<1x128x32xf32>,
    %slice3A_755 = vector.extract_strided_slice %select_n3A_679 {offsets = [0, 352], sizes = [128, 32], strides = [1, 1]} : vector<128x4096xf32> to vector<128x32xf32>
    %swap3A_756 = arith.constant 0 : index
    %swap3A_757 = arith.constant 1408 : index
    %swap3A_758 = arith.constant 0 : index
    %swap3A_759 = vector.load %arg4[%swap3A_756, %swap3A_757, %swap3A_758] : memref<2x8192x32xf32, #tpu.memory_space<vmem>>, vector<1x128x32xf32>
    %swap3A_760 = vector.shape_cast %swap3A_759 : vector<1x128x32xf32> to vector<128x32xf32>
    %swap3A_761 = vector.shape_cast %slice3A_755 : vector<128x32xf32> to vector<1x128x32xf32>
    tpu.vector_store %arg4[%swap3A_756, %swap3A_757, %swap3A_758], %swap3A_761 {strides = array<i32>} : memref<2x8192x32xf32, #tpu.memory_space<vmem>>, vector<1x128x32xf32>,
    %slice3A_762 = vector.extract_strided_slice %select_n3A_679 {offsets = [0, 384], sizes = [128, 32], strides = [1, 1]} : vector<128x4096xf32> to vector<128x32xf32>
    %swap3A_763 = arith.constant 0 : index
    %swap3A_764 = arith.constant 1536 : index
    %swap3A_765 = arith.constant 0 : index
    %swap3A_766 = vector.load %arg4[%swap3A_763, %swap3A_764, %swap3A_765] : memref<2x8192x32xf32, #tpu.memory_space<vmem>>, vector<1x128x32xf32>
    %swap3A_767 = vector.shape_cast %swap3A_766 : vector<1x128x32xf32> to vector<128x32xf32>
    %swap3A_768 = vector.shape_cast %slice3A_762 : vector<128x32xf32> to vector<1x128x32xf32>
    tpu.vector_store %arg4[%swap3A_763, %swap3A_764, %swap3A_765], %swap3A_768 {strides = array<i32>} : memref<2x8192x32xf32, #tpu.memory_space<vmem>>, vector<1x128x32xf32>,
    %slice3A_769 = vector.extract_strided_slice %select_n3A_679 {offsets = [0, 416], sizes = [128, 32], strides = [1, 1]} : vector<128x4096xf32> to vector<128x32xf32>
    %swap3A_770 = arith.constant 0 : index
    %swap3A_771 = arith.constant 1664 : index
    %swap3A_772 = arith.constant 0 : index
    %swap3A_773 = vector.load %arg4[%swap3A_770, %swap3A_771, %swap3A_772] : memref<2x8192x32xf32, #tpu.memory_space<vmem>>, vector<1x128x32xf32>
    %swap3A_774 = vector.shape_cast %swap3A_773 : vector<1x128x32xf32> to vector<128x32xf32>
    %swap3A_775 = vector.shape_cast %slice3A_769 : vector<128x32xf32> to vector<1x128x32xf32>
    tpu.vector_store %arg4[%swap3A_770, %swap3A_771, %swap3A_772], %swap3A_775 {strides = array<i32>} : memref<2x8192x32xf32, #tpu.memory_space<vmem>>, vector<1x128x32xf32>,
    %slice3A_776 = vector.extract_strided_slice %select_n3A_679 {offsets = [0, 448], sizes = [128, 32], strides = [1, 1]} : vector<128x4096xf32> to vector<128x32xf32>
    %swap3A_777 = arith.constant 0 : index
    %swap3A_778 = arith.constant 1792 : index
    %swap3A_779 = arith.constant 0 : index
    %swap3A_780 = vector.load %arg4[%swap3A_777, %swap3A_778, %swap3A_779] : memref<2x8192x32xf32, #tpu.memory_space<vmem>>, vector<1x128x32xf32>
    %swap3A_781 = vector.shape_cast %swap3A_780 : vector<1x128x32xf32> to vector<128x32xf32>
    %swap3A_782 = vector.shape_cast %slice3A_776 : vector<128x32xf32> to vector<1x128x32xf32>
    tpu.vector_store %arg4[%swap3A_777, %swap3A_778, %swap3A_779], %swap3A_782 {strides = array<i32>} : memref<2x8192x32xf32, #tpu.memory_space<vmem>>, vector<1x128x32xf32>,
    %slice3A_783 = vector.extract_strided_slice %select_n3A_679 {offsets = [0, 480], sizes = [128, 32], strides = [1, 1]} : vector<128x4096xf32> to vector<128x32xf32>
    %swap3A_784 = arith.constant 0 : index
    %swap3A_785 = arith.constant 1920 : index
    %swap3A_786 = arith.constant 0 : index
    %swap3A_787 = vector.load %arg4[%swap3A_784, %swap3A_785, %swap3A_786] : memref<2x8192x32xf32, #tpu.memory_space<vmem>>, vector<1x128x32xf32>
    %swap3A_788 = vector.shape_cast %swap3A_787 : vector<1x128x32xf32> to vector<128x32xf32>
    %swap3A_789 = vector.shape_cast %slice3A_783 : vector<128x32xf32> to vector<1x128x32xf32>
    tpu.vector_store %arg4[%swap3A_784, %swap3A_785, %swap3A_786], %swap3A_789 {strides = array<i32>} : memref<2x8192x32xf32, #tpu.memory_space<vmem>>, vector<1x128x32xf32>,
    %slice3A_790 = vector.extract_strided_slice %select_n3A_679 {offsets = [0, 512], sizes = [128, 32], strides = [1, 1]} : vector<128x4096xf32> to vector<128x32xf32>
    %swap3A_791 = arith.constant 0 : index
    %swap3A_792 = arith.constant 2048 : index
    %swap3A_793 = arith.constant 0 : index
    %swap3A_794 = vector.load %arg4[%swap3A_791, %swap3A_792, %swap3A_793] : memref<2x8192x32xf32, #tpu.memory_space<vmem>>, vector<1x128x32xf32>
    %swap3A_795 = vector.shape_cast %swap3A_794 : vector<1x128x32xf32> to vector<128x32xf32>
    %swap3A_796 = vector.shape_cast %slice3A_790 : vector<128x32xf32> to vector<1x128x32xf32>
    tpu.vector_store %arg4[%swap3A_791, %swap3A_792, %swap3A_793], %swap3A_796 {strides = array<i32>} : memref<2x8192x32xf32, #tpu.memory_space<vmem>>, vector<1x128x32xf32>,
    %slice3A_797 = vector.extract_strided_slice %select_n3A_679 {offsets = [0, 544], sizes = [128, 32], strides = [1, 1]} : vector<128x4096xf32> to vector<128x32xf32>
    %swap3A_798 = arith.constant 0 : index
    %swap3A_799 = arith.constant 2176 : index
    %swap3A_800 = arith.constant 0 : index
    %swap3A_801 = vector.load %arg4[%swap3A_798, %swap3A_799, %swap3A_800] : memref<2x8192x32xf32, #tpu.memory_space<vmem>>, vector<1x128x32xf32>
    %swap3A_802 = vector.shape_cast %swap3A_801 : vector<1x128x32xf32> to vector<128x32xf32>
    %swap3A_803 = vector.shape_cast %slice3A_797 : vector<128x32xf32> to vector<1x128x32xf32>
    tpu.vector_store %arg4[%swap3A_798, %swap3A_799, %swap3A_800], %swap3A_803 {strides = array<i32>} : memref<2x8192x32xf32, #tpu.memory_space<vmem>>, vector<1x128x32xf32>,
    %slice3A_804 = vector.extract_strided_slice %select_n3A_679 {offsets = [0, 576], sizes = [128, 32], strides = [1, 1]} : vector<128x4096xf32> to vector<128x32xf32>
    %swap3A_805 = arith.constant 0 : index
    %swap3A_806 = arith.constant 2304 : index
    %swap3A_807 = arith.constant 0 : index
    %swap3A_808 = vector.load %arg4[%swap3A_805, %swap3A_806, %swap3A_807] : memref<2x8192x32xf32, #tpu.memory_space<vmem>>, vector<1x128x32xf32>
    %swap3A_809 = vector.shape_cast %swap3A_808 : vector<1x128x32xf32> to vector<128x32xf32>
    %swap3A_810 = vector.shape_cast %slice3A_804 : vector<128x32xf32> to vector<1x128x32xf32>
    tpu.vector_store %arg4[%swap3A_805, %swap3A_806, %swap3A_807], %swap3A_810 {strides = array<i32>} : memref<2x8192x32xf32, #tpu.memory_space<vmem>>, vector<1x128x32xf32>,
    %slice3A_811 = vector.extract_strided_slice %select_n3A_679 {offsets = [0, 608], sizes = [128, 32], strides = [1, 1]} : vector<128x4096xf32> to vector<128x32xf32>
    %swap3A_812 = arith.constant 0 : index
    %swap3A_813 = arith.constant 2432 : index
    %swap3A_814 = arith.constant 0 : index
    %swap3A_815 = vector.load %arg4[%swap3A_812, %swap3A_813, %swap3A_814] : memref<2x8192x32xf32, #tpu.memory_space<vmem>>, vector<1x128x32xf32>
    %swap3A_816 = vector.shape_cast %swap3A_815 : vector<1x128x32xf32> to vector<128x32xf32>
    %swap3A_817 = vector.shape_cast %slice3A_811 : vector<128x32xf32> to vector<1x128x32xf32>
    tpu.vector_store %arg4[%swap3A_812, %swap3A_813, %swap3A_814], %swap3A_817 {strides = array<i32>} : memref<2x8192x32xf32, #tpu.memory_space<vmem>>, vector<1x128x32xf32>,
    %slice3A_818 = vector.extract_strided_slice %select_n3A_679 {offsets = [0, 640], sizes = [128, 32], strides = [1, 1]} : vector<128x4096xf32> to vector<128x32xf32>
    %swap3A_819 = arith.constant 0 : index
    %swap3A_820 = arith.constant 2560 : index
    %swap3A_821 = arith.constant 0 : index
    %swap3A_822 = vector.load %arg4[%swap3A_819, %swap3A_820, %swap3A_821] : memref<2x8192x32xf32, #tpu.memory_space<vmem>>, vector<1x128x32xf32>
    %swap3A_823 = vector.shape_cast %swap3A_822 : vector<1x128x32xf32> to vector<128x32xf32>
    %swap3A_824 = vector.shape_cast %slice3A_818 : vector<128x32xf32> to vector<1x128x32xf32>
    tpu.vector_store %arg4[%swap3A_819, %swap3A_820, %swap3A_821], %swap3A_824 {strides = array<i32>} : memref<2x8192x32xf32, #tpu.memory_space<vmem>>, vector<1x128x32xf32>,
    %slice3A_825 = vector.extract_strided_slice %select_n3A_679 {offsets = [0, 672], sizes = [128, 32], strides = [1, 1]} : vector<128x4096xf32> to vector<128x32xf32>
    %swap3A_826 = arith.constant 0 : index
    %swap3A_827 = arith.constant 2688 : index
    %swap3A_828 = arith.constant 0 : index
    %swap3A_829 = vector.load %arg4[%swap3A_826, %swap3A_827, %swap3A_828] : memref<2x8192x32xf32, #tpu.memory_space<vmem>>, vector<1x128x32xf32>
    %swap3A_830 = vector.shape_cast %swap3A_829 : vector<1x128x32xf32> to vector<128x32xf32>
    %swap3A_831 = vector.shape_cast %slice3A_825 : vector<128x32xf32> to vector<1x128x32xf32>
    tpu.vector_store %arg4[%swap3A_826, %swap3A_827, %swap3A_828], %swap3A_831 {strides = array<i32>} : memref<2x8192x32xf32, #tpu.memory_space<vmem>>, vector<1x128x32xf32>,
    %slice3A_832 = vector.extract_strided_slice %select_n3A_679 {offsets = [0, 704], sizes = [128, 32], strides = [1, 1]} : vector<128x4096xf32> to vector<128x32xf32>
    %swap3A_833 = arith.constant 0 : index
    %swap3A_834 = arith.constant 2816 : index
    %swap3A_835 = arith.constant 0 : index
    %swap3A_836 = vector.load %arg4[%swap3A_833, %swap3A_834, %swap3A_835] : memref<2x8192x32xf32, #tpu.memory_space<vmem>>, vector<1x128x32xf32>
    %swap3A_837 = vector.shape_cast %swap3A_836 : vector<1x128x32xf32> to vector<128x32xf32>
    %swap3A_838 = vector.shape_cast %slice3A_832 : vector<128x32xf32> to vector<1x128x32xf32>
    tpu.vector_store %arg4[%swap3A_833, %swap3A_834, %swap3A_835], %swap3A_838 {strides = array<i32>} : memref<2x8192x32xf32, #tpu.memory_space<vmem>>, vector<1x128x32xf32>,
    %slice3A_839 = vector.extract_strided_slice %select_n3A_679 {offsets = [0, 736], sizes = [128, 32], strides = [1, 1]} : vector<128x4096xf32> to vector<128x32xf32>
    %swap3A_840 = arith.constant 0 : index
    %swap3A_841 = arith.constant 2944 : index
    %swap3A_842 = arith.constant 0 : index
    %swap3A_843 = vector.load %arg4[%swap3A_840, %swap3A_841, %swap3A_842] : memref<2x8192x32xf32, #tpu.memory_space<vmem>>, vector<1x128x32xf32>
    %swap3A_844 = vector.shape_cast %swap3A_843 : vector<1x128x32xf32> to vector<128x32xf32>
    %swap3A_845 = vector.shape_cast %slice3A_839 : vector<128x32xf32> to vector<1x128x32xf32>
    tpu.vector_store %arg4[%swap3A_840, %swap3A_841, %swap3A_842], %swap3A_845 {strides = array<i32>} : memref<2x8192x32xf32, #tpu.memory_space<vmem>>, vector<1x128x32xf32>,
    %slice3A_846 = vector.extract_strided_slice %select_n3A_679 {offsets = [0, 768], sizes = [128, 32], strides = [1, 1]} : vector<128x4096xf32> to vector<128x32xf32>
    %swap3A_847 = arith.constant 0 : index
    %swap3A_848 = arith.constant 3072 : index
    %swap3A_849 = arith.constant 0 : index
    %swap3A_850 = vector.load %arg4[%swap3A_847, %swap3A_848, %swap3A_849] : memref<2x8192x32xf32, #tpu.memory_space<vmem>>, vector<1x128x32xf32>
    %swap3A_851 = vector.shape_cast %swap3A_850 : vector<1x128x32xf32> to vector<128x32xf32>
    %swap3A_852 = vector.shape_cast %slice3A_846 : vector<128x32xf32> to vector<1x128x32xf32>
    tpu.vector_store %arg4[%swap3A_847, %swap3A_848, %swap3A_849], %swap3A_852 {strides = array<i32>} : memref<2x8192x32xf32, #tpu.memory_space<vmem>>, vector<1x128x32xf32>,
    %slice3A_853 = vector.extract_strided_slice %select_n3A_679 {offsets = [0, 800], sizes = [128, 32], strides = [1, 1]} : vector<128x4096xf32> to vector<128x32xf32>
    %swap3A_854 = arith.constant 0 : index
    %swap3A_855 = arith.constant 3200 : index
    %swap3A_856 = arith.constant 0 : index
    %swap3A_857 = vector.load %arg4[%swap3A_854, %swap3A_855, %swap3A_856] : memref<2x8192x32xf32, #tpu.memory_space<vmem>>, vector<1x128x32xf32>
    %swap3A_858 = vector.shape_cast %swap3A_857 : vector<1x128x32xf32> to vector<128x32xf32>
    %swap3A_859 = vector.shape_cast %slice3A_853 : vector<128x32xf32> to vector<1x128x32xf32>
    tpu.vector_store %arg4[%swap3A_854, %swap3A_855, %swap3A_856], %swap3A_859 {strides = array<i32>} : memref<2x8192x32xf32, #tpu.memory_space<vmem>>, vector<1x128x32xf32>,
    %slice3A_860 = vector.extract_strided_slice %select_n3A_679 {offsets = [0, 832], sizes = [128, 32], strides = [1, 1]} : vector<128x4096xf32> to vector<128x32xf32>
    %swap3A_861 = arith.constant 0 : index
    %swap3A_862 = arith.constant 3328 : index
    %swap3A_863 = arith.constant 0 : index
    %swap3A_864 = vector.load %arg4[%swap3A_861, %swap3A_862, %swap3A_863] : memref<2x8192x32xf32, #tpu.memory_space<vmem>>, vector<1x128x32xf32>
    %swap3A_865 = vector.shape_cast %swap3A_864 : vector<1x128x32xf32> to vector<128x32xf32>
    %swap3A_866 = vector.shape_cast %slice3A_860 : vector<128x32xf32> to vector<1x128x32xf32>
    tpu.vector_store %arg4[%swap3A_861, %swap3A_862, %swap3A_863], %swap3A_866 {strides = array<i32>} : memref<2x8192x32xf32, #tpu.memory_space<vmem>>, vector<1x128x32xf32>,
    %slice3A_867 = vector.extract_strided_slice %select_n3A_679 {offsets = [0, 864], sizes = [128, 32], strides = [1, 1]} : vector<128x4096xf32> to vector<128x32xf32>
    %swap3A_868 = arith.constant 0 : index
    %swap3A_869 = arith.constant 3456 : index
    %swap3A_870 = arith.constant 0 : index
    %swap3A_871 = vector.load %arg4[%swap3A_868, %swap3A_869, %swap3A_870] : memref<2x8192x32xf32, #tpu.memory_space<vmem>>, vector<1x128x32xf32>
    %swap3A_872 = vector.shape_cast %swap3A_871 : vector<1x128x32xf32> to vector<128x32xf32>
    %swap3A_873 = vector.shape_cast %slice3A_867 : vector<128x32xf32> to vector<1x128x32xf32>
    tpu.vector_store %arg4[%swap3A_868, %swap3A_869, %swap3A_870], %swap3A_873 {strides = array<i32>} : memref<2x8192x32xf32, #tpu.memory_space<vmem>>, vector<1x128x32xf32>,
    %slice3A_874 = vector.extract_strided_slice %select_n3A_679 {offsets = [0, 896], sizes = [128, 32], strides = [1, 1]} : vector<128x4096xf32> to vector<128x32xf32>
    %swap3A_875 = arith.constant 0 : index
    %swap3A_876 = arith.constant 3584 : index
    %swap3A_877 = arith.constant 0 : index
    %swap3A_878 = vector.load %arg4[%swap3A_875, %swap3A_876, %swap3A_877] : memref<2x8192x32xf32, #tpu.memory_space<vmem>>, vector<1x128x32xf32>
    %swap3A_879 = vector.shape_cast %swap3A_878 : vector<1x128x32xf32> to vector<128x32xf32>
    %swap3A_880 = vector.shape_cast %slice3A_874 : vector<128x32xf32> to vector<1x128x32xf32>
    tpu.vector_store %arg4[%swap3A_875, %swap3A_876, %swap3A_877], %swap3A_880 {strides = array<i32>} : memref<2x8192x32xf32, #tpu.memory_space<vmem>>, vector<1x128x32xf32>,
    %slice3A_881 = vector.extract_strided_slice %select_n3A_679 {offsets = [0, 928], sizes = [128, 32], strides = [1, 1]} : vector<128x4096xf32> to vector<128x32xf32>
    %swap3A_882 = arith.constant 0 : index
    %swap3A_883 = arith.constant 3712 : index
    %swap3A_884 = arith.constant 0 : index
    %swap3A_885 = vector.load %arg4[%swap3A_882, %swap3A_883, %swap3A_884] : memref<2x8192x32xf32, #tpu.memory_space<vmem>>, vector<1x128x32xf32>
    %swap3A_886 = vector.shape_cast %swap3A_885 : vector<1x128x32xf32> to vector<128x32xf32>
    %swap3A_887 = vector.shape_cast %slice3A_881 : vector<128x32xf32> to vector<1x128x32xf32>
    tpu.vector_store %arg4[%swap3A_882, %swap3A_883, %swap3A_884], %swap3A_887 {strides = array<i32>} : memref<2x8192x32xf32, #tpu.memory_space<vmem>>, vector<1x128x32xf32>,
    %slice3A_888 = vector.extract_strided_slice %select_n3A_679 {offsets = [0, 960], sizes = [128, 32], strides = [1, 1]} : vector<128x4096xf32> to vector<128x32xf32>
    %swap3A_889 = arith.constant 0 : index
    %swap3A_890 = arith.constant 3840 : index
    %swap3A_891 = arith.constant 0 : index
    %swap3A_892 = vector.load %arg4[%swap3A_889, %swap3A_890, %swap3A_891] : memref<2x8192x32xf32, #tpu.memory_space<vmem>>, vector<1x128x32xf32>
    %swap3A_893 = vector.shape_cast %swap3A_892 : vector<1x128x32xf32> to vector<128x32xf32>
    %swap3A_894 = vector.shape_cast %slice3A_888 : vector<128x32xf32> to vector<1x128x32xf32>
    tpu.vector_store %arg4[%swap3A_889, %swap3A_890, %swap3A_891], %swap3A_894 {strides = array<i32>} : memref<2x8192x32xf32, #tpu.memory_space<vmem>>, vector<1x128x32xf32>,
    %slice3A_895 = vector.extract_strided_slice %select_n3A_679 {offsets = [0, 992], sizes = [128, 32], strides = [1, 1]} : vector<128x4096xf32> to vector<128x32xf32>
    %swap3A_896 = arith.constant 0 : index
    %swap3A_897 = arith.constant 3968 : index
    %swap3A_898 = arith.constant 0 : index
    %swap3A_899 = vector.load %arg4[%swap3A_896, %swap3A_897, %swap3A_898] : memref<2x8192x32xf32, #tpu.memory_space<vmem>>, vector<1x128x32xf32>
    %swap3A_900 = vector.shape_cast %swap3A_899 : vector<1x128x32xf32> to vector<128x32xf32>
    %swap3A_901 = vector.shape_cast %slice3A_895 : vector<128x32xf32> to vector<1x128x32xf32>
    tpu.vector_store %arg4[%swap3A_896, %swap3A_897, %swap3A_898], %swap3A_901 {strides = array<i32>} : memref<2x8192x32xf32, #tpu.memory_space<vmem>>, vector<1x128x32xf32>,
    %slice3A_902 = vector.extract_strided_slice %select_n3A_679 {offsets = [0, 1024], sizes = [128, 32], strides = [1, 1]} : vector<128x4096xf32> to vector<128x32xf32>
    %swap3A_903 = arith.constant 0 : index
    %swap3A_904 = arith.constant 4096 : index
    %swap3A_905 = arith.constant 0 : index
    %swap3A_906 = vector.load %arg4[%swap3A_903, %swap3A_904, %swap3A_905] : memref<2x8192x32xf32, #tpu.memory_space<vmem>>, vector<1x128x32xf32>
    %swap3A_907 = vector.shape_cast %swap3A_906 : vector<1x128x32xf32> to vector<128x32xf32>
    %swap3A_908 = vector.shape_cast %slice3A_902 : vector<128x32xf32> to vector<1x128x32xf32>
    tpu.vector_store %arg4[%swap3A_903, %swap3A_904, %swap3A_905], %swap3A_908 {strides = array<i32>} : memref<2x8192x32xf32, #tpu.memory_space<vmem>>, vector<1x128x32xf32>,
    %slice3A_909 = vector.extract_strided_slice %select_n3A_679 {offsets = [0, 1056], sizes = [128, 32], strides = [1, 1]} : vector<128x4096xf32> to vector<128x32xf32>
    %swap3A_910 = arith.constant 0 : index
    %swap3A_911 = arith.constant 4224 : index
    %swap3A_912 = arith.constant 0 : index
    %swap3A_913 = vector.load %arg4[%swap3A_910, %swap3A_911, %swap3A_912] : memref<2x8192x32xf32, #tpu.memory_space<vmem>>, vector<1x128x32xf32>
    %swap3A_914 = vector.shape_cast %swap3A_913 : vector<1x128x32xf32> to vector<128x32xf32>
    %swap3A_915 = vector.shape_cast %slice3A_909 : vector<128x32xf32> to vector<1x128x32xf32>
    tpu.vector_store %arg4[%swap3A_910, %swap3A_911, %swap3A_912], %swap3A_915 {strides = array<i32>} : memref<2x8192x32xf32, #tpu.memory_space<vmem>>, vector<1x128x32xf32>,
    %slice3A_916 = vector.extract_strided_slice %select_n3A_679 {offsets = [0, 1088], sizes = [128, 32], strides = [1, 1]} : vector<128x4096xf32> to vector<128x32xf32>
    %swap3A_917 = arith.constant 0 : index
    %swap3A_918 = arith.constant 4352 : index
    %swap3A_919 = arith.constant 0 : index
    %swap3A_920 = vector.load %arg4[%swap3A_917, %swap3A_918, %swap3A_919] : memref<2x8192x32xf32, #tpu.memory_space<vmem>>, vector<1x128x32xf32>
    %swap3A_921 = vector.shape_cast %swap3A_920 : vector<1x128x32xf32> to vector<128x32xf32>
    %swap3A_922 = vector.shape_cast %slice3A_916 : vector<128x32xf32> to vector<1x128x32xf32>
    tpu.vector_store %arg4[%swap3A_917, %swap3A_918, %swap3A_919], %swap3A_922 {strides = array<i32>} : memref<2x8192x32xf32, #tpu.memory_space<vmem>>, vector<1x128x32xf32>,
    %slice3A_923 = vector.extract_strided_slice %select_n3A_679 {offsets = [0, 1120], sizes = [128, 32], strides = [1, 1]} : vector<128x4096xf32> to vector<128x32xf32>
    %swap3A_924 = arith.constant 0 : index
    %swap3A_925 = arith.constant 4480 : index
    %swap3A_926 = arith.constant 0 : index
    %swap3A_927 = vector.load %arg4[%swap3A_924, %swap3A_925, %swap3A_926] : memref<2x8192x32xf32, #tpu.memory_space<vmem>>, vector<1x128x32xf32>
    %swap3A_928 = vector.shape_cast %swap3A_927 : vector<1x128x32xf32> to vector<128x32xf32>
    %swap3A_929 = vector.shape_cast %slice3A_923 : vector<128x32xf32> to vector<1x128x32xf32>
    tpu.vector_store %arg4[%swap3A_924, %swap3A_925, %swap3A_926], %swap3A_929 {strides = array<i32>} : memref<2x8192x32xf32, #tpu.memory_space<vmem>>, vector<1x128x32xf32>,
    %slice3A_930 = vector.extract_strided_slice %select_n3A_679 {offsets = [0, 1152], sizes = [128, 32], strides = [1, 1]} : vector<128x4096xf32> to vector<128x32xf32>
    %swap3A_931 = arith.constant 0 : index
    %swap3A_932 = arith.constant 4608 : index
    %swap3A_933 = arith.constant 0 : index
    %swap3A_934 = vector.load %arg4[%swap3A_931, %swap3A_932, %swap3A_933] : memref<2x8192x32xf32, #tpu.memory_space<vmem>>, vector<1x128x32xf32>
    %swap3A_935 = vector.shape_cast %swap3A_934 : vector<1x128x32xf32> to vector<128x32xf32>
    %swap3A_936 = vector.shape_cast %slice3A_930 : vector<128x32xf32> to vector<1x128x32xf32>
    tpu.vector_store %arg4[%swap3A_931, %swap3A_932, %swap3A_933], %swap3A_936 {strides = array<i32>} : memref<2x8192x32xf32, #tpu.memory_space<vmem>>, vector<1x128x32xf32>,
    %slice3A_937 = vector.extract_strided_slice %select_n3A_679 {offsets = [0, 1184], sizes = [128, 32], strides = [1, 1]} : vector<128x4096xf32> to vector<128x32xf32>
    %swap3A_938 = arith.constant 0 : index
    %swap3A_939 = arith.constant 4736 : index
    %swap3A_940 = arith.constant 0 : index
    %swap3A_941 = vector.load %arg4[%swap3A_938, %swap3A_939, %swap3A_940] : memref<2x8192x32xf32, #tpu.memory_space<vmem>>, vector<1x128x32xf32>
    %swap3A_942 = vector.shape_cast %swap3A_941 : vector<1x128x32xf32> to vector<128x32xf32>
    %swap3A_943 = vector.shape_cast %slice3A_937 : vector<128x32xf32> to vector<1x128x32xf32>
    tpu.vector_store %arg4[%swap3A_938, %swap3A_939, %swap3A_940], %swap3A_943 {strides = array<i32>} : memref<2x8192x32xf32, #tpu.memory_space<vmem>>, vector<1x128x32xf32>,
    %slice3A_944 = vector.extract_strided_slice %select_n3A_679 {offsets = [0, 1216], sizes = [128, 32], strides = [1, 1]} : vector<128x4096xf32> to vector<128x32xf32>
    %swap3A_945 = arith.constant 0 : index
    %swap3A_946 = arith.constant 4864 : index
    %swap3A_947 = arith.constant 0 : index
    %swap3A_948 = vector.load %arg4[%swap3A_945, %swap3A_946, %swap3A_947] : memref<2x8192x32xf32, #tpu.memory_space<vmem>>, vector<1x128x32xf32>
    %swap3A_949 = vector.shape_cast %swap3A_948 : vector<1x128x32xf32> to vector<128x32xf32>
    %swap3A_950 = vector.shape_cast %slice3A_944 : vector<128x32xf32> to vector<1x128x32xf32>
    tpu.vector_store %arg4[%swap3A_945, %swap3A_946, %swap3A_947], %swap3A_950 {strides = array<i32>} : memref<2x8192x32xf32, #tpu.memory_space<vmem>>, vector<1x128x32xf32>,
    %slice3A_951 = vector.extract_strided_slice %select_n3A_679 {offsets = [0, 1248], sizes = [128, 32], strides = [1, 1]} : vector<128x4096xf32> to vector<128x32xf32>
    %swap3A_952 = arith.constant 0 : index
    %swap3A_953 = arith.constant 4992 : index
    %swap3A_954 = arith.constant 0 : index
    %swap3A_955 = vector.load %arg4[%swap3A_952, %swap3A_953, %swap3A_954] : memref<2x8192x32xf32, #tpu.memory_space<vmem>>, vector<1x128x32xf32>
    %swap3A_956 = vector.shape_cast %swap3A_955 : vector<1x128x32xf32> to vector<128x32xf32>
    %swap3A_957 = vector.shape_cast %slice3A_951 : vector<128x32xf32> to vector<1x128x32xf32>
    tpu.vector_store %arg4[%swap3A_952, %swap3A_953, %swap3A_954], %swap3A_957 {strides = array<i32>} : memref<2x8192x32xf32, #tpu.memory_space<vmem>>, vector<1x128x32xf32>,
    %slice3A_958 = vector.extract_strided_slice %select_n3A_679 {offsets = [0, 1280], sizes = [128, 32], strides = [1, 1]} : vector<128x4096xf32> to vector<128x32xf32>
    %swap3A_959 = arith.constant 0 : index
    %swap3A_960 = arith.constant 5120 : index
    %swap3A_961 = arith.constant 0 : index
    %swap3A_962 = vector.load %arg4[%swap3A_959, %swap3A_960, %swap3A_961] : memref<2x8192x32xf32, #tpu.memory_space<vmem>>, vector<1x128x32xf32>
    %swap3A_963 = vector.shape_cast %swap3A_962 : vector<1x128x32xf32> to vector<128x32xf32>
    %swap3A_964 = vector.shape_cast %slice3A_958 : vector<128x32xf32> to vector<1x128x32xf32>
    tpu.vector_store %arg4[%swap3A_959, %swap3A_960, %swap3A_961], %swap3A_964 {strides = array<i32>} : memref<2x8192x32xf32, #tpu.memory_space<vmem>>, vector<1x128x32xf32>,
    %slice3A_965 = vector.extract_strided_slice %select_n3A_679 {offsets = [0, 1312], sizes = [128, 32], strides = [1, 1]} : vector<128x4096xf32> to vector<128x32xf32>
    %swap3A_966 = arith.constant 0 : index
    %swap3A_967 = arith.constant 5248 : index
    %swap3A_968 = arith.constant 0 : index
    %swap3A_969 = vector.load %arg4[%swap3A_966, %swap3A_967, %swap3A_968] : memref<2x8192x32xf32, #tpu.memory_space<vmem>>, vector<1x128x32xf32>
    %swap3A_970 = vector.shape_cast %swap3A_969 : vector<1x128x32xf32> to vector<128x32xf32>
    %swap3A_971 = vector.shape_cast %slice3A_965 : vector<128x32xf32> to vector<1x128x32xf32>
    tpu.vector_store %arg4[%swap3A_966, %swap3A_967, %swap3A_968], %swap3A_971 {strides = array<i32>} : memref<2x8192x32xf32, #tpu.memory_space<vmem>>, vector<1x128x32xf32>,
    %slice3A_972 = vector.extract_strided_slice %select_n3A_679 {offsets = [0, 1344], sizes = [128, 32], strides = [1, 1]} : vector<128x4096xf32> to vector<128x32xf32>
    %swap3A_973 = arith.constant 0 : index
    %swap3A_974 = arith.constant 5376 : index
    %swap3A_975 = arith.constant 0 : index
    %swap3A_976 = vector.load %arg4[%swap3A_973, %swap3A_974, %swap3A_975] : memref<2x8192x32xf32, #tpu.memory_space<vmem>>, vector<1x128x32xf32>
    %swap3A_977 = vector.shape_cast %swap3A_976 : vector<1x128x32xf32> to vector<128x32xf32>
    %swap3A_978 = vector.shape_cast %slice3A_972 : vector<128x32xf32> to vector<1x128x32xf32>
    tpu.vector_store %arg4[%swap3A_973, %swap3A_974, %swap3A_975], %swap3A_978 {strides = array<i32>} : memref<2x8192x32xf32, #tpu.memory_space<vmem>>, vector<1x128x32xf32>,
    %slice3A_979 = vector.extract_strided_slice %select_n3A_679 {offsets = [0, 1376], sizes = [128, 32], strides = [1, 1]} : vector<128x4096xf32> to vector<128x32xf32>
    %swap3A_980 = arith.constant 0 : index
    %swap3A_981 = arith.constant 5504 : index
    %swap3A_982 = arith.constant 0 : index
    %swap3A_983 = vector.load %arg4[%swap3A_980, %swap3A_981, %swap3A_982] : memref<2x8192x32xf32, #tpu.memory_space<vmem>>, vector<1x128x32xf32>
    %swap3A_984 = vector.shape_cast %swap3A_983 : vector<1x128x32xf32> to vector<128x32xf32>
    %swap3A_985 = vector.shape_cast %slice3A_979 : vector<128x32xf32> to vector<1x128x32xf32>
    tpu.vector_store %arg4[%swap3A_980, %swap3A_981, %swap3A_982], %swap3A_985 {strides = array<i32>} : memref<2x8192x32xf32, #tpu.memory_space<vmem>>, vector<1x128x32xf32>,
    %slice3A_986 = vector.extract_strided_slice %select_n3A_679 {offsets = [0, 1408], sizes = [128, 32], strides = [1, 1]} : vector<128x4096xf32> to vector<128x32xf32>
    %swap3A_987 = arith.constant 0 : index
    %swap3A_988 = arith.constant 5632 : index
    %swap3A_989 = arith.constant 0 : index
    %swap3A_990 = vector.load %arg4[%swap3A_987, %swap3A_988, %swap3A_989] : memref<2x8192x32xf32, #tpu.memory_space<vmem>>, vector<1x128x32xf32>
    %swap3A_991 = vector.shape_cast %swap3A_990 : vector<1x128x32xf32> to vector<128x32xf32>
    %swap3A_992 = vector.shape_cast %slice3A_986 : vector<128x32xf32> to vector<1x128x32xf32>
    tpu.vector_store %arg4[%swap3A_987, %swap3A_988, %swap3A_989], %swap3A_992 {strides = array<i32>} : memref<2x8192x32xf32, #tpu.memory_space<vmem>>, vector<1x128x32xf32>,
    %slice3A_993 = vector.extract_strided_slice %select_n3A_679 {offsets = [0, 1440], sizes = [128, 32], strides = [1, 1]} : vector<128x4096xf32> to vector<128x32xf32>
    %swap3A_994 = arith.constant 0 : index
    %swap3A_995 = arith.constant 5760 : index
    %swap3A_996 = arith.constant 0 : index
    %swap3A_997 = vector.load %arg4[%swap3A_994, %swap3A_995, %swap3A_996] : memref<2x8192x32xf32, #tpu.memory_space<vmem>>, vector<1x128x32xf32>
    %swap3A_998 = vector.shape_cast %swap3A_997 : vector<1x128x32xf32> to vector<128x32xf32>
    %swap3A_999 = vector.shape_cast %slice3A_993 : vector<128x32xf32> to vector<1x128x32xf32>
    tpu.vector_store %arg4[%swap3A_994, %swap3A_995, %swap3A_996], %swap3A_999 {strides = array<i32>} : memref<2x8192x32xf32, #tpu.memory_space<vmem>>, vector<1x128x32xf32>,
    %slice3A_1000 = vector.extract_strided_slice %select_n3A_679 {offsets = [0, 1472], sizes = [128, 32], strides = [1, 1]} : vector<128x4096xf32> to vector<128x32xf32>
    %swap3A_1001 = arith.constant 0 : index
    %swap3A_1002 = arith.constant 5888 : index
    %swap3A_1003 = arith.constant 0 : index
    %swap3A_1004 = vector.load %arg4[%swap3A_1001, %swap3A_1002, %swap3A_1003] : memref<2x8192x32xf32, #tpu.memory_space<vmem>>, vector<1x128x32xf32>
    %swap3A_1005 = vector.shape_cast %swap3A_1004 : vector<1x128x32xf32> to vector<128x32xf32>
    %swap3A_1006 = vector.shape_cast %slice3A_1000 : vector<128x32xf32> to vector<1x128x32xf32>
    tpu.vector_store %arg4[%swap3A_1001, %swap3A_1002, %swap3A_1003], %swap3A_1006 {strides = array<i32>} : memref<2x8192x32xf32, #tpu.memory_space<vmem>>, vector<1x128x32xf32>,
    %slice3A_1007 = vector.extract_strided_slice %select_n3A_679 {offsets = [0, 1504], sizes = [128, 32], strides = [1, 1]} : vector<128x4096xf32> to vector<128x32xf32>
    %swap3A_1008 = arith.constant 0 : index
    %swap3A_1009 = arith.constant 6016 : index
    %swap3A_1010 = arith.constant 0 : index
    %swap3A_1011 = vector.load %arg4[%swap3A_1008, %swap3A_1009, %swap3A_1010] : memref<2x8192x32xf32, #tpu.memory_space<vmem>>, vector<1x128x32xf32>
    %swap3A_1012 = vector.shape_cast %swap3A_1011 : vector<1x128x32xf32> to vector<128x32xf32>
    %swap3A_1013 = vector.shape_cast %slice3A_1007 : vector<128x32xf32> to vector<1x128x32xf32>
    tpu.vector_store %arg4[%swap3A_1008, %swap3A_1009, %swap3A_1010], %swap3A_1013 {strides = array<i32>} : memref<2x8192x32xf32, #tpu.memory_space<vmem>>, vector<1x128x32xf32>,
    %slice3A_1014 = vector.extract_strided_slice %select_n3A_679 {offsets = [0, 1536], sizes = [128, 32], strides = [1, 1]} : vector<128x4096xf32> to vector<128x32xf32>
    %swap3A_1015 = arith.constant 0 : index
    %swap3A_1016 = arith.constant 6144 : index
    %swap3A_1017 = arith.constant 0 : index
    %swap3A_1018 = vector.load %arg4[%swap3A_1015, %swap3A_1016, %swap3A_1017] : memref<2x8192x32xf32, #tpu.memory_space<vmem>>, vector<1x128x32xf32>
    %swap3A_1019 = vector.shape_cast %swap3A_1018 : vector<1x128x32xf32> to vector<128x32xf32>
    %swap3A_1020 = vector.shape_cast %slice3A_1014 : vector<128x32xf32> to vector<1x128x32xf32>
    tpu.vector_store %arg4[%swap3A_1015, %swap3A_1016, %swap3A_1017], %swap3A_1020 {strides = array<i32>} : memref<2x8192x32xf32, #tpu.memory_space<vmem>>, vector<1x128x32xf32>,
    %slice3A_1021 = vector.extract_strided_slice %select_n3A_679 {offsets = [0, 1568], sizes = [128, 32], strides = [1, 1]} : vector<128x4096xf32> to vector<128x32xf32>
    %swap3A_1022 = arith.constant 0 : index
    %swap3A_1023 = arith.constant 6272 : index
    %swap3A_1024 = arith.constant 0 : index
    %swap3A_1025 = vector.load %arg4[%swap3A_1022, %swap3A_1023, %swap3A_1024] : memref<2x8192x32xf32, #tpu.memory_space<vmem>>, vector<1x128x32xf32>
    %swap3A_1026 = vector.shape_cast %swap3A_1025 : vector<1x128x32xf32> to vector<128x32xf32>
    %swap3A_1027 = vector.shape_cast %slice3A_1021 : vector<128x32xf32> to vector<1x128x32xf32>
    tpu.vector_store %arg4[%swap3A_1022, %swap3A_1023, %swap3A_1024], %swap3A_1027 {strides = array<i32>} : memref<2x8192x32xf32, #tpu.memory_space<vmem>>, vector<1x128x32xf32>,
    %slice3A_1028 = vector.extract_strided_slice %select_n3A_679 {offsets = [0, 1600], sizes = [128, 32], strides = [1, 1]} : vector<128x4096xf32> to vector<128x32xf32>
    %swap3A_1029 = arith.constant 0 : index
    %swap3A_1030 = arith.constant 6400 : index
    %swap3A_1031 = arith.constant 0 : index
    %swap3A_1032 = vector.load %arg4[%swap3A_1029, %swap3A_1030, %swap3A_1031] : memref<2x8192x32xf32, #tpu.memory_space<vmem>>, vector<1x128x32xf32>
    %swap3A_1033 = vector.shape_cast %swap3A_1032 : vector<1x128x32xf32> to vector<128x32xf32>
    %swap3A_1034 = vector.shape_cast %slice3A_1028 : vector<128x32xf32> to vector<1x128x32xf32>
    tpu.vector_store %arg4[%swap3A_1029, %swap3A_1030, %swap3A_1031], %swap3A_1034 {strides = array<i32>} : memref<2x8192x32xf32, #tpu.memory_space<vmem>>, vector<1x128x32xf32>,
    %slice3A_1035 = vector.extract_strided_slice %select_n3A_679 {offsets = [0, 1632], sizes = [128, 32], strides = [1, 1]} : vector<128x4096xf32> to vector<128x32xf32>
    %swap3A_1036 = arith.constant 0 : index
    %swap3A_1037 = arith.constant 6528 : index
    %swap3A_1038 = arith.constant 0 : index
    %swap3A_1039 = vector.load %arg4[%swap3A_1036, %swap3A_1037, %swap3A_1038] : memref<2x8192x32xf32, #tpu.memory_space<vmem>>, vector<1x128x32xf32>
    %swap3A_1040 = vector.shape_cast %swap3A_1039 : vector<1x128x32xf32> to vector<128x32xf32>
    %swap3A_1041 = vector.shape_cast %slice3A_1035 : vector<128x32xf32> to vector<1x128x32xf32>
    tpu.vector_store %arg4[%swap3A_1036, %swap3A_1037, %swap3A_1038], %swap3A_1041 {strides = array<i32>} : memref<2x8192x32xf32, #tpu.memory_space<vmem>>, vector<1x128x32xf32>,
    %slice3A_1042 = vector.extract_strided_slice %select_n3A_679 {offsets = [0, 1664], sizes = [128, 32], strides = [1, 1]} : vector<128x4096xf32> to vector<128x32xf32>
    %swap3A_1043 = arith.constant 0 : index
    %swap3A_1044 = arith.constant 6656 : index
    %swap3A_1045 = arith.constant 0 : index
    %swap3A_1046 = vector.load %arg4[%swap3A_1043, %swap3A_1044, %swap3A_1045] : memref<2x8192x32xf32, #tpu.memory_space<vmem>>, vector<1x128x32xf32>
    %swap3A_1047 = vector.shape_cast %swap3A_1046 : vector<1x128x32xf32> to vector<128x32xf32>
    %swap3A_1048 = vector.shape_cast %slice3A_1042 : vector<128x32xf32> to vector<1x128x32xf32>
    tpu.vector_store %arg4[%swap3A_1043, %swap3A_1044, %swap3A_1045], %swap3A_1048 {strides = array<i32>} : memref<2x8192x32xf32, #tpu.memory_space<vmem>>, vector<1x128x32xf32>,
    %slice3A_1049 = vector.extract_strided_slice %select_n3A_679 {offsets = [0, 1696], sizes = [128, 32], strides = [1, 1]} : vector<128x4096xf32> to vector<128x32xf32>
    %swap3A_1050 = arith.constant 0 : index
    %swap3A_1051 = arith.constant 6784 : index
    %swap3A_1052 = arith.constant 0 : index
    %swap3A_1053 = vector.load %arg4[%swap3A_1050, %swap3A_1051, %swap3A_1052] : memref<2x8192x32xf32, #tpu.memory_space<vmem>>, vector<1x128x32xf32>
    %swap3A_1054 = vector.shape_cast %swap3A_1053 : vector<1x128x32xf32> to vector<128x32xf32>
    %swap3A_1055 = vector.shape_cast %slice3A_1049 : vector<128x32xf32> to vector<1x128x32xf32>
    tpu.vector_store %arg4[%swap3A_1050, %swap3A_1051, %swap3A_1052], %swap3A_1055 {strides = array<i32>} : memref<2x8192x32xf32, #tpu.memory_space<vmem>>, vector<1x128x32xf32>,
    %slice3A_1056 = vector.extract_strided_slice %select_n3A_679 {offsets = [0, 1728], sizes = [128, 32], strides = [1, 1]} : vector<128x4096xf32> to vector<128x32xf32>
    %swap3A_1057 = arith.constant 0 : index
    %swap3A_1058 = arith.constant 6912 : index
    %swap3A_1059 = arith.constant 0 : index
    %swap3A_1060 = vector.load %arg4[%swap3A_1057, %swap3A_1058, %swap3A_1059] : memref<2x8192x32xf32, #tpu.memory_space<vmem>>, vector<1x128x32xf32>
    %swap3A_1061 = vector.shape_cast %swap3A_1060 : vector<1x128x32xf32> to vector<128x32xf32>
    %swap3A_1062 = vector.shape_cast %slice3A_1056 : vector<128x32xf32> to vector<1x128x32xf32>
    tpu.vector_store %arg4[%swap3A_1057, %swap3A_1058, %swap3A_1059], %swap3A_1062 {strides = array<i32>} : memref<2x8192x32xf32, #tpu.memory_space<vmem>>, vector<1x128x32xf32>,
    %slice3A_1063 = vector.extract_strided_slice %select_n3A_679 {offsets = [0, 1760], sizes = [128, 32], strides = [1, 1]} : vector<128x4096xf32> to vector<128x32xf32>
    %swap3A_1064 = arith.constant 0 : index
    %swap3A_1065 = arith.constant 7040 : index
    %swap3A_1066 = arith.constant 0 : index
    %swap3A_1067 = vector.load %arg4[%swap3A_1064, %swap3A_1065, %swap3A_1066] : memref<2x8192x32xf32, #tpu.memory_space<vmem>>, vector<1x128x32xf32>
    %swap3A_1068 = vector.shape_cast %swap3A_1067 : vector<1x128x32xf32> to vector<128x32xf32>
    %swap3A_1069 = vector.shape_cast %slice3A_1063 : vector<128x32xf32> to vector<1x128x32xf32>
    tpu.vector_store %arg4[%swap3A_1064, %swap3A_1065, %swap3A_1066], %swap3A_1069 {strides = array<i32>} : memref<2x8192x32xf32, #tpu.memory_space<vmem>>, vector<1x128x32xf32>,
    %slice3A_1070 = vector.extract_strided_slice %select_n3A_679 {offsets = [0, 1792], sizes = [128, 32], strides = [1, 1]} : vector<128x4096xf32> to vector<128x32xf32>
    %swap3A_1071 = arith.constant 0 : index
    %swap3A_1072 = arith.constant 7168 : index
    %swap3A_1073 = arith.constant 0 : index
    %swap3A_1074 = vector.load %arg4[%swap3A_1071, %swap3A_1072, %swap3A_1073] : memref<2x8192x32xf32, #tpu.memory_space<vmem>>, vector<1x128x32xf32>
    %swap3A_1075 = vector.shape_cast %swap3A_1074 : vector<1x128x32xf32> to vector<128x32xf32>
    %swap3A_1076 = vector.shape_cast %slice3A_1070 : vector<128x32xf32> to vector<1x128x32xf32>
    tpu.vector_store %arg4[%swap3A_1071, %swap3A_1072, %swap3A_1073], %swap3A_1076 {strides = array<i32>} : memref<2x8192x32xf32, #tpu.memory_space<vmem>>, vector<1x128x32xf32>,
    %slice3A_1077 = vector.extract_strided_slice %select_n3A_679 {offsets = [0, 1824], sizes = [128, 32], strides = [1, 1]} : vector<128x4096xf32> to vector<128x32xf32>
    %swap3A_1078 = arith.constant 0 : index
    %swap3A_1079 = arith.constant 7296 : index
    %swap3A_1080 = arith.constant 0 : index
    %swap3A_1081 = vector.load %arg4[%swap3A_1078, %swap3A_1079, %swap3A_1080] : memref<2x8192x32xf32, #tpu.memory_space<vmem>>, vector<1x128x32xf32>
    %swap3A_1082 = vector.shape_cast %swap3A_1081 : vector<1x128x32xf32> to vector<128x32xf32>
    %swap3A_1083 = vector.shape_cast %slice3A_1077 : vector<128x32xf32> to vector<1x128x32xf32>
    tpu.vector_store %arg4[%swap3A_1078, %swap3A_1079, %swap3A_1080], %swap3A_1083 {strides = array<i32>} : memref<2x8192x32xf32, #tpu.memory_space<vmem>>, vector<1x128x32xf32>,
    %slice3A_1084 = vector.extract_strided_slice %select_n3A_679 {offsets = [0, 1856], sizes = [128, 32], strides = [1, 1]} : vector<128x4096xf32> to vector<128x32xf32>
    %swap3A_1085 = arith.constant 0 : index
    %swap3A_1086 = arith.constant 7424 : index
    %swap3A_1087 = arith.constant 0 : index
    %swap3A_1088 = vector.load %arg4[%swap3A_1085, %swap3A_1086, %swap3A_1087] : memref<2x8192x32xf32, #tpu.memory_space<vmem>>, vector<1x128x32xf32>
    %swap3A_1089 = vector.shape_cast %swap3A_1088 : vector<1x128x32xf32> to vector<128x32xf32>
    %swap3A_1090 = vector.shape_cast %slice3A_1084 : vector<128x32xf32> to vector<1x128x32xf32>
    tpu.vector_store %arg4[%swap3A_1085, %swap3A_1086, %swap3A_1087], %swap3A_1090 {strides = array<i32>} : memref<2x8192x32xf32, #tpu.memory_space<vmem>>, vector<1x128x32xf32>,
    %slice3A_1091 = vector.extract_strided_slice %select_n3A_679 {offsets = [0, 1888], sizes = [128, 32], strides = [1, 1]} : vector<128x4096xf32> to vector<128x32xf32>
    %swap3A_1092 = arith.constant 0 : index
    %swap3A_1093 = arith.constant 7552 : index
    %swap3A_1094 = arith.constant 0 : index
    %swap3A_1095 = vector.load %arg4[%swap3A_1092, %swap3A_1093, %swap3A_1094] : memref<2x8192x32xf32, #tpu.memory_space<vmem>>, vector<1x128x32xf32>
    %swap3A_1096 = vector.shape_cast %swap3A_1095 : vector<1x128x32xf32> to vector<128x32xf32>
    %swap3A_1097 = vector.shape_cast %slice3A_1091 : vector<128x32xf32> to vector<1x128x32xf32>
    tpu.vector_store %arg4[%swap3A_1092, %swap3A_1093, %swap3A_1094], %swap3A_1097 {strides = array<i32>} : memref<2x8192x32xf32, #tpu.memory_space<vmem>>, vector<1x128x32xf32>,
    %slice3A_1098 = vector.extract_strided_slice %select_n3A_679 {offsets = [0, 1920], sizes = [128, 32], strides = [1, 1]} : vector<128x4096xf32> to vector<128x32xf32>
    %swap3A_1099 = arith.constant 0 : index
    %swap3A_1100 = arith.constant 7680 : index
    %swap3A_1101 = arith.constant 0 : index
    %swap3A_1102 = vector.load %arg4[%swap3A_1099, %swap3A_1100, %swap3A_1101] : memref<2x8192x32xf32, #tpu.memory_space<vmem>>, vector<1x128x32xf32>
    %swap3A_1103 = vector.shape_cast %swap3A_1102 : vector<1x128x32xf32> to vector<128x32xf32>
    %swap3A_1104 = vector.shape_cast %slice3A_1098 : vector<128x32xf32> to vector<1x128x32xf32>
    tpu.vector_store %arg4[%swap3A_1099, %swap3A_1100, %swap3A_1101], %swap3A_1104 {strides = array<i32>} : memref<2x8192x32xf32, #tpu.memory_space<vmem>>, vector<1x128x32xf32>,
    %slice3A_1105 = vector.extract_strided_slice %select_n3A_679 {offsets = [0, 1952], sizes = [128, 32], strides = [1, 1]} : vector<128x4096xf32> to vector<128x32xf32>
    %swap3A_1106 = arith.constant 0 : index
    %swap3A_1107 = arith.constant 7808 : index
    %swap3A_1108 = arith.constant 0 : index
    %swap3A_1109 = vector.load %arg4[%swap3A_1106, %swap3A_1107, %swap3A_1108] : memref<2x8192x32xf32, #tpu.memory_space<vmem>>, vector<1x128x32xf32>
    %swap3A_1110 = vector.shape_cast %swap3A_1109 : vector<1x128x32xf32> to vector<128x32xf32>
    %swap3A_1111 = vector.shape_cast %slice3A_1105 : vector<128x32xf32> to vector<1x128x32xf32>
    tpu.vector_store %arg4[%swap3A_1106, %swap3A_1107, %swap3A_1108], %swap3A_1111 {strides = array<i32>} : memref<2x8192x32xf32, #tpu.memory_space<vmem>>, vector<1x128x32xf32>,
    %slice3A_1112 = vector.extract_strided_slice %select_n3A_679 {offsets = [0, 1984], sizes = [128, 32], strides = [1, 1]} : vector<128x4096xf32> to vector<128x32xf32>
    %swap3A_1113 = arith.constant 0 : index
    %swap3A_1114 = arith.constant 7936 : index
    %swap3A_1115 = arith.constant 0 : index
    %swap3A_1116 = vector.load %arg4[%swap3A_1113, %swap3A_1114, %swap3A_1115] : memref<2x8192x32xf32, #tpu.memory_space<vmem>>, vector<1x128x32xf32>
    %swap3A_1117 = vector.shape_cast %swap3A_1116 : vector<1x128x32xf32> to vector<128x32xf32>
    %swap3A_1118 = vector.shape_cast %slice3A_1112 : vector<128x32xf32> to vector<1x128x32xf32>
    tpu.vector_store %arg4[%swap3A_1113, %swap3A_1114, %swap3A_1115], %swap3A_1118 {strides = array<i32>} : memref<2x8192x32xf32, #tpu.memory_space<vmem>>, vector<1x128x32xf32>,
    %slice3A_1119 = vector.extract_strided_slice %select_n3A_679 {offsets = [0, 2016], sizes = [128, 32], strides = [1, 1]} : vector<128x4096xf32> to vector<128x32xf32>
    %swap3A_1120 = arith.constant 0 : index
    %swap3A_1121 = arith.constant 8064 : index
    %swap3A_1122 = arith.constant 0 : index
    %swap3A_1123 = vector.load %arg4[%swap3A_1120, %swap3A_1121, %swap3A_1122] : memref<2x8192x32xf32, #tpu.memory_space<vmem>>, vector<1x128x32xf32>
    %swap3A_1124 = vector.shape_cast %swap3A_1123 : vector<1x128x32xf32> to vector<128x32xf32>
    %swap3A_1125 = vector.shape_cast %slice3A_1119 : vector<128x32xf32> to vector<1x128x32xf32>
    tpu.vector_store %arg4[%swap3A_1120, %swap3A_1121, %swap3A_1122], %swap3A_1125 {strides = array<i32>} : memref<2x8192x32xf32, #tpu.memory_space<vmem>>, vector<1x128x32xf32>,
    %slice3A_1126 = vector.extract_strided_slice %select_n3A_679 {offsets = [0, 2048], sizes = [128, 32], strides = [1, 1]} : vector<128x4096xf32> to vector<128x32xf32>
    %swap3A_1127 = arith.constant 1 : index
    %swap3A_1128 = arith.constant 0 : index
    %swap3A_1129 = arith.constant 0 : index
    %swap3A_1130 = vector.load %arg4[%swap3A_1127, %swap3A_1128, %swap3A_1129] : memref<2x8192x32xf32, #tpu.memory_space<vmem>>, vector<1x128x32xf32>
    %swap3A_1131 = vector.shape_cast %swap3A_1130 : vector<1x128x32xf32> to vector<128x32xf32>
    %swap3A_1132 = vector.shape_cast %slice3A_1126 : vector<128x32xf32> to vector<1x128x32xf32>
    tpu.vector_store %arg4[%swap3A_1127, %swap3A_1128, %swap3A_1129], %swap3A_1132 {strides = array<i32>} : memref<2x8192x32xf32, #tpu.memory_space<vmem>>, vector<1x128x32xf32>,
    %slice3A_1133 = vector.extract_strided_slice %select_n3A_679 {offsets = [0, 2080], sizes = [128, 32], strides = [1, 1]} : vector<128x4096xf32> to vector<128x32xf32>
    %swap3A_1134 = arith.constant 1 : index
    %swap3A_1135 = arith.constant 128 : index
    %swap3A_1136 = arith.constant 0 : index
    %swap3A_1137 = vector.load %arg4[%swap3A_1134, %swap3A_1135, %swap3A_1136] : memref<2x8192x32xf32, #tpu.memory_space<vmem>>, vector<1x128x32xf32>
    %swap3A_1138 = vector.shape_cast %swap3A_1137 : vector<1x128x32xf32> to vector<128x32xf32>
    %swap3A_1139 = vector.shape_cast %slice3A_1133 : vector<128x32xf32> to vector<1x128x32xf32>
    tpu.vector_store %arg4[%swap3A_1134, %swap3A_1135, %swap3A_1136], %swap3A_1139 {strides = array<i32>} : memref<2x8192x32xf32, #tpu.memory_space<vmem>>, vector<1x128x32xf32>,
    %slice3A_1140 = vector.extract_strided_slice %select_n3A_679 {offsets = [0, 2112], sizes = [128, 32], strides = [1, 1]} : vector<128x4096xf32> to vector<128x32xf32>
    %swap3A_1141 = arith.constant 1 : index
    %swap3A_1142 = arith.constant 256 : index
    %swap3A_1143 = arith.constant 0 : index
    %swap3A_1144 = vector.load %arg4[%swap3A_1141, %swap3A_1142, %swap3A_1143] : memref<2x8192x32xf32, #tpu.memory_space<vmem>>, vector<1x128x32xf32>
    %swap3A_1145 = vector.shape_cast %swap3A_1144 : vector<1x128x32xf32> to vector<128x32xf32>
    %swap3A_1146 = vector.shape_cast %slice3A_1140 : vector<128x32xf32> to vector<1x128x32xf32>
    tpu.vector_store %arg4[%swap3A_1141, %swap3A_1142, %swap3A_1143], %swap3A_1146 {strides = array<i32>} : memref<2x8192x32xf32, #tpu.memory_space<vmem>>, vector<1x128x32xf32>,
    %slice3A_1147 = vector.extract_strided_slice %select_n3A_679 {offsets = [0, 2144], sizes = [128, 32], strides = [1, 1]} : vector<128x4096xf32> to vector<128x32xf32>
    %swap3A_1148 = arith.constant 1 : index
    %swap3A_1149 = arith.constant 384 : index
    %swap3A_1150 = arith.constant 0 : index
    %swap3A_1151 = vector.load %arg4[%swap3A_1148, %swap3A_1149, %swap3A_1150] : memref<2x8192x32xf32, #tpu.memory_space<vmem>>, vector<1x128x32xf32>
    %swap3A_1152 = vector.shape_cast %swap3A_1151 : vector<1x128x32xf32> to vector<128x32xf32>
    %swap3A_1153 = vector.shape_cast %slice3A_1147 : vector<128x32xf32> to vector<1x128x32xf32>
    tpu.vector_store %arg4[%swap3A_1148, %swap3A_1149, %swap3A_1150], %swap3A_1153 {strides = array<i32>} : memref<2x8192x32xf32, #tpu.memory_space<vmem>>, vector<1x128x32xf32>,
    %slice3A_1154 = vector.extract_strided_slice %select_n3A_679 {offsets = [0, 2176], sizes = [128, 32], strides = [1, 1]} : vector<128x4096xf32> to vector<128x32xf32>
    %swap3A_1155 = arith.constant 1 : index
    %swap3A_1156 = arith.constant 512 : index
    %swap3A_1157 = arith.constant 0 : index
    %swap3A_1158 = vector.load %arg4[%swap3A_1155, %swap3A_1156, %swap3A_1157] : memref<2x8192x32xf32, #tpu.memory_space<vmem>>, vector<1x128x32xf32>
    %swap3A_1159 = vector.shape_cast %swap3A_1158 : vector<1x128x32xf32> to vector<128x32xf32>
    %swap3A_1160 = vector.shape_cast %slice3A_1154 : vector<128x32xf32> to vector<1x128x32xf32>
    tpu.vector_store %arg4[%swap3A_1155, %swap3A_1156, %swap3A_1157], %swap3A_1160 {strides = array<i32>} : memref<2x8192x32xf32, #tpu.memory_space<vmem>>, vector<1x128x32xf32>,
    %slice3A_1161 = vector.extract_strided_slice %select_n3A_679 {offsets = [0, 2208], sizes = [128, 32], strides = [1, 1]} : vector<128x4096xf32> to vector<128x32xf32>
    %swap3A_1162 = arith.constant 1 : index
    %swap3A_1163 = arith.constant 640 : index
    %swap3A_1164 = arith.constant 0 : index
    %swap3A_1165 = vector.load %arg4[%swap3A_1162, %swap3A_1163, %swap3A_1164] : memref<2x8192x32xf32, #tpu.memory_space<vmem>>, vector<1x128x32xf32>
    %swap3A_1166 = vector.shape_cast %swap3A_1165 : vector<1x128x32xf32> to vector<128x32xf32>
    %swap3A_1167 = vector.shape_cast %slice3A_1161 : vector<128x32xf32> to vector<1x128x32xf32>
    tpu.vector_store %arg4[%swap3A_1162, %swap3A_1163, %swap3A_1164], %swap3A_1167 {strides = array<i32>} : memref<2x8192x32xf32, #tpu.memory_space<vmem>>, vector<1x128x32xf32>,
    %slice3A_1168 = vector.extract_strided_slice %select_n3A_679 {offsets = [0, 2240], sizes = [128, 32], strides = [1, 1]} : vector<128x4096xf32> to vector<128x32xf32>
    %swap3A_1169 = arith.constant 1 : index
    %swap3A_1170 = arith.constant 768 : index
    %swap3A_1171 = arith.constant 0 : index
    %swap3A_1172 = vector.load %arg4[%swap3A_1169, %swap3A_1170, %swap3A_1171] : memref<2x8192x32xf32, #tpu.memory_space<vmem>>, vector<1x128x32xf32>
    %swap3A_1173 = vector.shape_cast %swap3A_1172 : vector<1x128x32xf32> to vector<128x32xf32>
    %swap3A_1174 = vector.shape_cast %slice3A_1168 : vector<128x32xf32> to vector<1x128x32xf32>
    tpu.vector_store %arg4[%swap3A_1169, %swap3A_1170, %swap3A_1171], %swap3A_1174 {strides = array<i32>} : memref<2x8192x32xf32, #tpu.memory_space<vmem>>, vector<1x128x32xf32>,
    %slice3A_1175 = vector.extract_strided_slice %select_n3A_679 {offsets = [0, 2272], sizes = [128, 32], strides = [1, 1]} : vector<128x4096xf32> to vector<128x32xf32>
    %swap3A_1176 = arith.constant 1 : index
    %swap3A_1177 = arith.constant 896 : index
    %swap3A_1178 = arith.constant 0 : index
    %swap3A_1179 = vector.load %arg4[%swap3A_1176, %swap3A_1177, %swap3A_1178] : memref<2x8192x32xf32, #tpu.memory_space<vmem>>, vector<1x128x32xf32>
    %swap3A_1180 = vector.shape_cast %swap3A_1179 : vector<1x128x32xf32> to vector<128x32xf32>
    %swap3A_1181 = vector.shape_cast %slice3A_1175 : vector<128x32xf32> to vector<1x128x32xf32>
    tpu.vector_store %arg4[%swap3A_1176, %swap3A_1177, %swap3A_1178], %swap3A_1181 {strides = array<i32>} : memref<2x8192x32xf32, #tpu.memory_space<vmem>>, vector<1x128x32xf32>,
    %slice3A_1182 = vector.extract_strided_slice %select_n3A_679 {offsets = [0, 2304], sizes = [128, 32], strides = [1, 1]} : vector<128x4096xf32> to vector<128x32xf32>
    %swap3A_1183 = arith.constant 1 : index
    %swap3A_1184 = arith.constant 1024 : index
    %swap3A_1185 = arith.constant 0 : index
    %swap3A_1186 = vector.load %arg4[%swap3A_1183, %swap3A_1184, %swap3A_1185] : memref<2x8192x32xf32, #tpu.memory_space<vmem>>, vector<1x128x32xf32>
    %swap3A_1187 = vector.shape_cast %swap3A_1186 : vector<1x128x32xf32> to vector<128x32xf32>
    %swap3A_1188 = vector.shape_cast %slice3A_1182 : vector<128x32xf32> to vector<1x128x32xf32>
    tpu.vector_store %arg4[%swap3A_1183, %swap3A_1184, %swap3A_1185], %swap3A_1188 {strides = array<i32>} : memref<2x8192x32xf32, #tpu.memory_space<vmem>>, vector<1x128x32xf32>,
    %slice3A_1189 = vector.extract_strided_slice %select_n3A_679 {offsets = [0, 2336], sizes = [128, 32], strides = [1, 1]} : vector<128x4096xf32> to vector<128x32xf32>
    %swap3A_1190 = arith.constant 1 : index
    %swap3A_1191 = arith.constant 1152 : index
    %swap3A_1192 = arith.constant 0 : index
    %swap3A_1193 = vector.load %arg4[%swap3A_1190, %swap3A_1191, %swap3A_1192] : memref<2x8192x32xf32, #tpu.memory_space<vmem>>, vector<1x128x32xf32>
    %swap3A_1194 = vector.shape_cast %swap3A_1193 : vector<1x128x32xf32> to vector<128x32xf32>
    %swap3A_1195 = vector.shape_cast %slice3A_1189 : vector<128x32xf32> to vector<1x128x32xf32>
    tpu.vector_store %arg4[%swap3A_1190, %swap3A_1191, %swap3A_1192], %swap3A_1195 {strides = array<i32>} : memref<2x8192x32xf32, #tpu.memory_space<vmem>>, vector<1x128x32xf32>,
    %slice3A_1196 = vector.extract_strided_slice %select_n3A_679 {offsets = [0, 2368], sizes = [128, 32], strides = [1, 1]} : vector<128x4096xf32> to vector<128x32xf32>
    %swap3A_1197 = arith.constant 1 : index
    %swap3A_1198 = arith.constant 1280 : index
    %swap3A_1199 = arith.constant 0 : index
    %swap3A_1200 = vector.load %arg4[%swap3A_1197, %swap3A_1198, %swap3A_1199] : memref<2x8192x32xf32, #tpu.memory_space<vmem>>, vector<1x128x32xf32>
    %swap3A_1201 = vector.shape_cast %swap3A_1200 : vector<1x128x32xf32> to vector<128x32xf32>
    %swap3A_1202 = vector.shape_cast %slice3A_1196 : vector<128x32xf32> to vector<1x128x32xf32>
    tpu.vector_store %arg4[%swap3A_1197, %swap3A_1198, %swap3A_1199], %swap3A_1202 {strides = array<i32>} : memref<2x8192x32xf32, #tpu.memory_space<vmem>>, vector<1x128x32xf32>,
    %slice3A_1203 = vector.extract_strided_slice %select_n3A_679 {offsets = [0, 2400], sizes = [128, 32], strides = [1, 1]} : vector<128x4096xf32> to vector<128x32xf32>
    %swap3A_1204 = arith.constant 1 : index
    %swap3A_1205 = arith.constant 1408 : index
    %swap3A_1206 = arith.constant 0 : index
    %swap3A_1207 = vector.load %arg4[%swap3A_1204, %swap3A_1205, %swap3A_1206] : memref<2x8192x32xf32, #tpu.memory_space<vmem>>, vector<1x128x32xf32>
    %swap3A_1208 = vector.shape_cast %swap3A_1207 : vector<1x128x32xf32> to vector<128x32xf32>
    %swap3A_1209 = vector.shape_cast %slice3A_1203 : vector<128x32xf32> to vector<1x128x32xf32>
    tpu.vector_store %arg4[%swap3A_1204, %swap3A_1205, %swap3A_1206], %swap3A_1209 {strides = array<i32>} : memref<2x8192x32xf32, #tpu.memory_space<vmem>>, vector<1x128x32xf32>,
    %slice3A_1210 = vector.extract_strided_slice %select_n3A_679 {offsets = [0, 2432], sizes = [128, 32], strides = [1, 1]} : vector<128x4096xf32> to vector<128x32xf32>
    %swap3A_1211 = arith.constant 1 : index
    %swap3A_1212 = arith.constant 1536 : index
    %swap3A_1213 = arith.constant 0 : index
    %swap3A_1214 = vector.load %arg4[%swap3A_1211, %swap3A_1212, %swap3A_1213] : memref<2x8192x32xf32, #tpu.memory_space<vmem>>, vector<1x128x32xf32>
    %swap3A_1215 = vector.shape_cast %swap3A_1214 : vector<1x128x32xf32> to vector<128x32xf32>
    %swap3A_1216 = vector.shape_cast %slice3A_1210 : vector<128x32xf32> to vector<1x128x32xf32>
    tpu.vector_store %arg4[%swap3A_1211, %swap3A_1212, %swap3A_1213], %swap3A_1216 {strides = array<i32>} : memref<2x8192x32xf32, #tpu.memory_space<vmem>>, vector<1x128x32xf32>,
    %slice3A_1217 = vector.extract_strided_slice %select_n3A_679 {offsets = [0, 2464], sizes = [128, 32], strides = [1, 1]} : vector<128x4096xf32> to vector<128x32xf32>
    %swap3A_1218 = arith.constant 1 : index
    %swap3A_1219 = arith.constant 1664 : index
    %swap3A_1220 = arith.constant 0 : index
    %swap3A_1221 = vector.load %arg4[%swap3A_1218, %swap3A_1219, %swap3A_1220] : memref<2x8192x32xf32, #tpu.memory_space<vmem>>, vector<1x128x32xf32>
    %swap3A_1222 = vector.shape_cast %swap3A_1221 : vector<1x128x32xf32> to vector<128x32xf32>
    %swap3A_1223 = vector.shape_cast %slice3A_1217 : vector<128x32xf32> to vector<1x128x32xf32>
    tpu.vector_store %arg4[%swap3A_1218, %swap3A_1219, %swap3A_1220], %swap3A_1223 {strides = array<i32>} : memref<2x8192x32xf32, #tpu.memory_space<vmem>>, vector<1x128x32xf32>,
    %slice3A_1224 = vector.extract_strided_slice %select_n3A_679 {offsets = [0, 2496], sizes = [128, 32], strides = [1, 1]} : vector<128x4096xf32> to vector<128x32xf32>
    %swap3A_1225 = arith.constant 1 : index
    %swap3A_1226 = arith.constant 1792 : index
    %swap3A_1227 = arith.constant 0 : index
    %swap3A_1228 = vector.load %arg4[%swap3A_1225, %swap3A_1226, %swap3A_1227] : memref<2x8192x32xf32, #tpu.memory_space<vmem>>, vector<1x128x32xf32>
    %swap3A_1229 = vector.shape_cast %swap3A_1228 : vector<1x128x32xf32> to vector<128x32xf32>
    %swap3A_1230 = vector.shape_cast %slice3A_1224 : vector<128x32xf32> to vector<1x128x32xf32>
    tpu.vector_store %arg4[%swap3A_1225, %swap3A_1226, %swap3A_1227], %swap3A_1230 {strides = array<i32>} : memref<2x8192x32xf32, #tpu.memory_space<vmem>>, vector<1x128x32xf32>,
    %slice3A_1231 = vector.extract_strided_slice %select_n3A_679 {offsets = [0, 2528], sizes = [128, 32], strides = [1, 1]} : vector<128x4096xf32> to vector<128x32xf32>
    %swap3A_1232 = arith.constant 1 : index
    %swap3A_1233 = arith.constant 1920 : index
    %swap3A_1234 = arith.constant 0 : index
    %swap3A_1235 = vector.load %arg4[%swap3A_1232, %swap3A_1233, %swap3A_1234] : memref<2x8192x32xf32, #tpu.memory_space<vmem>>, vector<1x128x32xf32>
    %swap3A_1236 = vector.shape_cast %swap3A_1235 : vector<1x128x32xf32> to vector<128x32xf32>
    %swap3A_1237 = vector.shape_cast %slice3A_1231 : vector<128x32xf32> to vector<1x128x32xf32>
    tpu.vector_store %arg4[%swap3A_1232, %swap3A_1233, %swap3A_1234], %swap3A_1237 {strides = array<i32>} : memref<2x8192x32xf32, #tpu.memory_space<vmem>>, vector<1x128x32xf32>,
    %slice3A_1238 = vector.extract_strided_slice %select_n3A_679 {offsets = [0, 2560], sizes = [128, 32], strides = [1, 1]} : vector<128x4096xf32> to vector<128x32xf32>
    %swap3A_1239 = arith.constant 1 : index
    %swap3A_1240 = arith.constant 2048 : index
    %swap3A_1241 = arith.constant 0 : index
    %swap3A_1242 = vector.load %arg4[%swap3A_1239, %swap3A_1240, %swap3A_1241] : memref<2x8192x32xf32, #tpu.memory_space<vmem>>, vector<1x128x32xf32>
    %swap3A_1243 = vector.shape_cast %swap3A_1242 : vector<1x128x32xf32> to vector<128x32xf32>
    %swap3A_1244 = vector.shape_cast %slice3A_1238 : vector<128x32xf32> to vector<1x128x32xf32>
    tpu.vector_store %arg4[%swap3A_1239, %swap3A_1240, %swap3A_1241], %swap3A_1244 {strides = array<i32>} : memref<2x8192x32xf32, #tpu.memory_space<vmem>>, vector<1x128x32xf32>,
    %slice3A_1245 = vector.extract_strided_slice %select_n3A_679 {offsets = [0, 2592], sizes = [128, 32], strides = [1, 1]} : vector<128x4096xf32> to vector<128x32xf32>
    %swap3A_1246 = arith.constant 1 : index
    %swap3A_1247 = arith.constant 2176 : index
    %swap3A_1248 = arith.constant 0 : index
    %swap3A_1249 = vector.load %arg4[%swap3A_1246, %swap3A_1247, %swap3A_1248] : memref<2x8192x32xf32, #tpu.memory_space<vmem>>, vector<1x128x32xf32>
    %swap3A_1250 = vector.shape_cast %swap3A_1249 : vector<1x128x32xf32> to vector<128x32xf32>
    %swap3A_1251 = vector.shape_cast %slice3A_1245 : vector<128x32xf32> to vector<1x128x32xf32>
    tpu.vector_store %arg4[%swap3A_1246, %swap3A_1247, %swap3A_1248], %swap3A_1251 {strides = array<i32>} : memref<2x8192x32xf32, #tpu.memory_space<vmem>>, vector<1x128x32xf32>,
    %slice3A_1252 = vector.extract_strided_slice %select_n3A_679 {offsets = [0, 2624], sizes = [128, 32], strides = [1, 1]} : vector<128x4096xf32> to vector<128x32xf32>
    %swap3A_1253 = arith.constant 1 : index
    %swap3A_1254 = arith.constant 2304 : index
    %swap3A_1255 = arith.constant 0 : index
    %swap3A_1256 = vector.load %arg4[%swap3A_1253, %swap3A_1254, %swap3A_1255] : memref<2x8192x32xf32, #tpu.memory_space<vmem>>, vector<1x128x32xf32>
    %swap3A_1257 = vector.shape_cast %swap3A_1256 : vector<1x128x32xf32> to vector<128x32xf32>
    %swap3A_1258 = vector.shape_cast %slice3A_1252 : vector<128x32xf32> to vector<1x128x32xf32>
    tpu.vector_store %arg4[%swap3A_1253, %swap3A_1254, %swap3A_1255], %swap3A_1258 {strides = array<i32>} : memref<2x8192x32xf32, #tpu.memory_space<vmem>>, vector<1x128x32xf32>,
    %slice3A_1259 = vector.extract_strided_slice %select_n3A_679 {offsets = [0, 2656], sizes = [128, 32], strides = [1, 1]} : vector<128x4096xf32> to vector<128x32xf32>
    %swap3A_1260 = arith.constant 1 : index
    %swap3A_1261 = arith.constant 2432 : index
    %swap3A_1262 = arith.constant 0 : index
    %swap3A_1263 = vector.load %arg4[%swap3A_1260, %swap3A_1261, %swap3A_1262] : memref<2x8192x32xf32, #tpu.memory_space<vmem>>, vector<1x128x32xf32>
    %swap3A_1264 = vector.shape_cast %swap3A_1263 : vector<1x128x32xf32> to vector<128x32xf32>
    %swap3A_1265 = vector.shape_cast %slice3A_1259 : vector<128x32xf32> to vector<1x128x32xf32>
    tpu.vector_store %arg4[%swap3A_1260, %swap3A_1261, %swap3A_1262], %swap3A_1265 {strides = array<i32>} : memref<2x8192x32xf32, #tpu.memory_space<vmem>>, vector<1x128x32xf32>,
    %slice3A_1266 = vector.extract_strided_slice %select_n3A_679 {offsets = [0, 2688], sizes = [128, 32], strides = [1, 1]} : vector<128x4096xf32> to vector<128x32xf32>
    %swap3A_1267 = arith.constant 1 : index
    %swap3A_1268 = arith.constant 2560 : index
    %swap3A_1269 = arith.constant 0 : index
    %swap3A_1270 = vector.load %arg4[%swap3A_1267, %swap3A_1268, %swap3A_1269] : memref<2x8192x32xf32, #tpu.memory_space<vmem>>, vector<1x128x32xf32>
    %swap3A_1271 = vector.shape_cast %swap3A_1270 : vector<1x128x32xf32> to vector<128x32xf32>
    %swap3A_1272 = vector.shape_cast %slice3A_1266 : vector<128x32xf32> to vector<1x128x32xf32>
    tpu.vector_store %arg4[%swap3A_1267, %swap3A_1268, %swap3A_1269], %swap3A_1272 {strides = array<i32>} : memref<2x8192x32xf32, #tpu.memory_space<vmem>>, vector<1x128x32xf32>,
    %slice3A_1273 = vector.extract_strided_slice %select_n3A_679 {offsets = [0, 2720], sizes = [128, 32], strides = [1, 1]} : vector<128x4096xf32> to vector<128x32xf32>
    %swap3A_1274 = arith.constant 1 : index
    %swap3A_1275 = arith.constant 2688 : index
    %swap3A_1276 = arith.constant 0 : index
    %swap3A_1277 = vector.load %arg4[%swap3A_1274, %swap3A_1275, %swap3A_1276] : memref<2x8192x32xf32, #tpu.memory_space<vmem>>, vector<1x128x32xf32>
    %swap3A_1278 = vector.shape_cast %swap3A_1277 : vector<1x128x32xf32> to vector<128x32xf32>
    %swap3A_1279 = vector.shape_cast %slice3A_1273 : vector<128x32xf32> to vector<1x128x32xf32>
    tpu.vector_store %arg4[%swap3A_1274, %swap3A_1275, %swap3A_1276], %swap3A_1279 {strides = array<i32>} : memref<2x8192x32xf32, #tpu.memory_space<vmem>>, vector<1x128x32xf32>,
    %slice3A_1280 = vector.extract_strided_slice %select_n3A_679 {offsets = [0, 2752], sizes = [128, 32], strides = [1, 1]} : vector<128x4096xf32> to vector<128x32xf32>
    %swap3A_1281 = arith.constant 1 : index
    %swap3A_1282 = arith.constant 2816 : index
    %swap3A_1283 = arith.constant 0 : index
    %swap3A_1284 = vector.load %arg4[%swap3A_1281, %swap3A_1282, %swap3A_1283] : memref<2x8192x32xf32, #tpu.memory_space<vmem>>, vector<1x128x32xf32>
    %swap3A_1285 = vector.shape_cast %swap3A_1284 : vector<1x128x32xf32> to vector<128x32xf32>
    %swap3A_1286 = vector.shape_cast %slice3A_1280 : vector<128x32xf32> to vector<1x128x32xf32>
    tpu.vector_store %arg4[%swap3A_1281, %swap3A_1282, %swap3A_1283], %swap3A_1286 {strides = array<i32>} : memref<2x8192x32xf32, #tpu.memory_space<vmem>>, vector<1x128x32xf32>,
    %slice3A_1287 = vector.extract_strided_slice %select_n3A_679 {offsets = [0, 2784], sizes = [128, 32], strides = [1, 1]} : vector<128x4096xf32> to vector<128x32xf32>
    %swap3A_1288 = arith.constant 1 : index
    %swap3A_1289 = arith.constant 2944 : index
    %swap3A_1290 = arith.constant 0 : index
    %swap3A_1291 = vector.load %arg4[%swap3A_1288, %swap3A_1289, %swap3A_1290] : memref<2x8192x32xf32, #tpu.memory_space<vmem>>, vector<1x128x32xf32>
    %swap3A_1292 = vector.shape_cast %swap3A_1291 : vector<1x128x32xf32> to vector<128x32xf32>
    %swap3A_1293 = vector.shape_cast %slice3A_1287 : vector<128x32xf32> to vector<1x128x32xf32>
    tpu.vector_store %arg4[%swap3A_1288, %swap3A_1289, %swap3A_1290], %swap3A_1293 {strides = array<i32>} : memref<2x8192x32xf32, #tpu.memory_space<vmem>>, vector<1x128x32xf32>,
    %slice3A_1294 = vector.extract_strided_slice %select_n3A_679 {offsets = [0, 2816], sizes = [128, 32], strides = [1, 1]} : vector<128x4096xf32> to vector<128x32xf32>
    %swap3A_1295 = arith.constant 1 : index
    %swap3A_1296 = arith.constant 3072 : index
    %swap3A_1297 = arith.constant 0 : index
    %swap3A_1298 = vector.load %arg4[%swap3A_1295, %swap3A_1296, %swap3A_1297] : memref<2x8192x32xf32, #tpu.memory_space<vmem>>, vector<1x128x32xf32>
    %swap3A_1299 = vector.shape_cast %swap3A_1298 : vector<1x128x32xf32> to vector<128x32xf32>
    %swap3A_1300 = vector.shape_cast %slice3A_1294 : vector<128x32xf32> to vector<1x128x32xf32>
    tpu.vector_store %arg4[%swap3A_1295, %swap3A_1296, %swap3A_1297], %swap3A_1300 {strides = array<i32>} : memref<2x8192x32xf32, #tpu.memory_space<vmem>>, vector<1x128x32xf32>,
    %slice3A_1301 = vector.extract_strided_slice %select_n3A_679 {offsets = [0, 2848], sizes = [128, 32], strides = [1, 1]} : vector<128x4096xf32> to vector<128x32xf32>
    %swap3A_1302 = arith.constant 1 : index
    %swap3A_1303 = arith.constant 3200 : index
    %swap3A_1304 = arith.constant 0 : index
    %swap3A_1305 = vector.load %arg4[%swap3A_1302, %swap3A_1303, %swap3A_1304] : memref<2x8192x32xf32, #tpu.memory_space<vmem>>, vector<1x128x32xf32>
    %swap3A_1306 = vector.shape_cast %swap3A_1305 : vector<1x128x32xf32> to vector<128x32xf32>
    %swap3A_1307 = vector.shape_cast %slice3A_1301 : vector<128x32xf32> to vector<1x128x32xf32>
    tpu.vector_store %arg4[%swap3A_1302, %swap3A_1303, %swap3A_1304], %swap3A_1307 {strides = array<i32>} : memref<2x8192x32xf32, #tpu.memory_space<vmem>>, vector<1x128x32xf32>,
    %slice3A_1308 = vector.extract_strided_slice %select_n3A_679 {offsets = [0, 2880], sizes = [128, 32], strides = [1, 1]} : vector<128x4096xf32> to vector<128x32xf32>
    %swap3A_1309 = arith.constant 1 : index
    %swap3A_1310 = arith.constant 3328 : index
    %swap3A_1311 = arith.constant 0 : index
    %swap3A_1312 = vector.load %arg4[%swap3A_1309, %swap3A_1310, %swap3A_1311] : memref<2x8192x32xf32, #tpu.memory_space<vmem>>, vector<1x128x32xf32>
    %swap3A_1313 = vector.shape_cast %swap3A_1312 : vector<1x128x32xf32> to vector<128x32xf32>
    %swap3A_1314 = vector.shape_cast %slice3A_1308 : vector<128x32xf32> to vector<1x128x32xf32>
    tpu.vector_store %arg4[%swap3A_1309, %swap3A_1310, %swap3A_1311], %swap3A_1314 {strides = array<i32>} : memref<2x8192x32xf32, #tpu.memory_space<vmem>>, vector<1x128x32xf32>,
    %slice3A_1315 = vector.extract_strided_slice %select_n3A_679 {offsets = [0, 2912], sizes = [128, 32], strides = [1, 1]} : vector<128x4096xf32> to vector<128x32xf32>
    %swap3A_1316 = arith.constant 1 : index
    %swap3A_1317 = arith.constant 3456 : index
    %swap3A_1318 = arith.constant 0 : index
    %swap3A_1319 = vector.load %arg4[%swap3A_1316, %swap3A_1317, %swap3A_1318] : memref<2x8192x32xf32, #tpu.memory_space<vmem>>, vector<1x128x32xf32>
    %swap3A_1320 = vector.shape_cast %swap3A_1319 : vector<1x128x32xf32> to vector<128x32xf32>
    %swap3A_1321 = vector.shape_cast %slice3A_1315 : vector<128x32xf32> to vector<1x128x32xf32>
    tpu.vector_store %arg4[%swap3A_1316, %swap3A_1317, %swap3A_1318], %swap3A_1321 {strides = array<i32>} : memref<2x8192x32xf32, #tpu.memory_space<vmem>>, vector<1x128x32xf32>,
    %slice3A_1322 = vector.extract_strided_slice %select_n3A_679 {offsets = [0, 2944], sizes = [128, 32], strides = [1, 1]} : vector<128x4096xf32> to vector<128x32xf32>
    %swap3A_1323 = arith.constant 1 : index
    %swap3A_1324 = arith.constant 3584 : index
    %swap3A_1325 = arith.constant 0 : index
    %swap3A_1326 = vector.load %arg4[%swap3A_1323, %swap3A_1324, %swap3A_1325] : memref<2x8192x32xf32, #tpu.memory_space<vmem>>, vector<1x128x32xf32>
    %swap3A_1327 = vector.shape_cast %swap3A_1326 : vector<1x128x32xf32> to vector<128x32xf32>
    %swap3A_1328 = vector.shape_cast %slice3A_1322 : vector<128x32xf32> to vector<1x128x32xf32>
    tpu.vector_store %arg4[%swap3A_1323, %swap3A_1324, %swap3A_1325], %swap3A_1328 {strides = array<i32>} : memref<2x8192x32xf32, #tpu.memory_space<vmem>>, vector<1x128x32xf32>,
    %slice3A_1329 = vector.extract_strided_slice %select_n3A_679 {offsets = [0, 2976], sizes = [128, 32], strides = [1, 1]} : vector<128x4096xf32> to vector<128x32xf32>
    %swap3A_1330 = arith.constant 1 : index
    %swap3A_1331 = arith.constant 3712 : index
    %swap3A_1332 = arith.constant 0 : index
    %swap3A_1333 = vector.load %arg4[%swap3A_1330, %swap3A_1331, %swap3A_1332] : memref<2x8192x32xf32, #tpu.memory_space<vmem>>, vector<1x128x32xf32>
    %swap3A_1334 = vector.shape_cast %swap3A_1333 : vector<1x128x32xf32> to vector<128x32xf32>
    %swap3A_1335 = vector.shape_cast %slice3A_1329 : vector<128x32xf32> to vector<1x128x32xf32>
    tpu.vector_store %arg4[%swap3A_1330, %swap3A_1331, %swap3A_1332], %swap3A_1335 {strides = array<i32>} : memref<2x8192x32xf32, #tpu.memory_space<vmem>>, vector<1x128x32xf32>,
    %slice3A_1336 = vector.extract_strided_slice %select_n3A_679 {offsets = [0, 3008], sizes = [128, 32], strides = [1, 1]} : vector<128x4096xf32> to vector<128x32xf32>
    %swap3A_1337 = arith.constant 1 : index
    %swap3A_1338 = arith.constant 3840 : index
    %swap3A_1339 = arith.constant 0 : index
    %swap3A_1340 = vector.load %arg4[%swap3A_1337, %swap3A_1338, %swap3A_1339] : memref<2x8192x32xf32, #tpu.memory_space<vmem>>, vector<1x128x32xf32>
    %swap3A_1341 = vector.shape_cast %swap3A_1340 : vector<1x128x32xf32> to vector<128x32xf32>
    %swap3A_1342 = vector.shape_cast %slice3A_1336 : vector<128x32xf32> to vector<1x128x32xf32>
    tpu.vector_store %arg4[%swap3A_1337, %swap3A_1338, %swap3A_1339], %swap3A_1342 {strides = array<i32>} : memref<2x8192x32xf32, #tpu.memory_space<vmem>>, vector<1x128x32xf32>,
    %slice3A_1343 = vector.extract_strided_slice %select_n3A_679 {offsets = [0, 3040], sizes = [128, 32], strides = [1, 1]} : vector<128x4096xf32> to vector<128x32xf32>
    %swap3A_1344 = arith.constant 1 : index
    %swap3A_1345 = arith.constant 3968 : index
    %swap3A_1346 = arith.constant 0 : index
    %swap3A_1347 = vector.load %arg4[%swap3A_1344, %swap3A_1345, %swap3A_1346] : memref<2x8192x32xf32, #tpu.memory_space<vmem>>, vector<1x128x32xf32>
    %swap3A_1348 = vector.shape_cast %swap3A_1347 : vector<1x128x32xf32> to vector<128x32xf32>
    %swap3A_1349 = vector.shape_cast %slice3A_1343 : vector<128x32xf32> to vector<1x128x32xf32>
    tpu.vector_store %arg4[%swap3A_1344, %swap3A_1345, %swap3A_1346], %swap3A_1349 {strides = array<i32>} : memref<2x8192x32xf32, #tpu.memory_space<vmem>>, vector<1x128x32xf32>,
    %slice3A_1350 = vector.extract_strided_slice %select_n3A_679 {offsets = [0, 3072], sizes = [128, 32], strides = [1, 1]} : vector<128x4096xf32> to vector<128x32xf32>
    %swap3A_1351 = arith.constant 1 : index
    %swap3A_1352 = arith.constant 4096 : index
    %swap3A_1353 = arith.constant 0 : index
    %swap3A_1354 = vector.load %arg4[%swap3A_1351, %swap3A_1352, %swap3A_1353] : memref<2x8192x32xf32, #tpu.memory_space<vmem>>, vector<1x128x32xf32>
    %swap3A_1355 = vector.shape_cast %swap3A_1354 : vector<1x128x32xf32> to vector<128x32xf32>
    %swap3A_1356 = vector.shape_cast %slice3A_1350 : vector<128x32xf32> to vector<1x128x32xf32>
    tpu.vector_store %arg4[%swap3A_1351, %swap3A_1352, %swap3A_1353], %swap3A_1356 {strides = array<i32>} : memref<2x8192x32xf32, #tpu.memory_space<vmem>>, vector<1x128x32xf32>,
    %slice3A_1357 = vector.extract_strided_slice %select_n3A_679 {offsets = [0, 3104], sizes = [128, 32], strides = [1, 1]} : vector<128x4096xf32> to vector<128x32xf32>
    %swap3A_1358 = arith.constant 1 : index
    %swap3A_1359 = arith.constant 4224 : index
    %swap3A_1360 = arith.constant 0 : index
    %swap3A_1361 = vector.load %arg4[%swap3A_1358, %swap3A_1359, %swap3A_1360] : memref<2x8192x32xf32, #tpu.memory_space<vmem>>, vector<1x128x32xf32>
    %swap3A_1362 = vector.shape_cast %swap3A_1361 : vector<1x128x32xf32> to vector<128x32xf32>
    %swap3A_1363 = vector.shape_cast %slice3A_1357 : vector<128x32xf32> to vector<1x128x32xf32>
    tpu.vector_store %arg4[%swap3A_1358, %swap3A_1359, %swap3A_1360], %swap3A_1363 {strides = array<i32>} : memref<2x8192x32xf32, #tpu.memory_space<vmem>>, vector<1x128x32xf32>,
    %slice3A_1364 = vector.extract_strided_slice %select_n3A_679 {offsets = [0, 3136], sizes = [128, 32], strides = [1, 1]} : vector<128x4096xf32> to vector<128x32xf32>
    %swap3A_1365 = arith.constant 1 : index
    %swap3A_1366 = arith.constant 4352 : index
    %swap3A_1367 = arith.constant 0 : index
    %swap3A_1368 = vector.load %arg4[%swap3A_1365, %swap3A_1366, %swap3A_1367] : memref<2x8192x32xf32, #tpu.memory_space<vmem>>, vector<1x128x32xf32>
    %swap3A_1369 = vector.shape_cast %swap3A_1368 : vector<1x128x32xf32> to vector<128x32xf32>
    %swap3A_1370 = vector.shape_cast %slice3A_1364 : vector<128x32xf32> to vector<1x128x32xf32>
    tpu.vector_store %arg4[%swap3A_1365, %swap3A_1366, %swap3A_1367], %swap3A_1370 {strides = array<i32>} : memref<2x8192x32xf32, #tpu.memory_space<vmem>>, vector<1x128x32xf32>,
    %slice3A_1371 = vector.extract_strided_slice %select_n3A_679 {offsets = [0, 3168], sizes = [128, 32], strides = [1, 1]} : vector<128x4096xf32> to vector<128x32xf32>
    %swap3A_1372 = arith.constant 1 : index
    %swap3A_1373 = arith.constant 4480 : index
    %swap3A_1374 = arith.constant 0 : index
    %swap3A_1375 = vector.load %arg4[%swap3A_1372, %swap3A_1373, %swap3A_1374] : memref<2x8192x32xf32, #tpu.memory_space<vmem>>, vector<1x128x32xf32>
    %swap3A_1376 = vector.shape_cast %swap3A_1375 : vector<1x128x32xf32> to vector<128x32xf32>
    %swap3A_1377 = vector.shape_cast %slice3A_1371 : vector<128x32xf32> to vector<1x128x32xf32>
    tpu.vector_store %arg4[%swap3A_1372, %swap3A_1373, %swap3A_1374], %swap3A_1377 {strides = array<i32>} : memref<2x8192x32xf32, #tpu.memory_space<vmem>>, vector<1x128x32xf32>,
    %slice3A_1378 = vector.extract_strided_slice %select_n3A_679 {offsets = [0, 3200], sizes = [128, 32], strides = [1, 1]} : vector<128x4096xf32> to vector<128x32xf32>
    %swap3A_1379 = arith.constant 1 : index
    %swap3A_1380 = arith.constant 4608 : index
    %swap3A_1381 = arith.constant 0 : index
    %swap3A_1382 = vector.load %arg4[%swap3A_1379, %swap3A_1380, %swap3A_1381] : memref<2x8192x32xf32, #tpu.memory_space<vmem>>, vector<1x128x32xf32>
    %swap3A_1383 = vector.shape_cast %swap3A_1382 : vector<1x128x32xf32> to vector<128x32xf32>
    %swap3A_1384 = vector.shape_cast %slice3A_1378 : vector<128x32xf32> to vector<1x128x32xf32>
    tpu.vector_store %arg4[%swap3A_1379, %swap3A_1380, %swap3A_1381], %swap3A_1384 {strides = array<i32>} : memref<2x8192x32xf32, #tpu.memory_space<vmem>>, vector<1x128x32xf32>,
    %slice3A_1385 = vector.extract_strided_slice %select_n3A_679 {offsets = [0, 3232], sizes = [128, 32], strides = [1, 1]} : vector<128x4096xf32> to vector<128x32xf32>
    %swap3A_1386 = arith.constant 1 : index
    %swap3A_1387 = arith.constant 4736 : index
    %swap3A_1388 = arith.constant 0 : index
    %swap3A_1389 = vector.load %arg4[%swap3A_1386, %swap3A_1387, %swap3A_1388] : memref<2x8192x32xf32, #tpu.memory_space<vmem>>, vector<1x128x32xf32>
    %swap3A_1390 = vector.shape_cast %swap3A_1389 : vector<1x128x32xf32> to vector<128x32xf32>
    %swap3A_1391 = vector.shape_cast %slice3A_1385 : vector<128x32xf32> to vector<1x128x32xf32>
    tpu.vector_store %arg4[%swap3A_1386, %swap3A_1387, %swap3A_1388], %swap3A_1391 {strides = array<i32>} : memref<2x8192x32xf32, #tpu.memory_space<vmem>>, vector<1x128x32xf32>,
    %slice3A_1392 = vector.extract_strided_slice %select_n3A_679 {offsets = [0, 3264], sizes = [128, 32], strides = [1, 1]} : vector<128x4096xf32> to vector<128x32xf32>
    %swap3A_1393 = arith.constant 1 : index
    %swap3A_1394 = arith.constant 4864 : index
    %swap3A_1395 = arith.constant 0 : index
    %swap3A_1396 = vector.load %arg4[%swap3A_1393, %swap3A_1394, %swap3A_1395] : memref<2x8192x32xf32, #tpu.memory_space<vmem>>, vector<1x128x32xf32>
    %swap3A_1397 = vector.shape_cast %swap3A_1396 : vector<1x128x32xf32> to vector<128x32xf32>
    %swap3A_1398 = vector.shape_cast %slice3A_1392 : vector<128x32xf32> to vector<1x128x32xf32>
    tpu.vector_store %arg4[%swap3A_1393, %swap3A_1394, %swap3A_1395], %swap3A_1398 {strides = array<i32>} : memref<2x8192x32xf32, #tpu.memory_space<vmem>>, vector<1x128x32xf32>,
    %slice3A_1399 = vector.extract_strided_slice %select_n3A_679 {offsets = [0, 3296], sizes = [128, 32], strides = [1, 1]} : vector<128x4096xf32> to vector<128x32xf32>
    %swap3A_1400 = arith.constant 1 : index
    %swap3A_1401 = arith.constant 4992 : index
    %swap3A_1402 = arith.constant 0 : index
    %swap3A_1403 = vector.load %arg4[%swap3A_1400, %swap3A_1401, %swap3A_1402] : memref<2x8192x32xf32, #tpu.memory_space<vmem>>, vector<1x128x32xf32>
    %swap3A_1404 = vector.shape_cast %swap3A_1403 : vector<1x128x32xf32> to vector<128x32xf32>
    %swap3A_1405 = vector.shape_cast %slice3A_1399 : vector<128x32xf32> to vector<1x128x32xf32>
    tpu.vector_store %arg4[%swap3A_1400, %swap3A_1401, %swap3A_1402], %swap3A_1405 {strides = array<i32>} : memref<2x8192x32xf32, #tpu.memory_space<vmem>>, vector<1x128x32xf32>,
    %slice3A_1406 = vector.extract_strided_slice %select_n3A_679 {offsets = [0, 3328], sizes = [128, 32], strides = [1, 1]} : vector<128x4096xf32> to vector<128x32xf32>
    %swap3A_1407 = arith.constant 1 : index
    %swap3A_1408 = arith.constant 5120 : index
    %swap3A_1409 = arith.constant 0 : index
    %swap3A_1410 = vector.load %arg4[%swap3A_1407, %swap3A_1408, %swap3A_1409] : memref<2x8192x32xf32, #tpu.memory_space<vmem>>, vector<1x128x32xf32>
    %swap3A_1411 = vector.shape_cast %swap3A_1410 : vector<1x128x32xf32> to vector<128x32xf32>
    %swap3A_1412 = vector.shape_cast %slice3A_1406 : vector<128x32xf32> to vector<1x128x32xf32>
    tpu.vector_store %arg4[%swap3A_1407, %swap3A_1408, %swap3A_1409], %swap3A_1412 {strides = array<i32>} : memref<2x8192x32xf32, #tpu.memory_space<vmem>>, vector<1x128x32xf32>,
    %slice3A_1413 = vector.extract_strided_slice %select_n3A_679 {offsets = [0, 3360], sizes = [128, 32], strides = [1, 1]} : vector<128x4096xf32> to vector<128x32xf32>
    %swap3A_1414 = arith.constant 1 : index
    %swap3A_1415 = arith.constant 5248 : index
    %swap3A_1416 = arith.constant 0 : index
    %swap3A_1417 = vector.load %arg4[%swap3A_1414, %swap3A_1415, %swap3A_1416] : memref<2x8192x32xf32, #tpu.memory_space<vmem>>, vector<1x128x32xf32>
    %swap3A_1418 = vector.shape_cast %swap3A_1417 : vector<1x128x32xf32> to vector<128x32xf32>
    %swap3A_1419 = vector.shape_cast %slice3A_1413 : vector<128x32xf32> to vector<1x128x32xf32>
    tpu.vector_store %arg4[%swap3A_1414, %swap3A_1415, %swap3A_1416], %swap3A_1419 {strides = array<i32>} : memref<2x8192x32xf32, #tpu.memory_space<vmem>>, vector<1x128x32xf32>,
    %slice3A_1420 = vector.extract_strided_slice %select_n3A_679 {offsets = [0, 3392], sizes = [128, 32], strides = [1, 1]} : vector<128x4096xf32> to vector<128x32xf32>
    %swap3A_1421 = arith.constant 1 : index
    %swap3A_1422 = arith.constant 5376 : index
    %swap3A_1423 = arith.constant 0 : index
    %swap3A_1424 = vector.load %arg4[%swap3A_1421, %swap3A_1422, %swap3A_1423] : memref<2x8192x32xf32, #tpu.memory_space<vmem>>, vector<1x128x32xf32>
    %swap3A_1425 = vector.shape_cast %swap3A_1424 : vector<1x128x32xf32> to vector<128x32xf32>
    %swap3A_1426 = vector.shape_cast %slice3A_1420 : vector<128x32xf32> to vector<1x128x32xf32>
    tpu.vector_store %arg4[%swap3A_1421, %swap3A_1422, %swap3A_1423], %swap3A_1426 {strides = array<i32>} : memref<2x8192x32xf32, #tpu.memory_space<vmem>>, vector<1x128x32xf32>,
    %slice3A_1427 = vector.extract_strided_slice %select_n3A_679 {offsets = [0, 3424], sizes = [128, 32], strides = [1, 1]} : vector<128x4096xf32> to vector<128x32xf32>
    %swap3A_1428 = arith.constant 1 : index
    %swap3A_1429 = arith.constant 5504 : index
    %swap3A_1430 = arith.constant 0 : index
    %swap3A_1431 = vector.load %arg4[%swap3A_1428, %swap3A_1429, %swap3A_1430] : memref<2x8192x32xf32, #tpu.memory_space<vmem>>, vector<1x128x32xf32>
    %swap3A_1432 = vector.shape_cast %swap3A_1431 : vector<1x128x32xf32> to vector<128x32xf32>
    %swap3A_1433 = vector.shape_cast %slice3A_1427 : vector<128x32xf32> to vector<1x128x32xf32>
    tpu.vector_store %arg4[%swap3A_1428, %swap3A_1429, %swap3A_1430], %swap3A_1433 {strides = array<i32>} : memref<2x8192x32xf32, #tpu.memory_space<vmem>>, vector<1x128x32xf32>,
    %slice3A_1434 = vector.extract_strided_slice %select_n3A_679 {offsets = [0, 3456], sizes = [128, 32], strides = [1, 1]} : vector<128x4096xf32> to vector<128x32xf32>
    %swap3A_1435 = arith.constant 1 : index
    %swap3A_1436 = arith.constant 5632 : index
    %swap3A_1437 = arith.constant 0 : index
    %swap3A_1438 = vector.load %arg4[%swap3A_1435, %swap3A_1436, %swap3A_1437] : memref<2x8192x32xf32, #tpu.memory_space<vmem>>, vector<1x128x32xf32>
    %swap3A_1439 = vector.shape_cast %swap3A_1438 : vector<1x128x32xf32> to vector<128x32xf32>
    %swap3A_1440 = vector.shape_cast %slice3A_1434 : vector<128x32xf32> to vector<1x128x32xf32>
    tpu.vector_store %arg4[%swap3A_1435, %swap3A_1436, %swap3A_1437], %swap3A_1440 {strides = array<i32>} : memref<2x8192x32xf32, #tpu.memory_space<vmem>>, vector<1x128x32xf32>,
    %slice3A_1441 = vector.extract_strided_slice %select_n3A_679 {offsets = [0, 3488], sizes = [128, 32], strides = [1, 1]} : vector<128x4096xf32> to vector<128x32xf32>
    %swap3A_1442 = arith.constant 1 : index
    %swap3A_1443 = arith.constant 5760 : index
    %swap3A_1444 = arith.constant 0 : index
    %swap3A_1445 = vector.load %arg4[%swap3A_1442, %swap3A_1443, %swap3A_1444] : memref<2x8192x32xf32, #tpu.memory_space<vmem>>, vector<1x128x32xf32>
    %swap3A_1446 = vector.shape_cast %swap3A_1445 : vector<1x128x32xf32> to vector<128x32xf32>
    %swap3A_1447 = vector.shape_cast %slice3A_1441 : vector<128x32xf32> to vector<1x128x32xf32>
    tpu.vector_store %arg4[%swap3A_1442, %swap3A_1443, %swap3A_1444], %swap3A_1447 {strides = array<i32>} : memref<2x8192x32xf32, #tpu.memory_space<vmem>>, vector<1x128x32xf32>,
    %slice3A_1448 = vector.extract_strided_slice %select_n3A_679 {offsets = [0, 3520], sizes = [128, 32], strides = [1, 1]} : vector<128x4096xf32> to vector<128x32xf32>
    %swap3A_1449 = arith.constant 1 : index
    %swap3A_1450 = arith.constant 5888 : index
    %swap3A_1451 = arith.constant 0 : index
    %swap3A_1452 = vector.load %arg4[%swap3A_1449, %swap3A_1450, %swap3A_1451] : memref<2x8192x32xf32, #tpu.memory_space<vmem>>, vector<1x128x32xf32>
    %swap3A_1453 = vector.shape_cast %swap3A_1452 : vector<1x128x32xf32> to vector<128x32xf32>
    %swap3A_1454 = vector.shape_cast %slice3A_1448 : vector<128x32xf32> to vector<1x128x32xf32>
    tpu.vector_store %arg4[%swap3A_1449, %swap3A_1450, %swap3A_1451], %swap3A_1454 {strides = array<i32>} : memref<2x8192x32xf32, #tpu.memory_space<vmem>>, vector<1x128x32xf32>,
    %slice3A_1455 = vector.extract_strided_slice %select_n3A_679 {offsets = [0, 3552], sizes = [128, 32], strides = [1, 1]} : vector<128x4096xf32> to vector<128x32xf32>
    %swap3A_1456 = arith.constant 1 : index
    %swap3A_1457 = arith.constant 6016 : index
    %swap3A_1458 = arith.constant 0 : index
    %swap3A_1459 = vector.load %arg4[%swap3A_1456, %swap3A_1457, %swap3A_1458] : memref<2x8192x32xf32, #tpu.memory_space<vmem>>, vector<1x128x32xf32>
    %swap3A_1460 = vector.shape_cast %swap3A_1459 : vector<1x128x32xf32> to vector<128x32xf32>
    %swap3A_1461 = vector.shape_cast %slice3A_1455 : vector<128x32xf32> to vector<1x128x32xf32>
    tpu.vector_store %arg4[%swap3A_1456, %swap3A_1457, %swap3A_1458], %swap3A_1461 {strides = array<i32>} : memref<2x8192x32xf32, #tpu.memory_space<vmem>>, vector<1x128x32xf32>,
    %slice3A_1462 = vector.extract_strided_slice %select_n3A_679 {offsets = [0, 3584], sizes = [128, 32], strides = [1, 1]} : vector<128x4096xf32> to vector<128x32xf32>
    %swap3A_1463 = arith.constant 1 : index
    %swap3A_1464 = arith.constant 6144 : index
    %swap3A_1465 = arith.constant 0 : index
    %swap3A_1466 = vector.load %arg4[%swap3A_1463, %swap3A_1464, %swap3A_1465] : memref<2x8192x32xf32, #tpu.memory_space<vmem>>, vector<1x128x32xf32>
    %swap3A_1467 = vector.shape_cast %swap3A_1466 : vector<1x128x32xf32> to vector<128x32xf32>
    %swap3A_1468 = vector.shape_cast %slice3A_1462 : vector<128x32xf32> to vector<1x128x32xf32>
    tpu.vector_store %arg4[%swap3A_1463, %swap3A_1464, %swap3A_1465], %swap3A_1468 {strides = array<i32>} : memref<2x8192x32xf32, #tpu.memory_space<vmem>>, vector<1x128x32xf32>,
    %slice3A_1469 = vector.extract_strided_slice %select_n3A_679 {offsets = [0, 3616], sizes = [128, 32], strides = [1, 1]} : vector<128x4096xf32> to vector<128x32xf32>
    %swap3A_1470 = arith.constant 1 : index
    %swap3A_1471 = arith.constant 6272 : index
    %swap3A_1472 = arith.constant 0 : index
    %swap3A_1473 = vector.load %arg4[%swap3A_1470, %swap3A_1471, %swap3A_1472] : memref<2x8192x32xf32, #tpu.memory_space<vmem>>, vector<1x128x32xf32>
    %swap3A_1474 = vector.shape_cast %swap3A_1473 : vector<1x128x32xf32> to vector<128x32xf32>
    %swap3A_1475 = vector.shape_cast %slice3A_1469 : vector<128x32xf32> to vector<1x128x32xf32>
    tpu.vector_store %arg4[%swap3A_1470, %swap3A_1471, %swap3A_1472], %swap3A_1475 {strides = array<i32>} : memref<2x8192x32xf32, #tpu.memory_space<vmem>>, vector<1x128x32xf32>,
    %slice3A_1476 = vector.extract_strided_slice %select_n3A_679 {offsets = [0, 3648], sizes = [128, 32], strides = [1, 1]} : vector<128x4096xf32> to vector<128x32xf32>
    %swap3A_1477 = arith.constant 1 : index
    %swap3A_1478 = arith.constant 6400 : index
    %swap3A_1479 = arith.constant 0 : index
    %swap3A_1480 = vector.load %arg4[%swap3A_1477, %swap3A_1478, %swap3A_1479] : memref<2x8192x32xf32, #tpu.memory_space<vmem>>, vector<1x128x32xf32>
    %swap3A_1481 = vector.shape_cast %swap3A_1480 : vector<1x128x32xf32> to vector<128x32xf32>
    %swap3A_1482 = vector.shape_cast %slice3A_1476 : vector<128x32xf32> to vector<1x128x32xf32>
    tpu.vector_store %arg4[%swap3A_1477, %swap3A_1478, %swap3A_1479], %swap3A_1482 {strides = array<i32>} : memref<2x8192x32xf32, #tpu.memory_space<vmem>>, vector<1x128x32xf32>,
    %slice3A_1483 = vector.extract_strided_slice %select_n3A_679 {offsets = [0, 3680], sizes = [128, 32], strides = [1, 1]} : vector<128x4096xf32> to vector<128x32xf32>
    %swap3A_1484 = arith.constant 1 : index
    %swap3A_1485 = arith.constant 6528 : index
    %swap3A_1486 = arith.constant 0 : index
    %swap3A_1487 = vector.load %arg4[%swap3A_1484, %swap3A_1485, %swap3A_1486] : memref<2x8192x32xf32, #tpu.memory_space<vmem>>, vector<1x128x32xf32>
    %swap3A_1488 = vector.shape_cast %swap3A_1487 : vector<1x128x32xf32> to vector<128x32xf32>
    %swap3A_1489 = vector.shape_cast %slice3A_1483 : vector<128x32xf32> to vector<1x128x32xf32>
    tpu.vector_store %arg4[%swap3A_1484, %swap3A_1485, %swap3A_1486], %swap3A_1489 {strides = array<i32>} : memref<2x8192x32xf32, #tpu.memory_space<vmem>>, vector<1x128x32xf32>,
    %slice3A_1490 = vector.extract_strided_slice %select_n3A_679 {offsets = [0, 3712], sizes = [128, 32], strides = [1, 1]} : vector<128x4096xf32> to vector<128x32xf32>
    %swap3A_1491 = arith.constant 1 : index
    %swap3A_1492 = arith.constant 6656 : index
    %swap3A_1493 = arith.constant 0 : index
    %swap3A_1494 = vector.load %arg4[%swap3A_1491, %swap3A_1492, %swap3A_1493] : memref<2x8192x32xf32, #tpu.memory_space<vmem>>, vector<1x128x32xf32>
    %swap3A_1495 = vector.shape_cast %swap3A_1494 : vector<1x128x32xf32> to vector<128x32xf32>
    %swap3A_1496 = vector.shape_cast %slice3A_1490 : vector<128x32xf32> to vector<1x128x32xf32>
    tpu.vector_store %arg4[%swap3A_1491, %swap3A_1492, %swap3A_1493], %swap3A_1496 {strides = array<i32>} : memref<2x8192x32xf32, #tpu.memory_space<vmem>>, vector<1x128x32xf32>,
    %slice3A_1497 = vector.extract_strided_slice %select_n3A_679 {offsets = [0, 3744], sizes = [128, 32], strides = [1, 1]} : vector<128x4096xf32> to vector<128x32xf32>
    %swap3A_1498 = arith.constant 1 : index
    %swap3A_1499 = arith.constant 6784 : index
    %swap3A_1500 = arith.constant 0 : index
    %swap3A_1501 = vector.load %arg4[%swap3A_1498, %swap3A_1499, %swap3A_1500] : memref<2x8192x32xf32, #tpu.memory_space<vmem>>, vector<1x128x32xf32>
    %swap3A_1502 = vector.shape_cast %swap3A_1501 : vector<1x128x32xf32> to vector<128x32xf32>
    %swap3A_1503 = vector.shape_cast %slice3A_1497 : vector<128x32xf32> to vector<1x128x32xf32>
    tpu.vector_store %arg4[%swap3A_1498, %swap3A_1499, %swap3A_1500], %swap3A_1503 {strides = array<i32>} : memref<2x8192x32xf32, #tpu.memory_space<vmem>>, vector<1x128x32xf32>,
    %slice3A_1504 = vector.extract_strided_slice %select_n3A_679 {offsets = [0, 3776], sizes = [128, 32], strides = [1, 1]} : vector<128x4096xf32> to vector<128x32xf32>
    %swap3A_1505 = arith.constant 1 : index
    %swap3A_1506 = arith.constant 6912 : index
    %swap3A_1507 = arith.constant 0 : index
    %swap3A_1508 = vector.load %arg4[%swap3A_1505, %swap3A_1506, %swap3A_1507] : memref<2x8192x32xf32, #tpu.memory_space<vmem>>, vector<1x128x32xf32>
    %swap3A_1509 = vector.shape_cast %swap3A_1508 : vector<1x128x32xf32> to vector<128x32xf32>
    %swap3A_1510 = vector.shape_cast %slice3A_1504 : vector<128x32xf32> to vector<1x128x32xf32>
    tpu.vector_store %arg4[%swap3A_1505, %swap3A_1506, %swap3A_1507], %swap3A_1510 {strides = array<i32>} : memref<2x8192x32xf32, #tpu.memory_space<vmem>>, vector<1x128x32xf32>,
    %slice3A_1511 = vector.extract_strided_slice %select_n3A_679 {offsets = [0, 3808], sizes = [128, 32], strides = [1, 1]} : vector<128x4096xf32> to vector<128x32xf32>
    %swap3A_1512 = arith.constant 1 : index
    %swap3A_1513 = arith.constant 7040 : index
    %swap3A_1514 = arith.constant 0 : index
    %swap3A_1515 = vector.load %arg4[%swap3A_1512, %swap3A_1513, %swap3A_1514] : memref<2x8192x32xf32, #tpu.memory_space<vmem>>, vector<1x128x32xf32>
    %swap3A_1516 = vector.shape_cast %swap3A_1515 : vector<1x128x32xf32> to vector<128x32xf32>
    %swap3A_1517 = vector.shape_cast %slice3A_1511 : vector<128x32xf32> to vector<1x128x32xf32>
    tpu.vector_store %arg4[%swap3A_1512, %swap3A_1513, %swap3A_1514], %swap3A_1517 {strides = array<i32>} : memref<2x8192x32xf32, #tpu.memory_space<vmem>>, vector<1x128x32xf32>,
    %slice3A_1518 = vector.extract_strided_slice %select_n3A_679 {offsets = [0, 3840], sizes = [128, 32], strides = [1, 1]} : vector<128x4096xf32> to vector<128x32xf32>
    %swap3A_1519 = arith.constant 1 : index
    %swap3A_1520 = arith.constant 7168 : index
    %swap3A_1521 = arith.constant 0 : index
    %swap3A_1522 = vector.load %arg4[%swap3A_1519, %swap3A_1520, %swap3A_1521] : memref<2x8192x32xf32, #tpu.memory_space<vmem>>, vector<1x128x32xf32>
    %swap3A_1523 = vector.shape_cast %swap3A_1522 : vector<1x128x32xf32> to vector<128x32xf32>
    %swap3A_1524 = vector.shape_cast %slice3A_1518 : vector<128x32xf32> to vector<1x128x32xf32>
    tpu.vector_store %arg4[%swap3A_1519, %swap3A_1520, %swap3A_1521], %swap3A_1524 {strides = array<i32>} : memref<2x8192x32xf32, #tpu.memory_space<vmem>>, vector<1x128x32xf32>,
    %slice3A_1525 = vector.extract_strided_slice %select_n3A_679 {offsets = [0, 3872], sizes = [128, 32], strides = [1, 1]} : vector<128x4096xf32> to vector<128x32xf32>
    %swap3A_1526 = arith.constant 1 : index
    %swap3A_1527 = arith.constant 7296 : index
    %swap3A_1528 = arith.constant 0 : index
    %swap3A_1529 = vector.load %arg4[%swap3A_1526, %swap3A_1527, %swap3A_1528] : memref<2x8192x32xf32, #tpu.memory_space<vmem>>, vector<1x128x32xf32>
    %swap3A_1530 = vector.shape_cast %swap3A_1529 : vector<1x128x32xf32> to vector<128x32xf32>
    %swap3A_1531 = vector.shape_cast %slice3A_1525 : vector<128x32xf32> to vector<1x128x32xf32>
    tpu.vector_store %arg4[%swap3A_1526, %swap3A_1527, %swap3A_1528], %swap3A_1531 {strides = array<i32>} : memref<2x8192x32xf32, #tpu.memory_space<vmem>>, vector<1x128x32xf32>,
    %slice3A_1532 = vector.extract_strided_slice %select_n3A_679 {offsets = [0, 3904], sizes = [128, 32], strides = [1, 1]} : vector<128x4096xf32> to vector<128x32xf32>
    %swap3A_1533 = arith.constant 1 : index
    %swap3A_1534 = arith.constant 7424 : index
    %swap3A_1535 = arith.constant 0 : index
    %swap3A_1536 = vector.load %arg4[%swap3A_1533, %swap3A_1534, %swap3A_1535] : memref<2x8192x32xf32, #tpu.memory_space<vmem>>, vector<1x128x32xf32>
    %swap3A_1537 = vector.shape_cast %swap3A_1536 : vector<1x128x32xf32> to vector<128x32xf32>
    %swap3A_1538 = vector.shape_cast %slice3A_1532 : vector<128x32xf32> to vector<1x128x32xf32>
    tpu.vector_store %arg4[%swap3A_1533, %swap3A_1534, %swap3A_1535], %swap3A_1538 {strides = array<i32>} : memref<2x8192x32xf32, #tpu.memory_space<vmem>>, vector<1x128x32xf32>,
    %slice3A_1539 = vector.extract_strided_slice %select_n3A_679 {offsets = [0, 3936], sizes = [128, 32], strides = [1, 1]} : vector<128x4096xf32> to vector<128x32xf32>
    %swap3A_1540 = arith.constant 1 : index
    %swap3A_1541 = arith.constant 7552 : index
    %swap3A_1542 = arith.constant 0 : index
    %swap3A_1543 = vector.load %arg4[%swap3A_1540, %swap3A_1541, %swap3A_1542] : memref<2x8192x32xf32, #tpu.memory_space<vmem>>, vector<1x128x32xf32>
    %swap3A_1544 = vector.shape_cast %swap3A_1543 : vector<1x128x32xf32> to vector<128x32xf32>
    %swap3A_1545 = vector.shape_cast %slice3A_1539 : vector<128x32xf32> to vector<1x128x32xf32>
    tpu.vector_store %arg4[%swap3A_1540, %swap3A_1541, %swap3A_1542], %swap3A_1545 {strides = array<i32>} : memref<2x8192x32xf32, #tpu.memory_space<vmem>>, vector<1x128x32xf32>,
    %slice3A_1546 = vector.extract_strided_slice %select_n3A_679 {offsets = [0, 3968], sizes = [128, 32], strides = [1, 1]} : vector<128x4096xf32> to vector<128x32xf32>
    %swap3A_1547 = arith.constant 1 : index
    %swap3A_1548 = arith.constant 7680 : index
    %swap3A_1549 = arith.constant 0 : index
    %swap3A_1550 = vector.load %arg4[%swap3A_1547, %swap3A_1548, %swap3A_1549] : memref<2x8192x32xf32, #tpu.memory_space<vmem>>, vector<1x128x32xf32>
    %swap3A_1551 = vector.shape_cast %swap3A_1550 : vector<1x128x32xf32> to vector<128x32xf32>
    %swap3A_1552 = vector.shape_cast %slice3A_1546 : vector<128x32xf32> to vector<1x128x32xf32>
    tpu.vector_store %arg4[%swap3A_1547, %swap3A_1548, %swap3A_1549], %swap3A_1552 {strides = array<i32>} : memref<2x8192x32xf32, #tpu.memory_space<vmem>>, vector<1x128x32xf32>,
    %slice3A_1553 = vector.extract_strided_slice %select_n3A_679 {offsets = [0, 4000], sizes = [128, 32], strides = [1, 1]} : vector<128x4096xf32> to vector<128x32xf32>
    %swap3A_1554 = arith.constant 1 : index
    %swap3A_1555 = arith.constant 7808 : index
    %swap3A_1556 = arith.constant 0 : index
    %swap3A_1557 = vector.load %arg4[%swap3A_1554, %swap3A_1555, %swap3A_1556] : memref<2x8192x32xf32, #tpu.memory_space<vmem>>, vector<1x128x32xf32>
    %swap3A_1558 = vector.shape_cast %swap3A_1557 : vector<1x128x32xf32> to vector<128x32xf32>
    %swap3A_1559 = vector.shape_cast %slice3A_1553 : vector<128x32xf32> to vector<1x128x32xf32>
    tpu.vector_store %arg4[%swap3A_1554, %swap3A_1555, %swap3A_1556], %swap3A_1559 {strides = array<i32>} : memref<2x8192x32xf32, #tpu.memory_space<vmem>>, vector<1x128x32xf32>,
    %slice3A_1560 = vector.extract_strided_slice %select_n3A_679 {offsets = [0, 4032], sizes = [128, 32], strides = [1, 1]} : vector<128x4096xf32> to vector<128x32xf32>
    %swap3A_1561 = arith.constant 1 : index
    %swap3A_1562 = arith.constant 7936 : index
    %swap3A_1563 = arith.constant 0 : index
    %swap3A_1564 = vector.load %arg4[%swap3A_1561, %swap3A_1562, %swap3A_1563] : memref<2x8192x32xf32, #tpu.memory_space<vmem>>, vector<1x128x32xf32>
    %swap3A_1565 = vector.shape_cast %swap3A_1564 : vector<1x128x32xf32> to vector<128x32xf32>
    %swap3A_1566 = vector.shape_cast %slice3A_1560 : vector<128x32xf32> to vector<1x128x32xf32>
    tpu.vector_store %arg4[%swap3A_1561, %swap3A_1562, %swap3A_1563], %swap3A_1566 {strides = array<i32>} : memref<2x8192x32xf32, #tpu.memory_space<vmem>>, vector<1x128x32xf32>,
    %slice3A_1567 = vector.extract_strided_slice %select_n3A_679 {offsets = [0, 4064], sizes = [128, 32], strides = [1, 1]} : vector<128x4096xf32> to vector<128x32xf32>
    %swap3A_1568 = arith.constant 1 : index
    %swap3A_1569 = arith.constant 8064 : index
    %swap3A_1570 = arith.constant 0 : index
    %swap3A_1571 = vector.load %arg4[%swap3A_1568, %swap3A_1569, %swap3A_1570] : memref<2x8192x32xf32, #tpu.memory_space<vmem>>, vector<1x128x32xf32>
    %swap3A_1572 = vector.shape_cast %swap3A_1571 : vector<1x128x32xf32> to vector<128x32xf32>
    %swap3A_1573 = vector.shape_cast %slice3A_1567 : vector<128x32xf32> to vector<1x128x32xf32>
    tpu.vector_store %arg4[%swap3A_1568, %swap3A_1569, %swap3A_1570], %swap3A_1573 {strides = array<i32>} : memref<2x8192x32xf32, #tpu.memory_space<vmem>>, vector<1x128x32xf32>,
    return
  }
  func.func @transform_0(%arg0: i32) -> (i32, i32) {
    %add3A = arith.constant 1 : i32
    %add3A_0 = arith.addi %add3A, %arg0 : i32
    %c0_i32 = arith.constant 0 : i32
    %c0_i32_1 = arith.constant 0 : i32
    return %add3A_0, %c0_i32 : i32, i32
  }
  func.func @transform_1(%arg0: i32) -> i32 {
    %c0_i32 = arith.constant 0 : i32
    %c0_i32_0 = arith.constant 0 : i32
    return %c0_i32 : i32
  }
  func.func @transform_2(%arg0: i32) -> i32 {
    %c0_i32 = arith.constant 0 : i32
    %c0_i32_0 = arith.constant 0 : i32
    return %c0_i32 : i32
  }
  func.func @transform_3(%arg0: i32) -> (i32, i32, i32) {
    %add3A = arith.constant 1 : i32
    %add3A_0 = arith.addi %add3A, %arg0 : i32
    %c0_i32 = arith.constant 0 : i32
    %c0_i32_1 = arith.constant 0 : i32
    %c0_i32_2 = arith.constant 0 : i32
    return %add3A_0, %c0_i32, %c0_i32_1 : i32, i32, i32
  }
}

module attributes {stable_mosaic.version = 14 : i64} {
  func.func @_tc_expand_body(%arg0: i32, %arg1: memref<128x128xf32, #tpu.memory_space<vmem>>, %arg2: memref<128x128xf32, #tpu.memory_space<vmem>>, %arg3: memref<128x128xf32, #tpu.memory_space<vmem>>, %arg4: memref<16x8192x32xf32, #tpu.memory_space<hbm>>, %arg5: memref<2x8192x32xf32, #tpu.memory_space<vmem>>) attributes {dimension_semantics = [#tpu.dimension_semantics<arbitrary>], iteration_bounds = array<i64: 1>, scalar_prefetch = 0 : i64, scratch_operands = 0 : i64, tpu.core_type = #tpu.core_type<tc>, window_params = [{transform_indices = @transform_0, window_bounds = array<i64: 128, 128>}, {transform_indices = @transform_1, window_bounds = array<i64: 128, 128>}, {transform_indices = @transform_2, window_bounds = array<i64: 128, 128>}, {}, {transform_indices = @transform_4, window_bounds = array<i64: 2, 8192, 32>}]} {
    %get3A = arith.constant 0 : index
    %get3A_0 = arith.constant 0 : index
    %get3A_1 = vector.load %arg1[%get3A, %get3A_0] : memref<128x128xf32, #tpu.memory_space<vmem>>, vector<128x128xf32>
    %get3A_2 = arith.constant 0 : index
    %get3A_3 = arith.constant 0 : index
    %get3A_4 = vector.load %arg2[%get3A_2, %get3A_3] : memref<128x128xf32, #tpu.memory_space<vmem>>, vector<128x128xf32>
    %get3A_5 = arith.constant 0 : index
    %get3A_6 = arith.constant 0 : index
    %get3A_7 = vector.load %arg3[%get3A_5, %get3A_6] : memref<128x128xf32, #tpu.memory_space<vmem>>, vector<128x128xf32>
    %iota3A = tpu.iota {dimensions = array<i32: 1>} : vector<128x4096xi32>
    %jit3A = arith.constant 32 : i32
    %div3A = vector.broadcast %jit3A : i32 to vector<128x4096xi32>
    %div3A_8 = arith.divsi %iota3A, %div3A : vector<128x4096xi32>
    %sign3A = arith.constant 0 : i32
    %sign3A_9 = vector.broadcast %sign3A : i32 to vector<128x4096xi32>
    %sign3A_10 = arith.cmpi sgt, %iota3A, %sign3A_9 : vector<128x4096xi32>
    %sign3A_11 = arith.extui %sign3A_10 : vector<128x4096xi1> to vector<128x4096xi32>
    %sign3A_12 = arith.constant 0 : i32
    %sign3A_13 = vector.broadcast %sign3A_12 : i32 to vector<128x4096xi32>
    %sign3A_14 = arith.cmpi slt, %iota3A, %sign3A_13 : vector<128x4096xi32>
    %sign3A_15 = arith.extui %sign3A_14 : vector<128x4096xi1> to vector<128x4096xi32>
    %sign3A_16 = arith.subi %sign3A_11, %sign3A_15 : vector<128x4096xi32>
    %sign3A_17 = arith.constant 0 : i32
    %sign3A_18 = arith.cmpi sgt, %jit3A, %sign3A_17 : i32
    %sign3A_19 = arith.extui %sign3A_18 : i1 to i32
    %sign3A_20 = arith.constant 0 : i32
    %sign3A_21 = arith.cmpi slt, %jit3A, %sign3A_20 : i32
    %sign3A_22 = arith.extui %sign3A_21 : i1 to i32
    %sign3A_23 = arith.subi %sign3A_19, %sign3A_22 : i32
    %ne3A = vector.broadcast %sign3A_23 : i32 to vector<128x4096xi32>
    %ne3A_24 = arith.cmpi ne, %sign3A_16, %ne3A : vector<128x4096xi32>
    %rem3A = vector.broadcast %jit3A : i32 to vector<128x4096xi32>
    %rem3A_25 = arith.remsi %iota3A, %rem3A : vector<128x4096xi32>
    %ne3A_26 = arith.constant 0 : i32
    %ne3A_27 = vector.broadcast %ne3A_26 : i32 to vector<128x4096xi32>
    %ne3A_28 = arith.cmpi ne, %rem3A_25, %ne3A_27 : vector<128x4096xi32>
    %and3A = arith.andi %ne3A_24, %ne3A_28 : vector<128x4096xi1>
    %sub3A = arith.constant 1 : i32
    %sub3A_29 = vector.broadcast %sub3A : i32 to vector<128x4096xi32>
    %sub3A_30 = arith.subi %div3A_8, %sub3A_29 : vector<128x4096xi32>
    %select_n3A = arith.select %and3A, %sub3A_30, %div3A_8 : vector<128x4096xi1>, vector<128x4096xi32>
    %iota3A_31 = tpu.iota {dimensions = array<i32: 0>} : vector<128x4096xi32>
    %eq3A = arith.cmpi eq, %select_n3A, %iota3A_31 : vector<128x4096xi32>
    %convert_element_type3A = arith.extui %eq3A : vector<128x4096xi1> to vector<128x4096xi32>
    %convert_element_type3A_32 = arith.sitofp %convert_element_type3A : vector<128x4096xi32> to vector<128x4096xf32>
    %dot_general3A = arith.constant dense<0.000000e+00> : vector<128x4096xf32>
    %dot_general3A_33 = tpu.matmul %get3A_1, %convert_element_type3A_32, %dot_general3A {dimension_numbers = #tpu.dot_dimension_numbers<[0], [0], [1], [1], [0, 1, 1, 1], [], []>, transpose_lhs_hint = false} : vector<128x128xf32>, vector<128x4096xf32>, vector<128x4096xf32> -> vector<128x4096xf32>
    %dot_general3A_34 = arith.constant dense<0.000000e+00> : vector<128x4096xf32>
    %dot_general3A_35 = tpu.matmul %get3A_4, %convert_element_type3A_32, %dot_general3A_34 {dimension_numbers = #tpu.dot_dimension_numbers<[0], [0], [1], [1], [0, 1, 1, 1], [], []>, transpose_lhs_hint = false} : vector<128x128xf32>, vector<128x4096xf32>, vector<128x4096xf32> -> vector<128x4096xf32>
    %dot_general3A_36 = arith.constant dense<0.000000e+00> : vector<128x4096xf32>
    %dot_general3A_37 = tpu.matmul %get3A_7, %convert_element_type3A_32, %dot_general3A_36 {dimension_numbers = #tpu.dot_dimension_numbers<[0], [0], [1], [1], [0, 1, 1, 1], [], []>, transpose_lhs_hint = false} : vector<128x128xf32>, vector<128x4096xf32>, vector<128x4096xf32> -> vector<128x4096xf32>
    %iota3A_38 = tpu.iota {dimensions = array<i32: 1>} : vector<128x4096xi32>
    %jit3A_39 = arith.constant 32 : i32
    %eq3A_40 = arith.constant 0 : i32
    %eq3A_41 = arith.cmpi eq, %jit3A_39, %eq3A_40 : i32
    %jit3A_42 = arith.constant 1 : i32
    %select_n3A_43 = arith.select %eq3A_41, %jit3A_42, %jit3A_39 : i32
    %rem3A_44 = vector.broadcast %select_n3A_43 : i32 to vector<128x4096xi32>
    %rem3A_45 = arith.remsi %iota3A_38, %rem3A_44 : vector<128x4096xi32>
    %ne3A_46 = arith.constant 0 : i32
    %ne3A_47 = vector.broadcast %ne3A_46 : i32 to vector<128x4096xi32>
    %ne3A_48 = arith.cmpi ne, %rem3A_45, %ne3A_47 : vector<128x4096xi32>
    %lt3A = arith.constant 0 : i32
    %lt3A_49 = vector.broadcast %lt3A : i32 to vector<128x4096xi32>
    %lt3A_50 = arith.cmpi slt, %rem3A_45, %lt3A_49 : vector<128x4096xi32>
    %lt3A_51 = arith.constant 0 : i32
    %lt3A_52 = arith.cmpi slt, %select_n3A_43, %lt3A_51 : i32
    %ne3A_53 = vector.broadcast %lt3A_52 : i1 to vector<128x4096xi1>
    %ne3A_54 = vector.broadcast %ne3A_53 : vector<128x4096xi1> to vector<128x4096xi1>
    %ne3A_55 = arith.xori %lt3A_50, %ne3A_54 : vector<128x4096xi1>
    %and3A_56 = arith.andi %ne3A_55, %ne3A_48 : vector<128x4096xi1>
    %add3A = vector.broadcast %select_n3A_43 : i32 to vector<128x4096xi32>
    %add3A_57 = arith.addi %rem3A_45, %add3A : vector<128x4096xi32>
    %select_n3A_58 = arith.select %and3A_56, %add3A_57, %rem3A_45 : vector<128x4096xi1>, vector<128x4096xi32>
    %convert_element_type3A_59 = arith.sitofp %select_n3A_58 : vector<128x4096xi32> to vector<128x4096xf32>
    %eq3A_60 = arith.cmpf oeq, %convert_element_type3A_59, %dot_general3A_33 : vector<128x4096xf32>
    %jit3A_61 = arith.constant -69.0775528 : f32
    %broadcast_in_dim3A = vector.broadcast %jit3A_61 : f32 to vector<128x4096xf32>
    %select_n3A_62 = arith.select %eq3A_60, %dot_general3A_35, %broadcast_in_dim3A : vector<128x4096xi1>, vector<128x4096xf32>
    %eq3A_63 = arith.constant 3.200000e+01 : f32
    %eq3A_64 = vector.broadcast %eq3A_63 : f32 to vector<128x4096xf32>
    %eq3A_65 = arith.cmpf oeq, %dot_general3A_33, %eq3A_64 : vector<128x4096xf32>
    %eq3A_66 = arith.constant 3.000000e+01 : f32
    %eq3A_67 = vector.broadcast %eq3A_66 : f32 to vector<128x4096xf32>
    %eq3A_68 = arith.cmpf oeq, %dot_general3A_33, %eq3A_67 : vector<128x4096xf32>
    %jit3A_69 = arith.constant -69.0775528 : f32
    %broadcast_in_dim3A_70 = vector.broadcast %jit3A_69 : f32 to vector<128x4096xf32>
    %select_n3A_71 = arith.select %eq3A_68, %dot_general3A_37, %broadcast_in_dim3A_70 : vector<128x4096xi1>, vector<128x4096xf32>
    %jit3A_72 = arith.constant 0.000000e+00 : f32
    %broadcast_in_dim3A_73 = vector.broadcast %jit3A_72 : f32 to vector<128x4096xf32>
    %select_n3A_74 = arith.select %eq3A_65, %broadcast_in_dim3A_73, %select_n3A_71 : vector<128x4096xi1>, vector<128x4096xf32>
    %eq3A_75 = arith.constant 3.100000e+01 : f32
    %eq3A_76 = vector.broadcast %eq3A_75 : f32 to vector<128x4096xf32>
    %eq3A_77 = arith.cmpf oeq, %convert_element_type3A_59, %eq3A_76 : vector<128x4096xf32>
    %select_n3A_78 = arith.select %eq3A_77, %select_n3A_74, %select_n3A_62 : vector<128x4096xi1>, vector<128x4096xf32>
    %slice3A = vector.extract_strided_slice %select_n3A_78 {offsets = [0, 0], sizes = [128, 32], strides = [1, 1]} : vector<128x4096xf32> to vector<128x32xf32>
    %swap3A = arith.constant 0 : index
    %swap3A_79 = arith.constant 0 : index
    %swap3A_80 = arith.constant 0 : index
    %swap3A_81 = vector.load %arg5[%swap3A, %swap3A_79, %swap3A_80] : memref<2x8192x32xf32, #tpu.memory_space<vmem>>, vector<1x128x32xf32>
    %swap3A_82 = vector.shape_cast %swap3A_81 : vector<1x128x32xf32> to vector<128x32xf32>
    %swap3A_83 = vector.shape_cast %slice3A : vector<128x32xf32> to vector<1x128x32xf32>
    tpu.vector_store %arg5[%swap3A, %swap3A_79, %swap3A_80], %swap3A_83 {strides = array<i32>} : memref<2x8192x32xf32, #tpu.memory_space<vmem>>, vector<1x128x32xf32>,
    %slice3A_84 = vector.extract_strided_slice %select_n3A_78 {offsets = [0, 32], sizes = [128, 32], strides = [1, 1]} : vector<128x4096xf32> to vector<128x32xf32>
    %swap3A_85 = arith.constant 0 : index
    %swap3A_86 = arith.constant 128 : index
    %swap3A_87 = arith.constant 0 : index
    %swap3A_88 = vector.load %arg5[%swap3A_85, %swap3A_86, %swap3A_87] : memref<2x8192x32xf32, #tpu.memory_space<vmem>>, vector<1x128x32xf32>
    %swap3A_89 = vector.shape_cast %swap3A_88 : vector<1x128x32xf32> to vector<128x32xf32>
    %swap3A_90 = vector.shape_cast %slice3A_84 : vector<128x32xf32> to vector<1x128x32xf32>
    tpu.vector_store %arg5[%swap3A_85, %swap3A_86, %swap3A_87], %swap3A_90 {strides = array<i32>} : memref<2x8192x32xf32, #tpu.memory_space<vmem>>, vector<1x128x32xf32>,
    %slice3A_91 = vector.extract_strided_slice %select_n3A_78 {offsets = [0, 64], sizes = [128, 32], strides = [1, 1]} : vector<128x4096xf32> to vector<128x32xf32>
    %swap3A_92 = arith.constant 0 : index
    %swap3A_93 = arith.constant 256 : index
    %swap3A_94 = arith.constant 0 : index
    %swap3A_95 = vector.load %arg5[%swap3A_92, %swap3A_93, %swap3A_94] : memref<2x8192x32xf32, #tpu.memory_space<vmem>>, vector<1x128x32xf32>
    %swap3A_96 = vector.shape_cast %swap3A_95 : vector<1x128x32xf32> to vector<128x32xf32>
    %swap3A_97 = vector.shape_cast %slice3A_91 : vector<128x32xf32> to vector<1x128x32xf32>
    tpu.vector_store %arg5[%swap3A_92, %swap3A_93, %swap3A_94], %swap3A_97 {strides = array<i32>} : memref<2x8192x32xf32, #tpu.memory_space<vmem>>, vector<1x128x32xf32>,
    %slice3A_98 = vector.extract_strided_slice %select_n3A_78 {offsets = [0, 96], sizes = [128, 32], strides = [1, 1]} : vector<128x4096xf32> to vector<128x32xf32>
    %swap3A_99 = arith.constant 0 : index
    %swap3A_100 = arith.constant 384 : index
    %swap3A_101 = arith.constant 0 : index
    %swap3A_102 = vector.load %arg5[%swap3A_99, %swap3A_100, %swap3A_101] : memref<2x8192x32xf32, #tpu.memory_space<vmem>>, vector<1x128x32xf32>
    %swap3A_103 = vector.shape_cast %swap3A_102 : vector<1x128x32xf32> to vector<128x32xf32>
    %swap3A_104 = vector.shape_cast %slice3A_98 : vector<128x32xf32> to vector<1x128x32xf32>
    tpu.vector_store %arg5[%swap3A_99, %swap3A_100, %swap3A_101], %swap3A_104 {strides = array<i32>} : memref<2x8192x32xf32, #tpu.memory_space<vmem>>, vector<1x128x32xf32>,
    %slice3A_105 = vector.extract_strided_slice %select_n3A_78 {offsets = [0, 128], sizes = [128, 32], strides = [1, 1]} : vector<128x4096xf32> to vector<128x32xf32>
    %swap3A_106 = arith.constant 0 : index
    %swap3A_107 = arith.constant 512 : index
    %swap3A_108 = arith.constant 0 : index
    %swap3A_109 = vector.load %arg5[%swap3A_106, %swap3A_107, %swap3A_108] : memref<2x8192x32xf32, #tpu.memory_space<vmem>>, vector<1x128x32xf32>
    %swap3A_110 = vector.shape_cast %swap3A_109 : vector<1x128x32xf32> to vector<128x32xf32>
    %swap3A_111 = vector.shape_cast %slice3A_105 : vector<128x32xf32> to vector<1x128x32xf32>
    tpu.vector_store %arg5[%swap3A_106, %swap3A_107, %swap3A_108], %swap3A_111 {strides = array<i32>} : memref<2x8192x32xf32, #tpu.memory_space<vmem>>, vector<1x128x32xf32>,
    %slice3A_112 = vector.extract_strided_slice %select_n3A_78 {offsets = [0, 160], sizes = [128, 32], strides = [1, 1]} : vector<128x4096xf32> to vector<128x32xf32>
    %swap3A_113 = arith.constant 0 : index
    %swap3A_114 = arith.constant 640 : index
    %swap3A_115 = arith.constant 0 : index
    %swap3A_116 = vector.load %arg5[%swap3A_113, %swap3A_114, %swap3A_115] : memref<2x8192x32xf32, #tpu.memory_space<vmem>>, vector<1x128x32xf32>
    %swap3A_117 = vector.shape_cast %swap3A_116 : vector<1x128x32xf32> to vector<128x32xf32>
    %swap3A_118 = vector.shape_cast %slice3A_112 : vector<128x32xf32> to vector<1x128x32xf32>
    tpu.vector_store %arg5[%swap3A_113, %swap3A_114, %swap3A_115], %swap3A_118 {strides = array<i32>} : memref<2x8192x32xf32, #tpu.memory_space<vmem>>, vector<1x128x32xf32>,
    %slice3A_119 = vector.extract_strided_slice %select_n3A_78 {offsets = [0, 192], sizes = [128, 32], strides = [1, 1]} : vector<128x4096xf32> to vector<128x32xf32>
    %swap3A_120 = arith.constant 0 : index
    %swap3A_121 = arith.constant 768 : index
    %swap3A_122 = arith.constant 0 : index
    %swap3A_123 = vector.load %arg5[%swap3A_120, %swap3A_121, %swap3A_122] : memref<2x8192x32xf32, #tpu.memory_space<vmem>>, vector<1x128x32xf32>
    %swap3A_124 = vector.shape_cast %swap3A_123 : vector<1x128x32xf32> to vector<128x32xf32>
    %swap3A_125 = vector.shape_cast %slice3A_119 : vector<128x32xf32> to vector<1x128x32xf32>
    tpu.vector_store %arg5[%swap3A_120, %swap3A_121, %swap3A_122], %swap3A_125 {strides = array<i32>} : memref<2x8192x32xf32, #tpu.memory_space<vmem>>, vector<1x128x32xf32>,
    %slice3A_126 = vector.extract_strided_slice %select_n3A_78 {offsets = [0, 224], sizes = [128, 32], strides = [1, 1]} : vector<128x4096xf32> to vector<128x32xf32>
    %swap3A_127 = arith.constant 0 : index
    %swap3A_128 = arith.constant 896 : index
    %swap3A_129 = arith.constant 0 : index
    %swap3A_130 = vector.load %arg5[%swap3A_127, %swap3A_128, %swap3A_129] : memref<2x8192x32xf32, #tpu.memory_space<vmem>>, vector<1x128x32xf32>
    %swap3A_131 = vector.shape_cast %swap3A_130 : vector<1x128x32xf32> to vector<128x32xf32>
    %swap3A_132 = vector.shape_cast %slice3A_126 : vector<128x32xf32> to vector<1x128x32xf32>
    tpu.vector_store %arg5[%swap3A_127, %swap3A_128, %swap3A_129], %swap3A_132 {strides = array<i32>} : memref<2x8192x32xf32, #tpu.memory_space<vmem>>, vector<1x128x32xf32>,
    %slice3A_133 = vector.extract_strided_slice %select_n3A_78 {offsets = [0, 256], sizes = [128, 32], strides = [1, 1]} : vector<128x4096xf32> to vector<128x32xf32>
    %swap3A_134 = arith.constant 0 : index
    %swap3A_135 = arith.constant 1024 : index
    %swap3A_136 = arith.constant 0 : index
    %swap3A_137 = vector.load %arg5[%swap3A_134, %swap3A_135, %swap3A_136] : memref<2x8192x32xf32, #tpu.memory_space<vmem>>, vector<1x128x32xf32>
    %swap3A_138 = vector.shape_cast %swap3A_137 : vector<1x128x32xf32> to vector<128x32xf32>
    %swap3A_139 = vector.shape_cast %slice3A_133 : vector<128x32xf32> to vector<1x128x32xf32>
    tpu.vector_store %arg5[%swap3A_134, %swap3A_135, %swap3A_136], %swap3A_139 {strides = array<i32>} : memref<2x8192x32xf32, #tpu.memory_space<vmem>>, vector<1x128x32xf32>,
    %slice3A_140 = vector.extract_strided_slice %select_n3A_78 {offsets = [0, 288], sizes = [128, 32], strides = [1, 1]} : vector<128x4096xf32> to vector<128x32xf32>
    %swap3A_141 = arith.constant 0 : index
    %swap3A_142 = arith.constant 1152 : index
    %swap3A_143 = arith.constant 0 : index
    %swap3A_144 = vector.load %arg5[%swap3A_141, %swap3A_142, %swap3A_143] : memref<2x8192x32xf32, #tpu.memory_space<vmem>>, vector<1x128x32xf32>
    %swap3A_145 = vector.shape_cast %swap3A_144 : vector<1x128x32xf32> to vector<128x32xf32>
    %swap3A_146 = vector.shape_cast %slice3A_140 : vector<128x32xf32> to vector<1x128x32xf32>
    tpu.vector_store %arg5[%swap3A_141, %swap3A_142, %swap3A_143], %swap3A_146 {strides = array<i32>} : memref<2x8192x32xf32, #tpu.memory_space<vmem>>, vector<1x128x32xf32>,
    %slice3A_147 = vector.extract_strided_slice %select_n3A_78 {offsets = [0, 320], sizes = [128, 32], strides = [1, 1]} : vector<128x4096xf32> to vector<128x32xf32>
    %swap3A_148 = arith.constant 0 : index
    %swap3A_149 = arith.constant 1280 : index
    %swap3A_150 = arith.constant 0 : index
    %swap3A_151 = vector.load %arg5[%swap3A_148, %swap3A_149, %swap3A_150] : memref<2x8192x32xf32, #tpu.memory_space<vmem>>, vector<1x128x32xf32>
    %swap3A_152 = vector.shape_cast %swap3A_151 : vector<1x128x32xf32> to vector<128x32xf32>
    %swap3A_153 = vector.shape_cast %slice3A_147 : vector<128x32xf32> to vector<1x128x32xf32>
    tpu.vector_store %arg5[%swap3A_148, %swap3A_149, %swap3A_150], %swap3A_153 {strides = array<i32>} : memref<2x8192x32xf32, #tpu.memory_space<vmem>>, vector<1x128x32xf32>,
    %slice3A_154 = vector.extract_strided_slice %select_n3A_78 {offsets = [0, 352], sizes = [128, 32], strides = [1, 1]} : vector<128x4096xf32> to vector<128x32xf32>
    %swap3A_155 = arith.constant 0 : index
    %swap3A_156 = arith.constant 1408 : index
    %swap3A_157 = arith.constant 0 : index
    %swap3A_158 = vector.load %arg5[%swap3A_155, %swap3A_156, %swap3A_157] : memref<2x8192x32xf32, #tpu.memory_space<vmem>>, vector<1x128x32xf32>
    %swap3A_159 = vector.shape_cast %swap3A_158 : vector<1x128x32xf32> to vector<128x32xf32>
    %swap3A_160 = vector.shape_cast %slice3A_154 : vector<128x32xf32> to vector<1x128x32xf32>
    tpu.vector_store %arg5[%swap3A_155, %swap3A_156, %swap3A_157], %swap3A_160 {strides = array<i32>} : memref<2x8192x32xf32, #tpu.memory_space<vmem>>, vector<1x128x32xf32>,
    %slice3A_161 = vector.extract_strided_slice %select_n3A_78 {offsets = [0, 384], sizes = [128, 32], strides = [1, 1]} : vector<128x4096xf32> to vector<128x32xf32>
    %swap3A_162 = arith.constant 0 : index
    %swap3A_163 = arith.constant 1536 : index
    %swap3A_164 = arith.constant 0 : index
    %swap3A_165 = vector.load %arg5[%swap3A_162, %swap3A_163, %swap3A_164] : memref<2x8192x32xf32, #tpu.memory_space<vmem>>, vector<1x128x32xf32>
    %swap3A_166 = vector.shape_cast %swap3A_165 : vector<1x128x32xf32> to vector<128x32xf32>
    %swap3A_167 = vector.shape_cast %slice3A_161 : vector<128x32xf32> to vector<1x128x32xf32>
    tpu.vector_store %arg5[%swap3A_162, %swap3A_163, %swap3A_164], %swap3A_167 {strides = array<i32>} : memref<2x8192x32xf32, #tpu.memory_space<vmem>>, vector<1x128x32xf32>,
    %slice3A_168 = vector.extract_strided_slice %select_n3A_78 {offsets = [0, 416], sizes = [128, 32], strides = [1, 1]} : vector<128x4096xf32> to vector<128x32xf32>
    %swap3A_169 = arith.constant 0 : index
    %swap3A_170 = arith.constant 1664 : index
    %swap3A_171 = arith.constant 0 : index
    %swap3A_172 = vector.load %arg5[%swap3A_169, %swap3A_170, %swap3A_171] : memref<2x8192x32xf32, #tpu.memory_space<vmem>>, vector<1x128x32xf32>
    %swap3A_173 = vector.shape_cast %swap3A_172 : vector<1x128x32xf32> to vector<128x32xf32>
    %swap3A_174 = vector.shape_cast %slice3A_168 : vector<128x32xf32> to vector<1x128x32xf32>
    tpu.vector_store %arg5[%swap3A_169, %swap3A_170, %swap3A_171], %swap3A_174 {strides = array<i32>} : memref<2x8192x32xf32, #tpu.memory_space<vmem>>, vector<1x128x32xf32>,
    %slice3A_175 = vector.extract_strided_slice %select_n3A_78 {offsets = [0, 448], sizes = [128, 32], strides = [1, 1]} : vector<128x4096xf32> to vector<128x32xf32>
    %swap3A_176 = arith.constant 0 : index
    %swap3A_177 = arith.constant 1792 : index
    %swap3A_178 = arith.constant 0 : index
    %swap3A_179 = vector.load %arg5[%swap3A_176, %swap3A_177, %swap3A_178] : memref<2x8192x32xf32, #tpu.memory_space<vmem>>, vector<1x128x32xf32>
    %swap3A_180 = vector.shape_cast %swap3A_179 : vector<1x128x32xf32> to vector<128x32xf32>
    %swap3A_181 = vector.shape_cast %slice3A_175 : vector<128x32xf32> to vector<1x128x32xf32>
    tpu.vector_store %arg5[%swap3A_176, %swap3A_177, %swap3A_178], %swap3A_181 {strides = array<i32>} : memref<2x8192x32xf32, #tpu.memory_space<vmem>>, vector<1x128x32xf32>,
    %slice3A_182 = vector.extract_strided_slice %select_n3A_78 {offsets = [0, 480], sizes = [128, 32], strides = [1, 1]} : vector<128x4096xf32> to vector<128x32xf32>
    %swap3A_183 = arith.constant 0 : index
    %swap3A_184 = arith.constant 1920 : index
    %swap3A_185 = arith.constant 0 : index
    %swap3A_186 = vector.load %arg5[%swap3A_183, %swap3A_184, %swap3A_185] : memref<2x8192x32xf32, #tpu.memory_space<vmem>>, vector<1x128x32xf32>
    %swap3A_187 = vector.shape_cast %swap3A_186 : vector<1x128x32xf32> to vector<128x32xf32>
    %swap3A_188 = vector.shape_cast %slice3A_182 : vector<128x32xf32> to vector<1x128x32xf32>
    tpu.vector_store %arg5[%swap3A_183, %swap3A_184, %swap3A_185], %swap3A_188 {strides = array<i32>} : memref<2x8192x32xf32, #tpu.memory_space<vmem>>, vector<1x128x32xf32>,
    %slice3A_189 = vector.extract_strided_slice %select_n3A_78 {offsets = [0, 512], sizes = [128, 32], strides = [1, 1]} : vector<128x4096xf32> to vector<128x32xf32>
    %swap3A_190 = arith.constant 0 : index
    %swap3A_191 = arith.constant 2048 : index
    %swap3A_192 = arith.constant 0 : index
    %swap3A_193 = vector.load %arg5[%swap3A_190, %swap3A_191, %swap3A_192] : memref<2x8192x32xf32, #tpu.memory_space<vmem>>, vector<1x128x32xf32>
    %swap3A_194 = vector.shape_cast %swap3A_193 : vector<1x128x32xf32> to vector<128x32xf32>
    %swap3A_195 = vector.shape_cast %slice3A_189 : vector<128x32xf32> to vector<1x128x32xf32>
    tpu.vector_store %arg5[%swap3A_190, %swap3A_191, %swap3A_192], %swap3A_195 {strides = array<i32>} : memref<2x8192x32xf32, #tpu.memory_space<vmem>>, vector<1x128x32xf32>,
    %slice3A_196 = vector.extract_strided_slice %select_n3A_78 {offsets = [0, 544], sizes = [128, 32], strides = [1, 1]} : vector<128x4096xf32> to vector<128x32xf32>
    %swap3A_197 = arith.constant 0 : index
    %swap3A_198 = arith.constant 2176 : index
    %swap3A_199 = arith.constant 0 : index
    %swap3A_200 = vector.load %arg5[%swap3A_197, %swap3A_198, %swap3A_199] : memref<2x8192x32xf32, #tpu.memory_space<vmem>>, vector<1x128x32xf32>
    %swap3A_201 = vector.shape_cast %swap3A_200 : vector<1x128x32xf32> to vector<128x32xf32>
    %swap3A_202 = vector.shape_cast %slice3A_196 : vector<128x32xf32> to vector<1x128x32xf32>
    tpu.vector_store %arg5[%swap3A_197, %swap3A_198, %swap3A_199], %swap3A_202 {strides = array<i32>} : memref<2x8192x32xf32, #tpu.memory_space<vmem>>, vector<1x128x32xf32>,
    %slice3A_203 = vector.extract_strided_slice %select_n3A_78 {offsets = [0, 576], sizes = [128, 32], strides = [1, 1]} : vector<128x4096xf32> to vector<128x32xf32>
    %swap3A_204 = arith.constant 0 : index
    %swap3A_205 = arith.constant 2304 : index
    %swap3A_206 = arith.constant 0 : index
    %swap3A_207 = vector.load %arg5[%swap3A_204, %swap3A_205, %swap3A_206] : memref<2x8192x32xf32, #tpu.memory_space<vmem>>, vector<1x128x32xf32>
    %swap3A_208 = vector.shape_cast %swap3A_207 : vector<1x128x32xf32> to vector<128x32xf32>
    %swap3A_209 = vector.shape_cast %slice3A_203 : vector<128x32xf32> to vector<1x128x32xf32>
    tpu.vector_store %arg5[%swap3A_204, %swap3A_205, %swap3A_206], %swap3A_209 {strides = array<i32>} : memref<2x8192x32xf32, #tpu.memory_space<vmem>>, vector<1x128x32xf32>,
    %slice3A_210 = vector.extract_strided_slice %select_n3A_78 {offsets = [0, 608], sizes = [128, 32], strides = [1, 1]} : vector<128x4096xf32> to vector<128x32xf32>
    %swap3A_211 = arith.constant 0 : index
    %swap3A_212 = arith.constant 2432 : index
    %swap3A_213 = arith.constant 0 : index
    %swap3A_214 = vector.load %arg5[%swap3A_211, %swap3A_212, %swap3A_213] : memref<2x8192x32xf32, #tpu.memory_space<vmem>>, vector<1x128x32xf32>
    %swap3A_215 = vector.shape_cast %swap3A_214 : vector<1x128x32xf32> to vector<128x32xf32>
    %swap3A_216 = vector.shape_cast %slice3A_210 : vector<128x32xf32> to vector<1x128x32xf32>
    tpu.vector_store %arg5[%swap3A_211, %swap3A_212, %swap3A_213], %swap3A_216 {strides = array<i32>} : memref<2x8192x32xf32, #tpu.memory_space<vmem>>, vector<1x128x32xf32>,
    %slice3A_217 = vector.extract_strided_slice %select_n3A_78 {offsets = [0, 640], sizes = [128, 32], strides = [1, 1]} : vector<128x4096xf32> to vector<128x32xf32>
    %swap3A_218 = arith.constant 0 : index
    %swap3A_219 = arith.constant 2560 : index
    %swap3A_220 = arith.constant 0 : index
    %swap3A_221 = vector.load %arg5[%swap3A_218, %swap3A_219, %swap3A_220] : memref<2x8192x32xf32, #tpu.memory_space<vmem>>, vector<1x128x32xf32>
    %swap3A_222 = vector.shape_cast %swap3A_221 : vector<1x128x32xf32> to vector<128x32xf32>
    %swap3A_223 = vector.shape_cast %slice3A_217 : vector<128x32xf32> to vector<1x128x32xf32>
    tpu.vector_store %arg5[%swap3A_218, %swap3A_219, %swap3A_220], %swap3A_223 {strides = array<i32>} : memref<2x8192x32xf32, #tpu.memory_space<vmem>>, vector<1x128x32xf32>,
    %slice3A_224 = vector.extract_strided_slice %select_n3A_78 {offsets = [0, 672], sizes = [128, 32], strides = [1, 1]} : vector<128x4096xf32> to vector<128x32xf32>
    %swap3A_225 = arith.constant 0 : index
    %swap3A_226 = arith.constant 2688 : index
    %swap3A_227 = arith.constant 0 : index
    %swap3A_228 = vector.load %arg5[%swap3A_225, %swap3A_226, %swap3A_227] : memref<2x8192x32xf32, #tpu.memory_space<vmem>>, vector<1x128x32xf32>
    %swap3A_229 = vector.shape_cast %swap3A_228 : vector<1x128x32xf32> to vector<128x32xf32>
    %swap3A_230 = vector.shape_cast %slice3A_224 : vector<128x32xf32> to vector<1x128x32xf32>
    tpu.vector_store %arg5[%swap3A_225, %swap3A_226, %swap3A_227], %swap3A_230 {strides = array<i32>} : memref<2x8192x32xf32, #tpu.memory_space<vmem>>, vector<1x128x32xf32>,
    %slice3A_231 = vector.extract_strided_slice %select_n3A_78 {offsets = [0, 704], sizes = [128, 32], strides = [1, 1]} : vector<128x4096xf32> to vector<128x32xf32>
    %swap3A_232 = arith.constant 0 : index
    %swap3A_233 = arith.constant 2816 : index
    %swap3A_234 = arith.constant 0 : index
    %swap3A_235 = vector.load %arg5[%swap3A_232, %swap3A_233, %swap3A_234] : memref<2x8192x32xf32, #tpu.memory_space<vmem>>, vector<1x128x32xf32>
    %swap3A_236 = vector.shape_cast %swap3A_235 : vector<1x128x32xf32> to vector<128x32xf32>
    %swap3A_237 = vector.shape_cast %slice3A_231 : vector<128x32xf32> to vector<1x128x32xf32>
    tpu.vector_store %arg5[%swap3A_232, %swap3A_233, %swap3A_234], %swap3A_237 {strides = array<i32>} : memref<2x8192x32xf32, #tpu.memory_space<vmem>>, vector<1x128x32xf32>,
    %slice3A_238 = vector.extract_strided_slice %select_n3A_78 {offsets = [0, 736], sizes = [128, 32], strides = [1, 1]} : vector<128x4096xf32> to vector<128x32xf32>
    %swap3A_239 = arith.constant 0 : index
    %swap3A_240 = arith.constant 2944 : index
    %swap3A_241 = arith.constant 0 : index
    %swap3A_242 = vector.load %arg5[%swap3A_239, %swap3A_240, %swap3A_241] : memref<2x8192x32xf32, #tpu.memory_space<vmem>>, vector<1x128x32xf32>
    %swap3A_243 = vector.shape_cast %swap3A_242 : vector<1x128x32xf32> to vector<128x32xf32>
    %swap3A_244 = vector.shape_cast %slice3A_238 : vector<128x32xf32> to vector<1x128x32xf32>
    tpu.vector_store %arg5[%swap3A_239, %swap3A_240, %swap3A_241], %swap3A_244 {strides = array<i32>} : memref<2x8192x32xf32, #tpu.memory_space<vmem>>, vector<1x128x32xf32>,
    %slice3A_245 = vector.extract_strided_slice %select_n3A_78 {offsets = [0, 768], sizes = [128, 32], strides = [1, 1]} : vector<128x4096xf32> to vector<128x32xf32>
    %swap3A_246 = arith.constant 0 : index
    %swap3A_247 = arith.constant 3072 : index
    %swap3A_248 = arith.constant 0 : index
    %swap3A_249 = vector.load %arg5[%swap3A_246, %swap3A_247, %swap3A_248] : memref<2x8192x32xf32, #tpu.memory_space<vmem>>, vector<1x128x32xf32>
    %swap3A_250 = vector.shape_cast %swap3A_249 : vector<1x128x32xf32> to vector<128x32xf32>
    %swap3A_251 = vector.shape_cast %slice3A_245 : vector<128x32xf32> to vector<1x128x32xf32>
    tpu.vector_store %arg5[%swap3A_246, %swap3A_247, %swap3A_248], %swap3A_251 {strides = array<i32>} : memref<2x8192x32xf32, #tpu.memory_space<vmem>>, vector<1x128x32xf32>,
    %slice3A_252 = vector.extract_strided_slice %select_n3A_78 {offsets = [0, 800], sizes = [128, 32], strides = [1, 1]} : vector<128x4096xf32> to vector<128x32xf32>
    %swap3A_253 = arith.constant 0 : index
    %swap3A_254 = arith.constant 3200 : index
    %swap3A_255 = arith.constant 0 : index
    %swap3A_256 = vector.load %arg5[%swap3A_253, %swap3A_254, %swap3A_255] : memref<2x8192x32xf32, #tpu.memory_space<vmem>>, vector<1x128x32xf32>
    %swap3A_257 = vector.shape_cast %swap3A_256 : vector<1x128x32xf32> to vector<128x32xf32>
    %swap3A_258 = vector.shape_cast %slice3A_252 : vector<128x32xf32> to vector<1x128x32xf32>
    tpu.vector_store %arg5[%swap3A_253, %swap3A_254, %swap3A_255], %swap3A_258 {strides = array<i32>} : memref<2x8192x32xf32, #tpu.memory_space<vmem>>, vector<1x128x32xf32>,
    %slice3A_259 = vector.extract_strided_slice %select_n3A_78 {offsets = [0, 832], sizes = [128, 32], strides = [1, 1]} : vector<128x4096xf32> to vector<128x32xf32>
    %swap3A_260 = arith.constant 0 : index
    %swap3A_261 = arith.constant 3328 : index
    %swap3A_262 = arith.constant 0 : index
    %swap3A_263 = vector.load %arg5[%swap3A_260, %swap3A_261, %swap3A_262] : memref<2x8192x32xf32, #tpu.memory_space<vmem>>, vector<1x128x32xf32>
    %swap3A_264 = vector.shape_cast %swap3A_263 : vector<1x128x32xf32> to vector<128x32xf32>
    %swap3A_265 = vector.shape_cast %slice3A_259 : vector<128x32xf32> to vector<1x128x32xf32>
    tpu.vector_store %arg5[%swap3A_260, %swap3A_261, %swap3A_262], %swap3A_265 {strides = array<i32>} : memref<2x8192x32xf32, #tpu.memory_space<vmem>>, vector<1x128x32xf32>,
    %slice3A_266 = vector.extract_strided_slice %select_n3A_78 {offsets = [0, 864], sizes = [128, 32], strides = [1, 1]} : vector<128x4096xf32> to vector<128x32xf32>
    %swap3A_267 = arith.constant 0 : index
    %swap3A_268 = arith.constant 3456 : index
    %swap3A_269 = arith.constant 0 : index
    %swap3A_270 = vector.load %arg5[%swap3A_267, %swap3A_268, %swap3A_269] : memref<2x8192x32xf32, #tpu.memory_space<vmem>>, vector<1x128x32xf32>
    %swap3A_271 = vector.shape_cast %swap3A_270 : vector<1x128x32xf32> to vector<128x32xf32>
    %swap3A_272 = vector.shape_cast %slice3A_266 : vector<128x32xf32> to vector<1x128x32xf32>
    tpu.vector_store %arg5[%swap3A_267, %swap3A_268, %swap3A_269], %swap3A_272 {strides = array<i32>} : memref<2x8192x32xf32, #tpu.memory_space<vmem>>, vector<1x128x32xf32>,
    %slice3A_273 = vector.extract_strided_slice %select_n3A_78 {offsets = [0, 896], sizes = [128, 32], strides = [1, 1]} : vector<128x4096xf32> to vector<128x32xf32>
    %swap3A_274 = arith.constant 0 : index
    %swap3A_275 = arith.constant 3584 : index
    %swap3A_276 = arith.constant 0 : index
    %swap3A_277 = vector.load %arg5[%swap3A_274, %swap3A_275, %swap3A_276] : memref<2x8192x32xf32, #tpu.memory_space<vmem>>, vector<1x128x32xf32>
    %swap3A_278 = vector.shape_cast %swap3A_277 : vector<1x128x32xf32> to vector<128x32xf32>
    %swap3A_279 = vector.shape_cast %slice3A_273 : vector<128x32xf32> to vector<1x128x32xf32>
    tpu.vector_store %arg5[%swap3A_274, %swap3A_275, %swap3A_276], %swap3A_279 {strides = array<i32>} : memref<2x8192x32xf32, #tpu.memory_space<vmem>>, vector<1x128x32xf32>,
    %slice3A_280 = vector.extract_strided_slice %select_n3A_78 {offsets = [0, 928], sizes = [128, 32], strides = [1, 1]} : vector<128x4096xf32> to vector<128x32xf32>
    %swap3A_281 = arith.constant 0 : index
    %swap3A_282 = arith.constant 3712 : index
    %swap3A_283 = arith.constant 0 : index
    %swap3A_284 = vector.load %arg5[%swap3A_281, %swap3A_282, %swap3A_283] : memref<2x8192x32xf32, #tpu.memory_space<vmem>>, vector<1x128x32xf32>
    %swap3A_285 = vector.shape_cast %swap3A_284 : vector<1x128x32xf32> to vector<128x32xf32>
    %swap3A_286 = vector.shape_cast %slice3A_280 : vector<128x32xf32> to vector<1x128x32xf32>
    tpu.vector_store %arg5[%swap3A_281, %swap3A_282, %swap3A_283], %swap3A_286 {strides = array<i32>} : memref<2x8192x32xf32, #tpu.memory_space<vmem>>, vector<1x128x32xf32>,
    %slice3A_287 = vector.extract_strided_slice %select_n3A_78 {offsets = [0, 960], sizes = [128, 32], strides = [1, 1]} : vector<128x4096xf32> to vector<128x32xf32>
    %swap3A_288 = arith.constant 0 : index
    %swap3A_289 = arith.constant 3840 : index
    %swap3A_290 = arith.constant 0 : index
    %swap3A_291 = vector.load %arg5[%swap3A_288, %swap3A_289, %swap3A_290] : memref<2x8192x32xf32, #tpu.memory_space<vmem>>, vector<1x128x32xf32>
    %swap3A_292 = vector.shape_cast %swap3A_291 : vector<1x128x32xf32> to vector<128x32xf32>
    %swap3A_293 = vector.shape_cast %slice3A_287 : vector<128x32xf32> to vector<1x128x32xf32>
    tpu.vector_store %arg5[%swap3A_288, %swap3A_289, %swap3A_290], %swap3A_293 {strides = array<i32>} : memref<2x8192x32xf32, #tpu.memory_space<vmem>>, vector<1x128x32xf32>,
    %slice3A_294 = vector.extract_strided_slice %select_n3A_78 {offsets = [0, 992], sizes = [128, 32], strides = [1, 1]} : vector<128x4096xf32> to vector<128x32xf32>
    %swap3A_295 = arith.constant 0 : index
    %swap3A_296 = arith.constant 3968 : index
    %swap3A_297 = arith.constant 0 : index
    %swap3A_298 = vector.load %arg5[%swap3A_295, %swap3A_296, %swap3A_297] : memref<2x8192x32xf32, #tpu.memory_space<vmem>>, vector<1x128x32xf32>
    %swap3A_299 = vector.shape_cast %swap3A_298 : vector<1x128x32xf32> to vector<128x32xf32>
    %swap3A_300 = vector.shape_cast %slice3A_294 : vector<128x32xf32> to vector<1x128x32xf32>
    tpu.vector_store %arg5[%swap3A_295, %swap3A_296, %swap3A_297], %swap3A_300 {strides = array<i32>} : memref<2x8192x32xf32, #tpu.memory_space<vmem>>, vector<1x128x32xf32>,
    %slice3A_301 = vector.extract_strided_slice %select_n3A_78 {offsets = [0, 1024], sizes = [128, 32], strides = [1, 1]} : vector<128x4096xf32> to vector<128x32xf32>
    %swap3A_302 = arith.constant 0 : index
    %swap3A_303 = arith.constant 4096 : index
    %swap3A_304 = arith.constant 0 : index
    %swap3A_305 = vector.load %arg5[%swap3A_302, %swap3A_303, %swap3A_304] : memref<2x8192x32xf32, #tpu.memory_space<vmem>>, vector<1x128x32xf32>
    %swap3A_306 = vector.shape_cast %swap3A_305 : vector<1x128x32xf32> to vector<128x32xf32>
    %swap3A_307 = vector.shape_cast %slice3A_301 : vector<128x32xf32> to vector<1x128x32xf32>
    tpu.vector_store %arg5[%swap3A_302, %swap3A_303, %swap3A_304], %swap3A_307 {strides = array<i32>} : memref<2x8192x32xf32, #tpu.memory_space<vmem>>, vector<1x128x32xf32>,
    %slice3A_308 = vector.extract_strided_slice %select_n3A_78 {offsets = [0, 1056], sizes = [128, 32], strides = [1, 1]} : vector<128x4096xf32> to vector<128x32xf32>
    %swap3A_309 = arith.constant 0 : index
    %swap3A_310 = arith.constant 4224 : index
    %swap3A_311 = arith.constant 0 : index
    %swap3A_312 = vector.load %arg5[%swap3A_309, %swap3A_310, %swap3A_311] : memref<2x8192x32xf32, #tpu.memory_space<vmem>>, vector<1x128x32xf32>
    %swap3A_313 = vector.shape_cast %swap3A_312 : vector<1x128x32xf32> to vector<128x32xf32>
    %swap3A_314 = vector.shape_cast %slice3A_308 : vector<128x32xf32> to vector<1x128x32xf32>
    tpu.vector_store %arg5[%swap3A_309, %swap3A_310, %swap3A_311], %swap3A_314 {strides = array<i32>} : memref<2x8192x32xf32, #tpu.memory_space<vmem>>, vector<1x128x32xf32>,
    %slice3A_315 = vector.extract_strided_slice %select_n3A_78 {offsets = [0, 1088], sizes = [128, 32], strides = [1, 1]} : vector<128x4096xf32> to vector<128x32xf32>
    %swap3A_316 = arith.constant 0 : index
    %swap3A_317 = arith.constant 4352 : index
    %swap3A_318 = arith.constant 0 : index
    %swap3A_319 = vector.load %arg5[%swap3A_316, %swap3A_317, %swap3A_318] : memref<2x8192x32xf32, #tpu.memory_space<vmem>>, vector<1x128x32xf32>
    %swap3A_320 = vector.shape_cast %swap3A_319 : vector<1x128x32xf32> to vector<128x32xf32>
    %swap3A_321 = vector.shape_cast %slice3A_315 : vector<128x32xf32> to vector<1x128x32xf32>
    tpu.vector_store %arg5[%swap3A_316, %swap3A_317, %swap3A_318], %swap3A_321 {strides = array<i32>} : memref<2x8192x32xf32, #tpu.memory_space<vmem>>, vector<1x128x32xf32>,
    %slice3A_322 = vector.extract_strided_slice %select_n3A_78 {offsets = [0, 1120], sizes = [128, 32], strides = [1, 1]} : vector<128x4096xf32> to vector<128x32xf32>
    %swap3A_323 = arith.constant 0 : index
    %swap3A_324 = arith.constant 4480 : index
    %swap3A_325 = arith.constant 0 : index
    %swap3A_326 = vector.load %arg5[%swap3A_323, %swap3A_324, %swap3A_325] : memref<2x8192x32xf32, #tpu.memory_space<vmem>>, vector<1x128x32xf32>
    %swap3A_327 = vector.shape_cast %swap3A_326 : vector<1x128x32xf32> to vector<128x32xf32>
    %swap3A_328 = vector.shape_cast %slice3A_322 : vector<128x32xf32> to vector<1x128x32xf32>
    tpu.vector_store %arg5[%swap3A_323, %swap3A_324, %swap3A_325], %swap3A_328 {strides = array<i32>} : memref<2x8192x32xf32, #tpu.memory_space<vmem>>, vector<1x128x32xf32>,
    %slice3A_329 = vector.extract_strided_slice %select_n3A_78 {offsets = [0, 1152], sizes = [128, 32], strides = [1, 1]} : vector<128x4096xf32> to vector<128x32xf32>
    %swap3A_330 = arith.constant 0 : index
    %swap3A_331 = arith.constant 4608 : index
    %swap3A_332 = arith.constant 0 : index
    %swap3A_333 = vector.load %arg5[%swap3A_330, %swap3A_331, %swap3A_332] : memref<2x8192x32xf32, #tpu.memory_space<vmem>>, vector<1x128x32xf32>
    %swap3A_334 = vector.shape_cast %swap3A_333 : vector<1x128x32xf32> to vector<128x32xf32>
    %swap3A_335 = vector.shape_cast %slice3A_329 : vector<128x32xf32> to vector<1x128x32xf32>
    tpu.vector_store %arg5[%swap3A_330, %swap3A_331, %swap3A_332], %swap3A_335 {strides = array<i32>} : memref<2x8192x32xf32, #tpu.memory_space<vmem>>, vector<1x128x32xf32>,
    %slice3A_336 = vector.extract_strided_slice %select_n3A_78 {offsets = [0, 1184], sizes = [128, 32], strides = [1, 1]} : vector<128x4096xf32> to vector<128x32xf32>
    %swap3A_337 = arith.constant 0 : index
    %swap3A_338 = arith.constant 4736 : index
    %swap3A_339 = arith.constant 0 : index
    %swap3A_340 = vector.load %arg5[%swap3A_337, %swap3A_338, %swap3A_339] : memref<2x8192x32xf32, #tpu.memory_space<vmem>>, vector<1x128x32xf32>
    %swap3A_341 = vector.shape_cast %swap3A_340 : vector<1x128x32xf32> to vector<128x32xf32>
    %swap3A_342 = vector.shape_cast %slice3A_336 : vector<128x32xf32> to vector<1x128x32xf32>
    tpu.vector_store %arg5[%swap3A_337, %swap3A_338, %swap3A_339], %swap3A_342 {strides = array<i32>} : memref<2x8192x32xf32, #tpu.memory_space<vmem>>, vector<1x128x32xf32>,
    %slice3A_343 = vector.extract_strided_slice %select_n3A_78 {offsets = [0, 1216], sizes = [128, 32], strides = [1, 1]} : vector<128x4096xf32> to vector<128x32xf32>
    %swap3A_344 = arith.constant 0 : index
    %swap3A_345 = arith.constant 4864 : index
    %swap3A_346 = arith.constant 0 : index
    %swap3A_347 = vector.load %arg5[%swap3A_344, %swap3A_345, %swap3A_346] : memref<2x8192x32xf32, #tpu.memory_space<vmem>>, vector<1x128x32xf32>
    %swap3A_348 = vector.shape_cast %swap3A_347 : vector<1x128x32xf32> to vector<128x32xf32>
    %swap3A_349 = vector.shape_cast %slice3A_343 : vector<128x32xf32> to vector<1x128x32xf32>
    tpu.vector_store %arg5[%swap3A_344, %swap3A_345, %swap3A_346], %swap3A_349 {strides = array<i32>} : memref<2x8192x32xf32, #tpu.memory_space<vmem>>, vector<1x128x32xf32>,
    %slice3A_350 = vector.extract_strided_slice %select_n3A_78 {offsets = [0, 1248], sizes = [128, 32], strides = [1, 1]} : vector<128x4096xf32> to vector<128x32xf32>
    %swap3A_351 = arith.constant 0 : index
    %swap3A_352 = arith.constant 4992 : index
    %swap3A_353 = arith.constant 0 : index
    %swap3A_354 = vector.load %arg5[%swap3A_351, %swap3A_352, %swap3A_353] : memref<2x8192x32xf32, #tpu.memory_space<vmem>>, vector<1x128x32xf32>
    %swap3A_355 = vector.shape_cast %swap3A_354 : vector<1x128x32xf32> to vector<128x32xf32>
    %swap3A_356 = vector.shape_cast %slice3A_350 : vector<128x32xf32> to vector<1x128x32xf32>
    tpu.vector_store %arg5[%swap3A_351, %swap3A_352, %swap3A_353], %swap3A_356 {strides = array<i32>} : memref<2x8192x32xf32, #tpu.memory_space<vmem>>, vector<1x128x32xf32>,
    %slice3A_357 = vector.extract_strided_slice %select_n3A_78 {offsets = [0, 1280], sizes = [128, 32], strides = [1, 1]} : vector<128x4096xf32> to vector<128x32xf32>
    %swap3A_358 = arith.constant 0 : index
    %swap3A_359 = arith.constant 5120 : index
    %swap3A_360 = arith.constant 0 : index
    %swap3A_361 = vector.load %arg5[%swap3A_358, %swap3A_359, %swap3A_360] : memref<2x8192x32xf32, #tpu.memory_space<vmem>>, vector<1x128x32xf32>
    %swap3A_362 = vector.shape_cast %swap3A_361 : vector<1x128x32xf32> to vector<128x32xf32>
    %swap3A_363 = vector.shape_cast %slice3A_357 : vector<128x32xf32> to vector<1x128x32xf32>
    tpu.vector_store %arg5[%swap3A_358, %swap3A_359, %swap3A_360], %swap3A_363 {strides = array<i32>} : memref<2x8192x32xf32, #tpu.memory_space<vmem>>, vector<1x128x32xf32>,
    %slice3A_364 = vector.extract_strided_slice %select_n3A_78 {offsets = [0, 1312], sizes = [128, 32], strides = [1, 1]} : vector<128x4096xf32> to vector<128x32xf32>
    %swap3A_365 = arith.constant 0 : index
    %swap3A_366 = arith.constant 5248 : index
    %swap3A_367 = arith.constant 0 : index
    %swap3A_368 = vector.load %arg5[%swap3A_365, %swap3A_366, %swap3A_367] : memref<2x8192x32xf32, #tpu.memory_space<vmem>>, vector<1x128x32xf32>
    %swap3A_369 = vector.shape_cast %swap3A_368 : vector<1x128x32xf32> to vector<128x32xf32>
    %swap3A_370 = vector.shape_cast %slice3A_364 : vector<128x32xf32> to vector<1x128x32xf32>
    tpu.vector_store %arg5[%swap3A_365, %swap3A_366, %swap3A_367], %swap3A_370 {strides = array<i32>} : memref<2x8192x32xf32, #tpu.memory_space<vmem>>, vector<1x128x32xf32>,
    %slice3A_371 = vector.extract_strided_slice %select_n3A_78 {offsets = [0, 1344], sizes = [128, 32], strides = [1, 1]} : vector<128x4096xf32> to vector<128x32xf32>
    %swap3A_372 = arith.constant 0 : index
    %swap3A_373 = arith.constant 5376 : index
    %swap3A_374 = arith.constant 0 : index
    %swap3A_375 = vector.load %arg5[%swap3A_372, %swap3A_373, %swap3A_374] : memref<2x8192x32xf32, #tpu.memory_space<vmem>>, vector<1x128x32xf32>
    %swap3A_376 = vector.shape_cast %swap3A_375 : vector<1x128x32xf32> to vector<128x32xf32>
    %swap3A_377 = vector.shape_cast %slice3A_371 : vector<128x32xf32> to vector<1x128x32xf32>
    tpu.vector_store %arg5[%swap3A_372, %swap3A_373, %swap3A_374], %swap3A_377 {strides = array<i32>} : memref<2x8192x32xf32, #tpu.memory_space<vmem>>, vector<1x128x32xf32>,
    %slice3A_378 = vector.extract_strided_slice %select_n3A_78 {offsets = [0, 1376], sizes = [128, 32], strides = [1, 1]} : vector<128x4096xf32> to vector<128x32xf32>
    %swap3A_379 = arith.constant 0 : index
    %swap3A_380 = arith.constant 5504 : index
    %swap3A_381 = arith.constant 0 : index
    %swap3A_382 = vector.load %arg5[%swap3A_379, %swap3A_380, %swap3A_381] : memref<2x8192x32xf32, #tpu.memory_space<vmem>>, vector<1x128x32xf32>
    %swap3A_383 = vector.shape_cast %swap3A_382 : vector<1x128x32xf32> to vector<128x32xf32>
    %swap3A_384 = vector.shape_cast %slice3A_378 : vector<128x32xf32> to vector<1x128x32xf32>
    tpu.vector_store %arg5[%swap3A_379, %swap3A_380, %swap3A_381], %swap3A_384 {strides = array<i32>} : memref<2x8192x32xf32, #tpu.memory_space<vmem>>, vector<1x128x32xf32>,
    %slice3A_385 = vector.extract_strided_slice %select_n3A_78 {offsets = [0, 1408], sizes = [128, 32], strides = [1, 1]} : vector<128x4096xf32> to vector<128x32xf32>
    %swap3A_386 = arith.constant 0 : index
    %swap3A_387 = arith.constant 5632 : index
    %swap3A_388 = arith.constant 0 : index
    %swap3A_389 = vector.load %arg5[%swap3A_386, %swap3A_387, %swap3A_388] : memref<2x8192x32xf32, #tpu.memory_space<vmem>>, vector<1x128x32xf32>
    %swap3A_390 = vector.shape_cast %swap3A_389 : vector<1x128x32xf32> to vector<128x32xf32>
    %swap3A_391 = vector.shape_cast %slice3A_385 : vector<128x32xf32> to vector<1x128x32xf32>
    tpu.vector_store %arg5[%swap3A_386, %swap3A_387, %swap3A_388], %swap3A_391 {strides = array<i32>} : memref<2x8192x32xf32, #tpu.memory_space<vmem>>, vector<1x128x32xf32>,
    %slice3A_392 = vector.extract_strided_slice %select_n3A_78 {offsets = [0, 1440], sizes = [128, 32], strides = [1, 1]} : vector<128x4096xf32> to vector<128x32xf32>
    %swap3A_393 = arith.constant 0 : index
    %swap3A_394 = arith.constant 5760 : index
    %swap3A_395 = arith.constant 0 : index
    %swap3A_396 = vector.load %arg5[%swap3A_393, %swap3A_394, %swap3A_395] : memref<2x8192x32xf32, #tpu.memory_space<vmem>>, vector<1x128x32xf32>
    %swap3A_397 = vector.shape_cast %swap3A_396 : vector<1x128x32xf32> to vector<128x32xf32>
    %swap3A_398 = vector.shape_cast %slice3A_392 : vector<128x32xf32> to vector<1x128x32xf32>
    tpu.vector_store %arg5[%swap3A_393, %swap3A_394, %swap3A_395], %swap3A_398 {strides = array<i32>} : memref<2x8192x32xf32, #tpu.memory_space<vmem>>, vector<1x128x32xf32>,
    %slice3A_399 = vector.extract_strided_slice %select_n3A_78 {offsets = [0, 1472], sizes = [128, 32], strides = [1, 1]} : vector<128x4096xf32> to vector<128x32xf32>
    %swap3A_400 = arith.constant 0 : index
    %swap3A_401 = arith.constant 5888 : index
    %swap3A_402 = arith.constant 0 : index
    %swap3A_403 = vector.load %arg5[%swap3A_400, %swap3A_401, %swap3A_402] : memref<2x8192x32xf32, #tpu.memory_space<vmem>>, vector<1x128x32xf32>
    %swap3A_404 = vector.shape_cast %swap3A_403 : vector<1x128x32xf32> to vector<128x32xf32>
    %swap3A_405 = vector.shape_cast %slice3A_399 : vector<128x32xf32> to vector<1x128x32xf32>
    tpu.vector_store %arg5[%swap3A_400, %swap3A_401, %swap3A_402], %swap3A_405 {strides = array<i32>} : memref<2x8192x32xf32, #tpu.memory_space<vmem>>, vector<1x128x32xf32>,
    %slice3A_406 = vector.extract_strided_slice %select_n3A_78 {offsets = [0, 1504], sizes = [128, 32], strides = [1, 1]} : vector<128x4096xf32> to vector<128x32xf32>
    %swap3A_407 = arith.constant 0 : index
    %swap3A_408 = arith.constant 6016 : index
    %swap3A_409 = arith.constant 0 : index
    %swap3A_410 = vector.load %arg5[%swap3A_407, %swap3A_408, %swap3A_409] : memref<2x8192x32xf32, #tpu.memory_space<vmem>>, vector<1x128x32xf32>
    %swap3A_411 = vector.shape_cast %swap3A_410 : vector<1x128x32xf32> to vector<128x32xf32>
    %swap3A_412 = vector.shape_cast %slice3A_406 : vector<128x32xf32> to vector<1x128x32xf32>
    tpu.vector_store %arg5[%swap3A_407, %swap3A_408, %swap3A_409], %swap3A_412 {strides = array<i32>} : memref<2x8192x32xf32, #tpu.memory_space<vmem>>, vector<1x128x32xf32>,
    %slice3A_413 = vector.extract_strided_slice %select_n3A_78 {offsets = [0, 1536], sizes = [128, 32], strides = [1, 1]} : vector<128x4096xf32> to vector<128x32xf32>
    %swap3A_414 = arith.constant 0 : index
    %swap3A_415 = arith.constant 6144 : index
    %swap3A_416 = arith.constant 0 : index
    %swap3A_417 = vector.load %arg5[%swap3A_414, %swap3A_415, %swap3A_416] : memref<2x8192x32xf32, #tpu.memory_space<vmem>>, vector<1x128x32xf32>
    %swap3A_418 = vector.shape_cast %swap3A_417 : vector<1x128x32xf32> to vector<128x32xf32>
    %swap3A_419 = vector.shape_cast %slice3A_413 : vector<128x32xf32> to vector<1x128x32xf32>
    tpu.vector_store %arg5[%swap3A_414, %swap3A_415, %swap3A_416], %swap3A_419 {strides = array<i32>} : memref<2x8192x32xf32, #tpu.memory_space<vmem>>, vector<1x128x32xf32>,
    %slice3A_420 = vector.extract_strided_slice %select_n3A_78 {offsets = [0, 1568], sizes = [128, 32], strides = [1, 1]} : vector<128x4096xf32> to vector<128x32xf32>
    %swap3A_421 = arith.constant 0 : index
    %swap3A_422 = arith.constant 6272 : index
    %swap3A_423 = arith.constant 0 : index
    %swap3A_424 = vector.load %arg5[%swap3A_421, %swap3A_422, %swap3A_423] : memref<2x8192x32xf32, #tpu.memory_space<vmem>>, vector<1x128x32xf32>
    %swap3A_425 = vector.shape_cast %swap3A_424 : vector<1x128x32xf32> to vector<128x32xf32>
    %swap3A_426 = vector.shape_cast %slice3A_420 : vector<128x32xf32> to vector<1x128x32xf32>
    tpu.vector_store %arg5[%swap3A_421, %swap3A_422, %swap3A_423], %swap3A_426 {strides = array<i32>} : memref<2x8192x32xf32, #tpu.memory_space<vmem>>, vector<1x128x32xf32>,
    %slice3A_427 = vector.extract_strided_slice %select_n3A_78 {offsets = [0, 1600], sizes = [128, 32], strides = [1, 1]} : vector<128x4096xf32> to vector<128x32xf32>
    %swap3A_428 = arith.constant 0 : index
    %swap3A_429 = arith.constant 6400 : index
    %swap3A_430 = arith.constant 0 : index
    %swap3A_431 = vector.load %arg5[%swap3A_428, %swap3A_429, %swap3A_430] : memref<2x8192x32xf32, #tpu.memory_space<vmem>>, vector<1x128x32xf32>
    %swap3A_432 = vector.shape_cast %swap3A_431 : vector<1x128x32xf32> to vector<128x32xf32>
    %swap3A_433 = vector.shape_cast %slice3A_427 : vector<128x32xf32> to vector<1x128x32xf32>
    tpu.vector_store %arg5[%swap3A_428, %swap3A_429, %swap3A_430], %swap3A_433 {strides = array<i32>} : memref<2x8192x32xf32, #tpu.memory_space<vmem>>, vector<1x128x32xf32>,
    %slice3A_434 = vector.extract_strided_slice %select_n3A_78 {offsets = [0, 1632], sizes = [128, 32], strides = [1, 1]} : vector<128x4096xf32> to vector<128x32xf32>
    %swap3A_435 = arith.constant 0 : index
    %swap3A_436 = arith.constant 6528 : index
    %swap3A_437 = arith.constant 0 : index
    %swap3A_438 = vector.load %arg5[%swap3A_435, %swap3A_436, %swap3A_437] : memref<2x8192x32xf32, #tpu.memory_space<vmem>>, vector<1x128x32xf32>
    %swap3A_439 = vector.shape_cast %swap3A_438 : vector<1x128x32xf32> to vector<128x32xf32>
    %swap3A_440 = vector.shape_cast %slice3A_434 : vector<128x32xf32> to vector<1x128x32xf32>
    tpu.vector_store %arg5[%swap3A_435, %swap3A_436, %swap3A_437], %swap3A_440 {strides = array<i32>} : memref<2x8192x32xf32, #tpu.memory_space<vmem>>, vector<1x128x32xf32>,
    %slice3A_441 = vector.extract_strided_slice %select_n3A_78 {offsets = [0, 1664], sizes = [128, 32], strides = [1, 1]} : vector<128x4096xf32> to vector<128x32xf32>
    %swap3A_442 = arith.constant 0 : index
    %swap3A_443 = arith.constant 6656 : index
    %swap3A_444 = arith.constant 0 : index
    %swap3A_445 = vector.load %arg5[%swap3A_442, %swap3A_443, %swap3A_444] : memref<2x8192x32xf32, #tpu.memory_space<vmem>>, vector<1x128x32xf32>
    %swap3A_446 = vector.shape_cast %swap3A_445 : vector<1x128x32xf32> to vector<128x32xf32>
    %swap3A_447 = vector.shape_cast %slice3A_441 : vector<128x32xf32> to vector<1x128x32xf32>
    tpu.vector_store %arg5[%swap3A_442, %swap3A_443, %swap3A_444], %swap3A_447 {strides = array<i32>} : memref<2x8192x32xf32, #tpu.memory_space<vmem>>, vector<1x128x32xf32>,
    %slice3A_448 = vector.extract_strided_slice %select_n3A_78 {offsets = [0, 1696], sizes = [128, 32], strides = [1, 1]} : vector<128x4096xf32> to vector<128x32xf32>
    %swap3A_449 = arith.constant 0 : index
    %swap3A_450 = arith.constant 6784 : index
    %swap3A_451 = arith.constant 0 : index
    %swap3A_452 = vector.load %arg5[%swap3A_449, %swap3A_450, %swap3A_451] : memref<2x8192x32xf32, #tpu.memory_space<vmem>>, vector<1x128x32xf32>
    %swap3A_453 = vector.shape_cast %swap3A_452 : vector<1x128x32xf32> to vector<128x32xf32>
    %swap3A_454 = vector.shape_cast %slice3A_448 : vector<128x32xf32> to vector<1x128x32xf32>
    tpu.vector_store %arg5[%swap3A_449, %swap3A_450, %swap3A_451], %swap3A_454 {strides = array<i32>} : memref<2x8192x32xf32, #tpu.memory_space<vmem>>, vector<1x128x32xf32>,
    %slice3A_455 = vector.extract_strided_slice %select_n3A_78 {offsets = [0, 1728], sizes = [128, 32], strides = [1, 1]} : vector<128x4096xf32> to vector<128x32xf32>
    %swap3A_456 = arith.constant 0 : index
    %swap3A_457 = arith.constant 6912 : index
    %swap3A_458 = arith.constant 0 : index
    %swap3A_459 = vector.load %arg5[%swap3A_456, %swap3A_457, %swap3A_458] : memref<2x8192x32xf32, #tpu.memory_space<vmem>>, vector<1x128x32xf32>
    %swap3A_460 = vector.shape_cast %swap3A_459 : vector<1x128x32xf32> to vector<128x32xf32>
    %swap3A_461 = vector.shape_cast %slice3A_455 : vector<128x32xf32> to vector<1x128x32xf32>
    tpu.vector_store %arg5[%swap3A_456, %swap3A_457, %swap3A_458], %swap3A_461 {strides = array<i32>} : memref<2x8192x32xf32, #tpu.memory_space<vmem>>, vector<1x128x32xf32>,
    %slice3A_462 = vector.extract_strided_slice %select_n3A_78 {offsets = [0, 1760], sizes = [128, 32], strides = [1, 1]} : vector<128x4096xf32> to vector<128x32xf32>
    %swap3A_463 = arith.constant 0 : index
    %swap3A_464 = arith.constant 7040 : index
    %swap3A_465 = arith.constant 0 : index
    %swap3A_466 = vector.load %arg5[%swap3A_463, %swap3A_464, %swap3A_465] : memref<2x8192x32xf32, #tpu.memory_space<vmem>>, vector<1x128x32xf32>
    %swap3A_467 = vector.shape_cast %swap3A_466 : vector<1x128x32xf32> to vector<128x32xf32>
    %swap3A_468 = vector.shape_cast %slice3A_462 : vector<128x32xf32> to vector<1x128x32xf32>
    tpu.vector_store %arg5[%swap3A_463, %swap3A_464, %swap3A_465], %swap3A_468 {strides = array<i32>} : memref<2x8192x32xf32, #tpu.memory_space<vmem>>, vector<1x128x32xf32>,
    %slice3A_469 = vector.extract_strided_slice %select_n3A_78 {offsets = [0, 1792], sizes = [128, 32], strides = [1, 1]} : vector<128x4096xf32> to vector<128x32xf32>
    %swap3A_470 = arith.constant 0 : index
    %swap3A_471 = arith.constant 7168 : index
    %swap3A_472 = arith.constant 0 : index
    %swap3A_473 = vector.load %arg5[%swap3A_470, %swap3A_471, %swap3A_472] : memref<2x8192x32xf32, #tpu.memory_space<vmem>>, vector<1x128x32xf32>
    %swap3A_474 = vector.shape_cast %swap3A_473 : vector<1x128x32xf32> to vector<128x32xf32>
    %swap3A_475 = vector.shape_cast %slice3A_469 : vector<128x32xf32> to vector<1x128x32xf32>
    tpu.vector_store %arg5[%swap3A_470, %swap3A_471, %swap3A_472], %swap3A_475 {strides = array<i32>} : memref<2x8192x32xf32, #tpu.memory_space<vmem>>, vector<1x128x32xf32>,
    %slice3A_476 = vector.extract_strided_slice %select_n3A_78 {offsets = [0, 1824], sizes = [128, 32], strides = [1, 1]} : vector<128x4096xf32> to vector<128x32xf32>
    %swap3A_477 = arith.constant 0 : index
    %swap3A_478 = arith.constant 7296 : index
    %swap3A_479 = arith.constant 0 : index
    %swap3A_480 = vector.load %arg5[%swap3A_477, %swap3A_478, %swap3A_479] : memref<2x8192x32xf32, #tpu.memory_space<vmem>>, vector<1x128x32xf32>
    %swap3A_481 = vector.shape_cast %swap3A_480 : vector<1x128x32xf32> to vector<128x32xf32>
    %swap3A_482 = vector.shape_cast %slice3A_476 : vector<128x32xf32> to vector<1x128x32xf32>
    tpu.vector_store %arg5[%swap3A_477, %swap3A_478, %swap3A_479], %swap3A_482 {strides = array<i32>} : memref<2x8192x32xf32, #tpu.memory_space<vmem>>, vector<1x128x32xf32>,
    %slice3A_483 = vector.extract_strided_slice %select_n3A_78 {offsets = [0, 1856], sizes = [128, 32], strides = [1, 1]} : vector<128x4096xf32> to vector<128x32xf32>
    %swap3A_484 = arith.constant 0 : index
    %swap3A_485 = arith.constant 7424 : index
    %swap3A_486 = arith.constant 0 : index
    %swap3A_487 = vector.load %arg5[%swap3A_484, %swap3A_485, %swap3A_486] : memref<2x8192x32xf32, #tpu.memory_space<vmem>>, vector<1x128x32xf32>
    %swap3A_488 = vector.shape_cast %swap3A_487 : vector<1x128x32xf32> to vector<128x32xf32>
    %swap3A_489 = vector.shape_cast %slice3A_483 : vector<128x32xf32> to vector<1x128x32xf32>
    tpu.vector_store %arg5[%swap3A_484, %swap3A_485, %swap3A_486], %swap3A_489 {strides = array<i32>} : memref<2x8192x32xf32, #tpu.memory_space<vmem>>, vector<1x128x32xf32>,
    %slice3A_490 = vector.extract_strided_slice %select_n3A_78 {offsets = [0, 1888], sizes = [128, 32], strides = [1, 1]} : vector<128x4096xf32> to vector<128x32xf32>
    %swap3A_491 = arith.constant 0 : index
    %swap3A_492 = arith.constant 7552 : index
    %swap3A_493 = arith.constant 0 : index
    %swap3A_494 = vector.load %arg5[%swap3A_491, %swap3A_492, %swap3A_493] : memref<2x8192x32xf32, #tpu.memory_space<vmem>>, vector<1x128x32xf32>
    %swap3A_495 = vector.shape_cast %swap3A_494 : vector<1x128x32xf32> to vector<128x32xf32>
    %swap3A_496 = vector.shape_cast %slice3A_490 : vector<128x32xf32> to vector<1x128x32xf32>
    tpu.vector_store %arg5[%swap3A_491, %swap3A_492, %swap3A_493], %swap3A_496 {strides = array<i32>} : memref<2x8192x32xf32, #tpu.memory_space<vmem>>, vector<1x128x32xf32>,
    %slice3A_497 = vector.extract_strided_slice %select_n3A_78 {offsets = [0, 1920], sizes = [128, 32], strides = [1, 1]} : vector<128x4096xf32> to vector<128x32xf32>
    %swap3A_498 = arith.constant 0 : index
    %swap3A_499 = arith.constant 7680 : index
    %swap3A_500 = arith.constant 0 : index
    %swap3A_501 = vector.load %arg5[%swap3A_498, %swap3A_499, %swap3A_500] : memref<2x8192x32xf32, #tpu.memory_space<vmem>>, vector<1x128x32xf32>
    %swap3A_502 = vector.shape_cast %swap3A_501 : vector<1x128x32xf32> to vector<128x32xf32>
    %swap3A_503 = vector.shape_cast %slice3A_497 : vector<128x32xf32> to vector<1x128x32xf32>
    tpu.vector_store %arg5[%swap3A_498, %swap3A_499, %swap3A_500], %swap3A_503 {strides = array<i32>} : memref<2x8192x32xf32, #tpu.memory_space<vmem>>, vector<1x128x32xf32>,
    %slice3A_504 = vector.extract_strided_slice %select_n3A_78 {offsets = [0, 1952], sizes = [128, 32], strides = [1, 1]} : vector<128x4096xf32> to vector<128x32xf32>
    %swap3A_505 = arith.constant 0 : index
    %swap3A_506 = arith.constant 7808 : index
    %swap3A_507 = arith.constant 0 : index
    %swap3A_508 = vector.load %arg5[%swap3A_505, %swap3A_506, %swap3A_507] : memref<2x8192x32xf32, #tpu.memory_space<vmem>>, vector<1x128x32xf32>
    %swap3A_509 = vector.shape_cast %swap3A_508 : vector<1x128x32xf32> to vector<128x32xf32>
    %swap3A_510 = vector.shape_cast %slice3A_504 : vector<128x32xf32> to vector<1x128x32xf32>
    tpu.vector_store %arg5[%swap3A_505, %swap3A_506, %swap3A_507], %swap3A_510 {strides = array<i32>} : memref<2x8192x32xf32, #tpu.memory_space<vmem>>, vector<1x128x32xf32>,
    %slice3A_511 = vector.extract_strided_slice %select_n3A_78 {offsets = [0, 1984], sizes = [128, 32], strides = [1, 1]} : vector<128x4096xf32> to vector<128x32xf32>
    %swap3A_512 = arith.constant 0 : index
    %swap3A_513 = arith.constant 7936 : index
    %swap3A_514 = arith.constant 0 : index
    %swap3A_515 = vector.load %arg5[%swap3A_512, %swap3A_513, %swap3A_514] : memref<2x8192x32xf32, #tpu.memory_space<vmem>>, vector<1x128x32xf32>
    %swap3A_516 = vector.shape_cast %swap3A_515 : vector<1x128x32xf32> to vector<128x32xf32>
    %swap3A_517 = vector.shape_cast %slice3A_511 : vector<128x32xf32> to vector<1x128x32xf32>
    tpu.vector_store %arg5[%swap3A_512, %swap3A_513, %swap3A_514], %swap3A_517 {strides = array<i32>} : memref<2x8192x32xf32, #tpu.memory_space<vmem>>, vector<1x128x32xf32>,
    %slice3A_518 = vector.extract_strided_slice %select_n3A_78 {offsets = [0, 2016], sizes = [128, 32], strides = [1, 1]} : vector<128x4096xf32> to vector<128x32xf32>
    %swap3A_519 = arith.constant 0 : index
    %swap3A_520 = arith.constant 8064 : index
    %swap3A_521 = arith.constant 0 : index
    %swap3A_522 = vector.load %arg5[%swap3A_519, %swap3A_520, %swap3A_521] : memref<2x8192x32xf32, #tpu.memory_space<vmem>>, vector<1x128x32xf32>
    %swap3A_523 = vector.shape_cast %swap3A_522 : vector<1x128x32xf32> to vector<128x32xf32>
    %swap3A_524 = vector.shape_cast %slice3A_518 : vector<128x32xf32> to vector<1x128x32xf32>
    tpu.vector_store %arg5[%swap3A_519, %swap3A_520, %swap3A_521], %swap3A_524 {strides = array<i32>} : memref<2x8192x32xf32, #tpu.memory_space<vmem>>, vector<1x128x32xf32>,
    %slice3A_525 = vector.extract_strided_slice %select_n3A_78 {offsets = [0, 2048], sizes = [128, 32], strides = [1, 1]} : vector<128x4096xf32> to vector<128x32xf32>
    %swap3A_526 = arith.constant 1 : index
    %swap3A_527 = arith.constant 0 : index
    %swap3A_528 = arith.constant 0 : index
    %swap3A_529 = vector.load %arg5[%swap3A_526, %swap3A_527, %swap3A_528] : memref<2x8192x32xf32, #tpu.memory_space<vmem>>, vector<1x128x32xf32>
    %swap3A_530 = vector.shape_cast %swap3A_529 : vector<1x128x32xf32> to vector<128x32xf32>
    %swap3A_531 = vector.shape_cast %slice3A_525 : vector<128x32xf32> to vector<1x128x32xf32>
    tpu.vector_store %arg5[%swap3A_526, %swap3A_527, %swap3A_528], %swap3A_531 {strides = array<i32>} : memref<2x8192x32xf32, #tpu.memory_space<vmem>>, vector<1x128x32xf32>,
    %slice3A_532 = vector.extract_strided_slice %select_n3A_78 {offsets = [0, 2080], sizes = [128, 32], strides = [1, 1]} : vector<128x4096xf32> to vector<128x32xf32>
    %swap3A_533 = arith.constant 1 : index
    %swap3A_534 = arith.constant 128 : index
    %swap3A_535 = arith.constant 0 : index
    %swap3A_536 = vector.load %arg5[%swap3A_533, %swap3A_534, %swap3A_535] : memref<2x8192x32xf32, #tpu.memory_space<vmem>>, vector<1x128x32xf32>
    %swap3A_537 = vector.shape_cast %swap3A_536 : vector<1x128x32xf32> to vector<128x32xf32>
    %swap3A_538 = vector.shape_cast %slice3A_532 : vector<128x32xf32> to vector<1x128x32xf32>
    tpu.vector_store %arg5[%swap3A_533, %swap3A_534, %swap3A_535], %swap3A_538 {strides = array<i32>} : memref<2x8192x32xf32, #tpu.memory_space<vmem>>, vector<1x128x32xf32>,
    %slice3A_539 = vector.extract_strided_slice %select_n3A_78 {offsets = [0, 2112], sizes = [128, 32], strides = [1, 1]} : vector<128x4096xf32> to vector<128x32xf32>
    %swap3A_540 = arith.constant 1 : index
    %swap3A_541 = arith.constant 256 : index
    %swap3A_542 = arith.constant 0 : index
    %swap3A_543 = vector.load %arg5[%swap3A_540, %swap3A_541, %swap3A_542] : memref<2x8192x32xf32, #tpu.memory_space<vmem>>, vector<1x128x32xf32>
    %swap3A_544 = vector.shape_cast %swap3A_543 : vector<1x128x32xf32> to vector<128x32xf32>
    %swap3A_545 = vector.shape_cast %slice3A_539 : vector<128x32xf32> to vector<1x128x32xf32>
    tpu.vector_store %arg5[%swap3A_540, %swap3A_541, %swap3A_542], %swap3A_545 {strides = array<i32>} : memref<2x8192x32xf32, #tpu.memory_space<vmem>>, vector<1x128x32xf32>,
    %slice3A_546 = vector.extract_strided_slice %select_n3A_78 {offsets = [0, 2144], sizes = [128, 32], strides = [1, 1]} : vector<128x4096xf32> to vector<128x32xf32>
    %swap3A_547 = arith.constant 1 : index
    %swap3A_548 = arith.constant 384 : index
    %swap3A_549 = arith.constant 0 : index
    %swap3A_550 = vector.load %arg5[%swap3A_547, %swap3A_548, %swap3A_549] : memref<2x8192x32xf32, #tpu.memory_space<vmem>>, vector<1x128x32xf32>
    %swap3A_551 = vector.shape_cast %swap3A_550 : vector<1x128x32xf32> to vector<128x32xf32>
    %swap3A_552 = vector.shape_cast %slice3A_546 : vector<128x32xf32> to vector<1x128x32xf32>
    tpu.vector_store %arg5[%swap3A_547, %swap3A_548, %swap3A_549], %swap3A_552 {strides = array<i32>} : memref<2x8192x32xf32, #tpu.memory_space<vmem>>, vector<1x128x32xf32>,
    %slice3A_553 = vector.extract_strided_slice %select_n3A_78 {offsets = [0, 2176], sizes = [128, 32], strides = [1, 1]} : vector<128x4096xf32> to vector<128x32xf32>
    %swap3A_554 = arith.constant 1 : index
    %swap3A_555 = arith.constant 512 : index
    %swap3A_556 = arith.constant 0 : index
    %swap3A_557 = vector.load %arg5[%swap3A_554, %swap3A_555, %swap3A_556] : memref<2x8192x32xf32, #tpu.memory_space<vmem>>, vector<1x128x32xf32>
    %swap3A_558 = vector.shape_cast %swap3A_557 : vector<1x128x32xf32> to vector<128x32xf32>
    %swap3A_559 = vector.shape_cast %slice3A_553 : vector<128x32xf32> to vector<1x128x32xf32>
    tpu.vector_store %arg5[%swap3A_554, %swap3A_555, %swap3A_556], %swap3A_559 {strides = array<i32>} : memref<2x8192x32xf32, #tpu.memory_space<vmem>>, vector<1x128x32xf32>,
    %slice3A_560 = vector.extract_strided_slice %select_n3A_78 {offsets = [0, 2208], sizes = [128, 32], strides = [1, 1]} : vector<128x4096xf32> to vector<128x32xf32>
    %swap3A_561 = arith.constant 1 : index
    %swap3A_562 = arith.constant 640 : index
    %swap3A_563 = arith.constant 0 : index
    %swap3A_564 = vector.load %arg5[%swap3A_561, %swap3A_562, %swap3A_563] : memref<2x8192x32xf32, #tpu.memory_space<vmem>>, vector<1x128x32xf32>
    %swap3A_565 = vector.shape_cast %swap3A_564 : vector<1x128x32xf32> to vector<128x32xf32>
    %swap3A_566 = vector.shape_cast %slice3A_560 : vector<128x32xf32> to vector<1x128x32xf32>
    tpu.vector_store %arg5[%swap3A_561, %swap3A_562, %swap3A_563], %swap3A_566 {strides = array<i32>} : memref<2x8192x32xf32, #tpu.memory_space<vmem>>, vector<1x128x32xf32>,
    %slice3A_567 = vector.extract_strided_slice %select_n3A_78 {offsets = [0, 2240], sizes = [128, 32], strides = [1, 1]} : vector<128x4096xf32> to vector<128x32xf32>
    %swap3A_568 = arith.constant 1 : index
    %swap3A_569 = arith.constant 768 : index
    %swap3A_570 = arith.constant 0 : index
    %swap3A_571 = vector.load %arg5[%swap3A_568, %swap3A_569, %swap3A_570] : memref<2x8192x32xf32, #tpu.memory_space<vmem>>, vector<1x128x32xf32>
    %swap3A_572 = vector.shape_cast %swap3A_571 : vector<1x128x32xf32> to vector<128x32xf32>
    %swap3A_573 = vector.shape_cast %slice3A_567 : vector<128x32xf32> to vector<1x128x32xf32>
    tpu.vector_store %arg5[%swap3A_568, %swap3A_569, %swap3A_570], %swap3A_573 {strides = array<i32>} : memref<2x8192x32xf32, #tpu.memory_space<vmem>>, vector<1x128x32xf32>,
    %slice3A_574 = vector.extract_strided_slice %select_n3A_78 {offsets = [0, 2272], sizes = [128, 32], strides = [1, 1]} : vector<128x4096xf32> to vector<128x32xf32>
    %swap3A_575 = arith.constant 1 : index
    %swap3A_576 = arith.constant 896 : index
    %swap3A_577 = arith.constant 0 : index
    %swap3A_578 = vector.load %arg5[%swap3A_575, %swap3A_576, %swap3A_577] : memref<2x8192x32xf32, #tpu.memory_space<vmem>>, vector<1x128x32xf32>
    %swap3A_579 = vector.shape_cast %swap3A_578 : vector<1x128x32xf32> to vector<128x32xf32>
    %swap3A_580 = vector.shape_cast %slice3A_574 : vector<128x32xf32> to vector<1x128x32xf32>
    tpu.vector_store %arg5[%swap3A_575, %swap3A_576, %swap3A_577], %swap3A_580 {strides = array<i32>} : memref<2x8192x32xf32, #tpu.memory_space<vmem>>, vector<1x128x32xf32>,
    %slice3A_581 = vector.extract_strided_slice %select_n3A_78 {offsets = [0, 2304], sizes = [128, 32], strides = [1, 1]} : vector<128x4096xf32> to vector<128x32xf32>
    %swap3A_582 = arith.constant 1 : index
    %swap3A_583 = arith.constant 1024 : index
    %swap3A_584 = arith.constant 0 : index
    %swap3A_585 = vector.load %arg5[%swap3A_582, %swap3A_583, %swap3A_584] : memref<2x8192x32xf32, #tpu.memory_space<vmem>>, vector<1x128x32xf32>
    %swap3A_586 = vector.shape_cast %swap3A_585 : vector<1x128x32xf32> to vector<128x32xf32>
    %swap3A_587 = vector.shape_cast %slice3A_581 : vector<128x32xf32> to vector<1x128x32xf32>
    tpu.vector_store %arg5[%swap3A_582, %swap3A_583, %swap3A_584], %swap3A_587 {strides = array<i32>} : memref<2x8192x32xf32, #tpu.memory_space<vmem>>, vector<1x128x32xf32>,
    %slice3A_588 = vector.extract_strided_slice %select_n3A_78 {offsets = [0, 2336], sizes = [128, 32], strides = [1, 1]} : vector<128x4096xf32> to vector<128x32xf32>
    %swap3A_589 = arith.constant 1 : index
    %swap3A_590 = arith.constant 1152 : index
    %swap3A_591 = arith.constant 0 : index
    %swap3A_592 = vector.load %arg5[%swap3A_589, %swap3A_590, %swap3A_591] : memref<2x8192x32xf32, #tpu.memory_space<vmem>>, vector<1x128x32xf32>
    %swap3A_593 = vector.shape_cast %swap3A_592 : vector<1x128x32xf32> to vector<128x32xf32>
    %swap3A_594 = vector.shape_cast %slice3A_588 : vector<128x32xf32> to vector<1x128x32xf32>
    tpu.vector_store %arg5[%swap3A_589, %swap3A_590, %swap3A_591], %swap3A_594 {strides = array<i32>} : memref<2x8192x32xf32, #tpu.memory_space<vmem>>, vector<1x128x32xf32>,
    %slice3A_595 = vector.extract_strided_slice %select_n3A_78 {offsets = [0, 2368], sizes = [128, 32], strides = [1, 1]} : vector<128x4096xf32> to vector<128x32xf32>
    %swap3A_596 = arith.constant 1 : index
    %swap3A_597 = arith.constant 1280 : index
    %swap3A_598 = arith.constant 0 : index
    %swap3A_599 = vector.load %arg5[%swap3A_596, %swap3A_597, %swap3A_598] : memref<2x8192x32xf32, #tpu.memory_space<vmem>>, vector<1x128x32xf32>
    %swap3A_600 = vector.shape_cast %swap3A_599 : vector<1x128x32xf32> to vector<128x32xf32>
    %swap3A_601 = vector.shape_cast %slice3A_595 : vector<128x32xf32> to vector<1x128x32xf32>
    tpu.vector_store %arg5[%swap3A_596, %swap3A_597, %swap3A_598], %swap3A_601 {strides = array<i32>} : memref<2x8192x32xf32, #tpu.memory_space<vmem>>, vector<1x128x32xf32>,
    %slice3A_602 = vector.extract_strided_slice %select_n3A_78 {offsets = [0, 2400], sizes = [128, 32], strides = [1, 1]} : vector<128x4096xf32> to vector<128x32xf32>
    %swap3A_603 = arith.constant 1 : index
    %swap3A_604 = arith.constant 1408 : index
    %swap3A_605 = arith.constant 0 : index
    %swap3A_606 = vector.load %arg5[%swap3A_603, %swap3A_604, %swap3A_605] : memref<2x8192x32xf32, #tpu.memory_space<vmem>>, vector<1x128x32xf32>
    %swap3A_607 = vector.shape_cast %swap3A_606 : vector<1x128x32xf32> to vector<128x32xf32>
    %swap3A_608 = vector.shape_cast %slice3A_602 : vector<128x32xf32> to vector<1x128x32xf32>
    tpu.vector_store %arg5[%swap3A_603, %swap3A_604, %swap3A_605], %swap3A_608 {strides = array<i32>} : memref<2x8192x32xf32, #tpu.memory_space<vmem>>, vector<1x128x32xf32>,
    %slice3A_609 = vector.extract_strided_slice %select_n3A_78 {offsets = [0, 2432], sizes = [128, 32], strides = [1, 1]} : vector<128x4096xf32> to vector<128x32xf32>
    %swap3A_610 = arith.constant 1 : index
    %swap3A_611 = arith.constant 1536 : index
    %swap3A_612 = arith.constant 0 : index
    %swap3A_613 = vector.load %arg5[%swap3A_610, %swap3A_611, %swap3A_612] : memref<2x8192x32xf32, #tpu.memory_space<vmem>>, vector<1x128x32xf32>
    %swap3A_614 = vector.shape_cast %swap3A_613 : vector<1x128x32xf32> to vector<128x32xf32>
    %swap3A_615 = vector.shape_cast %slice3A_609 : vector<128x32xf32> to vector<1x128x32xf32>
    tpu.vector_store %arg5[%swap3A_610, %swap3A_611, %swap3A_612], %swap3A_615 {strides = array<i32>} : memref<2x8192x32xf32, #tpu.memory_space<vmem>>, vector<1x128x32xf32>,
    %slice3A_616 = vector.extract_strided_slice %select_n3A_78 {offsets = [0, 2464], sizes = [128, 32], strides = [1, 1]} : vector<128x4096xf32> to vector<128x32xf32>
    %swap3A_617 = arith.constant 1 : index
    %swap3A_618 = arith.constant 1664 : index
    %swap3A_619 = arith.constant 0 : index
    %swap3A_620 = vector.load %arg5[%swap3A_617, %swap3A_618, %swap3A_619] : memref<2x8192x32xf32, #tpu.memory_space<vmem>>, vector<1x128x32xf32>
    %swap3A_621 = vector.shape_cast %swap3A_620 : vector<1x128x32xf32> to vector<128x32xf32>
    %swap3A_622 = vector.shape_cast %slice3A_616 : vector<128x32xf32> to vector<1x128x32xf32>
    tpu.vector_store %arg5[%swap3A_617, %swap3A_618, %swap3A_619], %swap3A_622 {strides = array<i32>} : memref<2x8192x32xf32, #tpu.memory_space<vmem>>, vector<1x128x32xf32>,
    %slice3A_623 = vector.extract_strided_slice %select_n3A_78 {offsets = [0, 2496], sizes = [128, 32], strides = [1, 1]} : vector<128x4096xf32> to vector<128x32xf32>
    %swap3A_624 = arith.constant 1 : index
    %swap3A_625 = arith.constant 1792 : index
    %swap3A_626 = arith.constant 0 : index
    %swap3A_627 = vector.load %arg5[%swap3A_624, %swap3A_625, %swap3A_626] : memref<2x8192x32xf32, #tpu.memory_space<vmem>>, vector<1x128x32xf32>
    %swap3A_628 = vector.shape_cast %swap3A_627 : vector<1x128x32xf32> to vector<128x32xf32>
    %swap3A_629 = vector.shape_cast %slice3A_623 : vector<128x32xf32> to vector<1x128x32xf32>
    tpu.vector_store %arg5[%swap3A_624, %swap3A_625, %swap3A_626], %swap3A_629 {strides = array<i32>} : memref<2x8192x32xf32, #tpu.memory_space<vmem>>, vector<1x128x32xf32>,
    %slice3A_630 = vector.extract_strided_slice %select_n3A_78 {offsets = [0, 2528], sizes = [128, 32], strides = [1, 1]} : vector<128x4096xf32> to vector<128x32xf32>
    %swap3A_631 = arith.constant 1 : index
    %swap3A_632 = arith.constant 1920 : index
    %swap3A_633 = arith.constant 0 : index
    %swap3A_634 = vector.load %arg5[%swap3A_631, %swap3A_632, %swap3A_633] : memref<2x8192x32xf32, #tpu.memory_space<vmem>>, vector<1x128x32xf32>
    %swap3A_635 = vector.shape_cast %swap3A_634 : vector<1x128x32xf32> to vector<128x32xf32>
    %swap3A_636 = vector.shape_cast %slice3A_630 : vector<128x32xf32> to vector<1x128x32xf32>
    tpu.vector_store %arg5[%swap3A_631, %swap3A_632, %swap3A_633], %swap3A_636 {strides = array<i32>} : memref<2x8192x32xf32, #tpu.memory_space<vmem>>, vector<1x128x32xf32>,
    %slice3A_637 = vector.extract_strided_slice %select_n3A_78 {offsets = [0, 2560], sizes = [128, 32], strides = [1, 1]} : vector<128x4096xf32> to vector<128x32xf32>
    %swap3A_638 = arith.constant 1 : index
    %swap3A_639 = arith.constant 2048 : index
    %swap3A_640 = arith.constant 0 : index
    %swap3A_641 = vector.load %arg5[%swap3A_638, %swap3A_639, %swap3A_640] : memref<2x8192x32xf32, #tpu.memory_space<vmem>>, vector<1x128x32xf32>
    %swap3A_642 = vector.shape_cast %swap3A_641 : vector<1x128x32xf32> to vector<128x32xf32>
    %swap3A_643 = vector.shape_cast %slice3A_637 : vector<128x32xf32> to vector<1x128x32xf32>
    tpu.vector_store %arg5[%swap3A_638, %swap3A_639, %swap3A_640], %swap3A_643 {strides = array<i32>} : memref<2x8192x32xf32, #tpu.memory_space<vmem>>, vector<1x128x32xf32>,
    %slice3A_644 = vector.extract_strided_slice %select_n3A_78 {offsets = [0, 2592], sizes = [128, 32], strides = [1, 1]} : vector<128x4096xf32> to vector<128x32xf32>
    %swap3A_645 = arith.constant 1 : index
    %swap3A_646 = arith.constant 2176 : index
    %swap3A_647 = arith.constant 0 : index
    %swap3A_648 = vector.load %arg5[%swap3A_645, %swap3A_646, %swap3A_647] : memref<2x8192x32xf32, #tpu.memory_space<vmem>>, vector<1x128x32xf32>
    %swap3A_649 = vector.shape_cast %swap3A_648 : vector<1x128x32xf32> to vector<128x32xf32>
    %swap3A_650 = vector.shape_cast %slice3A_644 : vector<128x32xf32> to vector<1x128x32xf32>
    tpu.vector_store %arg5[%swap3A_645, %swap3A_646, %swap3A_647], %swap3A_650 {strides = array<i32>} : memref<2x8192x32xf32, #tpu.memory_space<vmem>>, vector<1x128x32xf32>,
    %slice3A_651 = vector.extract_strided_slice %select_n3A_78 {offsets = [0, 2624], sizes = [128, 32], strides = [1, 1]} : vector<128x4096xf32> to vector<128x32xf32>
    %swap3A_652 = arith.constant 1 : index
    %swap3A_653 = arith.constant 2304 : index
    %swap3A_654 = arith.constant 0 : index
    %swap3A_655 = vector.load %arg5[%swap3A_652, %swap3A_653, %swap3A_654] : memref<2x8192x32xf32, #tpu.memory_space<vmem>>, vector<1x128x32xf32>
    %swap3A_656 = vector.shape_cast %swap3A_655 : vector<1x128x32xf32> to vector<128x32xf32>
    %swap3A_657 = vector.shape_cast %slice3A_651 : vector<128x32xf32> to vector<1x128x32xf32>
    tpu.vector_store %arg5[%swap3A_652, %swap3A_653, %swap3A_654], %swap3A_657 {strides = array<i32>} : memref<2x8192x32xf32, #tpu.memory_space<vmem>>, vector<1x128x32xf32>,
    %slice3A_658 = vector.extract_strided_slice %select_n3A_78 {offsets = [0, 2656], sizes = [128, 32], strides = [1, 1]} : vector<128x4096xf32> to vector<128x32xf32>
    %swap3A_659 = arith.constant 1 : index
    %swap3A_660 = arith.constant 2432 : index
    %swap3A_661 = arith.constant 0 : index
    %swap3A_662 = vector.load %arg5[%swap3A_659, %swap3A_660, %swap3A_661] : memref<2x8192x32xf32, #tpu.memory_space<vmem>>, vector<1x128x32xf32>
    %swap3A_663 = vector.shape_cast %swap3A_662 : vector<1x128x32xf32> to vector<128x32xf32>
    %swap3A_664 = vector.shape_cast %slice3A_658 : vector<128x32xf32> to vector<1x128x32xf32>
    tpu.vector_store %arg5[%swap3A_659, %swap3A_660, %swap3A_661], %swap3A_664 {strides = array<i32>} : memref<2x8192x32xf32, #tpu.memory_space<vmem>>, vector<1x128x32xf32>,
    %slice3A_665 = vector.extract_strided_slice %select_n3A_78 {offsets = [0, 2688], sizes = [128, 32], strides = [1, 1]} : vector<128x4096xf32> to vector<128x32xf32>
    %swap3A_666 = arith.constant 1 : index
    %swap3A_667 = arith.constant 2560 : index
    %swap3A_668 = arith.constant 0 : index
    %swap3A_669 = vector.load %arg5[%swap3A_666, %swap3A_667, %swap3A_668] : memref<2x8192x32xf32, #tpu.memory_space<vmem>>, vector<1x128x32xf32>
    %swap3A_670 = vector.shape_cast %swap3A_669 : vector<1x128x32xf32> to vector<128x32xf32>
    %swap3A_671 = vector.shape_cast %slice3A_665 : vector<128x32xf32> to vector<1x128x32xf32>
    tpu.vector_store %arg5[%swap3A_666, %swap3A_667, %swap3A_668], %swap3A_671 {strides = array<i32>} : memref<2x8192x32xf32, #tpu.memory_space<vmem>>, vector<1x128x32xf32>,
    %slice3A_672 = vector.extract_strided_slice %select_n3A_78 {offsets = [0, 2720], sizes = [128, 32], strides = [1, 1]} : vector<128x4096xf32> to vector<128x32xf32>
    %swap3A_673 = arith.constant 1 : index
    %swap3A_674 = arith.constant 2688 : index
    %swap3A_675 = arith.constant 0 : index
    %swap3A_676 = vector.load %arg5[%swap3A_673, %swap3A_674, %swap3A_675] : memref<2x8192x32xf32, #tpu.memory_space<vmem>>, vector<1x128x32xf32>
    %swap3A_677 = vector.shape_cast %swap3A_676 : vector<1x128x32xf32> to vector<128x32xf32>
    %swap3A_678 = vector.shape_cast %slice3A_672 : vector<128x32xf32> to vector<1x128x32xf32>
    tpu.vector_store %arg5[%swap3A_673, %swap3A_674, %swap3A_675], %swap3A_678 {strides = array<i32>} : memref<2x8192x32xf32, #tpu.memory_space<vmem>>, vector<1x128x32xf32>,
    %slice3A_679 = vector.extract_strided_slice %select_n3A_78 {offsets = [0, 2752], sizes = [128, 32], strides = [1, 1]} : vector<128x4096xf32> to vector<128x32xf32>
    %swap3A_680 = arith.constant 1 : index
    %swap3A_681 = arith.constant 2816 : index
    %swap3A_682 = arith.constant 0 : index
    %swap3A_683 = vector.load %arg5[%swap3A_680, %swap3A_681, %swap3A_682] : memref<2x8192x32xf32, #tpu.memory_space<vmem>>, vector<1x128x32xf32>
    %swap3A_684 = vector.shape_cast %swap3A_683 : vector<1x128x32xf32> to vector<128x32xf32>
    %swap3A_685 = vector.shape_cast %slice3A_679 : vector<128x32xf32> to vector<1x128x32xf32>
    tpu.vector_store %arg5[%swap3A_680, %swap3A_681, %swap3A_682], %swap3A_685 {strides = array<i32>} : memref<2x8192x32xf32, #tpu.memory_space<vmem>>, vector<1x128x32xf32>,
    %slice3A_686 = vector.extract_strided_slice %select_n3A_78 {offsets = [0, 2784], sizes = [128, 32], strides = [1, 1]} : vector<128x4096xf32> to vector<128x32xf32>
    %swap3A_687 = arith.constant 1 : index
    %swap3A_688 = arith.constant 2944 : index
    %swap3A_689 = arith.constant 0 : index
    %swap3A_690 = vector.load %arg5[%swap3A_687, %swap3A_688, %swap3A_689] : memref<2x8192x32xf32, #tpu.memory_space<vmem>>, vector<1x128x32xf32>
    %swap3A_691 = vector.shape_cast %swap3A_690 : vector<1x128x32xf32> to vector<128x32xf32>
    %swap3A_692 = vector.shape_cast %slice3A_686 : vector<128x32xf32> to vector<1x128x32xf32>
    tpu.vector_store %arg5[%swap3A_687, %swap3A_688, %swap3A_689], %swap3A_692 {strides = array<i32>} : memref<2x8192x32xf32, #tpu.memory_space<vmem>>, vector<1x128x32xf32>,
    %slice3A_693 = vector.extract_strided_slice %select_n3A_78 {offsets = [0, 2816], sizes = [128, 32], strides = [1, 1]} : vector<128x4096xf32> to vector<128x32xf32>
    %swap3A_694 = arith.constant 1 : index
    %swap3A_695 = arith.constant 3072 : index
    %swap3A_696 = arith.constant 0 : index
    %swap3A_697 = vector.load %arg5[%swap3A_694, %swap3A_695, %swap3A_696] : memref<2x8192x32xf32, #tpu.memory_space<vmem>>, vector<1x128x32xf32>
    %swap3A_698 = vector.shape_cast %swap3A_697 : vector<1x128x32xf32> to vector<128x32xf32>
    %swap3A_699 = vector.shape_cast %slice3A_693 : vector<128x32xf32> to vector<1x128x32xf32>
    tpu.vector_store %arg5[%swap3A_694, %swap3A_695, %swap3A_696], %swap3A_699 {strides = array<i32>} : memref<2x8192x32xf32, #tpu.memory_space<vmem>>, vector<1x128x32xf32>,
    %slice3A_700 = vector.extract_strided_slice %select_n3A_78 {offsets = [0, 2848], sizes = [128, 32], strides = [1, 1]} : vector<128x4096xf32> to vector<128x32xf32>
    %swap3A_701 = arith.constant 1 : index
    %swap3A_702 = arith.constant 3200 : index
    %swap3A_703 = arith.constant 0 : index
    %swap3A_704 = vector.load %arg5[%swap3A_701, %swap3A_702, %swap3A_703] : memref<2x8192x32xf32, #tpu.memory_space<vmem>>, vector<1x128x32xf32>
    %swap3A_705 = vector.shape_cast %swap3A_704 : vector<1x128x32xf32> to vector<128x32xf32>
    %swap3A_706 = vector.shape_cast %slice3A_700 : vector<128x32xf32> to vector<1x128x32xf32>
    tpu.vector_store %arg5[%swap3A_701, %swap3A_702, %swap3A_703], %swap3A_706 {strides = array<i32>} : memref<2x8192x32xf32, #tpu.memory_space<vmem>>, vector<1x128x32xf32>,
    %slice3A_707 = vector.extract_strided_slice %select_n3A_78 {offsets = [0, 2880], sizes = [128, 32], strides = [1, 1]} : vector<128x4096xf32> to vector<128x32xf32>
    %swap3A_708 = arith.constant 1 : index
    %swap3A_709 = arith.constant 3328 : index
    %swap3A_710 = arith.constant 0 : index
    %swap3A_711 = vector.load %arg5[%swap3A_708, %swap3A_709, %swap3A_710] : memref<2x8192x32xf32, #tpu.memory_space<vmem>>, vector<1x128x32xf32>
    %swap3A_712 = vector.shape_cast %swap3A_711 : vector<1x128x32xf32> to vector<128x32xf32>
    %swap3A_713 = vector.shape_cast %slice3A_707 : vector<128x32xf32> to vector<1x128x32xf32>
    tpu.vector_store %arg5[%swap3A_708, %swap3A_709, %swap3A_710], %swap3A_713 {strides = array<i32>} : memref<2x8192x32xf32, #tpu.memory_space<vmem>>, vector<1x128x32xf32>,
    %slice3A_714 = vector.extract_strided_slice %select_n3A_78 {offsets = [0, 2912], sizes = [128, 32], strides = [1, 1]} : vector<128x4096xf32> to vector<128x32xf32>
    %swap3A_715 = arith.constant 1 : index
    %swap3A_716 = arith.constant 3456 : index
    %swap3A_717 = arith.constant 0 : index
    %swap3A_718 = vector.load %arg5[%swap3A_715, %swap3A_716, %swap3A_717] : memref<2x8192x32xf32, #tpu.memory_space<vmem>>, vector<1x128x32xf32>
    %swap3A_719 = vector.shape_cast %swap3A_718 : vector<1x128x32xf32> to vector<128x32xf32>
    %swap3A_720 = vector.shape_cast %slice3A_714 : vector<128x32xf32> to vector<1x128x32xf32>
    tpu.vector_store %arg5[%swap3A_715, %swap3A_716, %swap3A_717], %swap3A_720 {strides = array<i32>} : memref<2x8192x32xf32, #tpu.memory_space<vmem>>, vector<1x128x32xf32>,
    %slice3A_721 = vector.extract_strided_slice %select_n3A_78 {offsets = [0, 2944], sizes = [128, 32], strides = [1, 1]} : vector<128x4096xf32> to vector<128x32xf32>
    %swap3A_722 = arith.constant 1 : index
    %swap3A_723 = arith.constant 3584 : index
    %swap3A_724 = arith.constant 0 : index
    %swap3A_725 = vector.load %arg5[%swap3A_722, %swap3A_723, %swap3A_724] : memref<2x8192x32xf32, #tpu.memory_space<vmem>>, vector<1x128x32xf32>
    %swap3A_726 = vector.shape_cast %swap3A_725 : vector<1x128x32xf32> to vector<128x32xf32>
    %swap3A_727 = vector.shape_cast %slice3A_721 : vector<128x32xf32> to vector<1x128x32xf32>
    tpu.vector_store %arg5[%swap3A_722, %swap3A_723, %swap3A_724], %swap3A_727 {strides = array<i32>} : memref<2x8192x32xf32, #tpu.memory_space<vmem>>, vector<1x128x32xf32>,
    %slice3A_728 = vector.extract_strided_slice %select_n3A_78 {offsets = [0, 2976], sizes = [128, 32], strides = [1, 1]} : vector<128x4096xf32> to vector<128x32xf32>
    %swap3A_729 = arith.constant 1 : index
    %swap3A_730 = arith.constant 3712 : index
    %swap3A_731 = arith.constant 0 : index
    %swap3A_732 = vector.load %arg5[%swap3A_729, %swap3A_730, %swap3A_731] : memref<2x8192x32xf32, #tpu.memory_space<vmem>>, vector<1x128x32xf32>
    %swap3A_733 = vector.shape_cast %swap3A_732 : vector<1x128x32xf32> to vector<128x32xf32>
    %swap3A_734 = vector.shape_cast %slice3A_728 : vector<128x32xf32> to vector<1x128x32xf32>
    tpu.vector_store %arg5[%swap3A_729, %swap3A_730, %swap3A_731], %swap3A_734 {strides = array<i32>} : memref<2x8192x32xf32, #tpu.memory_space<vmem>>, vector<1x128x32xf32>,
    %slice3A_735 = vector.extract_strided_slice %select_n3A_78 {offsets = [0, 3008], sizes = [128, 32], strides = [1, 1]} : vector<128x4096xf32> to vector<128x32xf32>
    %swap3A_736 = arith.constant 1 : index
    %swap3A_737 = arith.constant 3840 : index
    %swap3A_738 = arith.constant 0 : index
    %swap3A_739 = vector.load %arg5[%swap3A_736, %swap3A_737, %swap3A_738] : memref<2x8192x32xf32, #tpu.memory_space<vmem>>, vector<1x128x32xf32>
    %swap3A_740 = vector.shape_cast %swap3A_739 : vector<1x128x32xf32> to vector<128x32xf32>
    %swap3A_741 = vector.shape_cast %slice3A_735 : vector<128x32xf32> to vector<1x128x32xf32>
    tpu.vector_store %arg5[%swap3A_736, %swap3A_737, %swap3A_738], %swap3A_741 {strides = array<i32>} : memref<2x8192x32xf32, #tpu.memory_space<vmem>>, vector<1x128x32xf32>,
    %slice3A_742 = vector.extract_strided_slice %select_n3A_78 {offsets = [0, 3040], sizes = [128, 32], strides = [1, 1]} : vector<128x4096xf32> to vector<128x32xf32>
    %swap3A_743 = arith.constant 1 : index
    %swap3A_744 = arith.constant 3968 : index
    %swap3A_745 = arith.constant 0 : index
    %swap3A_746 = vector.load %arg5[%swap3A_743, %swap3A_744, %swap3A_745] : memref<2x8192x32xf32, #tpu.memory_space<vmem>>, vector<1x128x32xf32>
    %swap3A_747 = vector.shape_cast %swap3A_746 : vector<1x128x32xf32> to vector<128x32xf32>
    %swap3A_748 = vector.shape_cast %slice3A_742 : vector<128x32xf32> to vector<1x128x32xf32>
    tpu.vector_store %arg5[%swap3A_743, %swap3A_744, %swap3A_745], %swap3A_748 {strides = array<i32>} : memref<2x8192x32xf32, #tpu.memory_space<vmem>>, vector<1x128x32xf32>,
    %slice3A_749 = vector.extract_strided_slice %select_n3A_78 {offsets = [0, 3072], sizes = [128, 32], strides = [1, 1]} : vector<128x4096xf32> to vector<128x32xf32>
    %swap3A_750 = arith.constant 1 : index
    %swap3A_751 = arith.constant 4096 : index
    %swap3A_752 = arith.constant 0 : index
    %swap3A_753 = vector.load %arg5[%swap3A_750, %swap3A_751, %swap3A_752] : memref<2x8192x32xf32, #tpu.memory_space<vmem>>, vector<1x128x32xf32>
    %swap3A_754 = vector.shape_cast %swap3A_753 : vector<1x128x32xf32> to vector<128x32xf32>
    %swap3A_755 = vector.shape_cast %slice3A_749 : vector<128x32xf32> to vector<1x128x32xf32>
    tpu.vector_store %arg5[%swap3A_750, %swap3A_751, %swap3A_752], %swap3A_755 {strides = array<i32>} : memref<2x8192x32xf32, #tpu.memory_space<vmem>>, vector<1x128x32xf32>,
    %slice3A_756 = vector.extract_strided_slice %select_n3A_78 {offsets = [0, 3104], sizes = [128, 32], strides = [1, 1]} : vector<128x4096xf32> to vector<128x32xf32>
    %swap3A_757 = arith.constant 1 : index
    %swap3A_758 = arith.constant 4224 : index
    %swap3A_759 = arith.constant 0 : index
    %swap3A_760 = vector.load %arg5[%swap3A_757, %swap3A_758, %swap3A_759] : memref<2x8192x32xf32, #tpu.memory_space<vmem>>, vector<1x128x32xf32>
    %swap3A_761 = vector.shape_cast %swap3A_760 : vector<1x128x32xf32> to vector<128x32xf32>
    %swap3A_762 = vector.shape_cast %slice3A_756 : vector<128x32xf32> to vector<1x128x32xf32>
    tpu.vector_store %arg5[%swap3A_757, %swap3A_758, %swap3A_759], %swap3A_762 {strides = array<i32>} : memref<2x8192x32xf32, #tpu.memory_space<vmem>>, vector<1x128x32xf32>,
    %slice3A_763 = vector.extract_strided_slice %select_n3A_78 {offsets = [0, 3136], sizes = [128, 32], strides = [1, 1]} : vector<128x4096xf32> to vector<128x32xf32>
    %swap3A_764 = arith.constant 1 : index
    %swap3A_765 = arith.constant 4352 : index
    %swap3A_766 = arith.constant 0 : index
    %swap3A_767 = vector.load %arg5[%swap3A_764, %swap3A_765, %swap3A_766] : memref<2x8192x32xf32, #tpu.memory_space<vmem>>, vector<1x128x32xf32>
    %swap3A_768 = vector.shape_cast %swap3A_767 : vector<1x128x32xf32> to vector<128x32xf32>
    %swap3A_769 = vector.shape_cast %slice3A_763 : vector<128x32xf32> to vector<1x128x32xf32>
    tpu.vector_store %arg5[%swap3A_764, %swap3A_765, %swap3A_766], %swap3A_769 {strides = array<i32>} : memref<2x8192x32xf32, #tpu.memory_space<vmem>>, vector<1x128x32xf32>,
    %slice3A_770 = vector.extract_strided_slice %select_n3A_78 {offsets = [0, 3168], sizes = [128, 32], strides = [1, 1]} : vector<128x4096xf32> to vector<128x32xf32>
    %swap3A_771 = arith.constant 1 : index
    %swap3A_772 = arith.constant 4480 : index
    %swap3A_773 = arith.constant 0 : index
    %swap3A_774 = vector.load %arg5[%swap3A_771, %swap3A_772, %swap3A_773] : memref<2x8192x32xf32, #tpu.memory_space<vmem>>, vector<1x128x32xf32>
    %swap3A_775 = vector.shape_cast %swap3A_774 : vector<1x128x32xf32> to vector<128x32xf32>
    %swap3A_776 = vector.shape_cast %slice3A_770 : vector<128x32xf32> to vector<1x128x32xf32>
    tpu.vector_store %arg5[%swap3A_771, %swap3A_772, %swap3A_773], %swap3A_776 {strides = array<i32>} : memref<2x8192x32xf32, #tpu.memory_space<vmem>>, vector<1x128x32xf32>,
    %slice3A_777 = vector.extract_strided_slice %select_n3A_78 {offsets = [0, 3200], sizes = [128, 32], strides = [1, 1]} : vector<128x4096xf32> to vector<128x32xf32>
    %swap3A_778 = arith.constant 1 : index
    %swap3A_779 = arith.constant 4608 : index
    %swap3A_780 = arith.constant 0 : index
    %swap3A_781 = vector.load %arg5[%swap3A_778, %swap3A_779, %swap3A_780] : memref<2x8192x32xf32, #tpu.memory_space<vmem>>, vector<1x128x32xf32>
    %swap3A_782 = vector.shape_cast %swap3A_781 : vector<1x128x32xf32> to vector<128x32xf32>
    %swap3A_783 = vector.shape_cast %slice3A_777 : vector<128x32xf32> to vector<1x128x32xf32>
    tpu.vector_store %arg5[%swap3A_778, %swap3A_779, %swap3A_780], %swap3A_783 {strides = array<i32>} : memref<2x8192x32xf32, #tpu.memory_space<vmem>>, vector<1x128x32xf32>,
    %slice3A_784 = vector.extract_strided_slice %select_n3A_78 {offsets = [0, 3232], sizes = [128, 32], strides = [1, 1]} : vector<128x4096xf32> to vector<128x32xf32>
    %swap3A_785 = arith.constant 1 : index
    %swap3A_786 = arith.constant 4736 : index
    %swap3A_787 = arith.constant 0 : index
    %swap3A_788 = vector.load %arg5[%swap3A_785, %swap3A_786, %swap3A_787] : memref<2x8192x32xf32, #tpu.memory_space<vmem>>, vector<1x128x32xf32>
    %swap3A_789 = vector.shape_cast %swap3A_788 : vector<1x128x32xf32> to vector<128x32xf32>
    %swap3A_790 = vector.shape_cast %slice3A_784 : vector<128x32xf32> to vector<1x128x32xf32>
    tpu.vector_store %arg5[%swap3A_785, %swap3A_786, %swap3A_787], %swap3A_790 {strides = array<i32>} : memref<2x8192x32xf32, #tpu.memory_space<vmem>>, vector<1x128x32xf32>,
    %slice3A_791 = vector.extract_strided_slice %select_n3A_78 {offsets = [0, 3264], sizes = [128, 32], strides = [1, 1]} : vector<128x4096xf32> to vector<128x32xf32>
    %swap3A_792 = arith.constant 1 : index
    %swap3A_793 = arith.constant 4864 : index
    %swap3A_794 = arith.constant 0 : index
    %swap3A_795 = vector.load %arg5[%swap3A_792, %swap3A_793, %swap3A_794] : memref<2x8192x32xf32, #tpu.memory_space<vmem>>, vector<1x128x32xf32>
    %swap3A_796 = vector.shape_cast %swap3A_795 : vector<1x128x32xf32> to vector<128x32xf32>
    %swap3A_797 = vector.shape_cast %slice3A_791 : vector<128x32xf32> to vector<1x128x32xf32>
    tpu.vector_store %arg5[%swap3A_792, %swap3A_793, %swap3A_794], %swap3A_797 {strides = array<i32>} : memref<2x8192x32xf32, #tpu.memory_space<vmem>>, vector<1x128x32xf32>,
    %slice3A_798 = vector.extract_strided_slice %select_n3A_78 {offsets = [0, 3296], sizes = [128, 32], strides = [1, 1]} : vector<128x4096xf32> to vector<128x32xf32>
    %swap3A_799 = arith.constant 1 : index
    %swap3A_800 = arith.constant 4992 : index
    %swap3A_801 = arith.constant 0 : index
    %swap3A_802 = vector.load %arg5[%swap3A_799, %swap3A_800, %swap3A_801] : memref<2x8192x32xf32, #tpu.memory_space<vmem>>, vector<1x128x32xf32>
    %swap3A_803 = vector.shape_cast %swap3A_802 : vector<1x128x32xf32> to vector<128x32xf32>
    %swap3A_804 = vector.shape_cast %slice3A_798 : vector<128x32xf32> to vector<1x128x32xf32>
    tpu.vector_store %arg5[%swap3A_799, %swap3A_800, %swap3A_801], %swap3A_804 {strides = array<i32>} : memref<2x8192x32xf32, #tpu.memory_space<vmem>>, vector<1x128x32xf32>,
    %slice3A_805 = vector.extract_strided_slice %select_n3A_78 {offsets = [0, 3328], sizes = [128, 32], strides = [1, 1]} : vector<128x4096xf32> to vector<128x32xf32>
    %swap3A_806 = arith.constant 1 : index
    %swap3A_807 = arith.constant 5120 : index
    %swap3A_808 = arith.constant 0 : index
    %swap3A_809 = vector.load %arg5[%swap3A_806, %swap3A_807, %swap3A_808] : memref<2x8192x32xf32, #tpu.memory_space<vmem>>, vector<1x128x32xf32>
    %swap3A_810 = vector.shape_cast %swap3A_809 : vector<1x128x32xf32> to vector<128x32xf32>
    %swap3A_811 = vector.shape_cast %slice3A_805 : vector<128x32xf32> to vector<1x128x32xf32>
    tpu.vector_store %arg5[%swap3A_806, %swap3A_807, %swap3A_808], %swap3A_811 {strides = array<i32>} : memref<2x8192x32xf32, #tpu.memory_space<vmem>>, vector<1x128x32xf32>,
    %slice3A_812 = vector.extract_strided_slice %select_n3A_78 {offsets = [0, 3360], sizes = [128, 32], strides = [1, 1]} : vector<128x4096xf32> to vector<128x32xf32>
    %swap3A_813 = arith.constant 1 : index
    %swap3A_814 = arith.constant 5248 : index
    %swap3A_815 = arith.constant 0 : index
    %swap3A_816 = vector.load %arg5[%swap3A_813, %swap3A_814, %swap3A_815] : memref<2x8192x32xf32, #tpu.memory_space<vmem>>, vector<1x128x32xf32>
    %swap3A_817 = vector.shape_cast %swap3A_816 : vector<1x128x32xf32> to vector<128x32xf32>
    %swap3A_818 = vector.shape_cast %slice3A_812 : vector<128x32xf32> to vector<1x128x32xf32>
    tpu.vector_store %arg5[%swap3A_813, %swap3A_814, %swap3A_815], %swap3A_818 {strides = array<i32>} : memref<2x8192x32xf32, #tpu.memory_space<vmem>>, vector<1x128x32xf32>,
    %slice3A_819 = vector.extract_strided_slice %select_n3A_78 {offsets = [0, 3392], sizes = [128, 32], strides = [1, 1]} : vector<128x4096xf32> to vector<128x32xf32>
    %swap3A_820 = arith.constant 1 : index
    %swap3A_821 = arith.constant 5376 : index
    %swap3A_822 = arith.constant 0 : index
    %swap3A_823 = vector.load %arg5[%swap3A_820, %swap3A_821, %swap3A_822] : memref<2x8192x32xf32, #tpu.memory_space<vmem>>, vector<1x128x32xf32>
    %swap3A_824 = vector.shape_cast %swap3A_823 : vector<1x128x32xf32> to vector<128x32xf32>
    %swap3A_825 = vector.shape_cast %slice3A_819 : vector<128x32xf32> to vector<1x128x32xf32>
    tpu.vector_store %arg5[%swap3A_820, %swap3A_821, %swap3A_822], %swap3A_825 {strides = array<i32>} : memref<2x8192x32xf32, #tpu.memory_space<vmem>>, vector<1x128x32xf32>,
    %slice3A_826 = vector.extract_strided_slice %select_n3A_78 {offsets = [0, 3424], sizes = [128, 32], strides = [1, 1]} : vector<128x4096xf32> to vector<128x32xf32>
    %swap3A_827 = arith.constant 1 : index
    %swap3A_828 = arith.constant 5504 : index
    %swap3A_829 = arith.constant 0 : index
    %swap3A_830 = vector.load %arg5[%swap3A_827, %swap3A_828, %swap3A_829] : memref<2x8192x32xf32, #tpu.memory_space<vmem>>, vector<1x128x32xf32>
    %swap3A_831 = vector.shape_cast %swap3A_830 : vector<1x128x32xf32> to vector<128x32xf32>
    %swap3A_832 = vector.shape_cast %slice3A_826 : vector<128x32xf32> to vector<1x128x32xf32>
    tpu.vector_store %arg5[%swap3A_827, %swap3A_828, %swap3A_829], %swap3A_832 {strides = array<i32>} : memref<2x8192x32xf32, #tpu.memory_space<vmem>>, vector<1x128x32xf32>,
    %slice3A_833 = vector.extract_strided_slice %select_n3A_78 {offsets = [0, 3456], sizes = [128, 32], strides = [1, 1]} : vector<128x4096xf32> to vector<128x32xf32>
    %swap3A_834 = arith.constant 1 : index
    %swap3A_835 = arith.constant 5632 : index
    %swap3A_836 = arith.constant 0 : index
    %swap3A_837 = vector.load %arg5[%swap3A_834, %swap3A_835, %swap3A_836] : memref<2x8192x32xf32, #tpu.memory_space<vmem>>, vector<1x128x32xf32>
    %swap3A_838 = vector.shape_cast %swap3A_837 : vector<1x128x32xf32> to vector<128x32xf32>
    %swap3A_839 = vector.shape_cast %slice3A_833 : vector<128x32xf32> to vector<1x128x32xf32>
    tpu.vector_store %arg5[%swap3A_834, %swap3A_835, %swap3A_836], %swap3A_839 {strides = array<i32>} : memref<2x8192x32xf32, #tpu.memory_space<vmem>>, vector<1x128x32xf32>,
    %slice3A_840 = vector.extract_strided_slice %select_n3A_78 {offsets = [0, 3488], sizes = [128, 32], strides = [1, 1]} : vector<128x4096xf32> to vector<128x32xf32>
    %swap3A_841 = arith.constant 1 : index
    %swap3A_842 = arith.constant 5760 : index
    %swap3A_843 = arith.constant 0 : index
    %swap3A_844 = vector.load %arg5[%swap3A_841, %swap3A_842, %swap3A_843] : memref<2x8192x32xf32, #tpu.memory_space<vmem>>, vector<1x128x32xf32>
    %swap3A_845 = vector.shape_cast %swap3A_844 : vector<1x128x32xf32> to vector<128x32xf32>
    %swap3A_846 = vector.shape_cast %slice3A_840 : vector<128x32xf32> to vector<1x128x32xf32>
    tpu.vector_store %arg5[%swap3A_841, %swap3A_842, %swap3A_843], %swap3A_846 {strides = array<i32>} : memref<2x8192x32xf32, #tpu.memory_space<vmem>>, vector<1x128x32xf32>,
    %slice3A_847 = vector.extract_strided_slice %select_n3A_78 {offsets = [0, 3520], sizes = [128, 32], strides = [1, 1]} : vector<128x4096xf32> to vector<128x32xf32>
    %swap3A_848 = arith.constant 1 : index
    %swap3A_849 = arith.constant 5888 : index
    %swap3A_850 = arith.constant 0 : index
    %swap3A_851 = vector.load %arg5[%swap3A_848, %swap3A_849, %swap3A_850] : memref<2x8192x32xf32, #tpu.memory_space<vmem>>, vector<1x128x32xf32>
    %swap3A_852 = vector.shape_cast %swap3A_851 : vector<1x128x32xf32> to vector<128x32xf32>
    %swap3A_853 = vector.shape_cast %slice3A_847 : vector<128x32xf32> to vector<1x128x32xf32>
    tpu.vector_store %arg5[%swap3A_848, %swap3A_849, %swap3A_850], %swap3A_853 {strides = array<i32>} : memref<2x8192x32xf32, #tpu.memory_space<vmem>>, vector<1x128x32xf32>,
    %slice3A_854 = vector.extract_strided_slice %select_n3A_78 {offsets = [0, 3552], sizes = [128, 32], strides = [1, 1]} : vector<128x4096xf32> to vector<128x32xf32>
    %swap3A_855 = arith.constant 1 : index
    %swap3A_856 = arith.constant 6016 : index
    %swap3A_857 = arith.constant 0 : index
    %swap3A_858 = vector.load %arg5[%swap3A_855, %swap3A_856, %swap3A_857] : memref<2x8192x32xf32, #tpu.memory_space<vmem>>, vector<1x128x32xf32>
    %swap3A_859 = vector.shape_cast %swap3A_858 : vector<1x128x32xf32> to vector<128x32xf32>
    %swap3A_860 = vector.shape_cast %slice3A_854 : vector<128x32xf32> to vector<1x128x32xf32>
    tpu.vector_store %arg5[%swap3A_855, %swap3A_856, %swap3A_857], %swap3A_860 {strides = array<i32>} : memref<2x8192x32xf32, #tpu.memory_space<vmem>>, vector<1x128x32xf32>,
    %slice3A_861 = vector.extract_strided_slice %select_n3A_78 {offsets = [0, 3584], sizes = [128, 32], strides = [1, 1]} : vector<128x4096xf32> to vector<128x32xf32>
    %swap3A_862 = arith.constant 1 : index
    %swap3A_863 = arith.constant 6144 : index
    %swap3A_864 = arith.constant 0 : index
    %swap3A_865 = vector.load %arg5[%swap3A_862, %swap3A_863, %swap3A_864] : memref<2x8192x32xf32, #tpu.memory_space<vmem>>, vector<1x128x32xf32>
    %swap3A_866 = vector.shape_cast %swap3A_865 : vector<1x128x32xf32> to vector<128x32xf32>
    %swap3A_867 = vector.shape_cast %slice3A_861 : vector<128x32xf32> to vector<1x128x32xf32>
    tpu.vector_store %arg5[%swap3A_862, %swap3A_863, %swap3A_864], %swap3A_867 {strides = array<i32>} : memref<2x8192x32xf32, #tpu.memory_space<vmem>>, vector<1x128x32xf32>,
    %slice3A_868 = vector.extract_strided_slice %select_n3A_78 {offsets = [0, 3616], sizes = [128, 32], strides = [1, 1]} : vector<128x4096xf32> to vector<128x32xf32>
    %swap3A_869 = arith.constant 1 : index
    %swap3A_870 = arith.constant 6272 : index
    %swap3A_871 = arith.constant 0 : index
    %swap3A_872 = vector.load %arg5[%swap3A_869, %swap3A_870, %swap3A_871] : memref<2x8192x32xf32, #tpu.memory_space<vmem>>, vector<1x128x32xf32>
    %swap3A_873 = vector.shape_cast %swap3A_872 : vector<1x128x32xf32> to vector<128x32xf32>
    %swap3A_874 = vector.shape_cast %slice3A_868 : vector<128x32xf32> to vector<1x128x32xf32>
    tpu.vector_store %arg5[%swap3A_869, %swap3A_870, %swap3A_871], %swap3A_874 {strides = array<i32>} : memref<2x8192x32xf32, #tpu.memory_space<vmem>>, vector<1x128x32xf32>,
    %slice3A_875 = vector.extract_strided_slice %select_n3A_78 {offsets = [0, 3648], sizes = [128, 32], strides = [1, 1]} : vector<128x4096xf32> to vector<128x32xf32>
    %swap3A_876 = arith.constant 1 : index
    %swap3A_877 = arith.constant 6400 : index
    %swap3A_878 = arith.constant 0 : index
    %swap3A_879 = vector.load %arg5[%swap3A_876, %swap3A_877, %swap3A_878] : memref<2x8192x32xf32, #tpu.memory_space<vmem>>, vector<1x128x32xf32>
    %swap3A_880 = vector.shape_cast %swap3A_879 : vector<1x128x32xf32> to vector<128x32xf32>
    %swap3A_881 = vector.shape_cast %slice3A_875 : vector<128x32xf32> to vector<1x128x32xf32>
    tpu.vector_store %arg5[%swap3A_876, %swap3A_877, %swap3A_878], %swap3A_881 {strides = array<i32>} : memref<2x8192x32xf32, #tpu.memory_space<vmem>>, vector<1x128x32xf32>,
    %slice3A_882 = vector.extract_strided_slice %select_n3A_78 {offsets = [0, 3680], sizes = [128, 32], strides = [1, 1]} : vector<128x4096xf32> to vector<128x32xf32>
    %swap3A_883 = arith.constant 1 : index
    %swap3A_884 = arith.constant 6528 : index
    %swap3A_885 = arith.constant 0 : index
    %swap3A_886 = vector.load %arg5[%swap3A_883, %swap3A_884, %swap3A_885] : memref<2x8192x32xf32, #tpu.memory_space<vmem>>, vector<1x128x32xf32>
    %swap3A_887 = vector.shape_cast %swap3A_886 : vector<1x128x32xf32> to vector<128x32xf32>
    %swap3A_888 = vector.shape_cast %slice3A_882 : vector<128x32xf32> to vector<1x128x32xf32>
    tpu.vector_store %arg5[%swap3A_883, %swap3A_884, %swap3A_885], %swap3A_888 {strides = array<i32>} : memref<2x8192x32xf32, #tpu.memory_space<vmem>>, vector<1x128x32xf32>,
    %slice3A_889 = vector.extract_strided_slice %select_n3A_78 {offsets = [0, 3712], sizes = [128, 32], strides = [1, 1]} : vector<128x4096xf32> to vector<128x32xf32>
    %swap3A_890 = arith.constant 1 : index
    %swap3A_891 = arith.constant 6656 : index
    %swap3A_892 = arith.constant 0 : index
    %swap3A_893 = vector.load %arg5[%swap3A_890, %swap3A_891, %swap3A_892] : memref<2x8192x32xf32, #tpu.memory_space<vmem>>, vector<1x128x32xf32>
    %swap3A_894 = vector.shape_cast %swap3A_893 : vector<1x128x32xf32> to vector<128x32xf32>
    %swap3A_895 = vector.shape_cast %slice3A_889 : vector<128x32xf32> to vector<1x128x32xf32>
    tpu.vector_store %arg5[%swap3A_890, %swap3A_891, %swap3A_892], %swap3A_895 {strides = array<i32>} : memref<2x8192x32xf32, #tpu.memory_space<vmem>>, vector<1x128x32xf32>,
    %slice3A_896 = vector.extract_strided_slice %select_n3A_78 {offsets = [0, 3744], sizes = [128, 32], strides = [1, 1]} : vector<128x4096xf32> to vector<128x32xf32>
    %swap3A_897 = arith.constant 1 : index
    %swap3A_898 = arith.constant 6784 : index
    %swap3A_899 = arith.constant 0 : index
    %swap3A_900 = vector.load %arg5[%swap3A_897, %swap3A_898, %swap3A_899] : memref<2x8192x32xf32, #tpu.memory_space<vmem>>, vector<1x128x32xf32>
    %swap3A_901 = vector.shape_cast %swap3A_900 : vector<1x128x32xf32> to vector<128x32xf32>
    %swap3A_902 = vector.shape_cast %slice3A_896 : vector<128x32xf32> to vector<1x128x32xf32>
    tpu.vector_store %arg5[%swap3A_897, %swap3A_898, %swap3A_899], %swap3A_902 {strides = array<i32>} : memref<2x8192x32xf32, #tpu.memory_space<vmem>>, vector<1x128x32xf32>,
    %slice3A_903 = vector.extract_strided_slice %select_n3A_78 {offsets = [0, 3776], sizes = [128, 32], strides = [1, 1]} : vector<128x4096xf32> to vector<128x32xf32>
    %swap3A_904 = arith.constant 1 : index
    %swap3A_905 = arith.constant 6912 : index
    %swap3A_906 = arith.constant 0 : index
    %swap3A_907 = vector.load %arg5[%swap3A_904, %swap3A_905, %swap3A_906] : memref<2x8192x32xf32, #tpu.memory_space<vmem>>, vector<1x128x32xf32>
    %swap3A_908 = vector.shape_cast %swap3A_907 : vector<1x128x32xf32> to vector<128x32xf32>
    %swap3A_909 = vector.shape_cast %slice3A_903 : vector<128x32xf32> to vector<1x128x32xf32>
    tpu.vector_store %arg5[%swap3A_904, %swap3A_905, %swap3A_906], %swap3A_909 {strides = array<i32>} : memref<2x8192x32xf32, #tpu.memory_space<vmem>>, vector<1x128x32xf32>,
    %slice3A_910 = vector.extract_strided_slice %select_n3A_78 {offsets = [0, 3808], sizes = [128, 32], strides = [1, 1]} : vector<128x4096xf32> to vector<128x32xf32>
    %swap3A_911 = arith.constant 1 : index
    %swap3A_912 = arith.constant 7040 : index
    %swap3A_913 = arith.constant 0 : index
    %swap3A_914 = vector.load %arg5[%swap3A_911, %swap3A_912, %swap3A_913] : memref<2x8192x32xf32, #tpu.memory_space<vmem>>, vector<1x128x32xf32>
    %swap3A_915 = vector.shape_cast %swap3A_914 : vector<1x128x32xf32> to vector<128x32xf32>
    %swap3A_916 = vector.shape_cast %slice3A_910 : vector<128x32xf32> to vector<1x128x32xf32>
    tpu.vector_store %arg5[%swap3A_911, %swap3A_912, %swap3A_913], %swap3A_916 {strides = array<i32>} : memref<2x8192x32xf32, #tpu.memory_space<vmem>>, vector<1x128x32xf32>,
    %slice3A_917 = vector.extract_strided_slice %select_n3A_78 {offsets = [0, 3840], sizes = [128, 32], strides = [1, 1]} : vector<128x4096xf32> to vector<128x32xf32>
    %swap3A_918 = arith.constant 1 : index
    %swap3A_919 = arith.constant 7168 : index
    %swap3A_920 = arith.constant 0 : index
    %swap3A_921 = vector.load %arg5[%swap3A_918, %swap3A_919, %swap3A_920] : memref<2x8192x32xf32, #tpu.memory_space<vmem>>, vector<1x128x32xf32>
    %swap3A_922 = vector.shape_cast %swap3A_921 : vector<1x128x32xf32> to vector<128x32xf32>
    %swap3A_923 = vector.shape_cast %slice3A_917 : vector<128x32xf32> to vector<1x128x32xf32>
    tpu.vector_store %arg5[%swap3A_918, %swap3A_919, %swap3A_920], %swap3A_923 {strides = array<i32>} : memref<2x8192x32xf32, #tpu.memory_space<vmem>>, vector<1x128x32xf32>,
    %slice3A_924 = vector.extract_strided_slice %select_n3A_78 {offsets = [0, 3872], sizes = [128, 32], strides = [1, 1]} : vector<128x4096xf32> to vector<128x32xf32>
    %swap3A_925 = arith.constant 1 : index
    %swap3A_926 = arith.constant 7296 : index
    %swap3A_927 = arith.constant 0 : index
    %swap3A_928 = vector.load %arg5[%swap3A_925, %swap3A_926, %swap3A_927] : memref<2x8192x32xf32, #tpu.memory_space<vmem>>, vector<1x128x32xf32>
    %swap3A_929 = vector.shape_cast %swap3A_928 : vector<1x128x32xf32> to vector<128x32xf32>
    %swap3A_930 = vector.shape_cast %slice3A_924 : vector<128x32xf32> to vector<1x128x32xf32>
    tpu.vector_store %arg5[%swap3A_925, %swap3A_926, %swap3A_927], %swap3A_930 {strides = array<i32>} : memref<2x8192x32xf32, #tpu.memory_space<vmem>>, vector<1x128x32xf32>,
    %slice3A_931 = vector.extract_strided_slice %select_n3A_78 {offsets = [0, 3904], sizes = [128, 32], strides = [1, 1]} : vector<128x4096xf32> to vector<128x32xf32>
    %swap3A_932 = arith.constant 1 : index
    %swap3A_933 = arith.constant 7424 : index
    %swap3A_934 = arith.constant 0 : index
    %swap3A_935 = vector.load %arg5[%swap3A_932, %swap3A_933, %swap3A_934] : memref<2x8192x32xf32, #tpu.memory_space<vmem>>, vector<1x128x32xf32>
    %swap3A_936 = vector.shape_cast %swap3A_935 : vector<1x128x32xf32> to vector<128x32xf32>
    %swap3A_937 = vector.shape_cast %slice3A_931 : vector<128x32xf32> to vector<1x128x32xf32>
    tpu.vector_store %arg5[%swap3A_932, %swap3A_933, %swap3A_934], %swap3A_937 {strides = array<i32>} : memref<2x8192x32xf32, #tpu.memory_space<vmem>>, vector<1x128x32xf32>,
    %slice3A_938 = vector.extract_strided_slice %select_n3A_78 {offsets = [0, 3936], sizes = [128, 32], strides = [1, 1]} : vector<128x4096xf32> to vector<128x32xf32>
    %swap3A_939 = arith.constant 1 : index
    %swap3A_940 = arith.constant 7552 : index
    %swap3A_941 = arith.constant 0 : index
    %swap3A_942 = vector.load %arg5[%swap3A_939, %swap3A_940, %swap3A_941] : memref<2x8192x32xf32, #tpu.memory_space<vmem>>, vector<1x128x32xf32>
    %swap3A_943 = vector.shape_cast %swap3A_942 : vector<1x128x32xf32> to vector<128x32xf32>
    %swap3A_944 = vector.shape_cast %slice3A_938 : vector<128x32xf32> to vector<1x128x32xf32>
    tpu.vector_store %arg5[%swap3A_939, %swap3A_940, %swap3A_941], %swap3A_944 {strides = array<i32>} : memref<2x8192x32xf32, #tpu.memory_space<vmem>>, vector<1x128x32xf32>,
    %slice3A_945 = vector.extract_strided_slice %select_n3A_78 {offsets = [0, 3968], sizes = [128, 32], strides = [1, 1]} : vector<128x4096xf32> to vector<128x32xf32>
    %swap3A_946 = arith.constant 1 : index
    %swap3A_947 = arith.constant 7680 : index
    %swap3A_948 = arith.constant 0 : index
    %swap3A_949 = vector.load %arg5[%swap3A_946, %swap3A_947, %swap3A_948] : memref<2x8192x32xf32, #tpu.memory_space<vmem>>, vector<1x128x32xf32>
    %swap3A_950 = vector.shape_cast %swap3A_949 : vector<1x128x32xf32> to vector<128x32xf32>
    %swap3A_951 = vector.shape_cast %slice3A_945 : vector<128x32xf32> to vector<1x128x32xf32>
    tpu.vector_store %arg5[%swap3A_946, %swap3A_947, %swap3A_948], %swap3A_951 {strides = array<i32>} : memref<2x8192x32xf32, #tpu.memory_space<vmem>>, vector<1x128x32xf32>,
    %slice3A_952 = vector.extract_strided_slice %select_n3A_78 {offsets = [0, 4000], sizes = [128, 32], strides = [1, 1]} : vector<128x4096xf32> to vector<128x32xf32>
    %swap3A_953 = arith.constant 1 : index
    %swap3A_954 = arith.constant 7808 : index
    %swap3A_955 = arith.constant 0 : index
    %swap3A_956 = vector.load %arg5[%swap3A_953, %swap3A_954, %swap3A_955] : memref<2x8192x32xf32, #tpu.memory_space<vmem>>, vector<1x128x32xf32>
    %swap3A_957 = vector.shape_cast %swap3A_956 : vector<1x128x32xf32> to vector<128x32xf32>
    %swap3A_958 = vector.shape_cast %slice3A_952 : vector<128x32xf32> to vector<1x128x32xf32>
    tpu.vector_store %arg5[%swap3A_953, %swap3A_954, %swap3A_955], %swap3A_958 {strides = array<i32>} : memref<2x8192x32xf32, #tpu.memory_space<vmem>>, vector<1x128x32xf32>,
    %slice3A_959 = vector.extract_strided_slice %select_n3A_78 {offsets = [0, 4032], sizes = [128, 32], strides = [1, 1]} : vector<128x4096xf32> to vector<128x32xf32>
    %swap3A_960 = arith.constant 1 : index
    %swap3A_961 = arith.constant 7936 : index
    %swap3A_962 = arith.constant 0 : index
    %swap3A_963 = vector.load %arg5[%swap3A_960, %swap3A_961, %swap3A_962] : memref<2x8192x32xf32, #tpu.memory_space<vmem>>, vector<1x128x32xf32>
    %swap3A_964 = vector.shape_cast %swap3A_963 : vector<1x128x32xf32> to vector<128x32xf32>
    %swap3A_965 = vector.shape_cast %slice3A_959 : vector<128x32xf32> to vector<1x128x32xf32>
    tpu.vector_store %arg5[%swap3A_960, %swap3A_961, %swap3A_962], %swap3A_965 {strides = array<i32>} : memref<2x8192x32xf32, #tpu.memory_space<vmem>>, vector<1x128x32xf32>,
    %slice3A_966 = vector.extract_strided_slice %select_n3A_78 {offsets = [0, 4064], sizes = [128, 32], strides = [1, 1]} : vector<128x4096xf32> to vector<128x32xf32>
    %swap3A_967 = arith.constant 1 : index
    %swap3A_968 = arith.constant 8064 : index
    %swap3A_969 = arith.constant 0 : index
    %swap3A_970 = vector.load %arg5[%swap3A_967, %swap3A_968, %swap3A_969] : memref<2x8192x32xf32, #tpu.memory_space<vmem>>, vector<1x128x32xf32>
    %swap3A_971 = vector.shape_cast %swap3A_970 : vector<1x128x32xf32> to vector<128x32xf32>
    %swap3A_972 = vector.shape_cast %slice3A_966 : vector<128x32xf32> to vector<1x128x32xf32>
    tpu.vector_store %arg5[%swap3A_967, %swap3A_968, %swap3A_969], %swap3A_972 {strides = array<i32>} : memref<2x8192x32xf32, #tpu.memory_space<vmem>>, vector<1x128x32xf32>,
    return
  }
  func.func @transform_0(%arg0: i32) -> (i32, i32) {
    %c0_i32 = arith.constant 0 : i32
    %c0_i32_0 = arith.constant 0 : i32
    return %arg0, %c0_i32 : i32, i32
  }
  func.func @transform_1(%arg0: i32) -> (i32, i32) {
    %c0_i32 = arith.constant 0 : i32
    %c0_i32_0 = arith.constant 0 : i32
    return %arg0, %c0_i32 : i32, i32
  }
  func.func @transform_2(%arg0: i32) -> (i32, i32) {
    %c0_i32 = arith.constant 0 : i32
    %c0_i32_0 = arith.constant 0 : i32
    return %arg0, %c0_i32 : i32, i32
  }
  func.func @transform_4(%arg0: i32) -> (i32, i32, i32) {
    %c0_i32 = arith.constant 0 : i32
    %c0_i32_0 = arith.constant 0 : i32
    %c0_i32_1 = arith.constant 0 : i32
    return %arg0, %c0_i32, %c0_i32_0 : i32, i32, i32
  }
}

</mosaic_0001>

<sc_bundles>
// kernel: kernel.5.cloned.1.call-start
scs
__scs_entry_jumppad:
0x0: {  	(pc) =	sbr.rel $0x88, $3  }
0x1: {  	(tag) =	ssettag $0x0;
	lr =	simm.s32 $0x1  }
0x2: {  	[smem:$0x3F9F] =	sst lr;
	_ =	strace $0xD0000000  }
0x3: {  	_ = 	snop  }
0x4: {  	_ = 	snop  }
0x5: {  	_ = 	snop  }
0x6: {  	_ = 	snop  }
0x7: {  	_ = 	snop  }
__scs_overlays_trampoline_lowered:
0x8: {  	[smem:$0x3FAE] =	sst s0  }
0x9: {  	[smem:$0x3FAF] =	sst s1  }
0xa: {  	[smem:$0x3FB0] =	sst s2  }
0xb: {  	[smem:$0x3FB1] =	sst s3  }
0xc: {  	[smem:$0x3FB2] =	sst s4  }
0xd: {  	[smem:$0x3FB3] =	sst s5  }
0xe: {  	[smem:$0x3FB4] =	sst s6  }
0xf: {  	[smem:$0x3FB5] =	sst s7  }
0x10: {  	[smem:$0x3FB6] =	sst s8  }
0x11: {  	[smem:$0x3FB7] =	sst s9;
	s0 =	simm.s32 @!p0 $0x0  }
0x12: {  	s1 =	sld [smem:$0x3F9D];
	s0 =	simm.s32 @p0 $0x1  }
0x13: {  	[smem:$0x3FB8] =	sst s0;
	s0 =	simm.s32 @!p1 $0x0  }
0x14: {  	s2 =	sld [smem:$0x3F9C];
	s0 =	simm.s32 @p1 $0x1  }
0x15: {  	[smem:$0x3FB9] =	sst s0;
	s0 =	simm.s32 @!p2 $0x0  }
0x16: {  	s3 =	sld [smem:$0x3FDB];
	s0 =	simm.s32 @p2 $0x1  }
0x17: {  	s4 =	simm.s32 $0x1BF5;
	[smem:$0x3FBB] =	sst s0  }
0x18: {  	s0 =	sld [smem:$0x3F9E];
	_ =	swait.ge [sflag:s4], $0x0  }
0x19: {  	s7 =	sld [smem:$0x3F9F]  }
0x1a: {  	s8 =	sadd.s32 $0xFFFFE003, lr  }
0x1b: {  	s9 =	sadd.s32 $0xFFFFFEF7, lr;
	s5 =	simm.s32 $0xFFFFFFFF;
	p2 =	slt.u32 s8, $0xFFFFF086  }
0x1c: {  	p1 =	slt.u32 s9, $0xF7A;
	s5 =	simm.s32 @!p2 $0x0  }
0x1d: {  	s5 =	simm.s32 @p1 $0x1;
	p0 =	seq.s32 s7, s2  }
0x1e: {  	s7 =	smul.u32 @!p0 $0xF7A, s2;
	p2 =	seq.s32 @!p0 s5, $0x0  }
0x1f: {  	s9 =	smul.u32 $0xF7A, s1;
	s8 =	simm.s32 @!p0 $0x1BF5;
	p2 =	por !p2, p0  }
0x20: {  	[sflag:s8] =	ssyncset.s32 @!p0 $0xFFFFF086;
	s6 =	sadd.s32 @!p0 s3, s7;
	s7 =	simm.s32 @!p0 $0x108  }
0x21: {  	s3 =	sadd.s32 s3, s9;
	s6 =	sadd.s32 @!p0 $0x88, s6;
	s7 =	simm.s32 @p2 $0x1082  }
0x22: {  	[simem:s7], [sflag:s8] =	dma.local @!p0 [hbm:s6], $0xF7A  }
0x23: {  	s9 =	sor.u32 $0xD0000000, s2;
	s6 =	simm.s32 $0x108;
	_ =	swait.ge @!p0 [sflag:s8], $0x0  }
0x24: {  	s3 =	sadd.s32 $0x88, s3;
	s6 =	simm.s32 @!p1 $0x1082;
	[sflag:s4] =	ssyncset.s32 $0xFFFFF086  }
0x25: {  	[simem:s6], [sflag:s4] =	dma.local [hbm:s3], $0xF7A  }
0x26: {  	[smem:$0x3F9F] =	sst s1;
	(tag) =	ssettag s2;
	_ =	strace s9  }
0x27: {  	s1 =	sld [smem:$0x3FAF]  }
0x28: {  	s2 =	sld [smem:$0x3FB0]  }
0x29: {  	s4 =	sld [smem:$0x3FB2]  }
0x2a: {  	p0 =	seq.s32 s5, $0x0;
	s5 =	sld [smem:$0x3FB3]  }
0x2b: {  	s6 =	sld [smem:$0x3FB4]  }
0x2c: {  	s7 =	sld [smem:$0x3FB5]  }
0x2d: {  	s3 =	simm.s32 $0x108;
	s8 =	sld [smem:$0x3FB6]  }
0x2e: {  	s3 =	simm.s32 @!p0 $0x1082;
	s9 =	sld [smem:$0x3FB7]  }
0x2f: {  	lr =	sadd.s32 s0, s3;
	s0 =	sld [smem:$0x3FAE]  }
0x30: {  	s3 =	sld [smem:$0x3FB1]  }
0x31: {  	[smem:$0x3FBA] =	sst s10  }
0x32: {  	s10 =	sld [smem:$0x3FB8];
	_ =	sdelay $0x3  }
0x33: {  	p0 =	seq.s32 s10, $0x1;
	s10 =	sld [smem:$0x3FBA];
	_ =	sdelay $0x3  }
0x34: {  	[smem:$0x3FBA] =	sst s10  }
0x35: {  	s10 =	sld [smem:$0x3FB9];
	_ =	sdelay $0x3  }
0x36: {  	p1 =	seq.s32 s10, $0x1;
	s10 =	sld [smem:$0x3FBA];
	_ =	sdelay $0x3  }
0x37: {  	[smem:$0x3FBA] =	sst s10  }
0x38: {  	s10 =	sld [smem:$0x3FBB]  }
0x39: {  	_ = 	snop;
	(pc) =	sbr.ind lr, $3  }
0x3a: {  	_ = 	snop  }
0x3b: {  	_ = 	snop  }
0x3c: {  	p2 =	seq.s32 s10, $0x1;
	s10 =	sld [smem:$0x3FBA]  }
0x3d: {  	_ =	shalt  }
0x3e: {  	_ =	shalt  }
0x3f: {  	_ =	shalt  }
0x40: {  	_ =	shalt  }
0x41: {  	_ =	shalt  }
0x42: {  	_ =	shalt  }
0x43: {  	_ =	shalt  }
0x44: {  	_ =	shalt  }
0x45: {  	_ =	shalt  }
0x46: {  	_ =	shalt  }
0x47: {  	_ =	shalt  }
0x48: {  	_ =	shalt  }
0x49: {  	_ =	shalt  }
0x4a: {  	_ =	shalt  }
0x4b: {  	_ =	shalt  }
0x4c: {  	_ =	shalt  }
0x4d: {  	_ =	shalt  }
0x4e: {  	_ =	shalt  }
0x4f: {  	_ =	shalt  }
0x50: {  	_ =	shalt  }
0x51: {  	_ =	shalt  }
0x52: {  	_ =	shalt  }
0x53: {  	_ =	shalt  }
0x54: {  	_ =	shalt  }
0x55: {  	_ =	shalt  }
0x56: {  	_ =	shalt  }
0x57: {  	_ =	shalt  }
0x58: {  	_ =	shalt  }
0x59: {  	_ =	shalt  }
0x5a: {  	_ =	shalt  }
0x5b: {  	_ =	shalt  }
0x5c: {  	_ =	shalt  }
0x5d: {  	_ =	shalt  }
0x5e: {  	_ =	shalt  }
0x5f: {  	_ =	shalt  }
0x60: {  	_ =	shalt  }
0x61: {  	_ =	shalt  }
0x62: {  	_ =	shalt  }
0x63: {  	_ =	shalt  }
0x64: {  	_ =	shalt  }
0x65: {  	_ =	shalt  }
0x66: {  	_ =	shalt  }
0x67: {  	_ =	shalt  }
0x68: {  	_ =	shalt  }
0x69: {  	_ =	shalt  }
0x6a: {  	_ =	shalt  }
0x6b: {  	_ =	shalt  }
0x6c: {  	_ =	shalt  }
0x6d: {  	_ =	shalt  }
0x6e: {  	_ =	shalt  }
0x6f: {  	_ =	shalt  }
0x70: {  	_ =	shalt  }
0x71: {  	_ =	shalt  }
0x72: {  	_ =	shalt  }
0x73: {  	_ =	shalt  }
0x74: {  	_ =	shalt  }
0x75: {  	_ =	shalt  }
0x76: {  	_ =	shalt  }
0x77: {  	_ =	shalt  }
0x78: {  	_ =	shalt  }
0x79: {  	_ =	shalt  }
0x7a: {  	_ =	shalt  }
0x7b: {  	_ =	shalt  }
0x7c: {  	_ =	shalt  }
0x7d: {  	_ =	shalt  }
0x7e: {  	_ =	shalt  }
0x7f: {  	_ =	shalt  }
0x80: {  	_ =	shalt  }
0x81: {  	_ =	shalt  }
0x82: {  	_ =	shalt  }
0x83: {  	_ =	shalt  }
0x84: {  	_ =	shalt  }
0x85: {  	_ =	shalt  }
0x86: {  	_ =	shalt  }
0x87: {  	_ =	shalt  }
.Lfunc_end0:
.L_simem_size_0:
called_computation_lowered:
.L_overlay_start_0:
0x88: {  	s2 =	sld [smem:$0x3FD9]  }
0x89: {  	s3 =	sld [smem:$0x3FFE];
	_ =	sdelay $0x1  }
0x8a: {  	s1 =	srdreg.scid  }
0x8b: {  	s0 =	sand.u32 $0x1, s1  }
0x8c: {  	s17 =	sshll.u32 s0, $0xA;
	s2 =	sadd.s32 s3, s2  }
0x8d: {  	s2 =	sadd.s32 s2, s17  }
0x8e: {  	[smem:$0x3FC6] =	sst s2  }
0x8f: {  	_ = 	snop  }
0x90: {  	s2 =	sld [smem:$0x3FC8]  }
0x91: {  	s18 =	sld [smem:$0x3FD0];
	(tm) =	ssettm $0x1  }
0x92: {  	s4 =	sld [smem:$0x3FFB];
	_ =	sdelay $0x3  }
0x93: {  	_ =	strace s4  }
0x94: {  	s4 =	sld [smem:$0x3FFC];
	_ =	sdelay $0x3  }
0x95: {  	_ =	strace s4  }
0x96: {  	s4 =	sld [smem:$0x3FFD];
	_ =	sdelay $0x3  }
0x97: {  	_ =	strace s4  }
0x98: {  	_ =	strace $0x8FFFFFFF  }
0x99: {  	s19 =	sld [smem:$0x3FDB];
	_ =	sdelay $0x1  }
0x9a: {  	s5 =	simm.s32 $_scs_section_size  }
0x9b: {  	s6 =	simm.s32 $_size__tile_overlayer_lowered;
	s7 =	simm.s32 $_tile_overlayer_lowered  }
0x9c: {  	s22 =	simm.s32 $0x1BFF;
	s21 =	sshll.u32 s7, $0x1;
	s4 =	sadd.s32 s5, s19  }
0x9d: {  	s8 =	simm.s32 $0x0;
	s20 =	sshll.u32 s6, $0x1;
	s6 =	sadd.s32 s21, s4  }
0x9e: {  	[timem:s8], [sflag:s22] =	dma.local [hbm:s6], s20  }
0x9f: {  	_ =	swait.ge [sflag:s22], s20  }
0xa0: {  	s5 =	ssub.s32 $0x0, s20;
	[sflag:s22] =	ssyncset.done $0x0  }
0xa1: {  	[sflag:s22] =	ssyncadd.s32 s5;
	_ =	sdelay $0x1  }
0xa2: {  	s23 =	simm.s32 $0x1B8B  }
0xa3: {  	_ =	swait.ge [sflag:s23], $0x1  }
0xa4: {  	[sflag:s23] =	ssyncset.done $0x0  }
0xa5: {  	s25 =	simm.s32 $0x1B8E;
	s24 =	sld [smem:$0x3FFE];
	[sflag:s23] =	ssyncadd.s32 $0xFFFFFFFF  }
0xa6: {  	s26 =	simm.s32 $execute0_lowered;
	[smem:$0x3FD2] =	sst s25  }
0xa7: {  	s6 =	sshll.u32 s26, $0x1;
	_ =	strace $0x80000046;
	[dreg:$0x1] =	wrdreg $0xFFFFFFFF  }
0xa8: {  	s28 =	simm.s32 $_size_execute0_lowered;
	s4 =	sadd.s32 s4, s6;
	[dreg:$0x0] =	wrdreg $0x0  }
0xa9: {  	s6 =	sshll.u32 s28, $0x1;
	[dreg:$0x2] =	wrdreg s4  }
0xaa: {  	[dreg:$0x3] =	wrdreg s6  }
0xab: {  	[dreg:$0x4] =	wrdreg $0xC0  }
0xac: {  	_ =	task [dreg:s8], $0x5FFFF  }
0xad: {  	[dreg:$0x1] =	wrdreg $0xFFFFFFFF  }
0xae: {  	[dreg:$0x0] =	wrdreg $0x60  }
0xaf: {  	[dreg:$0x2] =	wrdreg s18  }
0xb0: {  	[dreg:$0x3] =	wrdreg s2  }
0xb1: {  	[dreg:$0x4] =	wrdreg s24  }
0xb2: {  	[dreg:$0x5] =	wrdreg $0x9  }
0xb3: {  	_ =	task.clear_ibuf [dreg:s8], $0x6FFFF;
	_ =	strace $0x90000046  }
0xb4: {  	s29 =	simm.s32 $0x9;
	_ =	strace $0x80000048  }
0xb5: {  	_ =	swait.ge [sflag:s29], $0x1  }
0xb6: {  	[sflag:s29] =	ssyncadd.s32 $0xFFFFFFFF  }
0xb7: {  	_ =	strace $0x90000048  }
0xb8: {  	_ =	sfence  }
0xb9: {  	s30 =	sld [smem:$0x0];
	_ =	sdelay $0x2  }
0xba: {  	s31 =	sshll.u32 s1, $0xD;
	s1 =	sshrl.u32 s1, $0x2  }
0xbb: {  	s3 =	sand.u32 $0x4000, s31;
	s1 =	sadd.s32 s1, s30  }
0xbc: {  	s0 =	sor.u32 s3, s0;
	s1 =	sshll.u32 s1, $0x11  }
0xbd: {  	s0 =	sor.u32 s1, s0  }
0xbe: {  	s0 =	sadd.s32 $0x8F2B, s0  }
0xbf: {  	[sflag:s0] =	ssyncadd.remote.s32 $0x1  }
0xc0: {  	_ =	sfence.sel $0xFFFF  }
0xc1: {  	[dreg:$0x0] =	wrdreg $0xFFFFFFFF;
	(pc) =	sbr.abs _section_cstart, $3  }
0xc2: {  	[dreg:$0x1] =	wrdreg $0xFFFFFFFF  }
0xc3: {  	_ =	task.clear_ibuf [dreg:s8], $0x2FFFF;
	_ =	strace $0x9FFFFFFF  }
0xc4: {  	(tm) =	ssettm $0x7FFFFFFF  }
0xc5: {  	_ =	shalt  }
tec
execute0_lowered:
.L_overlay_start_1:
0x0: {  	(tag) =	ssettag $0x1  }
0x1: {  	s0 =	rddreg [dreg:$0x0]  }
0x2: {  	s1 =	rddreg [dreg:$0x1]  }
0x3: {  	s4 =	rddreg [dreg:$0x2]  }
0x4: {  	s3 =	simm.s32 $0x0;
	s5 =	srdreg.scid;
	s2 =	stileid.u32  }
0x5: {  	s14 =	simm.s32 $0x80;
	s15 =	simm.s32 $0x180;
	s16 =	simm.s32 $0x1  }
0x6: {  	s17 =	simm.s32 $0x280;
	s18 =	simm.s32 $0x480;
	s19 =	simm.s32 $0x680  }
0x7: {  	s20 =	simm.s32 $0x2;
	s21 =	simm.s32 $0x380;
	s22 =	simm.s32 $0x580  }
0x8: {  	s23 =	simm.s32 $0x780;
	s24 =	simm.s32 $0x3;
	s25 =	simm.s32 $0x4  }
0x9: {  	s26 =	simm.s32 $0x0;
	[smem:$0x7FF] =	sst s3;
	s5 =	sand.u32 $0x1, s5  }
0xa: {  	s9 =	sadd.s32 $0x1200, s4;
	s6 =	sshll.u32 s2, $0x7;
	s10 =	sadd.s32 $0x1A00, s4  }
0xb: {  	s11 =	sadd.s32 $0x2200, s4;
	s7 =	sshll.u32 s5, $0x6;
	s5 =	ssub.s32 $0x2, s5  }
0xc: {  	_ =	strace $0x80000047;
	s8 =	sor.u32 s7, s6;
	s31 =	sshrl.u32 s5, $0x1  }
0xd: {  	v1 =	vimm.s32 $0x10;
	s12 =	sor.u32 $0x20, s8;
	s13 =	ssub.s32 s5, s31;
	s4 =	sadd.s32 s0, s8  }
0xe: {  	s6 =	sadd.s32 s9, s8;
	s7 =	sadd.s32 s10, s8;
	s8 =	sadd.s32 s11, s8  }
0xf: {  	s5 =	sadd.s32 s0, s12;
	s9 =	sadd.s32 s9, s12;
	s10 =	sadd.s32 s10, s12  }
0x10: {  	v0 =	vimm.s32 $0x1F;
	v2 =	vimm.s32 $0x0;
	v3 =	vimm.s32 $0xFFFFFF81;
	s11 =	sadd.s32 s11, s12;
	s12 =	smax.u32 s13, $0x1;
	s13 =	simm.s32 $0x5  }
.LBB2_1:
0x11: {  	[tilespmem:s3], [sflag:$0x5] =	stream.linear.gather [hbm4b:s1+s3], $0x80, $0x38;
	[tilespmem:$0x880] =	vst v63  }
0x12: {  	_ =	swait.ge [sflag:s13], $0x80  }
0x13: {  	[sflag:s13] =	ssyncset.done $0x0  }
0x14: {  	[sflag:s13] =	ssyncadd.s32 $0xFFFFFF80  }
0x15: {  	[tilespmem:s14], [sflag:$0x1] =	stream.linear.gather [hbm4b:s4+s3], $0x100, $0x38;
	[tilespmem:$0x880] =	vst v63  }
0x16: {  	_ = 	snop  }
0x17: {  	[tilespmem:s15], [sflag:$0x2] =	stream.linear.gather [hbm4b:s5+s3], $0x100, $0x38;
	[tilespmem:$0x880] =	vst v63  }
0x18: {  	_ =	swait.ge [sflag:s16], $0x100  }
0x19: {  	[sflag:s16] =	ssyncset.done $0x0  }
0x1a: {  	s28 =	simm.s32 $0xFFFFFFFE;
	s29 =	simm.s32 $0x690;
	[sflag:s16] =	ssyncadd.s32 $0xFFFFFF00  }
0x1b: {  	s30 =	simm.s32 $0x490;
	s31 =	simm.s32 $0x290;
	s0 =	simm.s32 $0x90;
	v4 =	vld.idx.msk [tilespmem:v0+s3+$0x0], $0xffff  }
.LBB2_2:
0x1c: {  	v5 =	vld [tilespmem:s0+$0xFFFFFFF0]  }
0x1d: {  	v6 =	vld.idx.msk [tilespmem:v1+s3+$0x0], $0xffff;
	_ =	sdelay $0x4  }
0x1e: {  	vm0 =	vge.f32 v5, v6  }
0x1f: {  	v6 =	vsel vm0, $0x10, v2  }
0x20: {  	v7 =	vor.u32 $0x8, v6;
	_ =	sdelay $0x4  }
0x21: {  	v8 =	vld.idx.msk [tilespmem:v7+s3+$0x0], $0xffff;
	_ =	sdelay $0x4  }
0x22: {  	vm11 =	vge.f32 v5, v8  }
0x23: {  	v6 =	vsel vm11, v7, v6  }
0x24: {  	v7 =	vor.u32 $0x4, v6;
	_ =	sdelay $0x4  }
0x25: {  	v28 =	vld.idx.msk [tilespmem:v7+s3+$0x0], $0xffff;
	_ =	sdelay $0x4  }
0x26: {  	vm12 =	vge.f32 v5, v28  }
0x27: {  	v6 =	vsel vm12, v7, v6  }
0x28: {  	v7 =	vor.u32 $0x2, v6;
	_ =	sdelay $0x4  }
0x29: {  	v29 =	vld.idx.msk [tilespmem:v7+s3+$0x0], $0xffff;
	_ =	sdelay $0x4  }
0x2a: {  	vm13 =	vge.f32 v5, v29  }
0x2b: {  	v6 =	vsel vm13, v7, v6  }
0x2c: {  	v7 =	vadd.s32 $0x1, v6  }
0x2d: {  	v30 =	vmin.u32 v7, $0x1F;
	_ =	sdelay $0x4  }
0x2e: {  	v8 =	vld.idx.msk [tilespmem:v30+s3+$0x0], $0xffff;
	_ =	sdelay $0x4  }
0x2f: {  	vm0 =	vlt.u32 v6, $0x1F;
	vm1 =	vge.f32 v5, v8  }
0x30: {  	vm0 =	vmand vm1, vm0  }
0x31: {  	v6 =	vsel vm0, v7, v6  }
0x32: {  	v7 =	vmin.u32 v6, $0x1E  }
0x33: {  	v7 =	vadd.s32 $0x1, v7;
	_ =	sdelay $0x3  }
0x34: {  	v31 =	vld.idx.msk [tilespmem:v6+s3+$0x0], $0xffff  }
0x35: {  	v7 =	vld.idx.msk [tilespmem:v7+s3+$0x0], $0xffff;
	_ =	sdelay $0x4  }
0x36: {  	v9 =	vsub.f32 v7, v31;
	_ =	sdelay $0x1  }
0x37: {  	v9 =	vadd.f32 $1.000000010e-10, v9;
	_ =	sdelay $0x1  }
0x38: {  	(erf) = vrcp.f32 v9;
	_ =	sdelay $0x7  }
0x39: {  	v32 =	vsub.f32 v5, v31  }
0x3a: {  	v10 =	vpop (erf)  }
0x3b: {  	v9 =	vmul.f32 v10, v32;
	_ =	sdelay $0x1  }
0x3c: {  	v9 =	vmax.f32 v9, $0.0e+00  }
0x3d: {  	v9 =	vmin.f32 v9, $1.000000000e+00  }
0x3e: {  	v33 =	vsub.f32 $1.000000000e+00, v9;
	_ =	sdelay $0x1  }
0x3f: {  	v10 =	vadd.f32 $1.000000000e-30, v33  }
0x40: {  	v9 =	vadd.f32 $1.000000000e-30, v9  }
0x41: {  	v11 =	vand.u32 $0x7FFFFF, v10  }
0x42: {  	v12 =	vand.u32 $0x7FFFFF, v9;
	v11 =	vor.u32 $0x3F800000, v11  }
0x43: {  	v12 =	vor.u32 $0x3F800000, v12;
	v13 =	vmul.f32 $5.000000000e-01, v11  }
0x44: {  	v14 =	vmul.f32 $5.000000000e-01, v12;
	vm14 =	vge.f32 v11, $1.414213540e+00  }
0x45: {  	vm15 =	vge.f32 v12, $1.414213540e+00;
	v11 =	vsel vm14, v13, v11  }
0x46: {  	v12 =	vsel vm15, v14, v12;
	v13 =	vadd.f32 $1.000000000e+00, v11  }
0x47: {  	v14 =	vadd.f32 $1.000000000e+00, v12  }
0x48: {  	(erf) = vrcp.f32 v13  }
0x49: {  	(erf) = vrcp.f32 v14;
	_ =	sdelay $0x6  }
0x4a: {  	v11 =	vadd.f32 $-1.000000000e+00, v11  }
0x4b: {  	v12 =	vadd.f32 $-1.000000000e+00, v12;
	v13 =	vpop (erf)  }
0x4c: {  	v11 =	vmul.f32 v13, v11;
	v34 =	vpop (erf)  }
0x4d: {  	v12 =	vmul.f32 v34, v12  }
0x4e: {  	v35 =	vmul.f32 v11, v11  }
0x4f: {  	v36 =	vmul.f32 v12, v12  }
0x50: {  	v15 =	vmul.f32 $1.111111120e-01, v35  }
0x51: {  	v16 =	vmul.f32 $1.111111120e-01, v36  }
0x52: {  	v15 =	vadd.f32 $1.428571490e-01, v15  }
0x53: {  	v16 =	vadd.f32 $1.428571490e-01, v16  }
0x54: {  	v15 =	vmul.f32 v15, v35  }
0x55: {  	v16 =	vmul.f32 v16, v36  }
0x56: {  	v15 =	vadd.f32 $2.000000030e-01, v15  }
0x57: {  	v16 =	vadd.f32 $2.000000030e-01, v16  }
0x58: {  	v15 =	vmul.f32 v15, v35  }
0x59: {  	vm5 =	vge.f32 v5, v4;
	v6 =	vcvt.s32.f32 v6;
	v16 =	vmul.f32 v16, v36  }
0x5a: {  	vm2 =	vge.f32 v5, v31;
	vm4 =	vlt.f32 v5, v7;
	v38 =	vadd.f32 $3.333333430e-01, v15  }
0x5b: {  	v9 =	vshrl.u32 v9, $0x17;
	v7 =	vshrl.u32 v10, $0x17;
	v39 =	vadd.f32 $3.333333430e-01, v16  }
0x5c: {  	v40 =	vsel vm15, $0xFFFFFF82, v3;
	v37 =	vsel vm14, $0xFFFFFF82, v3;
	v10 =	vmul.f32 v38, v35  }
0x5d: {  	v9 =	vadd.s32 v9, v40;
	v7 =	vadd.s32 v7, v37;
	v8 =	vmul.f32 v39, v36  }
0x5e: {  	v7 =	vcvt.s32.f32 v7;
	v11 =	vadd.f32 v11, v11;
	v10 =	vadd.f32 $1.000000000e+00, v10  }
0x5f: {  	v9 =	vcvt.s32.f32 v9;
	v12 =	vadd.f32 v12, v12;
	v8 =	vadd.f32 $1.000000000e+00, v8  }
0x60: {  	vm1 =	vmand vm2, vm4;
	v5 =	vmul.f32 $6.931471820e-01, v7;
	v7 =	vmul.f32 v10, v11  }
0x61: {  	v6 =	vnsel vm1, $0xBF800000, v6;
	v9 =	vmul.f32 $6.931471820e-01, v9;
	v8 =	vmul.f32 v8, v12  }
0x62: {  	v6 =	vsel vm5, $0x42000000, v6;
	v5 =	vadd.f32 v7, v5  }
0x63: {  	[tilespmem:s31+$0xFFFFFFF0] =	vst v6;
	v6 =	vadd.f32 v8, v9  }
0x64: {  	[tilespmem:s30+$0xFFFFFFF0] =	vst v5  }
0x65: {  	[tilespmem:s29+$0xFFFFFFF0] =	vst v6  }
0x66: {  	v5 =	vld [tilespmem:s0+$0x0]  }
0x67: {  	v6 =	vld.idx.msk [tilespmem:v1+s3+$0x0], $0xffff;
	_ =	sdelay $0x4  }
0x68: {  	vm6 =	vge.f32 v5, v6  }
0x69: {  	v6 =	vsel vm6, $0x10, v2  }
0x6a: {  	v7 =	vor.u32 $0x8, v6;
	_ =	sdelay $0x4  }
0x6b: {  	v41 =	vld.idx.msk [tilespmem:v7+s3+$0x0], $0xffff;
	_ =	sdelay $0x4  }
0x6c: {  	vm7 =	vge.f32 v5, v41  }
0x6d: {  	v6 =	vsel vm7, v7, v6  }
0x6e: {  	v7 =	vor.u32 $0x4, v6;
	_ =	sdelay $0x4  }
0x6f: {  	v42 =	vld.idx.msk [tilespmem:v7+s3+$0x0], $0xffff;
	_ =	sdelay $0x4  }
0x70: {  	vm8 =	vge.f32 v5, v42  }
0x71: {  	v6 =	vsel vm8, v7, v6  }
0x72: {  	v7 =	vor.u32 $0x2, v6;
	_ =	sdelay $0x4  }
0x73: {  	v43 =	vld.idx.msk [tilespmem:v7+s3+$0x0], $0xffff;
	_ =	sdelay $0x4  }
0x74: {  	vm9 =	vge.f32 v5, v43  }
0x75: {  	v6 =	vsel vm9, v7, v6  }
0x76: {  	v7 =	vadd.s32 $0x1, v6  }
0x77: {  	v44 =	vmin.u32 v7, $0x1F;
	_ =	sdelay $0x4  }
0x78: {  	v8 =	vld.idx.msk [tilespmem:v44+s3+$0x0], $0xffff;
	_ =	sdelay $0x4  }
0x79: {  	vm0 =	vlt.u32 v6, $0x1F;
	vm10 =	vge.f32 v5, v8  }
0x7a: {  	vm0 =	vmand vm10, vm0  }
0x7b: {  	v6 =	vsel vm0, v7, v6  }
0x7c: {  	v7 =	vmin.u32 v6, $0x1E  }
0x7d: {  	v7 =	vadd.s32 $0x1, v7;
	_ =	sdelay $0x3  }
0x7e: {  	v45 =	vld.idx.msk [tilespmem:v6+s3+$0x0], $0xffff  }
0x7f: {  	v7 =	vld.idx.msk [tilespmem:v7+s3+$0x0], $0xffff;
	_ =	sdelay $0x4  }
0x80: {  	v46 =	vsub.f32 v7, v45;
	_ =	sdelay $0x1  }
0x81: {  	v9 =	vadd.f32 $1.000000010e-10, v46;
	_ =	sdelay $0x1  }
0x82: {  	(erf) = vrcp.f32 v9;
	_ =	sdelay $0x7  }
0x83: {  	v47 =	vsub.f32 v5, v45  }
0x84: {  	v48 =	vpop (erf)  }
0x85: {  	v9 =	vmul.f32 v48, v47;
	_ =	sdelay $0x1  }
0x86: {  	v9 =	vmax.f32 v9, $0.0e+00  }
0x87: {  	v9 =	vmin.f32 v9, $1.000000000e+00  }
0x88: {  	v49 =	vsub.f32 $1.000000000e+00, v9;
	_ =	sdelay $0x1  }
0x89: {  	v10 =	vadd.f32 $1.000000000e-30, v49  }
0x8a: {  	v9 =	vadd.f32 $1.000000000e-30, v9  }
0x8b: {  	v50 =	vand.u32 $0x7FFFFF, v10  }
0x8c: {  	v51 =	vand.u32 $0x7FFFFF, v9;
	v11 =	vor.u32 $0x3F800000, v50  }
0x8d: {  	v12 =	vor.u32 $0x3F800000, v51;
	v52 =	vmul.f32 $5.000000000e-01, v11  }
0x8e: {  	v53 =	vmul.f32 $5.000000000e-01, v12;
	vm11 =	vge.f32 v11, $1.414213540e+00  }
0x8f: {  	vm12 =	vge.f32 v12, $1.414213540e+00;
	v11 =	vsel vm11, v52, v11  }
0x90: {  	v12 =	vsel vm12, v53, v12;
	v13 =	vadd.f32 $1.000000000e+00, v11  }
0x91: {  	v14 =	vadd.f32 $1.000000000e+00, v12  }
0x92: {  	(erf) = vrcp.f32 v13  }
0x93: {  	(erf) = vrcp.f32 v14;
	_ =	sdelay $0x6  }
0x94: {  	v11 =	vadd.f32 $-1.000000000e+00, v11  }
0x95: {  	v12 =	vadd.f32 $-1.000000000e+00, v12;
	v13 =	vpop (erf)  }
0x96: {  	v11 =	vmul.f32 v13, v11;
	v54 =	vpop (erf)  }
0x97: {  	v12 =	vmul.f32 v54, v12  }
0x98: {  	v55 =	vmul.f32 v11, v11  }
0x99: {  	v56 =	vmul.f32 v12, v12  }
0x9a: {  	v57 =	vmul.f32 $1.111111120e-01, v55  }
0x9b: {  	v58 =	vmul.f32 $1.111111120e-01, v56  }
0x9c: {  	v15 =	vadd.f32 $1.428571490e-01, v57  }
0x9d: {  	v16 =	vadd.f32 $1.428571490e-01, v58  }
0x9e: {  	v15 =	vmul.f32 v15, v55  }
0x9f: {  	v16 =	vmul.f32 v16, v56  }
0xa0: {  	v15 =	vadd.f32 $2.000000030e-01, v15  }
0xa1: {  	v16 =	vadd.f32 $2.000000030e-01, v16  }
0xa2: {  	v15 =	vmul.f32 v15, v55  }
0xa3: {  	vm15 =	vge.f32 v5, v4;
	v6 =	vcvt.s32.f32 v6;
	v16 =	vmul.f32 v16, v56  }
0xa4: {  	vm13 =	vge.f32 v5, v45;
	vm14 =	vlt.f32 v5, v7;
	v15 =	vadd.f32 $3.333333430e-01, v15  }
0xa5: {  	v9 =	vshrl.u32 v9, $0x17;
	v10 =	vshrl.u32 v10, $0x17;
	v16 =	vadd.f32 $3.333333430e-01, v16  }
0xa6: {  	v61 =	vsel vm12, $0xFFFFFF82, v3;
	v59 =	vsel vm11, $0xFFFFFF82, v3;
	v13 =	vmul.f32 v15, v55  }
0xa7: {  	v9 =	vadd.s32 v9, v61;
	v10 =	vadd.s32 v10, v59;
	v14 =	vmul.f32 v16, v56  }
0xa8: {  	v10 =	vcvt.s32.f32 v10;
	v11 =	vadd.f32 v11, v11;
	v60 =	vadd.f32 $1.000000000e+00, v13  }
0xa9: {  	s28 =	sadd.s32 $0x2, s28;
	v7 =	vcvt.s32.f32 v9;
	v12 =	vadd.f32 v12, v12;
	v62 =	vadd.f32 $1.000000000e+00, v14  }
0xaa: {  	p0 =	slt.u32 s28, $0xE;
	vm0 =	vmand vm13, vm14;
	v10 =	vmul.f32 $6.931471820e-01, v10;
	v8 =	vmul.f32 v60, v11  }
.Ltmp0:
0xab: {  	v6 =	vnsel vm0, $0xBF800000, v6;
	v5 =	vmul.f32 $6.931471820e-01, v7;
	v63 =	vmul.f32 v62, v12;
	(pc) =	sbr.rel @p0 .LBB2_2-.Ltmp0, $4  }
0xac: {  	v6 =	vsel vm15, $0x42000000, v6;
	v7 =	vadd.f32 v8, v10  }
0xad: {  	[tilespmem:s31+$0x0] =	vst v6;
	v5 =	vadd.f32 v63, v5  }
0xae: {  	s0 =	sadd.s32 $0x20, s0;
	[tilespmem:s30+$0x0] =	vst v7  }
0xaf: {  	s31 =	sadd.s32 $0x20, s31;
	s30 =	sadd.s32 $0x20, s30;
	[tilespmem:s29+$0x0] =	vst v5;
	s29 =	sadd.s32 $0x20, s29  }
0xb0: {  	[hbm4b:s6+s3] =	stream.linear.scatter [tilespmem:s17], [sflag:$0x3], $0x100, $0x38;
	[tilespmem:$0x880] =	vst v63  }
0xb1: {  	_ = 	snop  }
0xb2: {  	[hbm4b:s7+s3] =	stream.linear.scatter [tilespmem:s18], [sflag:$0x3], $0x100, $0x38;
	[tilespmem:$0x880] =	vst v63  }
0xb3: {  	_ = 	snop  }
0xb4: {  	[hbm4b:s8+s3] =	stream.linear.scatter [tilespmem:s19], [sflag:$0x3], $0x100, $0x38;
	[tilespmem:$0x880] =	vst v63  }
0xb5: {  	_ =	swait.ge [sflag:s20], $0x100  }
0xb6: {  	[sflag:s20] =	ssyncset.done $0x0  }
0xb7: {  	s28 =	simm.s32 $0xFFFFFFFE;
	s29 =	simm.s32 $0x790;
	[sflag:s20] =	ssyncadd.s32 $0xFFFFFF00  }
0xb8: {  	s30 =	simm.s32 $0x590;
	s31 =	simm.s32 $0x390;
	s0 =	simm.s32 $0x190;
	v4 =	vld.idx.msk [tilespmem:v0+s3+$0x0], $0xffff  }
.LBB2_4:
0xb9: {  	v5 =	vld [tilespmem:s0+$0xFFFFFFF0]  }
0xba: {  	v6 =	vld.idx.msk [tilespmem:v1+s3+$0x0], $0xffff;
	_ =	sdelay $0x4  }
0xbb: {  	vm0 =	vge.f32 v5, v6  }
0xbc: {  	v6 =	vsel vm0, $0x10, v2  }
0xbd: {  	v7 =	vor.u32 $0x8, v6;
	_ =	sdelay $0x4  }
0xbe: {  	v8 =	vld.idx.msk [tilespmem:v7+s3+$0x0], $0xffff;
	_ =	sdelay $0x4  }
0xbf: {  	vm11 =	vge.f32 v5, v8  }
0xc0: {  	v6 =	vsel vm11, v7, v6  }
0xc1: {  	v7 =	vor.u32 $0x4, v6;
	_ =	sdelay $0x4  }
0xc2: {  	v28 =	vld.idx.msk [tilespmem:v7+s3+$0x0], $0xffff;
	_ =	sdelay $0x4  }
0xc3: {  	vm12 =	vge.f32 v5, v28  }
0xc4: {  	v6 =	vsel vm12, v7, v6  }
0xc5: {  	v7 =	vor.u32 $0x2, v6;
	_ =	sdelay $0x4  }
0xc6: {  	v29 =	vld.idx.msk [tilespmem:v7+s3+$0x0], $0xffff;
	_ =	sdelay $0x4  }
0xc7: {  	vm13 =	vge.f32 v5, v29  }
0xc8: {  	v6 =	vsel vm13, v7, v6  }
0xc9: {  	v7 =	vadd.s32 $0x1, v6  }
0xca: {  	v30 =	vmin.u32 v7, $0x1F;
	_ =	sdelay $0x4  }
0xcb: {  	v8 =	vld.idx.msk [tilespmem:v30+s3+$0x0], $0xffff;
	_ =	sdelay $0x4  }
0xcc: {  	vm0 =	vlt.u32 v6, $0x1F;
	vm1 =	vge.f32 v5, v8  }
0xcd: {  	vm0 =	vmand vm1, vm0  }
0xce: {  	v6 =	vsel vm0, v7, v6  }
0xcf: {  	v7 =	vmin.u32 v6, $0x1E  }
0xd0: {  	v7 =	vadd.s32 $0x1, v7;
	_ =	sdelay $0x3  }
0xd1: {  	v31 =	vld.idx.msk [tilespmem:v6+s3+$0x0], $0xffff  }
0xd2: {  	v7 =	vld.idx.msk [tilespmem:v7+s3+$0x0], $0xffff;
	_ =	sdelay $0x4  }
0xd3: {  	v9 =	vsub.f32 v7, v31;
	_ =	sdelay $0x1  }
0xd4: {  	v9 =	vadd.f32 $1.000000010e-10, v9;
	_ =	sdelay $0x1  }
0xd5: {  	(erf) = vrcp.f32 v9;
	_ =	sdelay $0x7  }
0xd6: {  	v32 =	vsub.f32 v5, v31  }
0xd7: {  	v10 =	vpop (erf)  }
0xd8: {  	v9 =	vmul.f32 v10, v32;
	_ =	sdelay $0x1  }
0xd9: {  	v9 =	vmax.f32 v9, $0.0e+00  }
0xda: {  	v9 =	vmin.f32 v9, $1.000000000e+00  }
0xdb: {  	v33 =	vsub.f32 $1.000000000e+00, v9;
	_ =	sdelay $0x1  }
0xdc: {  	v10 =	vadd.f32 $1.000000000e-30, v33  }
0xdd: {  	v9 =	vadd.f32 $1.000000000e-30, v9  }
0xde: {  	v11 =	vand.u32 $0x7FFFFF, v10  }
0xdf: {  	v12 =	vand.u32 $0x7FFFFF, v9;
	v11 =	vor.u32 $0x3F800000, v11  }
0xe0: {  	v12 =	vor.u32 $0x3F800000, v12;
	v13 =	vmul.f32 $5.000000000e-01, v11  }
0xe1: {  	v14 =	vmul.f32 $5.000000000e-01, v12;
	vm14 =	vge.f32 v11, $1.414213540e+00  }
0xe2: {  	vm15 =	vge.f32 v12, $1.414213540e+00;
	v11 =	vsel vm14, v13, v11  }
0xe3: {  	v12 =	vsel vm15, v14, v12;
	v13 =	vadd.f32 $1.000000000e+00, v11  }
0xe4: {  	v14 =	vadd.f32 $1.000000000e+00, v12  }
0xe5: {  	(erf) = vrcp.f32 v13  }
0xe6: {  	(erf) = vrcp.f32 v14;
	_ =	sdelay $0x6  }
0xe7: {  	v11 =	vadd.f32 $-1.000000000e+00, v11  }
0xe8: {  	v12 =	vadd.f32 $-1.000000000e+00, v12;
	v13 =	vpop (erf)  }
0xe9: {  	v11 =	vmul.f32 v13, v11;
	v34 =	vpop (erf)  }
0xea: {  	v12 =	vmul.f32 v34, v12  }
0xeb: {  	v35 =	vmul.f32 v11, v11  }
0xec: {  	v36 =	vmul.f32 v12, v12  }
0xed: {  	v15 =	vmul.f32 $1.111111120e-01, v35  }
0xee: {  	v16 =	vmul.f32 $1.111111120e-01, v36  }
0xef: {  	v15 =	vadd.f32 $1.428571490e-01, v15  }
0xf0: {  	v16 =	vadd.f32 $1.428571490e-01, v16  }
0xf1: {  	v15 =	vmul.f32 v15, v35  }
0xf2: {  	v16 =	vmul.f32 v16, v36  }
0xf3: {  	v15 =	vadd.f32 $2.000000030e-01, v15  }
0xf4: {  	v16 =	vadd.f32 $2.000000030e-01, v16  }
0xf5: {  	v15 =	vmul.f32 v15, v35  }
0xf6: {  	vm5 =	vge.f32 v5, v4;
	v6 =	vcvt.s32.f32 v6;
	v16 =	vmul.f32 v16, v36  }
0xf7: {  	vm2 =	vge.f32 v5, v31;
	vm4 =	vlt.f32 v5, v7;
	v38 =	vadd.f32 $3.333333430e-01, v15  }
0xf8: {  	v9 =	vshrl.u32 v9, $0x17;
	v7 =	vshrl.u32 v10, $0x17;
	v39 =	vadd.f32 $3.333333430e-01, v16  }
0xf9: {  	v40 =	vsel vm15, $0xFFFFFF82, v3;
	v37 =	vsel vm14, $0xFFFFFF82, v3;
	v10 =	vmul.f32 v38, v35  }
0xfa: {  	v9 =	vadd.s32 v9, v40;
	v7 =	vadd.s32 v7, v37;
	v8 =	vmul.f32 v39, v36  }
0xfb: {  	v7 =	vcvt.s32.f32 v7;
	v11 =	vadd.f32 v11, v11;
	v10 =	vadd.f32 $1.000000000e+00, v10  }
0xfc: {  	v9 =	vcvt.s32.f32 v9;
	v12 =	vadd.f32 v12, v12;
	v8 =	vadd.f32 $1.000000000e+00, v8  }
0xfd: {  	vm1 =	vmand vm2, vm4;
	v5 =	vmul.f32 $6.931471820e-01, v7;
	v7 =	vmul.f32 v10, v11  }
0xfe: {  	v6 =	vnsel vm1, $0xBF800000, v6;
	v9 =	vmul.f32 $6.931471820e-01, v9;
	v8 =	vmul.f32 v8, v12  }
0xff: {  	v6 =	vsel vm5, $0x42000000, v6;
	v5 =	vadd.f32 v7, v5  }
0x100: {  	[tilespmem:s31+$0xFFFFFFF0] =	vst v6;
	v6 =	vadd.f32 v8, v9  }
0x101: {  	[tilespmem:s30+$0xFFFFFFF0] =	vst v5  }
0x102: {  	[tilespmem:s29+$0xFFFFFFF0] =	vst v6  }
0x103: {  	v5 =	vld [tilespmem:s0+$0x0]  }
0x104: {  	v6 =	vld.idx.msk [tilespmem:v1+s3+$0x0], $0xffff;
	_ =	sdelay $0x4  }
0x105: {  	vm6 =	vge.f32 v5, v6  }
0x106: {  	v6 =	vsel vm6, $0x10, v2  }
0x107: {  	v7 =	vor.u32 $0x8, v6;
	_ =	sdelay $0x4  }
0x108: {  	v41 =	vld.idx.msk [tilespmem:v7+s3+$0x0], $0xffff;
	_ =	sdelay $0x4  }
0x109: {  	vm7 =	vge.f32 v5, v41  }
0x10a: {  	v6 =	vsel vm7, v7, v6  }
0x10b: {  	v7 =	vor.u32 $0x4, v6;
	_ =	sdelay $0x4  }
0x10c: {  	v42 =	vld.idx.msk [tilespmem:v7+s3+$0x0], $0xffff;
	_ =	sdelay $0x4  }
0x10d: {  	vm8 =	vge.f32 v5, v42  }
0x10e: {  	v6 =	vsel vm8, v7, v6  }
0x10f: {  	v7 =	vor.u32 $0x2, v6;
	_ =	sdelay $0x4  }
0x110: {  	v43 =	vld.idx.msk [tilespmem:v7+s3+$0x0], $0xffff;
	_ =	sdelay $0x4  }
0x111: {  	vm9 =	vge.f32 v5, v43  }
0x112: {  	v6 =	vsel vm9, v7, v6  }
0x113: {  	v7 =	vadd.s32 $0x1, v6  }
0x114: {  	v44 =	vmin.u32 v7, $0x1F;
	_ =	sdelay $0x4  }
0x115: {  	v8 =	vld.idx.msk [tilespmem:v44+s3+$0x0], $0xffff;
	_ =	sdelay $0x4  }
0x116: {  	vm0 =	vlt.u32 v6, $0x1F;
	vm10 =	vge.f32 v5, v8  }
0x117: {  	vm0 =	vmand vm10, vm0  }
0x118: {  	v6 =	vsel vm0, v7, v6  }
0x119: {  	v7 =	vmin.u32 v6, $0x1E  }
0x11a: {  	v7 =	vadd.s32 $0x1, v7;
	_ =	sdelay $0x3  }
0x11b: {  	v45 =	vld.idx.msk [tilespmem:v6+s3+$0x0], $0xffff  }
0x11c: {  	v7 =	vld.idx.msk [tilespmem:v7+s3+$0x0], $0xffff;
	_ =	sdelay $0x4  }
0x11d: {  	v46 =	vsub.f32 v7, v45;
	_ =	sdelay $0x1  }
0x11e: {  	v9 =	vadd.f32 $1.000000010e-10, v46;
	_ =	sdelay $0x1  }
0x11f: {  	(erf) = vrcp.f32 v9;
	_ =	sdelay $0x7  }
0x120: {  	v47 =	vsub.f32 v5, v45  }
0x121: {  	v48 =	vpop (erf)  }
0x122: {  	v9 =	vmul.f32 v48, v47;
	_ =	sdelay $0x1  }
0x123: {  	v9 =	vmax.f32 v9, $0.0e+00  }
0x124: {  	v9 =	vmin.f32 v9, $1.000000000e+00  }
0x125: {  	v49 =	vsub.f32 $1.000000000e+00, v9;
	_ =	sdelay $0x1  }
0x126: {  	v10 =	vadd.f32 $1.000000000e-30, v49  }
0x127: {  	v9 =	vadd.f32 $1.000000000e-30, v9  }
0x128: {  	v50 =	vand.u32 $0x7FFFFF, v10  }
0x129: {  	v51 =	vand.u32 $0x7FFFFF, v9;
	v11 =	vor.u32 $0x3F800000, v50  }
0x12a: {  	v12 =	vor.u32 $0x3F800000, v51;
	v52 =	vmul.f32 $5.000000000e-01, v11  }
0x12b: {  	v53 =	vmul.f32 $5.000000000e-01, v12;
	vm11 =	vge.f32 v11, $1.414213540e+00  }
0x12c: {  	vm12 =	vge.f32 v12, $1.414213540e+00;
	v11 =	vsel vm11, v52, v11  }
0x12d: {  	v12 =	vsel vm12, v53, v12;
	v13 =	vadd.f32 $1.000000000e+00, v11  }
0x12e: {  	v14 =	vadd.f32 $1.000000000e+00, v12  }
0x12f: {  	(erf) = vrcp.f32 v13  }
0x130: {  	(erf) = vrcp.f32 v14;
	_ =	sdelay $0x6  }
0x131: {  	v11 =	vadd.f32 $-1.000000000e+00, v11  }
0x132: {  	v12 =	vadd.f32 $-1.000000000e+00, v12;
	v13 =	vpop (erf)  }
0x133: {  	v11 =	vmul.f32 v13, v11;
	v54 =	vpop (erf)  }
0x134: {  	v12 =	vmul.f32 v54, v12  }
0x135: {  	v55 =	vmul.f32 v11, v11  }
0x136: {  	v56 =	vmul.f32 v12, v12  }
0x137: {  	v57 =	vmul.f32 $1.111111120e-01, v55  }
0x138: {  	v58 =	vmul.f32 $1.111111120e-01, v56  }
0x139: {  	v15 =	vadd.f32 $1.428571490e-01, v57  }
0x13a: {  	v16 =	vadd.f32 $1.428571490e-01, v58  }
0x13b: {  	v15 =	vmul.f32 v15, v55  }
0x13c: {  	v16 =	vmul.f32 v16, v56  }
0x13d: {  	v15 =	vadd.f32 $2.000000030e-01, v15  }
0x13e: {  	v16 =	vadd.f32 $2.000000030e-01, v16  }
0x13f: {  	v15 =	vmul.f32 v15, v55  }
0x140: {  	vm15 =	vge.f32 v5, v4;
	v6 =	vcvt.s32.f32 v6;
	v16 =	vmul.f32 v16, v56  }
0x141: {  	vm13 =	vge.f32 v5, v45;
	vm14 =	vlt.f32 v5, v7;
	v15 =	vadd.f32 $3.333333430e-01, v15  }
0x142: {  	v9 =	vshrl.u32 v9, $0x17;
	v10 =	vshrl.u32 v10, $0x17;
	v16 =	vadd.f32 $3.333333430e-01, v16  }
0x143: {  	v61 =	vsel vm12, $0xFFFFFF82, v3;
	v59 =	vsel vm11, $0xFFFFFF82, v3;
	v13 =	vmul.f32 v15, v55  }
0x144: {  	v9 =	vadd.s32 v9, v61;
	v10 =	vadd.s32 v10, v59;
	v14 =	vmul.f32 v16, v56  }
0x145: {  	v10 =	vcvt.s32.f32 v10;
	v11 =	vadd.f32 v11, v11;
	v60 =	vadd.f32 $1.000000000e+00, v13  }
0x146: {  	s28 =	sadd.s32 $0x2, s28;
	v7 =	vcvt.s32.f32 v9;
	v12 =	vadd.f32 v12, v12;
	v62 =	vadd.f32 $1.000000000e+00, v14  }
0x147: {  	p0 =	slt.u32 s28, $0xE;
	vm0 =	vmand vm13, vm14;
	v10 =	vmul.f32 $6.931471820e-01, v10;
	v8 =	vmul.f32 v60, v11  }
.Ltmp1:
0x148: {  	v6 =	vnsel vm0, $0xBF800000, v6;
	v5 =	vmul.f32 $6.931471820e-01, v7;
	v63 =	vmul.f32 v62, v12;
	(pc) =	sbr.rel @p0 .LBB2_4-.Ltmp1, $4  }
0x149: {  	v6 =	vsel vm15, $0x42000000, v6;
	v7 =	vadd.f32 v8, v10  }
0x14a: {  	[tilespmem:s31+$0x0] =	vst v6;
	v5 =	vadd.f32 v63, v5  }
0x14b: {  	s0 =	sadd.s32 $0x20, s0;
	[tilespmem:s30+$0x0] =	vst v7  }
0x14c: {  	s31 =	sadd.s32 $0x20, s31;
	s30 =	sadd.s32 $0x20, s30;
	[tilespmem:s29+$0x0] =	vst v5;
	s29 =	sadd.s32 $0x20, s29  }
0x14d: {  	[hbm4b:s9+s3] =	stream.linear.scatter [tilespmem:s21], [sflag:$0x4], $0x100, $0x38;
	[tilespmem:$0x880] =	vst v63  }
0x14e: {  	_ = 	snop  }
0x14f: {  	[hbm4b:s10+s3] =	stream.linear.scatter [tilespmem:s22], [sflag:$0x4], $0x100, $0x38;
	[tilespmem:$0x880] =	vst v63  }
0x150: {  	_ = 	snop  }
0x151: {  	[hbm4b:s11+s3] =	stream.linear.scatter [tilespmem:s23], [sflag:$0x4], $0x100, $0x38;
	[tilespmem:$0x880] =	vst v63  }
0x152: {  	_ =	swait.ge [sflag:s24], $0x100  }
0x153: {  	[sflag:s24] =	ssyncset.done $0x0  }
0x154: {  	[sflag:s24] =	ssyncadd.s32 $0xFFFFFF00  }
0x155: {  	_ =	swait.ge [sflag:s24], $0x100  }
0x156: {  	[sflag:s24] =	ssyncset.done $0x0  }
0x157: {  	[sflag:s24] =	ssyncadd.s32 $0xFFFFFF00  }
0x158: {  	_ =	swait.ge [sflag:s24], $0x100  }
0x159: {  	[sflag:s24] =	ssyncset.done $0x0  }
0x15a: {  	[sflag:s24] =	ssyncadd.s32 $0xFFFFFF00  }
0x15b: {  	_ =	swait.ge [sflag:s25], $0x100  }
0x15c: {  	[sflag:s25] =	ssyncset.done $0x0  }
0x15d: {  	s26 =	sadd.s32 $0x1, s26;
	[sflag:s25] =	ssyncadd.s32 $0xFFFFFF00  }
0x15e: {  	p0 =	sne.s32 s26, s12;
	_ =	swait.ge [sflag:s25], $0x100  }
.Ltmp2:
0x15f: {  	[sflag:s25] =	ssyncset.done $0x0;
	(pc) =	sbr.rel @p0 .LBB2_1-.Ltmp2, $4  }
0x160: {  	[sflag:s25] =	ssyncadd.s32 $0xFFFFFF00  }
0x161: {  	_ =	swait.ge [sflag:s25], $0x100  }
0x162: {  	[sflag:s25] =	ssyncset.done $0x0  }
0x163: {  	[sflag:s25] =	ssyncadd.s32 $0xFFFFFF00  }
0x164: {  	_ =	sfence.sel $0x180000  }
0x165: {  	[bflag:$0x0] =	sbarrier.arrive $0xFFFF  }
0x166: {  	_ =	strace $0x90000047  }
0x167: {  	[bflag:$0x2] =	sbarrier.arrive $0xFFFF  }
0x168: {  	p0 =	sne.s32 s2, $0x0;
	s0 =	rddreg [dreg:$0x3]  }
0x169: {  	s0 =	sadd.s32 @!p0 $0x100000, s0  }
0x16a: {  	[sflag:s0] =	ssyncadd.tile.s32 @!p0 $0x1;
	_ =	shalt  }
.Lfunc_end2:
_tile_overlayer_lowered:
.L_overlay_start_2:
0x16b: {  	(tag) =	ssettag $0x2  }
0x16c: {  	s0 =	rddreg [dreg:$0x0];
	s2 =	stileid.u32  }
0x16d: {  	s1 =	rddreg [dreg:$0x1];
	p0 =	sne.s32 s2, $0x0  }
0x16e: {  	s3 =	rddreg [dreg:$0x2];
	[bflag:$0x3] =	sbarrier.arrive $0xFFFF;
	s2 =	simm.s32 @!p0 $0x1C05  }
0x16f: {  	[timem:s3], [sflag:s2] =	dma.local @!p0 [hbm:s0], s1  }
0x170: {  	s0 =	simm.s32 @!p0 $0x5  }
0x171: {  	_ =	swait.ge @!p0 [sflag:s0], s1  }
0x172: {  	s1 =	ssub.s32 @!p0 $0x0, s1;
	[sflag:s0] =	ssyncset.done @!p0 $0x0  }
0x173: {  	[sflag:s0] =	ssyncadd.s32 @!p0 s1  }
0x174: {  	[bflag:$0x3] =	sbarrier.arrive $0xFFFF  }
0x175: {  	_ =	shalt  }

</sc_bundles>
